<compile_context>
chip_gen: v7x
topology: tpu7x:2x2x1
jax: 0.10.2.dev20260603
libtpu: 0.0.44.dev20260713+nightly
codegen_flags: <defaults>
</compile_context>

<pallas_src>
import functools

import jax
import jax.numpy as jnp
from jax import lax
from jax.experimental import pallas as pl
from jax.experimental.pallas import tpu as pltpu
from jax.experimental.pallas import tpu_sc as plsc

NUM_CORES = 2
NUM_SUBCORES = 16
NW = NUM_CORES * NUM_SUBCORES

BATCH = 4096
SEQ = 50
D = 64
B = BATCH * SEQ
SPLIT = 50000
BPW = B // NW
CHUNK = 104
MAXCH = (BPW + CHUNK - 1) // CHUNK + 1
NGROUP = 400

RING = 6
AHEAD = 3
NITER = ((MAXCH + RING - 1) // RING) * RING

_mesh = plsc.VectorSubcoreMesh(core_axis_name="c", subcore_axis_name="s")


@functools.partial(
    pl.kernel,
    out_type=jax.ShapeDtypeStruct((B + 8, D), jnp.float32),
    mesh=_mesh,
    scratch_types=[
        pltpu.VMEM((BPW,), jnp.int32),
        pltpu.VMEM((MAXCH, CHUNK), jnp.int32),
        pltpu.VMEM((MAXCH, CHUNK), jnp.int32),
        pltpu.VMEM((MAXCH, CHUNK), jnp.int32),
        pltpu.VMEM((MAXCH, CHUNK), jnp.int32),
        pltpu.VMEM((RING, CHUNK, D), jnp.float32),
        [pltpu.SemaphoreType.DMA] * RING,
        [pltpu.SemaphoreType.DMA] * RING,
    ],
    compiler_params=pltpu.CompilerParams(
        use_tc_tiling_on_sc=False, needs_layout_passes=False
    ),
)
def _gather_kernel(t0, t1, xf, out, idx_v, idx0b, pos0b, idx1b, pos1b,
                   rows_v, gsems, wsems):
    wid = lax.axis_index("s") * NUM_CORES + lax.axis_index("c")
    wbase = wid * BPW
    iota = lax.iota(jnp.int32, 16)

    pltpu.sync_copy(xf.at[pl.ds(wbase, BPW)], idx_v)

    def compress(i, carry):
        c0, c1 = carry
        v = idx_v[pl.ds(pl.multiple_of(i * 16, 16), 16)]
        posv = wbase + i * 16 + iota
        m0 = v < SPLIT
        e = plsc.cumsum(m0.astype(jnp.int32))
        cnt0 = jnp.sum(m0.astype(jnp.int32))
        p0 = c0 + e - 1
        r0 = p0 // CHUNK
        q0 = p0 - r0 * CHUNK
        plsc.store_scatter(idx0b, [r0, q0], v, mask=m0)
        plsc.store_scatter(pos0b, [r0, q0], posv, mask=m0)
        m1 = jnp.logical_not(m0)
        e1 = (iota + 1) - e
        p1 = c1 + e1 - 1
        r1 = p1 // CHUNK
        q1 = p1 - r1 * CHUNK
        plsc.store_scatter(idx1b, [r1, q1], v - SPLIT, mask=m1)
        plsc.store_scatter(pos1b, [r1, q1], posv, mask=m1)
        return c0 + cnt0, c1 + (16 - cnt0)

    zero = jnp.int32(0)
    c0, c1 = lax.fori_loop(0, NGROUP, compress, (zero, zero))

    zeros16 = jnp.zeros((16,), jnp.int32)
    trash16 = jnp.full((16,), B, jnp.int32)
    for k in range(7):
        for c, ib, pb in ((c0, idx0b, pos0b), (c1, idx1b, pos1b)):
            p = c + iota + k * 16
            r = p // CHUNK
            q = p - r * CHUNK
            plsc.store_scatter(ib, [r, q], zeros16)
            plsc.store_scatter(pb, [r, q], trash16)

    n0 = (c0 + CHUNK - 1) // CHUNK
    ntot = n0 + (c1 + CHUNK - 1) // CHUNK

    plsc.subcore_barrier()

    def start_gather(j, slot):
        @pl.when(j < n0)
        def _():
            pltpu.async_copy(t0.at[idx0b.at[j]], rows_v.at[slot], gsems[slot])

        @pl.when(jnp.logical_and(j >= n0, j < ntot))
        def _():
            pltpu.async_copy(t1.at[idx1b.at[j - n0]], rows_v.at[slot],
                             gsems[slot])

    def wait_gather(j, slot):
        @pl.when(j < ntot)
        def _():
            pltpu.make_async_copy(t0.at[idx0b.at[0]], rows_v.at[slot],
                                  gsems[slot]).wait()

    def start_scatter(j, slot):
        @pl.when(j < n0)
        def _():
            pltpu.async_copy(rows_v.at[slot], out.at[pos0b.at[j]],
                             wsems[slot])

        @pl.when(jnp.logical_and(j >= n0, j < ntot))
        def _():
            pltpu.async_copy(rows_v.at[slot], out.at[pos1b.at[j - n0]],
                             wsems[slot])

    def wait_scatter(j, slot):
        @pl.when(jnp.logical_and(j >= 0, j < ntot))
        def _():
            pltpu.make_async_copy(rows_v.at[slot], out.at[pos0b.at[0]],
                                  wsems[slot]).wait()

    for k in range(AHEAD):
        start_gather(jnp.int32(k), k)

    def outer(g, carry):
        for b in range(RING):
            j = g * RING + b
            wait_gather(j, b)
            start_scatter(j, b)
            wait_scatter(j + AHEAD - RING, (b + AHEAD) % RING)
            start_gather(j + AHEAD, (b + AHEAD) % RING)
        return carry

    lax.fori_loop(0, NITER // RING, outer, 0)


def kernel(x, W_frame_0, W_frame_1):
    out = _gather_kernel(W_frame_0, W_frame_1, x.reshape(-1))
    return out[:B].reshape(BATCH, SEQ, D)

# --- scband reference (transcript-rebuilt; emitter-appended) ---
"""Pipeline reference for scband-frame-embedding-34617436405787 (READ-ONLY COPY).

The authoritative reference and input builder live on the scoring server;
editing this copy changes nothing except your own understanding.
"""

import jax, jax.numpy as jnp
import numpy as np

INPUT_DIM = 100000
OUTPUT_DIM = 64
# frames as (row_start, row_end, col_start, col_end)
FRAMES = [(0, 50000, 0, 64), (50000, 100000, 0, 64)]
BATCH = 4096
SEQ_LEN = 50


def setup_inputs(seed: int = 0) -> dict:
    key = jax.random.key(seed)
    k1, k2, k3 = jax.random.split(key, 3)
    x = jax.random.randint(k1, (BATCH, SEQ_LEN), 0, INPUT_DIM, dtype=jnp.int32)
    # keras 'uniform' init: U(-0.05, 0.05) per-frame parameter blocks
    W_frame_0 = jax.random.uniform(k2, (FRAMES[0][1] - FRAMES[0][0], FRAMES[0][3] - FRAMES[0][2]), minval=-0.05, maxval=0.05, dtype=jnp.float32)
    W_frame_1 = jax.random.uniform(k3, (FRAMES[1][1] - FRAMES[1][0], FRAMES[1][3] - FRAMES[1][2]), minval=-0.05, maxval=0.05, dtype=jnp.float32)
    return {"x": x, "W_frame_0": W_frame_0, "W_frame_1": W_frame_1}


def reference(x, W_frame_0, W_frame_1):
    # build(): W = zeros(input_dim, output_dim), then set_subtensor per frame
    W = jnp.zeros((INPUT_DIM, OUTPUT_DIM), dtype=W_frame_0.dtype)
    rs, re, cs, ce = FRAMES[0]
    W = W.at[rs:re, cs:ce].set(W_frame_0)
    rs, re, cs, ce = FRAMES[1]
    W = W.at[rs:re, cs:ce].set(W_frame_1)
    # call(): out = K.gather(W, x)
    out = jnp.take(W, x, axis=0)
    return out

if __name__ == "__main__":
    import jax
    _d = setup_inputs()
    print(jax.jit(kernel)(*tuple(_d.values())))

</pallas_src>

<mosaic_0001>
#map = affine_map<(d0, d1) -> (0, 0)>
#map1 = affine_map<(d0, d1) -> (0)>
module attributes {stable_mosaic.version = 14 : i64} {
  func.func @_gather_kernel(%arg0: i32, %arg1: i32, %arg2: memref<50000x64xf32, #tpu.memory_space<hbm>>, %arg3: memref<50000x64xf32, #tpu.memory_space<hbm>>, %arg4: memref<204800xi32, #tpu.memory_space<hbm>>, %arg5: memref<204808x64xf32, #tpu.memory_space<hbm>>, %arg6: memref<6400xi32, #tpu.memory_space<vmem>>, %arg7: memref<63x104xi32, #tpu.memory_space<vmem>>, %arg8: memref<63x104xi32, #tpu.memory_space<vmem>>, %arg9: memref<63x104xi32, #tpu.memory_space<vmem>>, %arg10: memref<63x104xi32, #tpu.memory_space<vmem>>, %arg11: memref<6x104x64xf32, #tpu.memory_space<vmem>>, %arg12: memref<!tpu.dma_semaphore, #tpu.memory_space<semaphore_mem>>, %arg13: memref<!tpu.dma_semaphore, #tpu.memory_space<semaphore_mem>>, %arg14: memref<!tpu.dma_semaphore, #tpu.memory_space<semaphore_mem>>, %arg15: memref<!tpu.dma_semaphore, #tpu.memory_space<semaphore_mem>>, %arg16: memref<!tpu.dma_semaphore, #tpu.memory_space<semaphore_mem>>, %arg17: memref<!tpu.dma_semaphore, #tpu.memory_space<semaphore_mem>>, %arg18: memref<!tpu.dma_semaphore, #tpu.memory_space<semaphore_mem>>, %arg19: memref<!tpu.dma_semaphore, #tpu.memory_space<semaphore_mem>>, %arg20: memref<!tpu.dma_semaphore, #tpu.memory_space<semaphore_mem>>, %arg21: memref<!tpu.dma_semaphore, #tpu.memory_space<semaphore_mem>>, %arg22: memref<!tpu.dma_semaphore, #tpu.memory_space<semaphore_mem>>, %arg23: memref<!tpu.dma_semaphore, #tpu.memory_space<semaphore_mem>>) attributes {dimension_semantics = [#tpu.dimension_semantics<core_parallel>, #tpu.dimension_semantics<subcore_parallel>], iteration_bounds = array<i64: 2, 16>, scalar_prefetch = 0 : i64, scratch_operands = 18 : i64, tpu.core_type = #tpu.core_type<sc_vector_subcore>, window_params = [{transform_indices = #map}, {transform_indices = #map}, {transform_indices = #map1}, {transform_indices = #map}]} {
    %mul3A = arith.constant 2 : i32
    %mul3A_0 = arith.muli %arg1, %mul3A : i32
    %add3A = arith.addi %mul3A_0, %arg0 : i32
    %mul3A_1 = arith.constant 6400 : i32
    %mul3A_2 = arith.muli %add3A, %mul3A_1 : i32
    %iota3A = tpu.iota {dimensions = array<i32: 0>} : vector<16xi32>
    "tpu.region"() ({
      %run_scoped3A = tpu.sem_alloc : memref<!tpu.dma_semaphore, #tpu.memory_space<semaphore_mem>>
      %dma_start3A = tpu.memref_slice %arg4[%mul3A_2] : memref<204800xi32, #tpu.memory_space<hbm>> -> memref<6400xi32, #tpu.memory_space<hbm>>
      %dma_start3A_669 = tpu.memref_slice %arg4[%mul3A_2] : memref<204800xi32, #tpu.memory_space<hbm>> -> memref<6400xi32, #tpu.memory_space<hbm>>
      tpu.enqueue_dma source(%dma_start3A_669 : memref<6400xi32, #tpu.memory_space<hbm>>) target(%arg6 : memref<6400xi32, #tpu.memory_space<vmem>>) target_semaphore(%run_scoped3A : memref<!tpu.dma_semaphore, #tpu.memory_space<semaphore_mem>>)
      %dma_wait3A = tpu.memref_slice %arg4[%mul3A_2] : memref<204800xi32, #tpu.memory_space<hbm>> -> memref<6400xi32, #tpu.memory_space<hbm>>
      %dma_wait3A_670 = tpu.memref_slice %arg4[%mul3A_2] : memref<204800xi32, #tpu.memory_space<hbm>> -> memref<6400xi32, #tpu.memory_space<hbm>>
      tpu.wait_dma2 semaphore(%run_scoped3A : memref<!tpu.dma_semaphore, #tpu.memory_space<semaphore_mem>>) src(%dma_wait3A_670 : memref<6400xi32, #tpu.memory_space<hbm>>) dst(%arg6 : memref<6400xi32, #tpu.memory_space<vmem>>)
      tpu.yield
    }) : () -> ()
    %scan3A = arith.constant 0 : i32
    %scan3A_3 = arith.constant 0 : i32
    %scan3A_4 = arith.constant 0 : i32
    %scan3A_5 = arith.constant 400 : i32
    %scan3A_6 = arith.addi %scan3A_4, %scan3A_5 : i32
    %scan3A_7 = arith.constant 1 : i32
    %scan3A_8:2 = scf.for %scan3A_669 = %scan3A_4 to %scan3A_6 step %scan3A_7 iter_args(%scan3A_670 = %scan3A, %scan3A_671 = %scan3A_3) -> (i32, i32)  : i32 {
      %mul3A_672 = arith.constant 16 : i32
      %mul3A_673 = arith.muli %scan3A_669, %mul3A_672 : i32
      %multiple_of3A = tpu.assume_multiple %mul3A_673, 16 : i32
      %get3A = arith.index_cast %multiple_of3A : i32 to index
      %get3A_674 = tpu.vector_load %arg6[%get3A] {strides = array<i32>} : memref<6400xi32, #tpu.memory_space<vmem>>, vector<16xi32>,
      %mul3A_675 = arith.constant 16 : i32
      %mul3A_676 = arith.muli %scan3A_669, %mul3A_675 : i32
      %add3A_677 = arith.addi %mul3A_2, %mul3A_676 : i32
      %add3A_678 = vector.broadcast %add3A_677 : i32 to vector<16xi32>
      %add3A_679 = arith.addi %add3A_678, %iota3A : vector<16xi32>
      %lt3A_680 = arith.constant 50000 : i32
      %lt3A_681 = vector.broadcast %lt3A_680 : i32 to vector<16xi32>
      %lt3A_682 = arith.cmpi slt, %get3A_674, %lt3A_681 : vector<16xi32>
      %convert_element_type3A_683 = arith.extui %lt3A_682 : vector<16xi1> to vector<16xi32>
      %broadcast_in_dim3A_684 = arith.constant true
      %broadcast_in_dim3A_685 = vector.broadcast %broadcast_in_dim3A_684 : i1 to vector<16xi1>
      %masked_cumsum3A = tpu.scan <sum>, %convert_element_type3A_683 masked %broadcast_in_dim3A_685 : vector<16xi32>, vector<16xi1> -> vector<16xi32>
      %convert_element_type3A_686 = arith.extui %lt3A_682 : vector<16xi1> to vector<16xi32>
      %reduce_sum3A = arith.constant true
      %reduce_sum3A_687 = vector.broadcast %reduce_sum3A : i1 to vector<16xi1>
      %reduce_sum3A_688 = tpu.scan <sum>, %convert_element_type3A_686 masked %reduce_sum3A_687 : vector<16xi32>, vector<16xi1> -> vector<16xi32>
      %reduce_sum3A_689 = vector.extract %reduce_sum3A_688[15] : i32 from vector<16xi32>
      %add3A_690 = vector.broadcast %scan3A_670 : i32 to vector<16xi32>
      %add3A_691 = arith.addi %add3A_690, %masked_cumsum3A : vector<16xi32>
      %sub3A_692 = arith.constant 1 : i32
      %sub3A_693 = vector.broadcast %sub3A_692 : i32 to vector<16xi32>
      %sub3A_694 = arith.subi %add3A_691, %sub3A_693 : vector<16xi32>
      %jit3A_695 = arith.constant 104 : i32
      %div3A_696 = vector.broadcast %jit3A_695 : i32 to vector<16xi32>
      %div3A_697 = arith.divsi %sub3A_694, %div3A_696 : vector<16xi32>
      %sign3A_698 = arith.constant 0 : i32
      %sign3A_699 = vector.broadcast %sign3A_698 : i32 to vector<16xi32>
      %sign3A_700 = arith.cmpi sgt, %sub3A_694, %sign3A_699 : vector<16xi32>
      %sign3A_701 = arith.extui %sign3A_700 : vector<16xi1> to vector<16xi32>
      %sign3A_702 = arith.constant 0 : i32
      %sign3A_703 = vector.broadcast %sign3A_702 : i32 to vector<16xi32>
      %sign3A_704 = arith.cmpi slt, %sub3A_694, %sign3A_703 : vector<16xi32>
      %sign3A_705 = arith.extui %sign3A_704 : vector<16xi1> to vector<16xi32>
      %sign3A_706 = arith.subi %sign3A_701, %sign3A_705 : vector<16xi32>
      %sign3A_707 = arith.constant 0 : i32
      %sign3A_708 = arith.cmpi sgt, %jit3A_695, %sign3A_707 : i32
      %sign3A_709 = arith.extui %sign3A_708 : i1 to i32
      %sign3A_710 = arith.constant 0 : i32
      %sign3A_711 = arith.cmpi slt, %jit3A_695, %sign3A_710 : i32
      %sign3A_712 = arith.extui %sign3A_711 : i1 to i32
      %sign3A_713 = arith.subi %sign3A_709, %sign3A_712 : i32
      %ne3A_714 = vector.broadcast %sign3A_713 : i32 to vector<16xi32>
      %ne3A_715 = arith.cmpi ne, %sign3A_706, %ne3A_714 : vector<16xi32>
      %rem3A_716 = vector.broadcast %jit3A_695 : i32 to vector<16xi32>
      %rem3A_717 = arith.remsi %sub3A_694, %rem3A_716 : vector<16xi32>
      %ne3A_718 = arith.constant 0 : i32
      %ne3A_719 = vector.broadcast %ne3A_718 : i32 to vector<16xi32>
      %ne3A_720 = arith.cmpi ne, %rem3A_717, %ne3A_719 : vector<16xi32>
      %and3A_721 = arith.andi %ne3A_715, %ne3A_720 : vector<16xi1>
      %sub3A_722 = arith.constant 1 : i32
      %sub3A_723 = vector.broadcast %sub3A_722 : i32 to vector<16xi32>
      %sub3A_724 = arith.subi %div3A_697, %sub3A_723 : vector<16xi32>
      %select_n3A_725 = arith.select %and3A_721, %sub3A_724, %div3A_697 : vector<16xi1>, vector<16xi32>
      %mul3A_726 = arith.constant 104 : i32
      %mul3A_727 = vector.broadcast %mul3A_726 : i32 to vector<16xi32>
      %mul3A_728 = arith.muli %select_n3A_725, %mul3A_727 : vector<16xi32>
      %sub3A_729 = arith.subi %sub3A_694, %mul3A_728 : vector<16xi32>
      tpu.vector_store_idx %arg7[%select_n3A_725, %sub3A_729], %get3A_674 masked %lt3A_682 : memref<63x104xi32, #tpu.memory_space<vmem>>[vector<16xi32>, vector<16xi32>], vector<16xi32>, vector<16xi1>
      tpu.vector_store_idx %arg8[%select_n3A_725, %sub3A_729], %add3A_679 masked %lt3A_682 : memref<63x104xi32, #tpu.memory_space<vmem>>[vector<16xi32>, vector<16xi32>], vector<16xi32>, vector<16xi1>
      %not3A = arith.constant dense<true> : vector<16xi1>
      %not3A_730 = arith.xori %lt3A_682, %not3A : vector<16xi1>
      %add3A_731 = arith.constant 1 : i32
      %add3A_732 = vector.broadcast %add3A_731 : i32 to vector<16xi32>
      %add3A_733 = arith.addi %iota3A, %add3A_732 : vector<16xi32>
      %sub3A_734 = arith.subi %add3A_733, %masked_cumsum3A : vector<16xi32>
      %add3A_735 = vector.broadcast %scan3A_671 : i32 to vector<16xi32>
      %add3A_736 = arith.addi %add3A_735, %sub3A_734 : vector<16xi32>
      %sub3A_737 = arith.constant 1 : i32
      %sub3A_738 = vector.broadcast %sub3A_737 : i32 to vector<16xi32>
      %sub3A_739 = arith.subi %add3A_736, %sub3A_738 : vector<16xi32>
      %jit3A_740 = arith.constant 104 : i32
      %div3A_741 = vector.broadcast %jit3A_740 : i32 to vector<16xi32>
      %div3A_742 = arith.divsi %sub3A_739, %div3A_741 : vector<16xi32>
      %sign3A_743 = arith.constant 0 : i32
      %sign3A_744 = vector.broadcast %sign3A_743 : i32 to vector<16xi32>
      %sign3A_745 = arith.cmpi sgt, %sub3A_739, %sign3A_744 : vector<16xi32>
      %sign3A_746 = arith.extui %sign3A_745 : vector<16xi1> to vector<16xi32>
      %sign3A_747 = arith.constant 0 : i32
      %sign3A_748 = vector.broadcast %sign3A_747 : i32 to vector<16xi32>
      %sign3A_749 = arith.cmpi slt, %sub3A_739, %sign3A_748 : vector<16xi32>
      %sign3A_750 = arith.extui %sign3A_749 : vector<16xi1> to vector<16xi32>
      %sign3A_751 = arith.subi %sign3A_746, %sign3A_750 : vector<16xi32>
      %sign3A_752 = arith.constant 0 : i32
      %sign3A_753 = arith.cmpi sgt, %jit3A_740, %sign3A_752 : i32
      %sign3A_754 = arith.extui %sign3A_753 : i1 to i32
      %sign3A_755 = arith.constant 0 : i32
      %sign3A_756 = arith.cmpi slt, %jit3A_740, %sign3A_755 : i32
      %sign3A_757 = arith.extui %sign3A_756 : i1 to i32
      %sign3A_758 = arith.subi %sign3A_754, %sign3A_757 : i32
      %ne3A_759 = vector.broadcast %sign3A_758 : i32 to vector<16xi32>
      %ne3A_760 = arith.cmpi ne, %sign3A_751, %ne3A_759 : vector<16xi32>
      %rem3A_761 = vector.broadcast %jit3A_740 : i32 to vector<16xi32>
      %rem3A_762 = arith.remsi %sub3A_739, %rem3A_761 : vector<16xi32>
      %ne3A_763 = arith.constant 0 : i32
      %ne3A_764 = vector.broadcast %ne3A_763 : i32 to vector<16xi32>
      %ne3A_765 = arith.cmpi ne, %rem3A_762, %ne3A_764 : vector<16xi32>
      %and3A_766 = arith.andi %ne3A_760, %ne3A_765 : vector<16xi1>
      %sub3A_767 = arith.constant 1 : i32
      %sub3A_768 = vector.broadcast %sub3A_767 : i32 to vector<16xi32>
      %sub3A_769 = arith.subi %div3A_742, %sub3A_768 : vector<16xi32>
      %select_n3A_770 = arith.select %and3A_766, %sub3A_769, %div3A_742 : vector<16xi1>, vector<16xi32>
      %mul3A_771 = arith.constant 104 : i32
      %mul3A_772 = vector.broadcast %mul3A_771 : i32 to vector<16xi32>
      %mul3A_773 = arith.muli %select_n3A_770, %mul3A_772 : vector<16xi32>
      %sub3A_774 = arith.subi %sub3A_739, %mul3A_773 : vector<16xi32>
      %sub3A_775 = arith.constant 50000 : i32
      %sub3A_776 = vector.broadcast %sub3A_775 : i32 to vector<16xi32>
      %sub3A_777 = arith.subi %get3A_674, %sub3A_776 : vector<16xi32>
      tpu.vector_store_idx %arg9[%select_n3A_770, %sub3A_774], %sub3A_777 masked %not3A_730 : memref<63x104xi32, #tpu.memory_space<vmem>>[vector<16xi32>, vector<16xi32>], vector<16xi32>, vector<16xi1>
      tpu.vector_store_idx %arg10[%select_n3A_770, %sub3A_774], %add3A_679 masked %not3A_730 : memref<63x104xi32, #tpu.memory_space<vmem>>[vector<16xi32>, vector<16xi32>], vector<16xi32>, vector<16xi1>
      %add3A_778 = arith.addi %scan3A_670, %reduce_sum3A_689 : i32
      %sub3A_779 = arith.constant 16 : i32
      %sub3A_780 = arith.subi %sub3A_779, %reduce_sum3A_689 : i32
      %add3A_781 = arith.addi %scan3A_671, %sub3A_780 : i32
      scf.yield %add3A_778, %add3A_781 : i32, i32
    }
    %scan3A_9 = arith.constant 400 : i32
    %broadcast_in_dim3A = arith.constant 0 : i32
    %broadcast_in_dim3A_10 = vector.broadcast %broadcast_in_dim3A : i32 to vector<16xi32>
    %broadcast_in_dim3A_11 = arith.constant 204800 : i32
    %broadcast_in_dim3A_12 = vector.broadcast %broadcast_in_dim3A_11 : i32 to vector<16xi32>
    %add3A_13 = vector.broadcast %scan3A_8#0 : i32 to vector<16xi32>
    %add3A_14 = arith.addi %add3A_13, %iota3A : vector<16xi32>
    %add3A_15 = arith.constant 0 : i32
    %add3A_16 = vector.broadcast %add3A_15 : i32 to vector<16xi32>
    %add3A_17 = arith.addi %add3A_14, %add3A_16 : vector<16xi32>
    %jit3A = arith.constant 104 : i32
    %div3A = vector.broadcast %jit3A : i32 to vector<16xi32>
    %div3A_18 = arith.divsi %add3A_17, %div3A : vector<16xi32>
    %sign3A = arith.constant 0 : i32
    %sign3A_19 = vector.broadcast %sign3A : i32 to vector<16xi32>
    %sign3A_20 = arith.cmpi sgt, %add3A_17, %sign3A_19 : vector<16xi32>
    %sign3A_21 = arith.extui %sign3A_20 : vector<16xi1> to vector<16xi32>
    %sign3A_22 = arith.constant 0 : i32
    %sign3A_23 = vector.broadcast %sign3A_22 : i32 to vector<16xi32>
    %sign3A_24 = arith.cmpi slt, %add3A_17, %sign3A_23 : vector<16xi32>
    %sign3A_25 = arith.extui %sign3A_24 : vector<16xi1> to vector<16xi32>
    %sign3A_26 = arith.subi %sign3A_21, %sign3A_25 : vector<16xi32>
    %sign3A_27 = arith.constant 0 : i32
    %sign3A_28 = arith.cmpi sgt, %jit3A, %sign3A_27 : i32
    %sign3A_29 = arith.extui %sign3A_28 : i1 to i32
    %sign3A_30 = arith.constant 0 : i32
    %sign3A_31 = arith.cmpi slt, %jit3A, %sign3A_30 : i32
    %sign3A_32 = arith.extui %sign3A_31 : i1 to i32
    %sign3A_33 = arith.subi %sign3A_29, %sign3A_32 : i32
    %ne3A = vector.broadcast %sign3A_33 : i32 to vector<16xi32>
    %ne3A_34 = arith.cmpi ne, %sign3A_26, %ne3A : vector<16xi32>
    %rem3A = vector.broadcast %jit3A : i32 to vector<16xi32>
    %rem3A_35 = arith.remsi %add3A_17, %rem3A : vector<16xi32>
    %ne3A_36 = arith.constant 0 : i32
    %ne3A_37 = vector.broadcast %ne3A_36 : i32 to vector<16xi32>
    %ne3A_38 = arith.cmpi ne, %rem3A_35, %ne3A_37 : vector<16xi32>
    %and3A = arith.andi %ne3A_34, %ne3A_38 : vector<16xi1>
    %sub3A = arith.constant 1 : i32
    %sub3A_39 = vector.broadcast %sub3A : i32 to vector<16xi32>
    %sub3A_40 = arith.subi %div3A_18, %sub3A_39 : vector<16xi32>
    %select_n3A = arith.select %and3A, %sub3A_40, %div3A_18 : vector<16xi1>, vector<16xi32>
    %mul3A_41 = arith.constant 104 : i32
    %mul3A_42 = vector.broadcast %mul3A_41 : i32 to vector<16xi32>
    %mul3A_43 = arith.muli %select_n3A, %mul3A_42 : vector<16xi32>
    %sub3A_44 = arith.subi %add3A_17, %mul3A_43 : vector<16xi32>
    tpu.vector_store_idx %arg7[%select_n3A, %sub3A_44], %broadcast_in_dim3A_10 : memref<63x104xi32, #tpu.memory_space<vmem>>[vector<16xi32>, vector<16xi32>], vector<16xi32>,
    tpu.vector_store_idx %arg8[%select_n3A, %sub3A_44], %broadcast_in_dim3A_12 : memref<63x104xi32, #tpu.memory_space<vmem>>[vector<16xi32>, vector<16xi32>], vector<16xi32>,
    %add3A_45 = vector.broadcast %scan3A_8#1 : i32 to vector<16xi32>
    %add3A_46 = arith.addi %add3A_45, %iota3A : vector<16xi32>
    %add3A_47 = arith.constant 0 : i32
    %add3A_48 = vector.broadcast %add3A_47 : i32 to vector<16xi32>
    %add3A_49 = arith.addi %add3A_46, %add3A_48 : vector<16xi32>
    %jit3A_50 = arith.constant 104 : i32
    %div3A_51 = vector.broadcast %jit3A_50 : i32 to vector<16xi32>
    %div3A_52 = arith.divsi %add3A_49, %div3A_51 : vector<16xi32>
    %sign3A_53 = arith.constant 0 : i32
    %sign3A_54 = vector.broadcast %sign3A_53 : i32 to vector<16xi32>
    %sign3A_55 = arith.cmpi sgt, %add3A_49, %sign3A_54 : vector<16xi32>
    %sign3A_56 = arith.extui %sign3A_55 : vector<16xi1> to vector<16xi32>
    %sign3A_57 = arith.constant 0 : i32
    %sign3A_58 = vector.broadcast %sign3A_57 : i32 to vector<16xi32>
    %sign3A_59 = arith.cmpi slt, %add3A_49, %sign3A_58 : vector<16xi32>
    %sign3A_60 = arith.extui %sign3A_59 : vector<16xi1> to vector<16xi32>
    %sign3A_61 = arith.subi %sign3A_56, %sign3A_60 : vector<16xi32>
    %sign3A_62 = arith.constant 0 : i32
    %sign3A_63 = arith.cmpi sgt, %jit3A_50, %sign3A_62 : i32
    %sign3A_64 = arith.extui %sign3A_63 : i1 to i32
    %sign3A_65 = arith.constant 0 : i32
    %sign3A_66 = arith.cmpi slt, %jit3A_50, %sign3A_65 : i32
    %sign3A_67 = arith.extui %sign3A_66 : i1 to i32
    %sign3A_68 = arith.subi %sign3A_64, %sign3A_67 : i32
    %ne3A_69 = vector.broadcast %sign3A_68 : i32 to vector<16xi32>
    %ne3A_70 = arith.cmpi ne, %sign3A_61, %ne3A_69 : vector<16xi32>
    %rem3A_71 = vector.broadcast %jit3A_50 : i32 to vector<16xi32>
    %rem3A_72 = arith.remsi %add3A_49, %rem3A_71 : vector<16xi32>
    %ne3A_73 = arith.constant 0 : i32
    %ne3A_74 = vector.broadcast %ne3A_73 : i32 to vector<16xi32>
    %ne3A_75 = arith.cmpi ne, %rem3A_72, %ne3A_74 : vector<16xi32>
    %and3A_76 = arith.andi %ne3A_70, %ne3A_75 : vector<16xi1>
    %sub3A_77 = arith.constant 1 : i32
    %sub3A_78 = vector.broadcast %sub3A_77 : i32 to vector<16xi32>
    %sub3A_79 = arith.subi %div3A_52, %sub3A_78 : vector<16xi32>
    %select_n3A_80 = arith.select %and3A_76, %sub3A_79, %div3A_52 : vector<16xi1>, vector<16xi32>
    %mul3A_81 = arith.constant 104 : i32
    %mul3A_82 = vector.broadcast %mul3A_81 : i32 to vector<16xi32>
    %mul3A_83 = arith.muli %select_n3A_80, %mul3A_82 : vector<16xi32>
    %sub3A_84 = arith.subi %add3A_49, %mul3A_83 : vector<16xi32>
    tpu.vector_store_idx %arg9[%select_n3A_80, %sub3A_84], %broadcast_in_dim3A_10 : memref<63x104xi32, #tpu.memory_space<vmem>>[vector<16xi32>, vector<16xi32>], vector<16xi32>,
    tpu.vector_store_idx %arg10[%select_n3A_80, %sub3A_84], %broadcast_in_dim3A_12 : memref<63x104xi32, #tpu.memory_space<vmem>>[vector<16xi32>, vector<16xi32>], vector<16xi32>,
    %add3A_85 = vector.broadcast %scan3A_8#0 : i32 to vector<16xi32>
    %add3A_86 = arith.addi %add3A_85, %iota3A : vector<16xi32>
    %add3A_87 = arith.constant 16 : i32
    %add3A_88 = vector.broadcast %add3A_87 : i32 to vector<16xi32>
    %add3A_89 = arith.addi %add3A_86, %add3A_88 : vector<16xi32>
    %jit3A_90 = arith.constant 104 : i32
    %div3A_91 = vector.broadcast %jit3A_90 : i32 to vector<16xi32>
    %div3A_92 = arith.divsi %add3A_89, %div3A_91 : vector<16xi32>
    %sign3A_93 = arith.constant 0 : i32
    %sign3A_94 = vector.broadcast %sign3A_93 : i32 to vector<16xi32>
    %sign3A_95 = arith.cmpi sgt, %add3A_89, %sign3A_94 : vector<16xi32>
    %sign3A_96 = arith.extui %sign3A_95 : vector<16xi1> to vector<16xi32>
    %sign3A_97 = arith.constant 0 : i32
    %sign3A_98 = vector.broadcast %sign3A_97 : i32 to vector<16xi32>
    %sign3A_99 = arith.cmpi slt, %add3A_89, %sign3A_98 : vector<16xi32>
    %sign3A_100 = arith.extui %sign3A_99 : vector<16xi1> to vector<16xi32>
    %sign3A_101 = arith.subi %sign3A_96, %sign3A_100 : vector<16xi32>
    %sign3A_102 = arith.constant 0 : i32
    %sign3A_103 = arith.cmpi sgt, %jit3A_90, %sign3A_102 : i32
    %sign3A_104 = arith.extui %sign3A_103 : i1 to i32
    %sign3A_105 = arith.constant 0 : i32
    %sign3A_106 = arith.cmpi slt, %jit3A_90, %sign3A_105 : i32
    %sign3A_107 = arith.extui %sign3A_106 : i1 to i32
    %sign3A_108 = arith.subi %sign3A_104, %sign3A_107 : i32
    %ne3A_109 = vector.broadcast %sign3A_108 : i32 to vector<16xi32>
    %ne3A_110 = arith.cmpi ne, %sign3A_101, %ne3A_109 : vector<16xi32>
    %rem3A_111 = vector.broadcast %jit3A_90 : i32 to vector<16xi32>
    %rem3A_112 = arith.remsi %add3A_89, %rem3A_111 : vector<16xi32>
    %ne3A_113 = arith.constant 0 : i32
    %ne3A_114 = vector.broadcast %ne3A_113 : i32 to vector<16xi32>
    %ne3A_115 = arith.cmpi ne, %rem3A_112, %ne3A_114 : vector<16xi32>
    %and3A_116 = arith.andi %ne3A_110, %ne3A_115 : vector<16xi1>
    %sub3A_117 = arith.constant 1 : i32
    %sub3A_118 = vector.broadcast %sub3A_117 : i32 to vector<16xi32>
    %sub3A_119 = arith.subi %div3A_92, %sub3A_118 : vector<16xi32>
    %select_n3A_120 = arith.select %and3A_116, %sub3A_119, %div3A_92 : vector<16xi1>, vector<16xi32>
    %mul3A_121 = arith.constant 104 : i32
    %mul3A_122 = vector.broadcast %mul3A_121 : i32 to vector<16xi32>
    %mul3A_123 = arith.muli %select_n3A_120, %mul3A_122 : vector<16xi32>
    %sub3A_124 = arith.subi %add3A_89, %mul3A_123 : vector<16xi32>
    tpu.vector_store_idx %arg7[%select_n3A_120, %sub3A_124], %broadcast_in_dim3A_10 : memref<63x104xi32, #tpu.memory_space<vmem>>[vector<16xi32>, vector<16xi32>], vector<16xi32>,
    tpu.vector_store_idx %arg8[%select_n3A_120, %sub3A_124], %broadcast_in_dim3A_12 : memref<63x104xi32, #tpu.memory_space<vmem>>[vector<16xi32>, vector<16xi32>], vector<16xi32>,
    %add3A_125 = vector.broadcast %scan3A_8#1 : i32 to vector<16xi32>
    %add3A_126 = arith.addi %add3A_125, %iota3A : vector<16xi32>
    %add3A_127 = arith.constant 16 : i32
    %add3A_128 = vector.broadcast %add3A_127 : i32 to vector<16xi32>
    %add3A_129 = arith.addi %add3A_126, %add3A_128 : vector<16xi32>
    %jit3A_130 = arith.constant 104 : i32
    %div3A_131 = vector.broadcast %jit3A_130 : i32 to vector<16xi32>
    %div3A_132 = arith.divsi %add3A_129, %div3A_131 : vector<16xi32>
    %sign3A_133 = arith.constant 0 : i32
    %sign3A_134 = vector.broadcast %sign3A_133 : i32 to vector<16xi32>
    %sign3A_135 = arith.cmpi sgt, %add3A_129, %sign3A_134 : vector<16xi32>
    %sign3A_136 = arith.extui %sign3A_135 : vector<16xi1> to vector<16xi32>
    %sign3A_137 = arith.constant 0 : i32
    %sign3A_138 = vector.broadcast %sign3A_137 : i32 to vector<16xi32>
    %sign3A_139 = arith.cmpi slt, %add3A_129, %sign3A_138 : vector<16xi32>
    %sign3A_140 = arith.extui %sign3A_139 : vector<16xi1> to vector<16xi32>
    %sign3A_141 = arith.subi %sign3A_136, %sign3A_140 : vector<16xi32>
    %sign3A_142 = arith.constant 0 : i32
    %sign3A_143 = arith.cmpi sgt, %jit3A_130, %sign3A_142 : i32
    %sign3A_144 = arith.extui %sign3A_143 : i1 to i32
    %sign3A_145 = arith.constant 0 : i32
    %sign3A_146 = arith.cmpi slt, %jit3A_130, %sign3A_145 : i32
    %sign3A_147 = arith.extui %sign3A_146 : i1 to i32
    %sign3A_148 = arith.subi %sign3A_144, %sign3A_147 : i32
    %ne3A_149 = vector.broadcast %sign3A_148 : i32 to vector<16xi32>
    %ne3A_150 = arith.cmpi ne, %sign3A_141, %ne3A_149 : vector<16xi32>
    %rem3A_151 = vector.broadcast %jit3A_130 : i32 to vector<16xi32>
    %rem3A_152 = arith.remsi %add3A_129, %rem3A_151 : vector<16xi32>
    %ne3A_153 = arith.constant 0 : i32
    %ne3A_154 = vector.broadcast %ne3A_153 : i32 to vector<16xi32>
    %ne3A_155 = arith.cmpi ne, %rem3A_152, %ne3A_154 : vector<16xi32>
    %and3A_156 = arith.andi %ne3A_150, %ne3A_155 : vector<16xi1>
    %sub3A_157 = arith.constant 1 : i32
    %sub3A_158 = vector.broadcast %sub3A_157 : i32 to vector<16xi32>
    %sub3A_159 = arith.subi %div3A_132, %sub3A_158 : vector<16xi32>
    %select_n3A_160 = arith.select %and3A_156, %sub3A_159, %div3A_132 : vector<16xi1>, vector<16xi32>
    %mul3A_161 = arith.constant 104 : i32
    %mul3A_162 = vector.broadcast %mul3A_161 : i32 to vector<16xi32>
    %mul3A_163 = arith.muli %select_n3A_160, %mul3A_162 : vector<16xi32>
    %sub3A_164 = arith.subi %add3A_129, %mul3A_163 : vector<16xi32>
    tpu.vector_store_idx %arg9[%select_n3A_160, %sub3A_164], %broadcast_in_dim3A_10 : memref<63x104xi32, #tpu.memory_space<vmem>>[vector<16xi32>, vector<16xi32>], vector<16xi32>,
    tpu.vector_store_idx %arg10[%select_n3A_160, %sub3A_164], %broadcast_in_dim3A_12 : memref<63x104xi32, #tpu.memory_space<vmem>>[vector<16xi32>, vector<16xi32>], vector<16xi32>,
    %add3A_165 = vector.broadcast %scan3A_8#0 : i32 to vector<16xi32>
    %add3A_166 = arith.addi %add3A_165, %iota3A : vector<16xi32>
    %add3A_167 = arith.constant 32 : i32
    %add3A_168 = vector.broadcast %add3A_167 : i32 to vector<16xi32>
    %add3A_169 = arith.addi %add3A_166, %add3A_168 : vector<16xi32>
    %jit3A_170 = arith.constant 104 : i32
    %div3A_171 = vector.broadcast %jit3A_170 : i32 to vector<16xi32>
    %div3A_172 = arith.divsi %add3A_169, %div3A_171 : vector<16xi32>
    %sign3A_173 = arith.constant 0 : i32
    %sign3A_174 = vector.broadcast %sign3A_173 : i32 to vector<16xi32>
    %sign3A_175 = arith.cmpi sgt, %add3A_169, %sign3A_174 : vector<16xi32>
    %sign3A_176 = arith.extui %sign3A_175 : vector<16xi1> to vector<16xi32>
    %sign3A_177 = arith.constant 0 : i32
    %sign3A_178 = vector.broadcast %sign3A_177 : i32 to vector<16xi32>
    %sign3A_179 = arith.cmpi slt, %add3A_169, %sign3A_178 : vector<16xi32>
    %sign3A_180 = arith.extui %sign3A_179 : vector<16xi1> to vector<16xi32>
    %sign3A_181 = arith.subi %sign3A_176, %sign3A_180 : vector<16xi32>
    %sign3A_182 = arith.constant 0 : i32
    %sign3A_183 = arith.cmpi sgt, %jit3A_170, %sign3A_182 : i32
    %sign3A_184 = arith.extui %sign3A_183 : i1 to i32
    %sign3A_185 = arith.constant 0 : i32
    %sign3A_186 = arith.cmpi slt, %jit3A_170, %sign3A_185 : i32
    %sign3A_187 = arith.extui %sign3A_186 : i1 to i32
    %sign3A_188 = arith.subi %sign3A_184, %sign3A_187 : i32
    %ne3A_189 = vector.broadcast %sign3A_188 : i32 to vector<16xi32>
    %ne3A_190 = arith.cmpi ne, %sign3A_181, %ne3A_189 : vector<16xi32>
    %rem3A_191 = vector.broadcast %jit3A_170 : i32 to vector<16xi32>
    %rem3A_192 = arith.remsi %add3A_169, %rem3A_191 : vector<16xi32>
    %ne3A_193 = arith.constant 0 : i32
    %ne3A_194 = vector.broadcast %ne3A_193 : i32 to vector<16xi32>
    %ne3A_195 = arith.cmpi ne, %rem3A_192, %ne3A_194 : vector<16xi32>
    %and3A_196 = arith.andi %ne3A_190, %ne3A_195 : vector<16xi1>
    %sub3A_197 = arith.constant 1 : i32
    %sub3A_198 = vector.broadcast %sub3A_197 : i32 to vector<16xi32>
    %sub3A_199 = arith.subi %div3A_172, %sub3A_198 : vector<16xi32>
    %select_n3A_200 = arith.select %and3A_196, %sub3A_199, %div3A_172 : vector<16xi1>, vector<16xi32>
    %mul3A_201 = arith.constant 104 : i32
    %mul3A_202 = vector.broadcast %mul3A_201 : i32 to vector<16xi32>
    %mul3A_203 = arith.muli %select_n3A_200, %mul3A_202 : vector<16xi32>
    %sub3A_204 = arith.subi %add3A_169, %mul3A_203 : vector<16xi32>
    tpu.vector_store_idx %arg7[%select_n3A_200, %sub3A_204], %broadcast_in_dim3A_10 : memref<63x104xi32, #tpu.memory_space<vmem>>[vector<16xi32>, vector<16xi32>], vector<16xi32>,
    tpu.vector_store_idx %arg8[%select_n3A_200, %sub3A_204], %broadcast_in_dim3A_12 : memref<63x104xi32, #tpu.memory_space<vmem>>[vector<16xi32>, vector<16xi32>], vector<16xi32>,
    %add3A_205 = vector.broadcast %scan3A_8#1 : i32 to vector<16xi32>
    %add3A_206 = arith.addi %add3A_205, %iota3A : vector<16xi32>
    %add3A_207 = arith.constant 32 : i32
    %add3A_208 = vector.broadcast %add3A_207 : i32 to vector<16xi32>
    %add3A_209 = arith.addi %add3A_206, %add3A_208 : vector<16xi32>
    %jit3A_210 = arith.constant 104 : i32
    %div3A_211 = vector.broadcast %jit3A_210 : i32 to vector<16xi32>
    %div3A_212 = arith.divsi %add3A_209, %div3A_211 : vector<16xi32>
    %sign3A_213 = arith.constant 0 : i32
    %sign3A_214 = vector.broadcast %sign3A_213 : i32 to vector<16xi32>
    %sign3A_215 = arith.cmpi sgt, %add3A_209, %sign3A_214 : vector<16xi32>
    %sign3A_216 = arith.extui %sign3A_215 : vector<16xi1> to vector<16xi32>
    %sign3A_217 = arith.constant 0 : i32
    %sign3A_218 = vector.broadcast %sign3A_217 : i32 to vector<16xi32>
    %sign3A_219 = arith.cmpi slt, %add3A_209, %sign3A_218 : vector<16xi32>
    %sign3A_220 = arith.extui %sign3A_219 : vector<16xi1> to vector<16xi32>
    %sign3A_221 = arith.subi %sign3A_216, %sign3A_220 : vector<16xi32>
    %sign3A_222 = arith.constant 0 : i32
    %sign3A_223 = arith.cmpi sgt, %jit3A_210, %sign3A_222 : i32
    %sign3A_224 = arith.extui %sign3A_223 : i1 to i32
    %sign3A_225 = arith.constant 0 : i32
    %sign3A_226 = arith.cmpi slt, %jit3A_210, %sign3A_225 : i32
    %sign3A_227 = arith.extui %sign3A_226 : i1 to i32
    %sign3A_228 = arith.subi %sign3A_224, %sign3A_227 : i32
    %ne3A_229 = vector.broadcast %sign3A_228 : i32 to vector<16xi32>
    %ne3A_230 = arith.cmpi ne, %sign3A_221, %ne3A_229 : vector<16xi32>
    %rem3A_231 = vector.broadcast %jit3A_210 : i32 to vector<16xi32>
    %rem3A_232 = arith.remsi %add3A_209, %rem3A_231 : vector<16xi32>
    %ne3A_233 = arith.constant 0 : i32
    %ne3A_234 = vector.broadcast %ne3A_233 : i32 to vector<16xi32>
    %ne3A_235 = arith.cmpi ne, %rem3A_232, %ne3A_234 : vector<16xi32>
    %and3A_236 = arith.andi %ne3A_230, %ne3A_235 : vector<16xi1>
    %sub3A_237 = arith.constant 1 : i32
    %sub3A_238 = vector.broadcast %sub3A_237 : i32 to vector<16xi32>
    %sub3A_239 = arith.subi %div3A_212, %sub3A_238 : vector<16xi32>
    %select_n3A_240 = arith.select %and3A_236, %sub3A_239, %div3A_212 : vector<16xi1>, vector<16xi32>
    %mul3A_241 = arith.constant 104 : i32
    %mul3A_242 = vector.broadcast %mul3A_241 : i32 to vector<16xi32>
    %mul3A_243 = arith.muli %select_n3A_240, %mul3A_242 : vector<16xi32>
    %sub3A_244 = arith.subi %add3A_209, %mul3A_243 : vector<16xi32>
    tpu.vector_store_idx %arg9[%select_n3A_240, %sub3A_244], %broadcast_in_dim3A_10 : memref<63x104xi32, #tpu.memory_space<vmem>>[vector<16xi32>, vector<16xi32>], vector<16xi32>,
    tpu.vector_store_idx %arg10[%select_n3A_240, %sub3A_244], %broadcast_in_dim3A_12 : memref<63x104xi32, #tpu.memory_space<vmem>>[vector<16xi32>, vector<16xi32>], vector<16xi32>,
    %add3A_245 = vector.broadcast %scan3A_8#0 : i32 to vector<16xi32>
    %add3A_246 = arith.addi %add3A_245, %iota3A : vector<16xi32>
    %add3A_247 = arith.constant 48 : i32
    %add3A_248 = vector.broadcast %add3A_247 : i32 to vector<16xi32>
    %add3A_249 = arith.addi %add3A_246, %add3A_248 : vector<16xi32>
    %jit3A_250 = arith.constant 104 : i32
    %div3A_251 = vector.broadcast %jit3A_250 : i32 to vector<16xi32>
    %div3A_252 = arith.divsi %add3A_249, %div3A_251 : vector<16xi32>
    %sign3A_253 = arith.constant 0 : i32
    %sign3A_254 = vector.broadcast %sign3A_253 : i32 to vector<16xi32>
    %sign3A_255 = arith.cmpi sgt, %add3A_249, %sign3A_254 : vector<16xi32>
    %sign3A_256 = arith.extui %sign3A_255 : vector<16xi1> to vector<16xi32>
    %sign3A_257 = arith.constant 0 : i32
    %sign3A_258 = vector.broadcast %sign3A_257 : i32 to vector<16xi32>
    %sign3A_259 = arith.cmpi slt, %add3A_249, %sign3A_258 : vector<16xi32>
    %sign3A_260 = arith.extui %sign3A_259 : vector<16xi1> to vector<16xi32>
    %sign3A_261 = arith.subi %sign3A_256, %sign3A_260 : vector<16xi32>
    %sign3A_262 = arith.constant 0 : i32
    %sign3A_263 = arith.cmpi sgt, %jit3A_250, %sign3A_262 : i32
    %sign3A_264 = arith.extui %sign3A_263 : i1 to i32
    %sign3A_265 = arith.constant 0 : i32
    %sign3A_266 = arith.cmpi slt, %jit3A_250, %sign3A_265 : i32
    %sign3A_267 = arith.extui %sign3A_266 : i1 to i32
    %sign3A_268 = arith.subi %sign3A_264, %sign3A_267 : i32
    %ne3A_269 = vector.broadcast %sign3A_268 : i32 to vector<16xi32>
    %ne3A_270 = arith.cmpi ne, %sign3A_261, %ne3A_269 : vector<16xi32>
    %rem3A_271 = vector.broadcast %jit3A_250 : i32 to vector<16xi32>
    %rem3A_272 = arith.remsi %add3A_249, %rem3A_271 : vector<16xi32>
    %ne3A_273 = arith.constant 0 : i32
    %ne3A_274 = vector.broadcast %ne3A_273 : i32 to vector<16xi32>
    %ne3A_275 = arith.cmpi ne, %rem3A_272, %ne3A_274 : vector<16xi32>
    %and3A_276 = arith.andi %ne3A_270, %ne3A_275 : vector<16xi1>
    %sub3A_277 = arith.constant 1 : i32
    %sub3A_278 = vector.broadcast %sub3A_277 : i32 to vector<16xi32>
    %sub3A_279 = arith.subi %div3A_252, %sub3A_278 : vector<16xi32>
    %select_n3A_280 = arith.select %and3A_276, %sub3A_279, %div3A_252 : vector<16xi1>, vector<16xi32>
    %mul3A_281 = arith.constant 104 : i32
    %mul3A_282 = vector.broadcast %mul3A_281 : i32 to vector<16xi32>
    %mul3A_283 = arith.muli %select_n3A_280, %mul3A_282 : vector<16xi32>
    %sub3A_284 = arith.subi %add3A_249, %mul3A_283 : vector<16xi32>
    tpu.vector_store_idx %arg7[%select_n3A_280, %sub3A_284], %broadcast_in_dim3A_10 : memref<63x104xi32, #tpu.memory_space<vmem>>[vector<16xi32>, vector<16xi32>], vector<16xi32>,
    tpu.vector_store_idx %arg8[%select_n3A_280, %sub3A_284], %broadcast_in_dim3A_12 : memref<63x104xi32, #tpu.memory_space<vmem>>[vector<16xi32>, vector<16xi32>], vector<16xi32>,
    %add3A_285 = vector.broadcast %scan3A_8#1 : i32 to vector<16xi32>
    %add3A_286 = arith.addi %add3A_285, %iota3A : vector<16xi32>
    %add3A_287 = arith.constant 48 : i32
    %add3A_288 = vector.broadcast %add3A_287 : i32 to vector<16xi32>
    %add3A_289 = arith.addi %add3A_286, %add3A_288 : vector<16xi32>
    %jit3A_290 = arith.constant 104 : i32
    %div3A_291 = vector.broadcast %jit3A_290 : i32 to vector<16xi32>
    %div3A_292 = arith.divsi %add3A_289, %div3A_291 : vector<16xi32>
    %sign3A_293 = arith.constant 0 : i32
    %sign3A_294 = vector.broadcast %sign3A_293 : i32 to vector<16xi32>
    %sign3A_295 = arith.cmpi sgt, %add3A_289, %sign3A_294 : vector<16xi32>
    %sign3A_296 = arith.extui %sign3A_295 : vector<16xi1> to vector<16xi32>
    %sign3A_297 = arith.constant 0 : i32
    %sign3A_298 = vector.broadcast %sign3A_297 : i32 to vector<16xi32>
    %sign3A_299 = arith.cmpi slt, %add3A_289, %sign3A_298 : vector<16xi32>
    %sign3A_300 = arith.extui %sign3A_299 : vector<16xi1> to vector<16xi32>
    %sign3A_301 = arith.subi %sign3A_296, %sign3A_300 : vector<16xi32>
    %sign3A_302 = arith.constant 0 : i32
    %sign3A_303 = arith.cmpi sgt, %jit3A_290, %sign3A_302 : i32
    %sign3A_304 = arith.extui %sign3A_303 : i1 to i32
    %sign3A_305 = arith.constant 0 : i32
    %sign3A_306 = arith.cmpi slt, %jit3A_290, %sign3A_305 : i32
    %sign3A_307 = arith.extui %sign3A_306 : i1 to i32
    %sign3A_308 = arith.subi %sign3A_304, %sign3A_307 : i32
    %ne3A_309 = vector.broadcast %sign3A_308 : i32 to vector<16xi32>
    %ne3A_310 = arith.cmpi ne, %sign3A_301, %ne3A_309 : vector<16xi32>
    %rem3A_311 = vector.broadcast %jit3A_290 : i32 to vector<16xi32>
    %rem3A_312 = arith.remsi %add3A_289, %rem3A_311 : vector<16xi32>
    %ne3A_313 = arith.constant 0 : i32
    %ne3A_314 = vector.broadcast %ne3A_313 : i32 to vector<16xi32>
    %ne3A_315 = arith.cmpi ne, %rem3A_312, %ne3A_314 : vector<16xi32>
    %and3A_316 = arith.andi %ne3A_310, %ne3A_315 : vector<16xi1>
    %sub3A_317 = arith.constant 1 : i32
    %sub3A_318 = vector.broadcast %sub3A_317 : i32 to vector<16xi32>
    %sub3A_319 = arith.subi %div3A_292, %sub3A_318 : vector<16xi32>
    %select_n3A_320 = arith.select %and3A_316, %sub3A_319, %div3A_292 : vector<16xi1>, vector<16xi32>
    %mul3A_321 = arith.constant 104 : i32
    %mul3A_322 = vector.broadcast %mul3A_321 : i32 to vector<16xi32>
    %mul3A_323 = arith.muli %select_n3A_320, %mul3A_322 : vector<16xi32>
    %sub3A_324 = arith.subi %add3A_289, %mul3A_323 : vector<16xi32>
    tpu.vector_store_idx %arg9[%select_n3A_320, %sub3A_324], %broadcast_in_dim3A_10 : memref<63x104xi32, #tpu.memory_space<vmem>>[vector<16xi32>, vector<16xi32>], vector<16xi32>,
    tpu.vector_store_idx %arg10[%select_n3A_320, %sub3A_324], %broadcast_in_dim3A_12 : memref<63x104xi32, #tpu.memory_space<vmem>>[vector<16xi32>, vector<16xi32>], vector<16xi32>,
    %add3A_325 = vector.broadcast %scan3A_8#0 : i32 to vector<16xi32>
    %add3A_326 = arith.addi %add3A_325, %iota3A : vector<16xi32>
    %add3A_327 = arith.constant 64 : i32
    %add3A_328 = vector.broadcast %add3A_327 : i32 to vector<16xi32>
    %add3A_329 = arith.addi %add3A_326, %add3A_328 : vector<16xi32>
    %jit3A_330 = arith.constant 104 : i32
    %div3A_331 = vector.broadcast %jit3A_330 : i32 to vector<16xi32>
    %div3A_332 = arith.divsi %add3A_329, %div3A_331 : vector<16xi32>
    %sign3A_333 = arith.constant 0 : i32
    %sign3A_334 = vector.broadcast %sign3A_333 : i32 to vector<16xi32>
    %sign3A_335 = arith.cmpi sgt, %add3A_329, %sign3A_334 : vector<16xi32>
    %sign3A_336 = arith.extui %sign3A_335 : vector<16xi1> to vector<16xi32>
    %sign3A_337 = arith.constant 0 : i32
    %sign3A_338 = vector.broadcast %sign3A_337 : i32 to vector<16xi32>
    %sign3A_339 = arith.cmpi slt, %add3A_329, %sign3A_338 : vector<16xi32>
    %sign3A_340 = arith.extui %sign3A_339 : vector<16xi1> to vector<16xi32>
    %sign3A_341 = arith.subi %sign3A_336, %sign3A_340 : vector<16xi32>
    %sign3A_342 = arith.constant 0 : i32
    %sign3A_343 = arith.cmpi sgt, %jit3A_330, %sign3A_342 : i32
    %sign3A_344 = arith.extui %sign3A_343 : i1 to i32
    %sign3A_345 = arith.constant 0 : i32
    %sign3A_346 = arith.cmpi slt, %jit3A_330, %sign3A_345 : i32
    %sign3A_347 = arith.extui %sign3A_346 : i1 to i32
    %sign3A_348 = arith.subi %sign3A_344, %sign3A_347 : i32
    %ne3A_349 = vector.broadcast %sign3A_348 : i32 to vector<16xi32>
    %ne3A_350 = arith.cmpi ne, %sign3A_341, %ne3A_349 : vector<16xi32>
    %rem3A_351 = vector.broadcast %jit3A_330 : i32 to vector<16xi32>
    %rem3A_352 = arith.remsi %add3A_329, %rem3A_351 : vector<16xi32>
    %ne3A_353 = arith.constant 0 : i32
    %ne3A_354 = vector.broadcast %ne3A_353 : i32 to vector<16xi32>
    %ne3A_355 = arith.cmpi ne, %rem3A_352, %ne3A_354 : vector<16xi32>
    %and3A_356 = arith.andi %ne3A_350, %ne3A_355 : vector<16xi1>
    %sub3A_357 = arith.constant 1 : i32
    %sub3A_358 = vector.broadcast %sub3A_357 : i32 to vector<16xi32>
    %sub3A_359 = arith.subi %div3A_332, %sub3A_358 : vector<16xi32>
    %select_n3A_360 = arith.select %and3A_356, %sub3A_359, %div3A_332 : vector<16xi1>, vector<16xi32>
    %mul3A_361 = arith.constant 104 : i32
    %mul3A_362 = vector.broadcast %mul3A_361 : i32 to vector<16xi32>
    %mul3A_363 = arith.muli %select_n3A_360, %mul3A_362 : vector<16xi32>
    %sub3A_364 = arith.subi %add3A_329, %mul3A_363 : vector<16xi32>
    tpu.vector_store_idx %arg7[%select_n3A_360, %sub3A_364], %broadcast_in_dim3A_10 : memref<63x104xi32, #tpu.memory_space<vmem>>[vector<16xi32>, vector<16xi32>], vector<16xi32>,
    tpu.vector_store_idx %arg8[%select_n3A_360, %sub3A_364], %broadcast_in_dim3A_12 : memref<63x104xi32, #tpu.memory_space<vmem>>[vector<16xi32>, vector<16xi32>], vector<16xi32>,
    %add3A_365 = vector.broadcast %scan3A_8#1 : i32 to vector<16xi32>
    %add3A_366 = arith.addi %add3A_365, %iota3A : vector<16xi32>
    %add3A_367 = arith.constant 64 : i32
    %add3A_368 = vector.broadcast %add3A_367 : i32 to vector<16xi32>
    %add3A_369 = arith.addi %add3A_366, %add3A_368 : vector<16xi32>
    %jit3A_370 = arith.constant 104 : i32
    %div3A_371 = vector.broadcast %jit3A_370 : i32 to vector<16xi32>
    %div3A_372 = arith.divsi %add3A_369, %div3A_371 : vector<16xi32>
    %sign3A_373 = arith.constant 0 : i32
    %sign3A_374 = vector.broadcast %sign3A_373 : i32 to vector<16xi32>
    %sign3A_375 = arith.cmpi sgt, %add3A_369, %sign3A_374 : vector<16xi32>
    %sign3A_376 = arith.extui %sign3A_375 : vector<16xi1> to vector<16xi32>
    %sign3A_377 = arith.constant 0 : i32
    %sign3A_378 = vector.broadcast %sign3A_377 : i32 to vector<16xi32>
    %sign3A_379 = arith.cmpi slt, %add3A_369, %sign3A_378 : vector<16xi32>
    %sign3A_380 = arith.extui %sign3A_379 : vector<16xi1> to vector<16xi32>
    %sign3A_381 = arith.subi %sign3A_376, %sign3A_380 : vector<16xi32>
    %sign3A_382 = arith.constant 0 : i32
    %sign3A_383 = arith.cmpi sgt, %jit3A_370, %sign3A_382 : i32
    %sign3A_384 = arith.extui %sign3A_383 : i1 to i32
    %sign3A_385 = arith.constant 0 : i32
    %sign3A_386 = arith.cmpi slt, %jit3A_370, %sign3A_385 : i32
    %sign3A_387 = arith.extui %sign3A_386 : i1 to i32
    %sign3A_388 = arith.subi %sign3A_384, %sign3A_387 : i32
    %ne3A_389 = vector.broadcast %sign3A_388 : i32 to vector<16xi32>
    %ne3A_390 = arith.cmpi ne, %sign3A_381, %ne3A_389 : vector<16xi32>
    %rem3A_391 = vector.broadcast %jit3A_370 : i32 to vector<16xi32>
    %rem3A_392 = arith.remsi %add3A_369, %rem3A_391 : vector<16xi32>
    %ne3A_393 = arith.constant 0 : i32
    %ne3A_394 = vector.broadcast %ne3A_393 : i32 to vector<16xi32>
    %ne3A_395 = arith.cmpi ne, %rem3A_392, %ne3A_394 : vector<16xi32>
    %and3A_396 = arith.andi %ne3A_390, %ne3A_395 : vector<16xi1>
    %sub3A_397 = arith.constant 1 : i32
    %sub3A_398 = vector.broadcast %sub3A_397 : i32 to vector<16xi32>
    %sub3A_399 = arith.subi %div3A_372, %sub3A_398 : vector<16xi32>
    %select_n3A_400 = arith.select %and3A_396, %sub3A_399, %div3A_372 : vector<16xi1>, vector<16xi32>
    %mul3A_401 = arith.constant 104 : i32
    %mul3A_402 = vector.broadcast %mul3A_401 : i32 to vector<16xi32>
    %mul3A_403 = arith.muli %select_n3A_400, %mul3A_402 : vector<16xi32>
    %sub3A_404 = arith.subi %add3A_369, %mul3A_403 : vector<16xi32>
    tpu.vector_store_idx %arg9[%select_n3A_400, %sub3A_404], %broadcast_in_dim3A_10 : memref<63x104xi32, #tpu.memory_space<vmem>>[vector<16xi32>, vector<16xi32>], vector<16xi32>,
    tpu.vector_store_idx %arg10[%select_n3A_400, %sub3A_404], %broadcast_in_dim3A_12 : memref<63x104xi32, #tpu.memory_space<vmem>>[vector<16xi32>, vector<16xi32>], vector<16xi32>,
    %add3A_405 = vector.broadcast %scan3A_8#0 : i32 to vector<16xi32>
    %add3A_406 = arith.addi %add3A_405, %iota3A : vector<16xi32>
    %add3A_407 = arith.constant 80 : i32
    %add3A_408 = vector.broadcast %add3A_407 : i32 to vector<16xi32>
    %add3A_409 = arith.addi %add3A_406, %add3A_408 : vector<16xi32>
    %jit3A_410 = arith.constant 104 : i32
    %div3A_411 = vector.broadcast %jit3A_410 : i32 to vector<16xi32>
    %div3A_412 = arith.divsi %add3A_409, %div3A_411 : vector<16xi32>
    %sign3A_413 = arith.constant 0 : i32
    %sign3A_414 = vector.broadcast %sign3A_413 : i32 to vector<16xi32>
    %sign3A_415 = arith.cmpi sgt, %add3A_409, %sign3A_414 : vector<16xi32>
    %sign3A_416 = arith.extui %sign3A_415 : vector<16xi1> to vector<16xi32>
    %sign3A_417 = arith.constant 0 : i32
    %sign3A_418 = vector.broadcast %sign3A_417 : i32 to vector<16xi32>
    %sign3A_419 = arith.cmpi slt, %add3A_409, %sign3A_418 : vector<16xi32>
    %sign3A_420 = arith.extui %sign3A_419 : vector<16xi1> to vector<16xi32>
    %sign3A_421 = arith.subi %sign3A_416, %sign3A_420 : vector<16xi32>
    %sign3A_422 = arith.constant 0 : i32
    %sign3A_423 = arith.cmpi sgt, %jit3A_410, %sign3A_422 : i32
    %sign3A_424 = arith.extui %sign3A_423 : i1 to i32
    %sign3A_425 = arith.constant 0 : i32
    %sign3A_426 = arith.cmpi slt, %jit3A_410, %sign3A_425 : i32
    %sign3A_427 = arith.extui %sign3A_426 : i1 to i32
    %sign3A_428 = arith.subi %sign3A_424, %sign3A_427 : i32
    %ne3A_429 = vector.broadcast %sign3A_428 : i32 to vector<16xi32>
    %ne3A_430 = arith.cmpi ne, %sign3A_421, %ne3A_429 : vector<16xi32>
    %rem3A_431 = vector.broadcast %jit3A_410 : i32 to vector<16xi32>
    %rem3A_432 = arith.remsi %add3A_409, %rem3A_431 : vector<16xi32>
    %ne3A_433 = arith.constant 0 : i32
    %ne3A_434 = vector.broadcast %ne3A_433 : i32 to vector<16xi32>
    %ne3A_435 = arith.cmpi ne, %rem3A_432, %ne3A_434 : vector<16xi32>
    %and3A_436 = arith.andi %ne3A_430, %ne3A_435 : vector<16xi1>
    %sub3A_437 = arith.constant 1 : i32
    %sub3A_438 = vector.broadcast %sub3A_437 : i32 to vector<16xi32>
    %sub3A_439 = arith.subi %div3A_412, %sub3A_438 : vector<16xi32>
    %select_n3A_440 = arith.select %and3A_436, %sub3A_439, %div3A_412 : vector<16xi1>, vector<16xi32>
    %mul3A_441 = arith.constant 104 : i32
    %mul3A_442 = vector.broadcast %mul3A_441 : i32 to vector<16xi32>
    %mul3A_443 = arith.muli %select_n3A_440, %mul3A_442 : vector<16xi32>
    %sub3A_444 = arith.subi %add3A_409, %mul3A_443 : vector<16xi32>
    tpu.vector_store_idx %arg7[%select_n3A_440, %sub3A_444], %broadcast_in_dim3A_10 : memref<63x104xi32, #tpu.memory_space<vmem>>[vector<16xi32>, vector<16xi32>], vector<16xi32>,
    tpu.vector_store_idx %arg8[%select_n3A_440, %sub3A_444], %broadcast_in_dim3A_12 : memref<63x104xi32, #tpu.memory_space<vmem>>[vector<16xi32>, vector<16xi32>], vector<16xi32>,
    %add3A_445 = vector.broadcast %scan3A_8#1 : i32 to vector<16xi32>
    %add3A_446 = arith.addi %add3A_445, %iota3A : vector<16xi32>
    %add3A_447 = arith.constant 80 : i32
    %add3A_448 = vector.broadcast %add3A_447 : i32 to vector<16xi32>
    %add3A_449 = arith.addi %add3A_446, %add3A_448 : vector<16xi32>
    %jit3A_450 = arith.constant 104 : i32
    %div3A_451 = vector.broadcast %jit3A_450 : i32 to vector<16xi32>
    %div3A_452 = arith.divsi %add3A_449, %div3A_451 : vector<16xi32>
    %sign3A_453 = arith.constant 0 : i32
    %sign3A_454 = vector.broadcast %sign3A_453 : i32 to vector<16xi32>
    %sign3A_455 = arith.cmpi sgt, %add3A_449, %sign3A_454 : vector<16xi32>
    %sign3A_456 = arith.extui %sign3A_455 : vector<16xi1> to vector<16xi32>
    %sign3A_457 = arith.constant 0 : i32
    %sign3A_458 = vector.broadcast %sign3A_457 : i32 to vector<16xi32>
    %sign3A_459 = arith.cmpi slt, %add3A_449, %sign3A_458 : vector<16xi32>
    %sign3A_460 = arith.extui %sign3A_459 : vector<16xi1> to vector<16xi32>
    %sign3A_461 = arith.subi %sign3A_456, %sign3A_460 : vector<16xi32>
    %sign3A_462 = arith.constant 0 : i32
    %sign3A_463 = arith.cmpi sgt, %jit3A_450, %sign3A_462 : i32
    %sign3A_464 = arith.extui %sign3A_463 : i1 to i32
    %sign3A_465 = arith.constant 0 : i32
    %sign3A_466 = arith.cmpi slt, %jit3A_450, %sign3A_465 : i32
    %sign3A_467 = arith.extui %sign3A_466 : i1 to i32
    %sign3A_468 = arith.subi %sign3A_464, %sign3A_467 : i32
    %ne3A_469 = vector.broadcast %sign3A_468 : i32 to vector<16xi32>
    %ne3A_470 = arith.cmpi ne, %sign3A_461, %ne3A_469 : vector<16xi32>
    %rem3A_471 = vector.broadcast %jit3A_450 : i32 to vector<16xi32>
    %rem3A_472 = arith.remsi %add3A_449, %rem3A_471 : vector<16xi32>
    %ne3A_473 = arith.constant 0 : i32
    %ne3A_474 = vector.broadcast %ne3A_473 : i32 to vector<16xi32>
    %ne3A_475 = arith.cmpi ne, %rem3A_472, %ne3A_474 : vector<16xi32>
    %and3A_476 = arith.andi %ne3A_470, %ne3A_475 : vector<16xi1>
    %sub3A_477 = arith.constant 1 : i32
    %sub3A_478 = vector.broadcast %sub3A_477 : i32 to vector<16xi32>
    %sub3A_479 = arith.subi %div3A_452, %sub3A_478 : vector<16xi32>
    %select_n3A_480 = arith.select %and3A_476, %sub3A_479, %div3A_452 : vector<16xi1>, vector<16xi32>
    %mul3A_481 = arith.constant 104 : i32
    %mul3A_482 = vector.broadcast %mul3A_481 : i32 to vector<16xi32>
    %mul3A_483 = arith.muli %select_n3A_480, %mul3A_482 : vector<16xi32>
    %sub3A_484 = arith.subi %add3A_449, %mul3A_483 : vector<16xi32>
    tpu.vector_store_idx %arg9[%select_n3A_480, %sub3A_484], %broadcast_in_dim3A_10 : memref<63x104xi32, #tpu.memory_space<vmem>>[vector<16xi32>, vector<16xi32>], vector<16xi32>,
    tpu.vector_store_idx %arg10[%select_n3A_480, %sub3A_484], %broadcast_in_dim3A_12 : memref<63x104xi32, #tpu.memory_space<vmem>>[vector<16xi32>, vector<16xi32>], vector<16xi32>,
    %add3A_485 = vector.broadcast %scan3A_8#0 : i32 to vector<16xi32>
    %add3A_486 = arith.addi %add3A_485, %iota3A : vector<16xi32>
    %add3A_487 = arith.constant 96 : i32
    %add3A_488 = vector.broadcast %add3A_487 : i32 to vector<16xi32>
    %add3A_489 = arith.addi %add3A_486, %add3A_488 : vector<16xi32>
    %jit3A_490 = arith.constant 104 : i32
    %div3A_491 = vector.broadcast %jit3A_490 : i32 to vector<16xi32>
    %div3A_492 = arith.divsi %add3A_489, %div3A_491 : vector<16xi32>
    %sign3A_493 = arith.constant 0 : i32
    %sign3A_494 = vector.broadcast %sign3A_493 : i32 to vector<16xi32>
    %sign3A_495 = arith.cmpi sgt, %add3A_489, %sign3A_494 : vector<16xi32>
    %sign3A_496 = arith.extui %sign3A_495 : vector<16xi1> to vector<16xi32>
    %sign3A_497 = arith.constant 0 : i32
    %sign3A_498 = vector.broadcast %sign3A_497 : i32 to vector<16xi32>
    %sign3A_499 = arith.cmpi slt, %add3A_489, %sign3A_498 : vector<16xi32>
    %sign3A_500 = arith.extui %sign3A_499 : vector<16xi1> to vector<16xi32>
    %sign3A_501 = arith.subi %sign3A_496, %sign3A_500 : vector<16xi32>
    %sign3A_502 = arith.constant 0 : i32
    %sign3A_503 = arith.cmpi sgt, %jit3A_490, %sign3A_502 : i32
    %sign3A_504 = arith.extui %sign3A_503 : i1 to i32
    %sign3A_505 = arith.constant 0 : i32
    %sign3A_506 = arith.cmpi slt, %jit3A_490, %sign3A_505 : i32
    %sign3A_507 = arith.extui %sign3A_506 : i1 to i32
    %sign3A_508 = arith.subi %sign3A_504, %sign3A_507 : i32
    %ne3A_509 = vector.broadcast %sign3A_508 : i32 to vector<16xi32>
    %ne3A_510 = arith.cmpi ne, %sign3A_501, %ne3A_509 : vector<16xi32>
    %rem3A_511 = vector.broadcast %jit3A_490 : i32 to vector<16xi32>
    %rem3A_512 = arith.remsi %add3A_489, %rem3A_511 : vector<16xi32>
    %ne3A_513 = arith.constant 0 : i32
    %ne3A_514 = vector.broadcast %ne3A_513 : i32 to vector<16xi32>
    %ne3A_515 = arith.cmpi ne, %rem3A_512, %ne3A_514 : vector<16xi32>
    %and3A_516 = arith.andi %ne3A_510, %ne3A_515 : vector<16xi1>
    %sub3A_517 = arith.constant 1 : i32
    %sub3A_518 = vector.broadcast %sub3A_517 : i32 to vector<16xi32>
    %sub3A_519 = arith.subi %div3A_492, %sub3A_518 : vector<16xi32>
    %select_n3A_520 = arith.select %and3A_516, %sub3A_519, %div3A_492 : vector<16xi1>, vector<16xi32>
    %mul3A_521 = arith.constant 104 : i32
    %mul3A_522 = vector.broadcast %mul3A_521 : i32 to vector<16xi32>
    %mul3A_523 = arith.muli %select_n3A_520, %mul3A_522 : vector<16xi32>
    %sub3A_524 = arith.subi %add3A_489, %mul3A_523 : vector<16xi32>
    tpu.vector_store_idx %arg7[%select_n3A_520, %sub3A_524], %broadcast_in_dim3A_10 : memref<63x104xi32, #tpu.memory_space<vmem>>[vector<16xi32>, vector<16xi32>], vector<16xi32>,
    tpu.vector_store_idx %arg8[%select_n3A_520, %sub3A_524], %broadcast_in_dim3A_12 : memref<63x104xi32, #tpu.memory_space<vmem>>[vector<16xi32>, vector<16xi32>], vector<16xi32>,
    %add3A_525 = vector.broadcast %scan3A_8#1 : i32 to vector<16xi32>
    %add3A_526 = arith.addi %add3A_525, %iota3A : vector<16xi32>
    %add3A_527 = arith.constant 96 : i32
    %add3A_528 = vector.broadcast %add3A_527 : i32 to vector<16xi32>
    %add3A_529 = arith.addi %add3A_526, %add3A_528 : vector<16xi32>
    %jit3A_530 = arith.constant 104 : i32
    %div3A_531 = vector.broadcast %jit3A_530 : i32 to vector<16xi32>
    %div3A_532 = arith.divsi %add3A_529, %div3A_531 : vector<16xi32>
    %sign3A_533 = arith.constant 0 : i32
    %sign3A_534 = vector.broadcast %sign3A_533 : i32 to vector<16xi32>
    %sign3A_535 = arith.cmpi sgt, %add3A_529, %sign3A_534 : vector<16xi32>
    %sign3A_536 = arith.extui %sign3A_535 : vector<16xi1> to vector<16xi32>
    %sign3A_537 = arith.constant 0 : i32
    %sign3A_538 = vector.broadcast %sign3A_537 : i32 to vector<16xi32>
    %sign3A_539 = arith.cmpi slt, %add3A_529, %sign3A_538 : vector<16xi32>
    %sign3A_540 = arith.extui %sign3A_539 : vector<16xi1> to vector<16xi32>
    %sign3A_541 = arith.subi %sign3A_536, %sign3A_540 : vector<16xi32>
    %sign3A_542 = arith.constant 0 : i32
    %sign3A_543 = arith.cmpi sgt, %jit3A_530, %sign3A_542 : i32
    %sign3A_544 = arith.extui %sign3A_543 : i1 to i32
    %sign3A_545 = arith.constant 0 : i32
    %sign3A_546 = arith.cmpi slt, %jit3A_530, %sign3A_545 : i32
    %sign3A_547 = arith.extui %sign3A_546 : i1 to i32
    %sign3A_548 = arith.subi %sign3A_544, %sign3A_547 : i32
    %ne3A_549 = vector.broadcast %sign3A_548 : i32 to vector<16xi32>
    %ne3A_550 = arith.cmpi ne, %sign3A_541, %ne3A_549 : vector<16xi32>
    %rem3A_551 = vector.broadcast %jit3A_530 : i32 to vector<16xi32>
    %rem3A_552 = arith.remsi %add3A_529, %rem3A_551 : vector<16xi32>
    %ne3A_553 = arith.constant 0 : i32
    %ne3A_554 = vector.broadcast %ne3A_553 : i32 to vector<16xi32>
    %ne3A_555 = arith.cmpi ne, %rem3A_552, %ne3A_554 : vector<16xi32>
    %and3A_556 = arith.andi %ne3A_550, %ne3A_555 : vector<16xi1>
    %sub3A_557 = arith.constant 1 : i32
    %sub3A_558 = vector.broadcast %sub3A_557 : i32 to vector<16xi32>
    %sub3A_559 = arith.subi %div3A_532, %sub3A_558 : vector<16xi32>
    %select_n3A_560 = arith.select %and3A_556, %sub3A_559, %div3A_532 : vector<16xi1>, vector<16xi32>
    %mul3A_561 = arith.constant 104 : i32
    %mul3A_562 = vector.broadcast %mul3A_561 : i32 to vector<16xi32>
    %mul3A_563 = arith.muli %select_n3A_560, %mul3A_562 : vector<16xi32>
    %sub3A_564 = arith.subi %add3A_529, %mul3A_563 : vector<16xi32>
    tpu.vector_store_idx %arg9[%select_n3A_560, %sub3A_564], %broadcast_in_dim3A_10 : memref<63x104xi32, #tpu.memory_space<vmem>>[vector<16xi32>, vector<16xi32>], vector<16xi32>,
    tpu.vector_store_idx %arg10[%select_n3A_560, %sub3A_564], %broadcast_in_dim3A_12 : memref<63x104xi32, #tpu.memory_space<vmem>>[vector<16xi32>, vector<16xi32>], vector<16xi32>,
    %add3A_565 = arith.constant 104 : i32
    %add3A_566 = arith.addi %scan3A_8#0, %add3A_565 : i32
    %sub3A_567 = arith.constant 1 : i32
    %sub3A_568 = arith.subi %add3A_566, %sub3A_567 : i32
    %jit3A_569 = arith.constant 104 : i32
    %div3A_570 = arith.divsi %sub3A_568, %jit3A_569 : i32
    %sign3A_571 = arith.constant 0 : i32
    %sign3A_572 = arith.cmpi sgt, %sub3A_568, %sign3A_571 : i32
    %sign3A_573 = arith.extui %sign3A_572 : i1 to i32
    %sign3A_574 = arith.constant 0 : i32
    %sign3A_575 = arith.cmpi slt, %sub3A_568, %sign3A_574 : i32
    %sign3A_576 = arith.extui %sign3A_575 : i1 to i32
    %sign3A_577 = arith.subi %sign3A_573, %sign3A_576 : i32
    %sign3A_578 = arith.constant 0 : i32
    %sign3A_579 = arith.cmpi sgt, %jit3A_569, %sign3A_578 : i32
    %sign3A_580 = arith.extui %sign3A_579 : i1 to i32
    %sign3A_581 = arith.constant 0 : i32
    %sign3A_582 = arith.cmpi slt, %jit3A_569, %sign3A_581 : i32
    %sign3A_583 = arith.extui %sign3A_582 : i1 to i32
    %sign3A_584 = arith.subi %sign3A_580, %sign3A_583 : i32
    %ne3A_585 = arith.cmpi ne, %sign3A_577, %sign3A_584 : i32
    %rem3A_586 = arith.remsi %sub3A_568, %jit3A_569 : i32
    %ne3A_587 = arith.constant 0 : i32
    %ne3A_588 = arith.cmpi ne, %rem3A_586, %ne3A_587 : i32
    %and3A_589 = arith.andi %ne3A_585, %ne3A_588 : i1
    %sub3A_590 = arith.constant 1 : i32
    %sub3A_591 = arith.subi %div3A_570, %sub3A_590 : i32
    %select_n3A_592 = arith.select %and3A_589, %sub3A_591, %div3A_570 : i32
    %add3A_593 = arith.constant 104 : i32
    %add3A_594 = arith.addi %scan3A_8#1, %add3A_593 : i32
    %sub3A_595 = arith.constant 1 : i32
    %sub3A_596 = arith.subi %add3A_594, %sub3A_595 : i32
    %jit3A_597 = arith.constant 104 : i32
    %div3A_598 = arith.divsi %sub3A_596, %jit3A_597 : i32
    %sign3A_599 = arith.constant 0 : i32
    %sign3A_600 = arith.cmpi sgt, %sub3A_596, %sign3A_599 : i32
    %sign3A_601 = arith.extui %sign3A_600 : i1 to i32
    %sign3A_602 = arith.constant 0 : i32
    %sign3A_603 = arith.cmpi slt, %sub3A_596, %sign3A_602 : i32
    %sign3A_604 = arith.extui %sign3A_603 : i1 to i32
    %sign3A_605 = arith.subi %sign3A_601, %sign3A_604 : i32
    %sign3A_606 = arith.constant 0 : i32
    %sign3A_607 = arith.cmpi sgt, %jit3A_597, %sign3A_606 : i32
    %sign3A_608 = arith.extui %sign3A_607 : i1 to i32
    %sign3A_609 = arith.constant 0 : i32
    %sign3A_610 = arith.cmpi slt, %jit3A_597, %sign3A_609 : i32
    %sign3A_611 = arith.extui %sign3A_610 : i1 to i32
    %sign3A_612 = arith.subi %sign3A_608, %sign3A_611 : i32
    %ne3A_613 = arith.cmpi ne, %sign3A_605, %sign3A_612 : i32
    %rem3A_614 = arith.remsi %sub3A_596, %jit3A_597 : i32
    %ne3A_615 = arith.constant 0 : i32
    %ne3A_616 = arith.cmpi ne, %rem3A_614, %ne3A_615 : i32
    %and3A_617 = arith.andi %ne3A_613, %ne3A_616 : i1
    %sub3A_618 = arith.constant 1 : i32
    %sub3A_619 = arith.subi %div3A_598, %sub3A_618 : i32
    %select_n3A_620 = arith.select %and3A_617, %sub3A_619, %div3A_598 : i32
    %add3A_621 = arith.addi %select_n3A_592, %select_n3A_620 : i32
    %barrier3A = arith.constant 0 : index
    tpu.barrier barrier_id(%barrier3A)
    %lt3A = arith.constant 0 : i32
    %lt3A_622 = arith.cmpi slt, %lt3A, %select_n3A_592 : i32
    %convert_element_type3A = arith.extui %lt3A_622 : i1 to i32
    %cond3A = arith.constant 0 : i32
    %cond3A_623 = arith.constant 0 : i32
    %cond3A_624 = arith.cmpi ne, %convert_element_type3A, %cond3A_623 : i32
    scf.if %cond3A_624 {
      %dma_start3A = arith.constant 0 : i32
      %dma_start3A_669 = arith.constant 0 : i32
      %dma_start3A_670 = arith.constant 0 : i32
      %dma_start3A_671 = tpu.memref_slice %arg11[%dma_start3A, %dma_start3A_669, %dma_start3A_670] : memref<6x104x64xf32, #tpu.memory_space<vmem>> -> memref<1x104x64xf32, #tpu.memory_space<vmem>>
      %dma_start3A_672 = tpu.memref_squeeze %dma_start3A_671 : memref<1x104x64xf32, #tpu.memory_space<vmem>> -> memref<104x64xf32, #tpu.memory_space<vmem>>
      %dma_start3A_673 = arith.constant 0 : i32
      %dma_start3A_674 = tpu.memref_slice %arg7[%cond3A, %dma_start3A_673] : memref<63x104xi32, #tpu.memory_space<vmem>> -> memref<1x104xi32, #tpu.memory_space<vmem>>
      %dma_start3A_675 = tpu.memref_squeeze %dma_start3A_674 : memref<1x104xi32, #tpu.memory_space<vmem>> -> memref<104xi32, #tpu.memory_space<vmem>>
      %dma_start3A_676 = arith.constant 0 : i32
      %dma_start3A_677 = arith.constant 0 : i32
      %dma_start3A_678 = tpu.memref_slice %arg2[%dma_start3A_676, %dma_start3A_677] : memref<50000x64xf32, #tpu.memory_space<hbm>> -> memref<50000x64xf32, #tpu.memory_space<hbm>>
      tpu.enqueue_indirect_dma source(%dma_start3A_678 : memref<50000x64xf32, #tpu.memory_space<hbm>>) target(%dma_start3A_672 : memref<104x64xf32, #tpu.memory_space<vmem>>) offsets(%dma_start3A_675 : memref<104xi32, #tpu.memory_space<vmem>>) semaphore(%arg12 : memref<!tpu.dma_semaphore, #tpu.memory_space<semaphore_mem>>)
    } else {
    }
    %ge3A = arith.constant 0 : i32
    %ge3A_625 = arith.cmpi sge, %ge3A, %select_n3A_592 : i32
    %lt3A_626 = arith.constant 0 : i32
    %lt3A_627 = arith.cmpi slt, %lt3A_626, %add3A_621 : i32
    %and3A_628 = arith.andi %ge3A_625, %lt3A_627 : i1
    %convert_element_type3A_629 = arith.extui %and3A_628 : i1 to i32
    %cond3A_630 = arith.constant 0 : i32
    %cond3A_631 = arith.constant 0 : i32
    %cond3A_632 = arith.cmpi ne, %convert_element_type3A_629, %cond3A_631 : i32
    scf.if %cond3A_632 {
      %sub3A_669 = arith.subi %cond3A_630, %select_n3A_592 : i32
      %dma_start3A = arith.constant 0 : i32
      %dma_start3A_670 = arith.constant 0 : i32
      %dma_start3A_671 = arith.constant 0 : i32
      %dma_start3A_672 = tpu.memref_slice %arg11[%dma_start3A, %dma_start3A_670, %dma_start3A_671] : memref<6x104x64xf32, #tpu.memory_space<vmem>> -> memref<1x104x64xf32, #tpu.memory_space<vmem>>
      %dma_start3A_673 = tpu.memref_squeeze %dma_start3A_672 : memref<1x104x64xf32, #tpu.memory_space<vmem>> -> memref<104x64xf32, #tpu.memory_space<vmem>>
      %dma_start3A_674 = arith.constant 0 : i32
      %dma_start3A_675 = tpu.memref_slice %arg9[%sub3A_669, %dma_start3A_674] : memref<63x104xi32, #tpu.memory_space<vmem>> -> memref<1x104xi32, #tpu.memory_space<vmem>>
      %dma_start3A_676 = tpu.memref_squeeze %dma_start3A_675 : memref<1x104xi32, #tpu.memory_space<vmem>> -> memref<104xi32, #tpu.memory_space<vmem>>
      %dma_start3A_677 = arith.constant 0 : i32
      %dma_start3A_678 = arith.constant 0 : i32
      %dma_start3A_679 = tpu.memref_slice %arg3[%dma_start3A_677, %dma_start3A_678] : memref<50000x64xf32, #tpu.memory_space<hbm>> -> memref<50000x64xf32, #tpu.memory_space<hbm>>
      tpu.enqueue_indirect_dma source(%dma_start3A_679 : memref<50000x64xf32, #tpu.memory_space<hbm>>) target(%dma_start3A_673 : memref<104x64xf32, #tpu.memory_space<vmem>>) offsets(%dma_start3A_676 : memref<104xi32, #tpu.memory_space<vmem>>) semaphore(%arg12 : memref<!tpu.dma_semaphore, #tpu.memory_space<semaphore_mem>>)
    } else {
    }
    %lt3A_633 = arith.constant 1 : i32
    %lt3A_634 = arith.cmpi slt, %lt3A_633, %select_n3A_592 : i32
    %convert_element_type3A_635 = arith.extui %lt3A_634 : i1 to i32
    %cond3A_636 = arith.constant 1 : i32
    %cond3A_637 = arith.constant 0 : i32
    %cond3A_638 = arith.cmpi ne, %convert_element_type3A_635, %cond3A_637 : i32
    scf.if %cond3A_638 {
      %dma_start3A = arith.constant 1 : i32
      %dma_start3A_669 = arith.constant 0 : i32
      %dma_start3A_670 = arith.constant 0 : i32
      %dma_start3A_671 = tpu.memref_slice %arg11[%dma_start3A, %dma_start3A_669, %dma_start3A_670] : memref<6x104x64xf32, #tpu.memory_space<vmem>> -> memref<1x104x64xf32, #tpu.memory_space<vmem>>
      %dma_start3A_672 = tpu.memref_squeeze %dma_start3A_671 : memref<1x104x64xf32, #tpu.memory_space<vmem>> -> memref<104x64xf32, #tpu.memory_space<vmem>>
      %dma_start3A_673 = arith.constant 0 : i32
      %dma_start3A_674 = tpu.memref_slice %arg7[%cond3A_636, %dma_start3A_673] : memref<63x104xi32, #tpu.memory_space<vmem>> -> memref<1x104xi32, #tpu.memory_space<vmem>>
      %dma_start3A_675 = tpu.memref_squeeze %dma_start3A_674 : memref<1x104xi32, #tpu.memory_space<vmem>> -> memref<104xi32, #tpu.memory_space<vmem>>
      %dma_start3A_676 = arith.constant 0 : i32
      %dma_start3A_677 = arith.constant 0 : i32
      %dma_start3A_678 = tpu.memref_slice %arg2[%dma_start3A_676, %dma_start3A_677] : memref<50000x64xf32, #tpu.memory_space<hbm>> -> memref<50000x64xf32, #tpu.memory_space<hbm>>
      tpu.enqueue_indirect_dma source(%dma_start3A_678 : memref<50000x64xf32, #tpu.memory_space<hbm>>) target(%dma_start3A_672 : memref<104x64xf32, #tpu.memory_space<vmem>>) offsets(%dma_start3A_675 : memref<104xi32, #tpu.memory_space<vmem>>) semaphore(%arg13 : memref<!tpu.dma_semaphore, #tpu.memory_space<semaphore_mem>>)
    } else {
    }
    %ge3A_639 = arith.constant 1 : i32
    %ge3A_640 = arith.cmpi sge, %ge3A_639, %select_n3A_592 : i32
    %lt3A_641 = arith.constant 1 : i32
    %lt3A_642 = arith.cmpi slt, %lt3A_641, %add3A_621 : i32
    %and3A_643 = arith.andi %ge3A_640, %lt3A_642 : i1
    %convert_element_type3A_644 = arith.extui %and3A_643 : i1 to i32
    %cond3A_645 = arith.constant 1 : i32
    %cond3A_646 = arith.constant 0 : i32
    %cond3A_647 = arith.cmpi ne, %convert_element_type3A_644, %cond3A_646 : i32
    scf.if %cond3A_647 {
      %sub3A_669 = arith.subi %cond3A_645, %select_n3A_592 : i32
      %dma_start3A = arith.constant 1 : i32
      %dma_start3A_670 = arith.constant 0 : i32
      %dma_start3A_671 = arith.constant 0 : i32
      %dma_start3A_672 = tpu.memref_slice %arg11[%dma_start3A, %dma_start3A_670, %dma_start3A_671] : memref<6x104x64xf32, #tpu.memory_space<vmem>> -> memref<1x104x64xf32, #tpu.memory_space<vmem>>
      %dma_start3A_673 = tpu.memref_squeeze %dma_start3A_672 : memref<1x104x64xf32, #tpu.memory_space<vmem>> -> memref<104x64xf32, #tpu.memory_space<vmem>>
      %dma_start3A_674 = arith.constant 0 : i32
      %dma_start3A_675 = tpu.memref_slice %arg9[%sub3A_669, %dma_start3A_674] : memref<63x104xi32, #tpu.memory_space<vmem>> -> memref<1x104xi32, #tpu.memory_space<vmem>>
      %dma_start3A_676 = tpu.memref_squeeze %dma_start3A_675 : memref<1x104xi32, #tpu.memory_space<vmem>> -> memref<104xi32, #tpu.memory_space<vmem>>
      %dma_start3A_677 = arith.constant 0 : i32
      %dma_start3A_678 = arith.constant 0 : i32
      %dma_start3A_679 = tpu.memref_slice %arg3[%dma_start3A_677, %dma_start3A_678] : memref<50000x64xf32, #tpu.memory_space<hbm>> -> memref<50000x64xf32, #tpu.memory_space<hbm>>
      tpu.enqueue_indirect_dma source(%dma_start3A_679 : memref<50000x64xf32, #tpu.memory_space<hbm>>) target(%dma_start3A_673 : memref<104x64xf32, #tpu.memory_space<vmem>>) offsets(%dma_start3A_676 : memref<104xi32, #tpu.memory_space<vmem>>) semaphore(%arg13 : memref<!tpu.dma_semaphore, #tpu.memory_space<semaphore_mem>>)
    } else {
    }
    %lt3A_648 = arith.constant 2 : i32
    %lt3A_649 = arith.cmpi slt, %lt3A_648, %select_n3A_592 : i32
    %convert_element_type3A_650 = arith.extui %lt3A_649 : i1 to i32
    %cond3A_651 = arith.constant 2 : i32
    %cond3A_652 = arith.constant 0 : i32
    %cond3A_653 = arith.cmpi ne, %convert_element_type3A_650, %cond3A_652 : i32
    scf.if %cond3A_653 {
      %dma_start3A = arith.constant 2 : i32
      %dma_start3A_669 = arith.constant 0 : i32
      %dma_start3A_670 = arith.constant 0 : i32
      %dma_start3A_671 = tpu.memref_slice %arg11[%dma_start3A, %dma_start3A_669, %dma_start3A_670] : memref<6x104x64xf32, #tpu.memory_space<vmem>> -> memref<1x104x64xf32, #tpu.memory_space<vmem>>
      %dma_start3A_672 = tpu.memref_squeeze %dma_start3A_671 : memref<1x104x64xf32, #tpu.memory_space<vmem>> -> memref<104x64xf32, #tpu.memory_space<vmem>>
      %dma_start3A_673 = arith.constant 0 : i32
      %dma_start3A_674 = tpu.memref_slice %arg7[%cond3A_651, %dma_start3A_673] : memref<63x104xi32, #tpu.memory_space<vmem>> -> memref<1x104xi32, #tpu.memory_space<vmem>>
      %dma_start3A_675 = tpu.memref_squeeze %dma_start3A_674 : memref<1x104xi32, #tpu.memory_space<vmem>> -> memref<104xi32, #tpu.memory_space<vmem>>
      %dma_start3A_676 = arith.constant 0 : i32
      %dma_start3A_677 = arith.constant 0 : i32
      %dma_start3A_678 = tpu.memref_slice %arg2[%dma_start3A_676, %dma_start3A_677] : memref<50000x64xf32, #tpu.memory_space<hbm>> -> memref<50000x64xf32, #tpu.memory_space<hbm>>
      tpu.enqueue_indirect_dma source(%dma_start3A_678 : memref<50000x64xf32, #tpu.memory_space<hbm>>) target(%dma_start3A_672 : memref<104x64xf32, #tpu.memory_space<vmem>>) offsets(%dma_start3A_675 : memref<104xi32, #tpu.memory_space<vmem>>) semaphore(%arg14 : memref<!tpu.dma_semaphore, #tpu.memory_space<semaphore_mem>>)
    } else {
    }
    %ge3A_654 = arith.constant 2 : i32
    %ge3A_655 = arith.cmpi sge, %ge3A_654, %select_n3A_592 : i32
    %lt3A_656 = arith.constant 2 : i32
    %lt3A_657 = arith.cmpi slt, %lt3A_656, %add3A_621 : i32
    %and3A_658 = arith.andi %ge3A_655, %lt3A_657 : i1
    %convert_element_type3A_659 = arith.extui %and3A_658 : i1 to i32
    %cond3A_660 = arith.constant 2 : i32
    %cond3A_661 = arith.constant 0 : i32
    %cond3A_662 = arith.cmpi ne, %convert_element_type3A_659, %cond3A_661 : i32
    scf.if %cond3A_662 {
      %sub3A_669 = arith.subi %cond3A_660, %select_n3A_592 : i32
      %dma_start3A = arith.constant 2 : i32
      %dma_start3A_670 = arith.constant 0 : i32
      %dma_start3A_671 = arith.constant 0 : i32
      %dma_start3A_672 = tpu.memref_slice %arg11[%dma_start3A, %dma_start3A_670, %dma_start3A_671] : memref<6x104x64xf32, #tpu.memory_space<vmem>> -> memref<1x104x64xf32, #tpu.memory_space<vmem>>
      %dma_start3A_673 = tpu.memref_squeeze %dma_start3A_672 : memref<1x104x64xf32, #tpu.memory_space<vmem>> -> memref<104x64xf32, #tpu.memory_space<vmem>>
      %dma_start3A_674 = arith.constant 0 : i32
      %dma_start3A_675 = tpu.memref_slice %arg9[%sub3A_669, %dma_start3A_674] : memref<63x104xi32, #tpu.memory_space<vmem>> -> memref<1x104xi32, #tpu.memory_space<vmem>>
      %dma_start3A_676 = tpu.memref_squeeze %dma_start3A_675 : memref<1x104xi32, #tpu.memory_space<vmem>> -> memref<104xi32, #tpu.memory_space<vmem>>
      %dma_start3A_677 = arith.constant 0 : i32
      %dma_start3A_678 = arith.constant 0 : i32
      %dma_start3A_679 = tpu.memref_slice %arg3[%dma_start3A_677, %dma_start3A_678] : memref<50000x64xf32, #tpu.memory_space<hbm>> -> memref<50000x64xf32, #tpu.memory_space<hbm>>
      tpu.enqueue_indirect_dma source(%dma_start3A_679 : memref<50000x64xf32, #tpu.memory_space<hbm>>) target(%dma_start3A_673 : memref<104x64xf32, #tpu.memory_space<vmem>>) offsets(%dma_start3A_676 : memref<104xi32, #tpu.memory_space<vmem>>) semaphore(%arg14 : memref<!tpu.dma_semaphore, #tpu.memory_space<semaphore_mem>>)
    } else {
    }
    %scan3A_663 = arith.constant 0 : i32
    %scan3A_664 = arith.constant 0 : i32
    %scan3A_665 = arith.constant 11 : i32
    %scan3A_666 = arith.addi %scan3A_664, %scan3A_665 : i32
    %scan3A_667 = arith.constant 1 : i32
    scf.for %scan3A_669 = %scan3A_664 to %scan3A_666 step %scan3A_667  : i32 {
      %mul3A_670 = arith.constant 6 : i32
      %mul3A_671 = arith.muli %scan3A_669, %mul3A_670 : i32
      %add3A_672 = arith.constant 0 : i32
      %add3A_673 = arith.addi %mul3A_671, %add3A_672 : i32
      %lt3A_674 = arith.cmpi slt, %add3A_673, %add3A_621 : i32
      %convert_element_type3A_675 = arith.extui %lt3A_674 : i1 to i32
      %cond3A_676 = arith.constant 0 : i32
      %cond3A_677 = arith.cmpi ne, %convert_element_type3A_675, %cond3A_676 : i32
      scf.if %cond3A_677 {
        %dma_wait3A = arith.constant 0 : i32
        %dma_wait3A_916 = arith.constant 0 : i32
        %dma_wait3A_917 = arith.constant 0 : i32
        %dma_wait3A_918 = arith.constant 0 : i32
        %dma_wait3A_919 = tpu.memref_slice %arg11[%dma_wait3A_916, %dma_wait3A_917, %dma_wait3A_918] : memref<6x104x64xf32, #tpu.memory_space<vmem>> -> memref<1x104x64xf32, #tpu.memory_space<vmem>>
        %dma_wait3A_920 = tpu.memref_squeeze %dma_wait3A_919 : memref<1x104x64xf32, #tpu.memory_space<vmem>> -> memref<104x64xf32, #tpu.memory_space<vmem>>
        %dma_wait3A_921 = arith.constant 0 : i32
        %dma_wait3A_922 = tpu.memref_slice %arg7[%dma_wait3A, %dma_wait3A_921] : memref<63x104xi32, #tpu.memory_space<vmem>> -> memref<1x104xi32, #tpu.memory_space<vmem>>
        %dma_wait3A_923 = tpu.memref_squeeze %dma_wait3A_922 : memref<1x104xi32, #tpu.memory_space<vmem>> -> memref<104xi32, #tpu.memory_space<vmem>>
        %dma_wait3A_924 = arith.constant 0 : i32
        %dma_wait3A_925 = arith.constant 0 : i32
        %dma_wait3A_926 = tpu.memref_slice %arg2[%dma_wait3A_924, %dma_wait3A_925] : memref<50000x64xf32, #tpu.memory_space<hbm>> -> memref<50000x64xf32, #tpu.memory_space<hbm>>
        tpu.wait_indirect_dma semaphore(%arg12 : memref<!tpu.dma_semaphore, #tpu.memory_space<semaphore_mem>>) src(%dma_wait3A_926 : memref<50000x64xf32, #tpu.memory_space<hbm>>) dst(%dma_wait3A_920 : memref<104x64xf32, #tpu.memory_space<vmem>>)
      } else {
      }
      %lt3A_678 = arith.cmpi slt, %add3A_673, %select_n3A_592 : i32
      %convert_element_type3A_679 = arith.extui %lt3A_678 : i1 to i32
      %cond3A_680 = arith.constant 0 : i32
      %cond3A_681 = arith.cmpi ne, %convert_element_type3A_679, %cond3A_680 : i32
      scf.if %cond3A_681 {
        %dma_start3A = arith.constant 0 : i32
        %dma_start3A_916 = arith.constant 0 : i32
        %dma_start3A_917 = arith.constant 0 : i32
        %dma_start3A_918 = tpu.memref_slice %arg11[%dma_start3A, %dma_start3A_916, %dma_start3A_917] : memref<6x104x64xf32, #tpu.memory_space<vmem>> -> memref<1x104x64xf32, #tpu.memory_space<vmem>>
        %dma_start3A_919 = tpu.memref_squeeze %dma_start3A_918 : memref<1x104x64xf32, #tpu.memory_space<vmem>> -> memref<104x64xf32, #tpu.memory_space<vmem>>
        %dma_start3A_920 = arith.constant 0 : i32
        %dma_start3A_921 = tpu.memref_slice %arg8[%add3A_673, %dma_start3A_920] : memref<63x104xi32, #tpu.memory_space<vmem>> -> memref<1x104xi32, #tpu.memory_space<vmem>>
        %dma_start3A_922 = tpu.memref_squeeze %dma_start3A_921 : memref<1x104xi32, #tpu.memory_space<vmem>> -> memref<104xi32, #tpu.memory_space<vmem>>
        %dma_start3A_923 = arith.constant 0 : i32
        %dma_start3A_924 = arith.constant 0 : i32
        %dma_start3A_925 = tpu.memref_slice %arg5[%dma_start3A_923, %dma_start3A_924] : memref<204808x64xf32, #tpu.memory_space<hbm>> -> memref<204808x64xf32, #tpu.memory_space<hbm>>
        tpu.enqueue_indirect_dma source(%dma_start3A_919 : memref<104x64xf32, #tpu.memory_space<vmem>>) target(%dma_start3A_925 : memref<204808x64xf32, #tpu.memory_space<hbm>>) offsets(%dma_start3A_922 : memref<104xi32, #tpu.memory_space<vmem>>) semaphore(%arg18 : memref<!tpu.dma_semaphore, #tpu.memory_space<semaphore_mem>>)
      } else {
      }
      %ge3A_682 = arith.cmpi sge, %add3A_673, %select_n3A_592 : i32
      %lt3A_683 = arith.cmpi slt, %add3A_673, %add3A_621 : i32
      %and3A_684 = arith.andi %ge3A_682, %lt3A_683 : i1
      %convert_element_type3A_685 = arith.extui %and3A_684 : i1 to i32
      %cond3A_686 = arith.constant 0 : i32
      %cond3A_687 = arith.cmpi ne, %convert_element_type3A_685, %cond3A_686 : i32
      scf.if %cond3A_687 {
        %sub3A_916 = arith.subi %add3A_673, %select_n3A_592 : i32
        %dma_start3A = arith.constant 0 : i32
        %dma_start3A_917 = arith.constant 0 : i32
        %dma_start3A_918 = arith.constant 0 : i32
        %dma_start3A_919 = tpu.memref_slice %arg11[%dma_start3A, %dma_start3A_917, %dma_start3A_918] : memref<6x104x64xf32, #tpu.memory_space<vmem>> -> memref<1x104x64xf32, #tpu.memory_space<vmem>>
        %dma_start3A_920 = tpu.memref_squeeze %dma_start3A_919 : memref<1x104x64xf32, #tpu.memory_space<vmem>> -> memref<104x64xf32, #tpu.memory_space<vmem>>
        %dma_start3A_921 = arith.constant 0 : i32
        %dma_start3A_922 = tpu.memref_slice %arg10[%sub3A_916, %dma_start3A_921] : memref<63x104xi32, #tpu.memory_space<vmem>> -> memref<1x104xi32, #tpu.memory_space<vmem>>
        %dma_start3A_923 = tpu.memref_squeeze %dma_start3A_922 : memref<1x104xi32, #tpu.memory_space<vmem>> -> memref<104xi32, #tpu.memory_space<vmem>>
        %dma_start3A_924 = arith.constant 0 : i32
        %dma_start3A_925 = arith.constant 0 : i32
        %dma_start3A_926 = tpu.memref_slice %arg5[%dma_start3A_924, %dma_start3A_925] : memref<204808x64xf32, #tpu.memory_space<hbm>> -> memref<204808x64xf32, #tpu.memory_space<hbm>>
        tpu.enqueue_indirect_dma source(%dma_start3A_920 : memref<104x64xf32, #tpu.memory_space<vmem>>) target(%dma_start3A_926 : memref<204808x64xf32, #tpu.memory_space<hbm>>) offsets(%dma_start3A_923 : memref<104xi32, #tpu.memory_space<vmem>>) semaphore(%arg18 : memref<!tpu.dma_semaphore, #tpu.memory_space<semaphore_mem>>)
      } else {
      }
      %add3A_688 = arith.constant 3 : i32
      %add3A_689 = arith.addi %add3A_673, %add3A_688 : i32
      %sub3A_690 = arith.constant 6 : i32
      %sub3A_691 = arith.subi %add3A_689, %sub3A_690 : i32
      %ge3A_692 = arith.constant 0 : i32
      %ge3A_693 = arith.cmpi sge, %sub3A_691, %ge3A_692 : i32
      %lt3A_694 = arith.cmpi slt, %sub3A_691, %add3A_621 : i32
      %and3A_695 = arith.andi %ge3A_693, %lt3A_694 : i1
      %convert_element_type3A_696 = arith.extui %and3A_695 : i1 to i32
      %cond3A_697 = arith.constant 0 : i32
      %cond3A_698 = arith.cmpi ne, %convert_element_type3A_696, %cond3A_697 : i32
      scf.if %cond3A_698 {
        %dma_wait3A = arith.constant 3 : i32
        %dma_wait3A_916 = arith.constant 0 : i32
        %dma_wait3A_917 = arith.constant 0 : i32
        %dma_wait3A_918 = arith.constant 0 : i32
        %dma_wait3A_919 = tpu.memref_slice %arg11[%dma_wait3A, %dma_wait3A_917, %dma_wait3A_918] : memref<6x104x64xf32, #tpu.memory_space<vmem>> -> memref<1x104x64xf32, #tpu.memory_space<vmem>>
        %dma_wait3A_920 = tpu.memref_squeeze %dma_wait3A_919 : memref<1x104x64xf32, #tpu.memory_space<vmem>> -> memref<104x64xf32, #tpu.memory_space<vmem>>
        %dma_wait3A_921 = arith.constant 0 : i32
        %dma_wait3A_922 = tpu.memref_slice %arg8[%dma_wait3A_916, %dma_wait3A_921] : memref<63x104xi32, #tpu.memory_space<vmem>> -> memref<1x104xi32, #tpu.memory_space<vmem>>
        %dma_wait3A_923 = tpu.memref_squeeze %dma_wait3A_922 : memref<1x104xi32, #tpu.memory_space<vmem>> -> memref<104xi32, #tpu.memory_space<vmem>>
        %dma_wait3A_924 = arith.constant 0 : i32
        %dma_wait3A_925 = arith.constant 0 : i32
        %dma_wait3A_926 = tpu.memref_slice %arg5[%dma_wait3A_924, %dma_wait3A_925] : memref<204808x64xf32, #tpu.memory_space<hbm>> -> memref<204808x64xf32, #tpu.memory_space<hbm>>
        tpu.wait_indirect_dma semaphore(%arg21 : memref<!tpu.dma_semaphore, #tpu.memory_space<semaphore_mem>>) src(%dma_wait3A_920 : memref<104x64xf32, #tpu.memory_space<vmem>>) dst(%dma_wait3A_926 : memref<204808x64xf32, #tpu.memory_space<hbm>>)
      } else {
      }
      %add3A_699 = arith.constant 3 : i32
      %add3A_700 = arith.addi %add3A_673, %add3A_699 : i32
      %lt3A_701 = arith.cmpi slt, %add3A_700, %select_n3A_592 : i32
      %convert_element_type3A_702 = arith.extui %lt3A_701 : i1 to i32
      %cond3A_703 = arith.constant 0 : i32
      %cond3A_704 = arith.cmpi ne, %convert_element_type3A_702, %cond3A_703 : i32
      scf.if %cond3A_704 {
        %dma_start3A = arith.constant 3 : i32
        %dma_start3A_916 = arith.constant 0 : i32
        %dma_start3A_917 = arith.constant 0 : i32
        %dma_start3A_918 = tpu.memref_slice %arg11[%dma_start3A, %dma_start3A_916, %dma_start3A_917] : memref<6x104x64xf32, #tpu.memory_space<vmem>> -> memref<1x104x64xf32, #tpu.memory_space<vmem>>
        %dma_start3A_919 = tpu.memref_squeeze %dma_start3A_918 : memref<1x104x64xf32, #tpu.memory_space<vmem>> -> memref<104x64xf32, #tpu.memory_space<vmem>>
        %dma_start3A_920 = arith.constant 0 : i32
        %dma_start3A_921 = tpu.memref_slice %arg7[%add3A_700, %dma_start3A_920] : memref<63x104xi32, #tpu.memory_space<vmem>> -> memref<1x104xi32, #tpu.memory_space<vmem>>
        %dma_start3A_922 = tpu.memref_squeeze %dma_start3A_921 : memref<1x104xi32, #tpu.memory_space<vmem>> -> memref<104xi32, #tpu.memory_space<vmem>>
        %dma_start3A_923 = arith.constant 0 : i32
        %dma_start3A_924 = arith.constant 0 : i32
        %dma_start3A_925 = tpu.memref_slice %arg2[%dma_start3A_923, %dma_start3A_924] : memref<50000x64xf32, #tpu.memory_space<hbm>> -> memref<50000x64xf32, #tpu.memory_space<hbm>>
        tpu.enqueue_indirect_dma source(%dma_start3A_925 : memref<50000x64xf32, #tpu.memory_space<hbm>>) target(%dma_start3A_919 : memref<104x64xf32, #tpu.memory_space<vmem>>) offsets(%dma_start3A_922 : memref<104xi32, #tpu.memory_space<vmem>>) semaphore(%arg15 : memref<!tpu.dma_semaphore, #tpu.memory_space<semaphore_mem>>)
      } else {
      }
      %ge3A_705 = arith.cmpi sge, %add3A_700, %select_n3A_592 : i32
      %lt3A_706 = arith.cmpi slt, %add3A_700, %add3A_621 : i32
      %and3A_707 = arith.andi %ge3A_705, %lt3A_706 : i1
      %convert_element_type3A_708 = arith.extui %and3A_707 : i1 to i32
      %cond3A_709 = arith.constant 0 : i32
      %cond3A_710 = arith.cmpi ne, %convert_element_type3A_708, %cond3A_709 : i32
      scf.if %cond3A_710 {
        %sub3A_916 = arith.subi %add3A_700, %select_n3A_592 : i32
        %dma_start3A = arith.constant 3 : i32
        %dma_start3A_917 = arith.constant 0 : i32
        %dma_start3A_918 = arith.constant 0 : i32
        %dma_start3A_919 = tpu.memref_slice %arg11[%dma_start3A, %dma_start3A_917, %dma_start3A_918] : memref<6x104x64xf32, #tpu.memory_space<vmem>> -> memref<1x104x64xf32, #tpu.memory_space<vmem>>
        %dma_start3A_920 = tpu.memref_squeeze %dma_start3A_919 : memref<1x104x64xf32, #tpu.memory_space<vmem>> -> memref<104x64xf32, #tpu.memory_space<vmem>>
        %dma_start3A_921 = arith.constant 0 : i32
        %dma_start3A_922 = tpu.memref_slice %arg9[%sub3A_916, %dma_start3A_921] : memref<63x104xi32, #tpu.memory_space<vmem>> -> memref<1x104xi32, #tpu.memory_space<vmem>>
        %dma_start3A_923 = tpu.memref_squeeze %dma_start3A_922 : memref<1x104xi32, #tpu.memory_space<vmem>> -> memref<104xi32, #tpu.memory_space<vmem>>
        %dma_start3A_924 = arith.constant 0 : i32
        %dma_start3A_925 = arith.constant 0 : i32
        %dma_start3A_926 = tpu.memref_slice %arg3[%dma_start3A_924, %dma_start3A_925] : memref<50000x64xf32, #tpu.memory_space<hbm>> -> memref<50000x64xf32, #tpu.memory_space<hbm>>
        tpu.enqueue_indirect_dma source(%dma_start3A_926 : memref<50000x64xf32, #tpu.memory_space<hbm>>) target(%dma_start3A_920 : memref<104x64xf32, #tpu.memory_space<vmem>>) offsets(%dma_start3A_923 : memref<104xi32, #tpu.memory_space<vmem>>) semaphore(%arg15 : memref<!tpu.dma_semaphore, #tpu.memory_space<semaphore_mem>>)
      } else {
      }
      %mul3A_711 = arith.constant 6 : i32
      %mul3A_712 = arith.muli %scan3A_669, %mul3A_711 : i32
      %add3A_713 = arith.constant 1 : i32
      %add3A_714 = arith.addi %mul3A_712, %add3A_713 : i32
      %lt3A_715 = arith.cmpi slt, %add3A_714, %add3A_621 : i32
      %convert_element_type3A_716 = arith.extui %lt3A_715 : i1 to i32
      %cond3A_717 = arith.constant 0 : i32
      %cond3A_718 = arith.cmpi ne, %convert_element_type3A_716, %cond3A_717 : i32
      scf.if %cond3A_718 {
        %dma_wait3A = arith.constant 0 : i32
        %dma_wait3A_916 = arith.constant 1 : i32
        %dma_wait3A_917 = arith.constant 0 : i32
        %dma_wait3A_918 = arith.constant 0 : i32
        %dma_wait3A_919 = tpu.memref_slice %arg11[%dma_wait3A_916, %dma_wait3A_917, %dma_wait3A_918] : memref<6x104x64xf32, #tpu.memory_space<vmem>> -> memref<1x104x64xf32, #tpu.memory_space<vmem>>
        %dma_wait3A_920 = tpu.memref_squeeze %dma_wait3A_919 : memref<1x104x64xf32, #tpu.memory_space<vmem>> -> memref<104x64xf32, #tpu.memory_space<vmem>>
        %dma_wait3A_921 = arith.constant 0 : i32
        %dma_wait3A_922 = tpu.memref_slice %arg7[%dma_wait3A, %dma_wait3A_921] : memref<63x104xi32, #tpu.memory_space<vmem>> -> memref<1x104xi32, #tpu.memory_space<vmem>>
        %dma_wait3A_923 = tpu.memref_squeeze %dma_wait3A_922 : memref<1x104xi32, #tpu.memory_space<vmem>> -> memref<104xi32, #tpu.memory_space<vmem>>
        %dma_wait3A_924 = arith.constant 0 : i32
        %dma_wait3A_925 = arith.constant 0 : i32
        %dma_wait3A_926 = tpu.memref_slice %arg2[%dma_wait3A_924, %dma_wait3A_925] : memref<50000x64xf32, #tpu.memory_space<hbm>> -> memref<50000x64xf32, #tpu.memory_space<hbm>>
        tpu.wait_indirect_dma semaphore(%arg13 : memref<!tpu.dma_semaphore, #tpu.memory_space<semaphore_mem>>) src(%dma_wait3A_926 : memref<50000x64xf32, #tpu.memory_space<hbm>>) dst(%dma_wait3A_920 : memref<104x64xf32, #tpu.memory_space<vmem>>)
      } else {
      }
      %lt3A_719 = arith.cmpi slt, %add3A_714, %select_n3A_592 : i32
      %convert_element_type3A_720 = arith.extui %lt3A_719 : i1 to i32
      %cond3A_721 = arith.constant 0 : i32
      %cond3A_722 = arith.cmpi ne, %convert_element_type3A_720, %cond3A_721 : i32
      scf.if %cond3A_722 {
        %dma_start3A = arith.constant 1 : i32
        %dma_start3A_916 = arith.constant 0 : i32
        %dma_start3A_917 = arith.constant 0 : i32
        %dma_start3A_918 = tpu.memref_slice %arg11[%dma_start3A, %dma_start3A_916, %dma_start3A_917] : memref<6x104x64xf32, #tpu.memory_space<vmem>> -> memref<1x104x64xf32, #tpu.memory_space<vmem>>
        %dma_start3A_919 = tpu.memref_squeeze %dma_start3A_918 : memref<1x104x64xf32, #tpu.memory_space<vmem>> -> memref<104x64xf32, #tpu.memory_space<vmem>>
        %dma_start3A_920 = arith.constant 0 : i32
        %dma_start3A_921 = tpu.memref_slice %arg8[%add3A_714, %dma_start3A_920] : memref<63x104xi32, #tpu.memory_space<vmem>> -> memref<1x104xi32, #tpu.memory_space<vmem>>
        %dma_start3A_922 = tpu.memref_squeeze %dma_start3A_921 : memref<1x104xi32, #tpu.memory_space<vmem>> -> memref<104xi32, #tpu.memory_space<vmem>>
        %dma_start3A_923 = arith.constant 0 : i32
        %dma_start3A_924 = arith.constant 0 : i32
        %dma_start3A_925 = tpu.memref_slice %arg5[%dma_start3A_923, %dma_start3A_924] : memref<204808x64xf32, #tpu.memory_space<hbm>> -> memref<204808x64xf32, #tpu.memory_space<hbm>>
        tpu.enqueue_indirect_dma source(%dma_start3A_919 : memref<104x64xf32, #tpu.memory_space<vmem>>) target(%dma_start3A_925 : memref<204808x64xf32, #tpu.memory_space<hbm>>) offsets(%dma_start3A_922 : memref<104xi32, #tpu.memory_space<vmem>>) semaphore(%arg19 : memref<!tpu.dma_semaphore, #tpu.memory_space<semaphore_mem>>)
      } else {
      }
      %ge3A_723 = arith.cmpi sge, %add3A_714, %select_n3A_592 : i32
      %lt3A_724 = arith.cmpi slt, %add3A_714, %add3A_621 : i32
      %and3A_725 = arith.andi %ge3A_723, %lt3A_724 : i1
      %convert_element_type3A_726 = arith.extui %and3A_725 : i1 to i32
      %cond3A_727 = arith.constant 0 : i32
      %cond3A_728 = arith.cmpi ne, %convert_element_type3A_726, %cond3A_727 : i32
      scf.if %cond3A_728 {
        %sub3A_916 = arith.subi %add3A_714, %select_n3A_592 : i32
        %dma_start3A = arith.constant 1 : i32
        %dma_start3A_917 = arith.constant 0 : i32
        %dma_start3A_918 = arith.constant 0 : i32
        %dma_start3A_919 = tpu.memref_slice %arg11[%dma_start3A, %dma_start3A_917, %dma_start3A_918] : memref<6x104x64xf32, #tpu.memory_space<vmem>> -> memref<1x104x64xf32, #tpu.memory_space<vmem>>
        %dma_start3A_920 = tpu.memref_squeeze %dma_start3A_919 : memref<1x104x64xf32, #tpu.memory_space<vmem>> -> memref<104x64xf32, #tpu.memory_space<vmem>>
        %dma_start3A_921 = arith.constant 0 : i32
        %dma_start3A_922 = tpu.memref_slice %arg10[%sub3A_916, %dma_start3A_921] : memref<63x104xi32, #tpu.memory_space<vmem>> -> memref<1x104xi32, #tpu.memory_space<vmem>>
        %dma_start3A_923 = tpu.memref_squeeze %dma_start3A_922 : memref<1x104xi32, #tpu.memory_space<vmem>> -> memref<104xi32, #tpu.memory_space<vmem>>
        %dma_start3A_924 = arith.constant 0 : i32
        %dma_start3A_925 = arith.constant 0 : i32
        %dma_start3A_926 = tpu.memref_slice %arg5[%dma_start3A_924, %dma_start3A_925] : memref<204808x64xf32, #tpu.memory_space<hbm>> -> memref<204808x64xf32, #tpu.memory_space<hbm>>
        tpu.enqueue_indirect_dma source(%dma_start3A_920 : memref<104x64xf32, #tpu.memory_space<vmem>>) target(%dma_start3A_926 : memref<204808x64xf32, #tpu.memory_space<hbm>>) offsets(%dma_start3A_923 : memref<104xi32, #tpu.memory_space<vmem>>) semaphore(%arg19 : memref<!tpu.dma_semaphore, #tpu.memory_space<semaphore_mem>>)
      } else {
      }
      %add3A_729 = arith.constant 3 : i32
      %add3A_730 = arith.addi %add3A_714, %add3A_729 : i32
      %sub3A_731 = arith.constant 6 : i32
      %sub3A_732 = arith.subi %add3A_730, %sub3A_731 : i32
      %ge3A_733 = arith.constant 0 : i32
      %ge3A_734 = arith.cmpi sge, %sub3A_732, %ge3A_733 : i32
      %lt3A_735 = arith.cmpi slt, %sub3A_732, %add3A_621 : i32
      %and3A_736 = arith.andi %ge3A_734, %lt3A_735 : i1
      %convert_element_type3A_737 = arith.extui %and3A_736 : i1 to i32
      %cond3A_738 = arith.constant 0 : i32
      %cond3A_739 = arith.cmpi ne, %convert_element_type3A_737, %cond3A_738 : i32
      scf.if %cond3A_739 {
        %dma_wait3A = arith.constant 4 : i32
        %dma_wait3A_916 = arith.constant 0 : i32
        %dma_wait3A_917 = arith.constant 0 : i32
        %dma_wait3A_918 = arith.constant 0 : i32
        %dma_wait3A_919 = tpu.memref_slice %arg11[%dma_wait3A, %dma_wait3A_917, %dma_wait3A_918] : memref<6x104x64xf32, #tpu.memory_space<vmem>> -> memref<1x104x64xf32, #tpu.memory_space<vmem>>
        %dma_wait3A_920 = tpu.memref_squeeze %dma_wait3A_919 : memref<1x104x64xf32, #tpu.memory_space<vmem>> -> memref<104x64xf32, #tpu.memory_space<vmem>>
        %dma_wait3A_921 = arith.constant 0 : i32
        %dma_wait3A_922 = tpu.memref_slice %arg8[%dma_wait3A_916, %dma_wait3A_921] : memref<63x104xi32, #tpu.memory_space<vmem>> -> memref<1x104xi32, #tpu.memory_space<vmem>>
        %dma_wait3A_923 = tpu.memref_squeeze %dma_wait3A_922 : memref<1x104xi32, #tpu.memory_space<vmem>> -> memref<104xi32, #tpu.memory_space<vmem>>
        %dma_wait3A_924 = arith.constant 0 : i32
        %dma_wait3A_925 = arith.constant 0 : i32
        %dma_wait3A_926 = tpu.memref_slice %arg5[%dma_wait3A_924, %dma_wait3A_925] : memref<204808x64xf32, #tpu.memory_space<hbm>> -> memref<204808x64xf32, #tpu.memory_space<hbm>>
        tpu.wait_indirect_dma semaphore(%arg22 : memref<!tpu.dma_semaphore, #tpu.memory_space<semaphore_mem>>) src(%dma_wait3A_920 : memref<104x64xf32, #tpu.memory_space<vmem>>) dst(%dma_wait3A_926 : memref<204808x64xf32, #tpu.memory_space<hbm>>)
      } else {
      }
      %add3A_740 = arith.constant 3 : i32
      %add3A_741 = arith.addi %add3A_714, %add3A_740 : i32
      %lt3A_742 = arith.cmpi slt, %add3A_741, %select_n3A_592 : i32
      %convert_element_type3A_743 = arith.extui %lt3A_742 : i1 to i32
      %cond3A_744 = arith.constant 0 : i32
      %cond3A_745 = arith.cmpi ne, %convert_element_type3A_743, %cond3A_744 : i32
      scf.if %cond3A_745 {
        %dma_start3A = arith.constant 4 : i32
        %dma_start3A_916 = arith.constant 0 : i32
        %dma_start3A_917 = arith.constant 0 : i32
        %dma_start3A_918 = tpu.memref_slice %arg11[%dma_start3A, %dma_start3A_916, %dma_start3A_917] : memref<6x104x64xf32, #tpu.memory_space<vmem>> -> memref<1x104x64xf32, #tpu.memory_space<vmem>>
        %dma_start3A_919 = tpu.memref_squeeze %dma_start3A_918 : memref<1x104x64xf32, #tpu.memory_space<vmem>> -> memref<104x64xf32, #tpu.memory_space<vmem>>
        %dma_start3A_920 = arith.constant 0 : i32
        %dma_start3A_921 = tpu.memref_slice %arg7[%add3A_741, %dma_start3A_920] : memref<63x104xi32, #tpu.memory_space<vmem>> -> memref<1x104xi32, #tpu.memory_space<vmem>>
        %dma_start3A_922 = tpu.memref_squeeze %dma_start3A_921 : memref<1x104xi32, #tpu.memory_space<vmem>> -> memref<104xi32, #tpu.memory_space<vmem>>
        %dma_start3A_923 = arith.constant 0 : i32
        %dma_start3A_924 = arith.constant 0 : i32
        %dma_start3A_925 = tpu.memref_slice %arg2[%dma_start3A_923, %dma_start3A_924] : memref<50000x64xf32, #tpu.memory_space<hbm>> -> memref<50000x64xf32, #tpu.memory_space<hbm>>
        tpu.enqueue_indirect_dma source(%dma_start3A_925 : memref<50000x64xf32, #tpu.memory_space<hbm>>) target(%dma_start3A_919 : memref<104x64xf32, #tpu.memory_space<vmem>>) offsets(%dma_start3A_922 : memref<104xi32, #tpu.memory_space<vmem>>) semaphore(%arg16 : memref<!tpu.dma_semaphore, #tpu.memory_space<semaphore_mem>>)
      } else {
      }
      %ge3A_746 = arith.cmpi sge, %add3A_741, %select_n3A_592 : i32
      %lt3A_747 = arith.cmpi slt, %add3A_741, %add3A_621 : i32
      %and3A_748 = arith.andi %ge3A_746, %lt3A_747 : i1
      %convert_element_type3A_749 = arith.extui %and3A_748 : i1 to i32
      %cond3A_750 = arith.constant 0 : i32
      %cond3A_751 = arith.cmpi ne, %convert_element_type3A_749, %cond3A_750 : i32
      scf.if %cond3A_751 {
        %sub3A_916 = arith.subi %add3A_741, %select_n3A_592 : i32
        %dma_start3A = arith.constant 4 : i32
        %dma_start3A_917 = arith.constant 0 : i32
        %dma_start3A_918 = arith.constant 0 : i32
        %dma_start3A_919 = tpu.memref_slice %arg11[%dma_start3A, %dma_start3A_917, %dma_start3A_918] : memref<6x104x64xf32, #tpu.memory_space<vmem>> -> memref<1x104x64xf32, #tpu.memory_space<vmem>>
        %dma_start3A_920 = tpu.memref_squeeze %dma_start3A_919 : memref<1x104x64xf32, #tpu.memory_space<vmem>> -> memref<104x64xf32, #tpu.memory_space<vmem>>
        %dma_start3A_921 = arith.constant 0 : i32
        %dma_start3A_922 = tpu.memref_slice %arg9[%sub3A_916, %dma_start3A_921] : memref<63x104xi32, #tpu.memory_space<vmem>> -> memref<1x104xi32, #tpu.memory_space<vmem>>
        %dma_start3A_923 = tpu.memref_squeeze %dma_start3A_922 : memref<1x104xi32, #tpu.memory_space<vmem>> -> memref<104xi32, #tpu.memory_space<vmem>>
        %dma_start3A_924 = arith.constant 0 : i32
        %dma_start3A_925 = arith.constant 0 : i32
        %dma_start3A_926 = tpu.memref_slice %arg3[%dma_start3A_924, %dma_start3A_925] : memref<50000x64xf32, #tpu.memory_space<hbm>> -> memref<50000x64xf32, #tpu.memory_space<hbm>>
        tpu.enqueue_indirect_dma source(%dma_start3A_926 : memref<50000x64xf32, #tpu.memory_space<hbm>>) target(%dma_start3A_920 : memref<104x64xf32, #tpu.memory_space<vmem>>) offsets(%dma_start3A_923 : memref<104xi32, #tpu.memory_space<vmem>>) semaphore(%arg16 : memref<!tpu.dma_semaphore, #tpu.memory_space<semaphore_mem>>)
      } else {
      }
      %mul3A_752 = arith.constant 6 : i32
      %mul3A_753 = arith.muli %scan3A_669, %mul3A_752 : i32
      %add3A_754 = arith.constant 2 : i32
      %add3A_755 = arith.addi %mul3A_753, %add3A_754 : i32
      %lt3A_756 = arith.cmpi slt, %add3A_755, %add3A_621 : i32
      %convert_element_type3A_757 = arith.extui %lt3A_756 : i1 to i32
      %cond3A_758 = arith.constant 0 : i32
      %cond3A_759 = arith.cmpi ne, %convert_element_type3A_757, %cond3A_758 : i32
      scf.if %cond3A_759 {
        %dma_wait3A = arith.constant 0 : i32
        %dma_wait3A_916 = arith.constant 2 : i32
        %dma_wait3A_917 = arith.constant 0 : i32
        %dma_wait3A_918 = arith.constant 0 : i32
        %dma_wait3A_919 = tpu.memref_slice %arg11[%dma_wait3A_916, %dma_wait3A_917, %dma_wait3A_918] : memref<6x104x64xf32, #tpu.memory_space<vmem>> -> memref<1x104x64xf32, #tpu.memory_space<vmem>>
        %dma_wait3A_920 = tpu.memref_squeeze %dma_wait3A_919 : memref<1x104x64xf32, #tpu.memory_space<vmem>> -> memref<104x64xf32, #tpu.memory_space<vmem>>
        %dma_wait3A_921 = arith.constant 0 : i32
        %dma_wait3A_922 = tpu.memref_slice %arg7[%dma_wait3A, %dma_wait3A_921] : memref<63x104xi32, #tpu.memory_space<vmem>> -> memref<1x104xi32, #tpu.memory_space<vmem>>
        %dma_wait3A_923 = tpu.memref_squeeze %dma_wait3A_922 : memref<1x104xi32, #tpu.memory_space<vmem>> -> memref<104xi32, #tpu.memory_space<vmem>>
        %dma_wait3A_924 = arith.constant 0 : i32
        %dma_wait3A_925 = arith.constant 0 : i32
        %dma_wait3A_926 = tpu.memref_slice %arg2[%dma_wait3A_924, %dma_wait3A_925] : memref<50000x64xf32, #tpu.memory_space<hbm>> -> memref<50000x64xf32, #tpu.memory_space<hbm>>
        tpu.wait_indirect_dma semaphore(%arg14 : memref<!tpu.dma_semaphore, #tpu.memory_space<semaphore_mem>>) src(%dma_wait3A_926 : memref<50000x64xf32, #tpu.memory_space<hbm>>) dst(%dma_wait3A_920 : memref<104x64xf32, #tpu.memory_space<vmem>>)
      } else {
      }
      %lt3A_760 = arith.cmpi slt, %add3A_755, %select_n3A_592 : i32
      %convert_element_type3A_761 = arith.extui %lt3A_760 : i1 to i32
      %cond3A_762 = arith.constant 0 : i32
      %cond3A_763 = arith.cmpi ne, %convert_element_type3A_761, %cond3A_762 : i32
      scf.if %cond3A_763 {
        %dma_start3A = arith.constant 2 : i32
        %dma_start3A_916 = arith.constant 0 : i32
        %dma_start3A_917 = arith.constant 0 : i32
        %dma_start3A_918 = tpu.memref_slice %arg11[%dma_start3A, %dma_start3A_916, %dma_start3A_917] : memref<6x104x64xf32, #tpu.memory_space<vmem>> -> memref<1x104x64xf32, #tpu.memory_space<vmem>>
        %dma_start3A_919 = tpu.memref_squeeze %dma_start3A_918 : memref<1x104x64xf32, #tpu.memory_space<vmem>> -> memref<104x64xf32, #tpu.memory_space<vmem>>
        %dma_start3A_920 = arith.constant 0 : i32
        %dma_start3A_921 = tpu.memref_slice %arg8[%add3A_755, %dma_start3A_920] : memref<63x104xi32, #tpu.memory_space<vmem>> -> memref<1x104xi32, #tpu.memory_space<vmem>>
        %dma_start3A_922 = tpu.memref_squeeze %dma_start3A_921 : memref<1x104xi32, #tpu.memory_space<vmem>> -> memref<104xi32, #tpu.memory_space<vmem>>
        %dma_start3A_923 = arith.constant 0 : i32
        %dma_start3A_924 = arith.constant 0 : i32
        %dma_start3A_925 = tpu.memref_slice %arg5[%dma_start3A_923, %dma_start3A_924] : memref<204808x64xf32, #tpu.memory_space<hbm>> -> memref<204808x64xf32, #tpu.memory_space<hbm>>
        tpu.enqueue_indirect_dma source(%dma_start3A_919 : memref<104x64xf32, #tpu.memory_space<vmem>>) target(%dma_start3A_925 : memref<204808x64xf32, #tpu.memory_space<hbm>>) offsets(%dma_start3A_922 : memref<104xi32, #tpu.memory_space<vmem>>) semaphore(%arg20 : memref<!tpu.dma_semaphore, #tpu.memory_space<semaphore_mem>>)
      } else {
      }
      %ge3A_764 = arith.cmpi sge, %add3A_755, %select_n3A_592 : i32
      %lt3A_765 = arith.cmpi slt, %add3A_755, %add3A_621 : i32
      %and3A_766 = arith.andi %ge3A_764, %lt3A_765 : i1
      %convert_element_type3A_767 = arith.extui %and3A_766 : i1 to i32
      %cond3A_768 = arith.constant 0 : i32
      %cond3A_769 = arith.cmpi ne, %convert_element_type3A_767, %cond3A_768 : i32
      scf.if %cond3A_769 {
        %sub3A_916 = arith.subi %add3A_755, %select_n3A_592 : i32
        %dma_start3A = arith.constant 2 : i32
        %dma_start3A_917 = arith.constant 0 : i32
        %dma_start3A_918 = arith.constant 0 : i32
        %dma_start3A_919 = tpu.memref_slice %arg11[%dma_start3A, %dma_start3A_917, %dma_start3A_918] : memref<6x104x64xf32, #tpu.memory_space<vmem>> -> memref<1x104x64xf32, #tpu.memory_space<vmem>>
        %dma_start3A_920 = tpu.memref_squeeze %dma_start3A_919 : memref<1x104x64xf32, #tpu.memory_space<vmem>> -> memref<104x64xf32, #tpu.memory_space<vmem>>
        %dma_start3A_921 = arith.constant 0 : i32
        %dma_start3A_922 = tpu.memref_slice %arg10[%sub3A_916, %dma_start3A_921] : memref<63x104xi32, #tpu.memory_space<vmem>> -> memref<1x104xi32, #tpu.memory_space<vmem>>
        %dma_start3A_923 = tpu.memref_squeeze %dma_start3A_922 : memref<1x104xi32, #tpu.memory_space<vmem>> -> memref<104xi32, #tpu.memory_space<vmem>>
        %dma_start3A_924 = arith.constant 0 : i32
        %dma_start3A_925 = arith.constant 0 : i32
        %dma_start3A_926 = tpu.memref_slice %arg5[%dma_start3A_924, %dma_start3A_925] : memref<204808x64xf32, #tpu.memory_space<hbm>> -> memref<204808x64xf32, #tpu.memory_space<hbm>>
        tpu.enqueue_indirect_dma source(%dma_start3A_920 : memref<104x64xf32, #tpu.memory_space<vmem>>) target(%dma_start3A_926 : memref<204808x64xf32, #tpu.memory_space<hbm>>) offsets(%dma_start3A_923 : memref<104xi32, #tpu.memory_space<vmem>>) semaphore(%arg20 : memref<!tpu.dma_semaphore, #tpu.memory_space<semaphore_mem>>)
      } else {
      }
      %add3A_770 = arith.constant 3 : i32
      %add3A_771 = arith.addi %add3A_755, %add3A_770 : i32
      %sub3A_772 = arith.constant 6 : i32
      %sub3A_773 = arith.subi %add3A_771, %sub3A_772 : i32
      %ge3A_774 = arith.constant 0 : i32
      %ge3A_775 = arith.cmpi sge, %sub3A_773, %ge3A_774 : i32
      %lt3A_776 = arith.cmpi slt, %sub3A_773, %add3A_621 : i32
      %and3A_777 = arith.andi %ge3A_775, %lt3A_776 : i1
      %convert_element_type3A_778 = arith.extui %and3A_777 : i1 to i32
      %cond3A_779 = arith.constant 0 : i32
      %cond3A_780 = arith.cmpi ne, %convert_element_type3A_778, %cond3A_779 : i32
      scf.if %cond3A_780 {
        %dma_wait3A = arith.constant 5 : i32
        %dma_wait3A_916 = arith.constant 0 : i32
        %dma_wait3A_917 = arith.constant 0 : i32
        %dma_wait3A_918 = arith.constant 0 : i32
        %dma_wait3A_919 = tpu.memref_slice %arg11[%dma_wait3A, %dma_wait3A_917, %dma_wait3A_918] : memref<6x104x64xf32, #tpu.memory_space<vmem>> -> memref<1x104x64xf32, #tpu.memory_space<vmem>>
        %dma_wait3A_920 = tpu.memref_squeeze %dma_wait3A_919 : memref<1x104x64xf32, #tpu.memory_space<vmem>> -> memref<104x64xf32, #tpu.memory_space<vmem>>
        %dma_wait3A_921 = arith.constant 0 : i32
        %dma_wait3A_922 = tpu.memref_slice %arg8[%dma_wait3A_916, %dma_wait3A_921] : memref<63x104xi32, #tpu.memory_space<vmem>> -> memref<1x104xi32, #tpu.memory_space<vmem>>
        %dma_wait3A_923 = tpu.memref_squeeze %dma_wait3A_922 : memref<1x104xi32, #tpu.memory_space<vmem>> -> memref<104xi32, #tpu.memory_space<vmem>>
        %dma_wait3A_924 = arith.constant 0 : i32
        %dma_wait3A_925 = arith.constant 0 : i32
        %dma_wait3A_926 = tpu.memref_slice %arg5[%dma_wait3A_924, %dma_wait3A_925] : memref<204808x64xf32, #tpu.memory_space<hbm>> -> memref<204808x64xf32, #tpu.memory_space<hbm>>
        tpu.wait_indirect_dma semaphore(%arg23 : memref<!tpu.dma_semaphore, #tpu.memory_space<semaphore_mem>>) src(%dma_wait3A_920 : memref<104x64xf32, #tpu.memory_space<vmem>>) dst(%dma_wait3A_926 : memref<204808x64xf32, #tpu.memory_space<hbm>>)
      } else {
      }
      %add3A_781 = arith.constant 3 : i32
      %add3A_782 = arith.addi %add3A_755, %add3A_781 : i32
      %lt3A_783 = arith.cmpi slt, %add3A_782, %select_n3A_592 : i32
      %convert_element_type3A_784 = arith.extui %lt3A_783 : i1 to i32
      %cond3A_785 = arith.constant 0 : i32
      %cond3A_786 = arith.cmpi ne, %convert_element_type3A_784, %cond3A_785 : i32
      scf.if %cond3A_786 {
        %dma_start3A = arith.constant 5 : i32
        %dma_start3A_916 = arith.constant 0 : i32
        %dma_start3A_917 = arith.constant 0 : i32
        %dma_start3A_918 = tpu.memref_slice %arg11[%dma_start3A, %dma_start3A_916, %dma_start3A_917] : memref<6x104x64xf32, #tpu.memory_space<vmem>> -> memref<1x104x64xf32, #tpu.memory_space<vmem>>
        %dma_start3A_919 = tpu.memref_squeeze %dma_start3A_918 : memref<1x104x64xf32, #tpu.memory_space<vmem>> -> memref<104x64xf32, #tpu.memory_space<vmem>>
        %dma_start3A_920 = arith.constant 0 : i32
        %dma_start3A_921 = tpu.memref_slice %arg7[%add3A_782, %dma_start3A_920] : memref<63x104xi32, #tpu.memory_space<vmem>> -> memref<1x104xi32, #tpu.memory_space<vmem>>
        %dma_start3A_922 = tpu.memref_squeeze %dma_start3A_921 : memref<1x104xi32, #tpu.memory_space<vmem>> -> memref<104xi32, #tpu.memory_space<vmem>>
        %dma_start3A_923 = arith.constant 0 : i32
        %dma_start3A_924 = arith.constant 0 : i32
        %dma_start3A_925 = tpu.memref_slice %arg2[%dma_start3A_923, %dma_start3A_924] : memref<50000x64xf32, #tpu.memory_space<hbm>> -> memref<50000x64xf32, #tpu.memory_space<hbm>>
        tpu.enqueue_indirect_dma source(%dma_start3A_925 : memref<50000x64xf32, #tpu.memory_space<hbm>>) target(%dma_start3A_919 : memref<104x64xf32, #tpu.memory_space<vmem>>) offsets(%dma_start3A_922 : memref<104xi32, #tpu.memory_space<vmem>>) semaphore(%arg17 : memref<!tpu.dma_semaphore, #tpu.memory_space<semaphore_mem>>)
      } else {
      }
      %ge3A_787 = arith.cmpi sge, %add3A_782, %select_n3A_592 : i32
      %lt3A_788 = arith.cmpi slt, %add3A_782, %add3A_621 : i32
      %and3A_789 = arith.andi %ge3A_787, %lt3A_788 : i1
      %convert_element_type3A_790 = arith.extui %and3A_789 : i1 to i32
      %cond3A_791 = arith.constant 0 : i32
      %cond3A_792 = arith.cmpi ne, %convert_element_type3A_790, %cond3A_791 : i32
      scf.if %cond3A_792 {
        %sub3A_916 = arith.subi %add3A_782, %select_n3A_592 : i32
        %dma_start3A = arith.constant 5 : i32
        %dma_start3A_917 = arith.constant 0 : i32
        %dma_start3A_918 = arith.constant 0 : i32
        %dma_start3A_919 = tpu.memref_slice %arg11[%dma_start3A, %dma_start3A_917, %dma_start3A_918] : memref<6x104x64xf32, #tpu.memory_space<vmem>> -> memref<1x104x64xf32, #tpu.memory_space<vmem>>
        %dma_start3A_920 = tpu.memref_squeeze %dma_start3A_919 : memref<1x104x64xf32, #tpu.memory_space<vmem>> -> memref<104x64xf32, #tpu.memory_space<vmem>>
        %dma_start3A_921 = arith.constant 0 : i32
        %dma_start3A_922 = tpu.memref_slice %arg9[%sub3A_916, %dma_start3A_921] : memref<63x104xi32, #tpu.memory_space<vmem>> -> memref<1x104xi32, #tpu.memory_space<vmem>>
        %dma_start3A_923 = tpu.memref_squeeze %dma_start3A_922 : memref<1x104xi32, #tpu.memory_space<vmem>> -> memref<104xi32, #tpu.memory_space<vmem>>
        %dma_start3A_924 = arith.constant 0 : i32
        %dma_start3A_925 = arith.constant 0 : i32
        %dma_start3A_926 = tpu.memref_slice %arg3[%dma_start3A_924, %dma_start3A_925] : memref<50000x64xf32, #tpu.memory_space<hbm>> -> memref<50000x64xf32, #tpu.memory_space<hbm>>
        tpu.enqueue_indirect_dma source(%dma_start3A_926 : memref<50000x64xf32, #tpu.memory_space<hbm>>) target(%dma_start3A_920 : memref<104x64xf32, #tpu.memory_space<vmem>>) offsets(%dma_start3A_923 : memref<104xi32, #tpu.memory_space<vmem>>) semaphore(%arg17 : memref<!tpu.dma_semaphore, #tpu.memory_space<semaphore_mem>>)
      } else {
      }
      %mul3A_793 = arith.constant 6 : i32
      %mul3A_794 = arith.muli %scan3A_669, %mul3A_793 : i32
      %add3A_795 = arith.constant 3 : i32
      %add3A_796 = arith.addi %mul3A_794, %add3A_795 : i32
      %lt3A_797 = arith.cmpi slt, %add3A_796, %add3A_621 : i32
      %convert_element_type3A_798 = arith.extui %lt3A_797 : i1 to i32
      %cond3A_799 = arith.constant 0 : i32
      %cond3A_800 = arith.cmpi ne, %convert_element_type3A_798, %cond3A_799 : i32
      scf.if %cond3A_800 {
        %dma_wait3A = arith.constant 0 : i32
        %dma_wait3A_916 = arith.constant 3 : i32
        %dma_wait3A_917 = arith.constant 0 : i32
        %dma_wait3A_918 = arith.constant 0 : i32
        %dma_wait3A_919 = tpu.memref_slice %arg11[%dma_wait3A_916, %dma_wait3A_917, %dma_wait3A_918] : memref<6x104x64xf32, #tpu.memory_space<vmem>> -> memref<1x104x64xf32, #tpu.memory_space<vmem>>
        %dma_wait3A_920 = tpu.memref_squeeze %dma_wait3A_919 : memref<1x104x64xf32, #tpu.memory_space<vmem>> -> memref<104x64xf32, #tpu.memory_space<vmem>>
        %dma_wait3A_921 = arith.constant 0 : i32
        %dma_wait3A_922 = tpu.memref_slice %arg7[%dma_wait3A, %dma_wait3A_921] : memref<63x104xi32, #tpu.memory_space<vmem>> -> memref<1x104xi32, #tpu.memory_space<vmem>>
        %dma_wait3A_923 = tpu.memref_squeeze %dma_wait3A_922 : memref<1x104xi32, #tpu.memory_space<vmem>> -> memref<104xi32, #tpu.memory_space<vmem>>
        %dma_wait3A_924 = arith.constant 0 : i32
        %dma_wait3A_925 = arith.constant 0 : i32
        %dma_wait3A_926 = tpu.memref_slice %arg2[%dma_wait3A_924, %dma_wait3A_925] : memref<50000x64xf32, #tpu.memory_space<hbm>> -> memref<50000x64xf32, #tpu.memory_space<hbm>>
        tpu.wait_indirect_dma semaphore(%arg15 : memref<!tpu.dma_semaphore, #tpu.memory_space<semaphore_mem>>) src(%dma_wait3A_926 : memref<50000x64xf32, #tpu.memory_space<hbm>>) dst(%dma_wait3A_920 : memref<104x64xf32, #tpu.memory_space<vmem>>)
      } else {
      }
      %lt3A_801 = arith.cmpi slt, %add3A_796, %select_n3A_592 : i32
      %convert_element_type3A_802 = arith.extui %lt3A_801 : i1 to i32
      %cond3A_803 = arith.constant 0 : i32
      %cond3A_804 = arith.cmpi ne, %convert_element_type3A_802, %cond3A_803 : i32
      scf.if %cond3A_804 {
        %dma_start3A = arith.constant 3 : i32
        %dma_start3A_916 = arith.constant 0 : i32
        %dma_start3A_917 = arith.constant 0 : i32
        %dma_start3A_918 = tpu.memref_slice %arg11[%dma_start3A, %dma_start3A_916, %dma_start3A_917] : memref<6x104x64xf32, #tpu.memory_space<vmem>> -> memref<1x104x64xf32, #tpu.memory_space<vmem>>
        %dma_start3A_919 = tpu.memref_squeeze %dma_start3A_918 : memref<1x104x64xf32, #tpu.memory_space<vmem>> -> memref<104x64xf32, #tpu.memory_space<vmem>>
        %dma_start3A_920 = arith.constant 0 : i32
        %dma_start3A_921 = tpu.memref_slice %arg8[%add3A_796, %dma_start3A_920] : memref<63x104xi32, #tpu.memory_space<vmem>> -> memref<1x104xi32, #tpu.memory_space<vmem>>
        %dma_start3A_922 = tpu.memref_squeeze %dma_start3A_921 : memref<1x104xi32, #tpu.memory_space<vmem>> -> memref<104xi32, #tpu.memory_space<vmem>>
        %dma_start3A_923 = arith.constant 0 : i32
        %dma_start3A_924 = arith.constant 0 : i32
        %dma_start3A_925 = tpu.memref_slice %arg5[%dma_start3A_923, %dma_start3A_924] : memref<204808x64xf32, #tpu.memory_space<hbm>> -> memref<204808x64xf32, #tpu.memory_space<hbm>>
        tpu.enqueue_indirect_dma source(%dma_start3A_919 : memref<104x64xf32, #tpu.memory_space<vmem>>) target(%dma_start3A_925 : memref<204808x64xf32, #tpu.memory_space<hbm>>) offsets(%dma_start3A_922 : memref<104xi32, #tpu.memory_space<vmem>>) semaphore(%arg21 : memref<!tpu.dma_semaphore, #tpu.memory_space<semaphore_mem>>)
      } else {
      }
      %ge3A_805 = arith.cmpi sge, %add3A_796, %select_n3A_592 : i32
      %lt3A_806 = arith.cmpi slt, %add3A_796, %add3A_621 : i32
      %and3A_807 = arith.andi %ge3A_805, %lt3A_806 : i1
      %convert_element_type3A_808 = arith.extui %and3A_807 : i1 to i32
      %cond3A_809 = arith.constant 0 : i32
      %cond3A_810 = arith.cmpi ne, %convert_element_type3A_808, %cond3A_809 : i32
      scf.if %cond3A_810 {
        %sub3A_916 = arith.subi %add3A_796, %select_n3A_592 : i32
        %dma_start3A = arith.constant 3 : i32
        %dma_start3A_917 = arith.constant 0 : i32
        %dma_start3A_918 = arith.constant 0 : i32
        %dma_start3A_919 = tpu.memref_slice %arg11[%dma_start3A, %dma_start3A_917, %dma_start3A_918] : memref<6x104x64xf32, #tpu.memory_space<vmem>> -> memref<1x104x64xf32, #tpu.memory_space<vmem>>
        %dma_start3A_920 = tpu.memref_squeeze %dma_start3A_919 : memref<1x104x64xf32, #tpu.memory_space<vmem>> -> memref<104x64xf32, #tpu.memory_space<vmem>>
        %dma_start3A_921 = arith.constant 0 : i32
        %dma_start3A_922 = tpu.memref_slice %arg10[%sub3A_916, %dma_start3A_921] : memref<63x104xi32, #tpu.memory_space<vmem>> -> memref<1x104xi32, #tpu.memory_space<vmem>>
        %dma_start3A_923 = tpu.memref_squeeze %dma_start3A_922 : memref<1x104xi32, #tpu.memory_space<vmem>> -> memref<104xi32, #tpu.memory_space<vmem>>
        %dma_start3A_924 = arith.constant 0 : i32
        %dma_start3A_925 = arith.constant 0 : i32
        %dma_start3A_926 = tpu.memref_slice %arg5[%dma_start3A_924, %dma_start3A_925] : memref<204808x64xf32, #tpu.memory_space<hbm>> -> memref<204808x64xf32, #tpu.memory_space<hbm>>
        tpu.enqueue_indirect_dma source(%dma_start3A_920 : memref<104x64xf32, #tpu.memory_space<vmem>>) target(%dma_start3A_926 : memref<204808x64xf32, #tpu.memory_space<hbm>>) offsets(%dma_start3A_923 : memref<104xi32, #tpu.memory_space<vmem>>) semaphore(%arg21 : memref<!tpu.dma_semaphore, #tpu.memory_space<semaphore_mem>>)
      } else {
      }
      %add3A_811 = arith.constant 3 : i32
      %add3A_812 = arith.addi %add3A_796, %add3A_811 : i32
      %sub3A_813 = arith.constant 6 : i32
      %sub3A_814 = arith.subi %add3A_812, %sub3A_813 : i32
      %ge3A_815 = arith.constant 0 : i32
      %ge3A_816 = arith.cmpi sge, %sub3A_814, %ge3A_815 : i32
      %lt3A_817 = arith.cmpi slt, %sub3A_814, %add3A_621 : i32
      %and3A_818 = arith.andi %ge3A_816, %lt3A_817 : i1
      %convert_element_type3A_819 = arith.extui %and3A_818 : i1 to i32
      %cond3A_820 = arith.constant 0 : i32
      %cond3A_821 = arith.cmpi ne, %convert_element_type3A_819, %cond3A_820 : i32
      scf.if %cond3A_821 {
        %dma_wait3A = arith.constant 0 : i32
        %dma_wait3A_916 = arith.constant 0 : i32
        %dma_wait3A_917 = arith.constant 0 : i32
        %dma_wait3A_918 = arith.constant 0 : i32
        %dma_wait3A_919 = tpu.memref_slice %arg11[%dma_wait3A, %dma_wait3A_917, %dma_wait3A_918] : memref<6x104x64xf32, #tpu.memory_space<vmem>> -> memref<1x104x64xf32, #tpu.memory_space<vmem>>
        %dma_wait3A_920 = tpu.memref_squeeze %dma_wait3A_919 : memref<1x104x64xf32, #tpu.memory_space<vmem>> -> memref<104x64xf32, #tpu.memory_space<vmem>>
        %dma_wait3A_921 = arith.constant 0 : i32
        %dma_wait3A_922 = tpu.memref_slice %arg8[%dma_wait3A_916, %dma_wait3A_921] : memref<63x104xi32, #tpu.memory_space<vmem>> -> memref<1x104xi32, #tpu.memory_space<vmem>>
        %dma_wait3A_923 = tpu.memref_squeeze %dma_wait3A_922 : memref<1x104xi32, #tpu.memory_space<vmem>> -> memref<104xi32, #tpu.memory_space<vmem>>
        %dma_wait3A_924 = arith.constant 0 : i32
        %dma_wait3A_925 = arith.constant 0 : i32
        %dma_wait3A_926 = tpu.memref_slice %arg5[%dma_wait3A_924, %dma_wait3A_925] : memref<204808x64xf32, #tpu.memory_space<hbm>> -> memref<204808x64xf32, #tpu.memory_space<hbm>>
        tpu.wait_indirect_dma semaphore(%arg18 : memref<!tpu.dma_semaphore, #tpu.memory_space<semaphore_mem>>) src(%dma_wait3A_920 : memref<104x64xf32, #tpu.memory_space<vmem>>) dst(%dma_wait3A_926 : memref<204808x64xf32, #tpu.memory_space<hbm>>)
      } else {
      }
      %add3A_822 = arith.constant 3 : i32
      %add3A_823 = arith.addi %add3A_796, %add3A_822 : i32
      %lt3A_824 = arith.cmpi slt, %add3A_823, %select_n3A_592 : i32
      %convert_element_type3A_825 = arith.extui %lt3A_824 : i1 to i32
      %cond3A_826 = arith.constant 0 : i32
      %cond3A_827 = arith.cmpi ne, %convert_element_type3A_825, %cond3A_826 : i32
      scf.if %cond3A_827 {
        %dma_start3A = arith.constant 0 : i32
        %dma_start3A_916 = arith.constant 0 : i32
        %dma_start3A_917 = arith.constant 0 : i32
        %dma_start3A_918 = tpu.memref_slice %arg11[%dma_start3A, %dma_start3A_916, %dma_start3A_917] : memref<6x104x64xf32, #tpu.memory_space<vmem>> -> memref<1x104x64xf32, #tpu.memory_space<vmem>>
        %dma_start3A_919 = tpu.memref_squeeze %dma_start3A_918 : memref<1x104x64xf32, #tpu.memory_space<vmem>> -> memref<104x64xf32, #tpu.memory_space<vmem>>
        %dma_start3A_920 = arith.constant 0 : i32
        %dma_start3A_921 = tpu.memref_slice %arg7[%add3A_823, %dma_start3A_920] : memref<63x104xi32, #tpu.memory_space<vmem>> -> memref<1x104xi32, #tpu.memory_space<vmem>>
        %dma_start3A_922 = tpu.memref_squeeze %dma_start3A_921 : memref<1x104xi32, #tpu.memory_space<vmem>> -> memref<104xi32, #tpu.memory_space<vmem>>
        %dma_start3A_923 = arith.constant 0 : i32
        %dma_start3A_924 = arith.constant 0 : i32
        %dma_start3A_925 = tpu.memref_slice %arg2[%dma_start3A_923, %dma_start3A_924] : memref<50000x64xf32, #tpu.memory_space<hbm>> -> memref<50000x64xf32, #tpu.memory_space<hbm>>
        tpu.enqueue_indirect_dma source(%dma_start3A_925 : memref<50000x64xf32, #tpu.memory_space<hbm>>) target(%dma_start3A_919 : memref<104x64xf32, #tpu.memory_space<vmem>>) offsets(%dma_start3A_922 : memref<104xi32, #tpu.memory_space<vmem>>) semaphore(%arg12 : memref<!tpu.dma_semaphore, #tpu.memory_space<semaphore_mem>>)
      } else {
      }
      %ge3A_828 = arith.cmpi sge, %add3A_823, %select_n3A_592 : i32
      %lt3A_829 = arith.cmpi slt, %add3A_823, %add3A_621 : i32
      %and3A_830 = arith.andi %ge3A_828, %lt3A_829 : i1
      %convert_element_type3A_831 = arith.extui %and3A_830 : i1 to i32
      %cond3A_832 = arith.constant 0 : i32
      %cond3A_833 = arith.cmpi ne, %convert_element_type3A_831, %cond3A_832 : i32
      scf.if %cond3A_833 {
        %sub3A_916 = arith.subi %add3A_823, %select_n3A_592 : i32
        %dma_start3A = arith.constant 0 : i32
        %dma_start3A_917 = arith.constant 0 : i32
        %dma_start3A_918 = arith.constant 0 : i32
        %dma_start3A_919 = tpu.memref_slice %arg11[%dma_start3A, %dma_start3A_917, %dma_start3A_918] : memref<6x104x64xf32, #tpu.memory_space<vmem>> -> memref<1x104x64xf32, #tpu.memory_space<vmem>>
        %dma_start3A_920 = tpu.memref_squeeze %dma_start3A_919 : memref<1x104x64xf32, #tpu.memory_space<vmem>> -> memref<104x64xf32, #tpu.memory_space<vmem>>
        %dma_start3A_921 = arith.constant 0 : i32
        %dma_start3A_922 = tpu.memref_slice %arg9[%sub3A_916, %dma_start3A_921] : memref<63x104xi32, #tpu.memory_space<vmem>> -> memref<1x104xi32, #tpu.memory_space<vmem>>
        %dma_start3A_923 = tpu.memref_squeeze %dma_start3A_922 : memref<1x104xi32, #tpu.memory_space<vmem>> -> memref<104xi32, #tpu.memory_space<vmem>>
        %dma_start3A_924 = arith.constant 0 : i32
        %dma_start3A_925 = arith.constant 0 : i32
        %dma_start3A_926 = tpu.memref_slice %arg3[%dma_start3A_924, %dma_start3A_925] : memref<50000x64xf32, #tpu.memory_space<hbm>> -> memref<50000x64xf32, #tpu.memory_space<hbm>>
        tpu.enqueue_indirect_dma source(%dma_start3A_926 : memref<50000x64xf32, #tpu.memory_space<hbm>>) target(%dma_start3A_920 : memref<104x64xf32, #tpu.memory_space<vmem>>) offsets(%dma_start3A_923 : memref<104xi32, #tpu.memory_space<vmem>>) semaphore(%arg12 : memref<!tpu.dma_semaphore, #tpu.memory_space<semaphore_mem>>)
      } else {
      }
      %mul3A_834 = arith.constant 6 : i32
      %mul3A_835 = arith.muli %scan3A_669, %mul3A_834 : i32
      %add3A_836 = arith.constant 4 : i32
      %add3A_837 = arith.addi %mul3A_835, %add3A_836 : i32
      %lt3A_838 = arith.cmpi slt, %add3A_837, %add3A_621 : i32
      %convert_element_type3A_839 = arith.extui %lt3A_838 : i1 to i32
      %cond3A_840 = arith.constant 0 : i32
      %cond3A_841 = arith.cmpi ne, %convert_element_type3A_839, %cond3A_840 : i32
      scf.if %cond3A_841 {
        %dma_wait3A = arith.constant 0 : i32
        %dma_wait3A_916 = arith.constant 4 : i32
        %dma_wait3A_917 = arith.constant 0 : i32
        %dma_wait3A_918 = arith.constant 0 : i32
        %dma_wait3A_919 = tpu.memref_slice %arg11[%dma_wait3A_916, %dma_wait3A_917, %dma_wait3A_918] : memref<6x104x64xf32, #tpu.memory_space<vmem>> -> memref<1x104x64xf32, #tpu.memory_space<vmem>>
        %dma_wait3A_920 = tpu.memref_squeeze %dma_wait3A_919 : memref<1x104x64xf32, #tpu.memory_space<vmem>> -> memref<104x64xf32, #tpu.memory_space<vmem>>
        %dma_wait3A_921 = arith.constant 0 : i32
        %dma_wait3A_922 = tpu.memref_slice %arg7[%dma_wait3A, %dma_wait3A_921] : memref<63x104xi32, #tpu.memory_space<vmem>> -> memref<1x104xi32, #tpu.memory_space<vmem>>
        %dma_wait3A_923 = tpu.memref_squeeze %dma_wait3A_922 : memref<1x104xi32, #tpu.memory_space<vmem>> -> memref<104xi32, #tpu.memory_space<vmem>>
        %dma_wait3A_924 = arith.constant 0 : i32
        %dma_wait3A_925 = arith.constant 0 : i32
        %dma_wait3A_926 = tpu.memref_slice %arg2[%dma_wait3A_924, %dma_wait3A_925] : memref<50000x64xf32, #tpu.memory_space<hbm>> -> memref<50000x64xf32, #tpu.memory_space<hbm>>
        tpu.wait_indirect_dma semaphore(%arg16 : memref<!tpu.dma_semaphore, #tpu.memory_space<semaphore_mem>>) src(%dma_wait3A_926 : memref<50000x64xf32, #tpu.memory_space<hbm>>) dst(%dma_wait3A_920 : memref<104x64xf32, #tpu.memory_space<vmem>>)
      } else {
      }
      %lt3A_842 = arith.cmpi slt, %add3A_837, %select_n3A_592 : i32
      %convert_element_type3A_843 = arith.extui %lt3A_842 : i1 to i32
      %cond3A_844 = arith.constant 0 : i32
      %cond3A_845 = arith.cmpi ne, %convert_element_type3A_843, %cond3A_844 : i32
      scf.if %cond3A_845 {
        %dma_start3A = arith.constant 4 : i32
        %dma_start3A_916 = arith.constant 0 : i32
        %dma_start3A_917 = arith.constant 0 : i32
        %dma_start3A_918 = tpu.memref_slice %arg11[%dma_start3A, %dma_start3A_916, %dma_start3A_917] : memref<6x104x64xf32, #tpu.memory_space<vmem>> -> memref<1x104x64xf32, #tpu.memory_space<vmem>>
        %dma_start3A_919 = tpu.memref_squeeze %dma_start3A_918 : memref<1x104x64xf32, #tpu.memory_space<vmem>> -> memref<104x64xf32, #tpu.memory_space<vmem>>
        %dma_start3A_920 = arith.constant 0 : i32
        %dma_start3A_921 = tpu.memref_slice %arg8[%add3A_837, %dma_start3A_920] : memref<63x104xi32, #tpu.memory_space<vmem>> -> memref<1x104xi32, #tpu.memory_space<vmem>>
        %dma_start3A_922 = tpu.memref_squeeze %dma_start3A_921 : memref<1x104xi32, #tpu.memory_space<vmem>> -> memref<104xi32, #tpu.memory_space<vmem>>
        %dma_start3A_923 = arith.constant 0 : i32
        %dma_start3A_924 = arith.constant 0 : i32
        %dma_start3A_925 = tpu.memref_slice %arg5[%dma_start3A_923, %dma_start3A_924] : memref<204808x64xf32, #tpu.memory_space<hbm>> -> memref<204808x64xf32, #tpu.memory_space<hbm>>
        tpu.enqueue_indirect_dma source(%dma_start3A_919 : memref<104x64xf32, #tpu.memory_space<vmem>>) target(%dma_start3A_925 : memref<204808x64xf32, #tpu.memory_space<hbm>>) offsets(%dma_start3A_922 : memref<104xi32, #tpu.memory_space<vmem>>) semaphore(%arg22 : memref<!tpu.dma_semaphore, #tpu.memory_space<semaphore_mem>>)
      } else {
      }
      %ge3A_846 = arith.cmpi sge, %add3A_837, %select_n3A_592 : i32
      %lt3A_847 = arith.cmpi slt, %add3A_837, %add3A_621 : i32
      %and3A_848 = arith.andi %ge3A_846, %lt3A_847 : i1
      %convert_element_type3A_849 = arith.extui %and3A_848 : i1 to i32
      %cond3A_850 = arith.constant 0 : i32
      %cond3A_851 = arith.cmpi ne, %convert_element_type3A_849, %cond3A_850 : i32
      scf.if %cond3A_851 {
        %sub3A_916 = arith.subi %add3A_837, %select_n3A_592 : i32
        %dma_start3A = arith.constant 4 : i32
        %dma_start3A_917 = arith.constant 0 : i32
        %dma_start3A_918 = arith.constant 0 : i32
        %dma_start3A_919 = tpu.memref_slice %arg11[%dma_start3A, %dma_start3A_917, %dma_start3A_918] : memref<6x104x64xf32, #tpu.memory_space<vmem>> -> memref<1x104x64xf32, #tpu.memory_space<vmem>>
        %dma_start3A_920 = tpu.memref_squeeze %dma_start3A_919 : memref<1x104x64xf32, #tpu.memory_space<vmem>> -> memref<104x64xf32, #tpu.memory_space<vmem>>
        %dma_start3A_921 = arith.constant 0 : i32
        %dma_start3A_922 = tpu.memref_slice %arg10[%sub3A_916, %dma_start3A_921] : memref<63x104xi32, #tpu.memory_space<vmem>> -> memref<1x104xi32, #tpu.memory_space<vmem>>
        %dma_start3A_923 = tpu.memref_squeeze %dma_start3A_922 : memref<1x104xi32, #tpu.memory_space<vmem>> -> memref<104xi32, #tpu.memory_space<vmem>>
        %dma_start3A_924 = arith.constant 0 : i32
        %dma_start3A_925 = arith.constant 0 : i32
        %dma_start3A_926 = tpu.memref_slice %arg5[%dma_start3A_924, %dma_start3A_925] : memref<204808x64xf32, #tpu.memory_space<hbm>> -> memref<204808x64xf32, #tpu.memory_space<hbm>>
        tpu.enqueue_indirect_dma source(%dma_start3A_920 : memref<104x64xf32, #tpu.memory_space<vmem>>) target(%dma_start3A_926 : memref<204808x64xf32, #tpu.memory_space<hbm>>) offsets(%dma_start3A_923 : memref<104xi32, #tpu.memory_space<vmem>>) semaphore(%arg22 : memref<!tpu.dma_semaphore, #tpu.memory_space<semaphore_mem>>)
      } else {
      }
      %add3A_852 = arith.constant 3 : i32
      %add3A_853 = arith.addi %add3A_837, %add3A_852 : i32
      %sub3A_854 = arith.constant 6 : i32
      %sub3A_855 = arith.subi %add3A_853, %sub3A_854 : i32
      %ge3A_856 = arith.constant 0 : i32
      %ge3A_857 = arith.cmpi sge, %sub3A_855, %ge3A_856 : i32
      %lt3A_858 = arith.cmpi slt, %sub3A_855, %add3A_621 : i32
      %and3A_859 = arith.andi %ge3A_857, %lt3A_858 : i1
      %convert_element_type3A_860 = arith.extui %and3A_859 : i1 to i32
      %cond3A_861 = arith.constant 0 : i32
      %cond3A_862 = arith.cmpi ne, %convert_element_type3A_860, %cond3A_861 : i32
      scf.if %cond3A_862 {
        %dma_wait3A = arith.constant 1 : i32
        %dma_wait3A_916 = arith.constant 0 : i32
        %dma_wait3A_917 = arith.constant 0 : i32
        %dma_wait3A_918 = arith.constant 0 : i32
        %dma_wait3A_919 = tpu.memref_slice %arg11[%dma_wait3A, %dma_wait3A_917, %dma_wait3A_918] : memref<6x104x64xf32, #tpu.memory_space<vmem>> -> memref<1x104x64xf32, #tpu.memory_space<vmem>>
        %dma_wait3A_920 = tpu.memref_squeeze %dma_wait3A_919 : memref<1x104x64xf32, #tpu.memory_space<vmem>> -> memref<104x64xf32, #tpu.memory_space<vmem>>
        %dma_wait3A_921 = arith.constant 0 : i32
        %dma_wait3A_922 = tpu.memref_slice %arg8[%dma_wait3A_916, %dma_wait3A_921] : memref<63x104xi32, #tpu.memory_space<vmem>> -> memref<1x104xi32, #tpu.memory_space<vmem>>
        %dma_wait3A_923 = tpu.memref_squeeze %dma_wait3A_922 : memref<1x104xi32, #tpu.memory_space<vmem>> -> memref<104xi32, #tpu.memory_space<vmem>>
        %dma_wait3A_924 = arith.constant 0 : i32
        %dma_wait3A_925 = arith.constant 0 : i32
        %dma_wait3A_926 = tpu.memref_slice %arg5[%dma_wait3A_924, %dma_wait3A_925] : memref<204808x64xf32, #tpu.memory_space<hbm>> -> memref<204808x64xf32, #tpu.memory_space<hbm>>
        tpu.wait_indirect_dma semaphore(%arg19 : memref<!tpu.dma_semaphore, #tpu.memory_space<semaphore_mem>>) src(%dma_wait3A_920 : memref<104x64xf32, #tpu.memory_space<vmem>>) dst(%dma_wait3A_926 : memref<204808x64xf32, #tpu.memory_space<hbm>>)
      } else {
      }
      %add3A_863 = arith.constant 3 : i32
      %add3A_864 = arith.addi %add3A_837, %add3A_863 : i32
      %lt3A_865 = arith.cmpi slt, %add3A_864, %select_n3A_592 : i32
      %convert_element_type3A_866 = arith.extui %lt3A_865 : i1 to i32
      %cond3A_867 = arith.constant 0 : i32
      %cond3A_868 = arith.cmpi ne, %convert_element_type3A_866, %cond3A_867 : i32
      scf.if %cond3A_868 {
        %dma_start3A = arith.constant 1 : i32
        %dma_start3A_916 = arith.constant 0 : i32
        %dma_start3A_917 = arith.constant 0 : i32
        %dma_start3A_918 = tpu.memref_slice %arg11[%dma_start3A, %dma_start3A_916, %dma_start3A_917] : memref<6x104x64xf32, #tpu.memory_space<vmem>> -> memref<1x104x64xf32, #tpu.memory_space<vmem>>
        %dma_start3A_919 = tpu.memref_squeeze %dma_start3A_918 : memref<1x104x64xf32, #tpu.memory_space<vmem>> -> memref<104x64xf32, #tpu.memory_space<vmem>>
        %dma_start3A_920 = arith.constant 0 : i32
        %dma_start3A_921 = tpu.memref_slice %arg7[%add3A_864, %dma_start3A_920] : memref<63x104xi32, #tpu.memory_space<vmem>> -> memref<1x104xi32, #tpu.memory_space<vmem>>
        %dma_start3A_922 = tpu.memref_squeeze %dma_start3A_921 : memref<1x104xi32, #tpu.memory_space<vmem>> -> memref<104xi32, #tpu.memory_space<vmem>>
        %dma_start3A_923 = arith.constant 0 : i32
        %dma_start3A_924 = arith.constant 0 : i32
        %dma_start3A_925 = tpu.memref_slice %arg2[%dma_start3A_923, %dma_start3A_924] : memref<50000x64xf32, #tpu.memory_space<hbm>> -> memref<50000x64xf32, #tpu.memory_space<hbm>>
        tpu.enqueue_indirect_dma source(%dma_start3A_925 : memref<50000x64xf32, #tpu.memory_space<hbm>>) target(%dma_start3A_919 : memref<104x64xf32, #tpu.memory_space<vmem>>) offsets(%dma_start3A_922 : memref<104xi32, #tpu.memory_space<vmem>>) semaphore(%arg13 : memref<!tpu.dma_semaphore, #tpu.memory_space<semaphore_mem>>)
      } else {
      }
      %ge3A_869 = arith.cmpi sge, %add3A_864, %select_n3A_592 : i32
      %lt3A_870 = arith.cmpi slt, %add3A_864, %add3A_621 : i32
      %and3A_871 = arith.andi %ge3A_869, %lt3A_870 : i1
      %convert_element_type3A_872 = arith.extui %and3A_871 : i1 to i32
      %cond3A_873 = arith.constant 0 : i32
      %cond3A_874 = arith.cmpi ne, %convert_element_type3A_872, %cond3A_873 : i32
      scf.if %cond3A_874 {
        %sub3A_916 = arith.subi %add3A_864, %select_n3A_592 : i32
        %dma_start3A = arith.constant 1 : i32
        %dma_start3A_917 = arith.constant 0 : i32
        %dma_start3A_918 = arith.constant 0 : i32
        %dma_start3A_919 = tpu.memref_slice %arg11[%dma_start3A, %dma_start3A_917, %dma_start3A_918] : memref<6x104x64xf32, #tpu.memory_space<vmem>> -> memref<1x104x64xf32, #tpu.memory_space<vmem>>
        %dma_start3A_920 = tpu.memref_squeeze %dma_start3A_919 : memref<1x104x64xf32, #tpu.memory_space<vmem>> -> memref<104x64xf32, #tpu.memory_space<vmem>>
        %dma_start3A_921 = arith.constant 0 : i32
        %dma_start3A_922 = tpu.memref_slice %arg9[%sub3A_916, %dma_start3A_921] : memref<63x104xi32, #tpu.memory_space<vmem>> -> memref<1x104xi32, #tpu.memory_space<vmem>>
        %dma_start3A_923 = tpu.memref_squeeze %dma_start3A_922 : memref<1x104xi32, #tpu.memory_space<vmem>> -> memref<104xi32, #tpu.memory_space<vmem>>
        %dma_start3A_924 = arith.constant 0 : i32
        %dma_start3A_925 = arith.constant 0 : i32
        %dma_start3A_926 = tpu.memref_slice %arg3[%dma_start3A_924, %dma_start3A_925] : memref<50000x64xf32, #tpu.memory_space<hbm>> -> memref<50000x64xf32, #tpu.memory_space<hbm>>
        tpu.enqueue_indirect_dma source(%dma_start3A_926 : memref<50000x64xf32, #tpu.memory_space<hbm>>) target(%dma_start3A_920 : memref<104x64xf32, #tpu.memory_space<vmem>>) offsets(%dma_start3A_923 : memref<104xi32, #tpu.memory_space<vmem>>) semaphore(%arg13 : memref<!tpu.dma_semaphore, #tpu.memory_space<semaphore_mem>>)
      } else {
      }
      %mul3A_875 = arith.constant 6 : i32
      %mul3A_876 = arith.muli %scan3A_669, %mul3A_875 : i32
      %add3A_877 = arith.constant 5 : i32
      %add3A_878 = arith.addi %mul3A_876, %add3A_877 : i32
      %lt3A_879 = arith.cmpi slt, %add3A_878, %add3A_621 : i32
      %convert_element_type3A_880 = arith.extui %lt3A_879 : i1 to i32
      %cond3A_881 = arith.constant 0 : i32
      %cond3A_882 = arith.cmpi ne, %convert_element_type3A_880, %cond3A_881 : i32
      scf.if %cond3A_882 {
        %dma_wait3A = arith.constant 0 : i32
        %dma_wait3A_916 = arith.constant 5 : i32
        %dma_wait3A_917 = arith.constant 0 : i32
        %dma_wait3A_918 = arith.constant 0 : i32
        %dma_wait3A_919 = tpu.memref_slice %arg11[%dma_wait3A_916, %dma_wait3A_917, %dma_wait3A_918] : memref<6x104x64xf32, #tpu.memory_space<vmem>> -> memref<1x104x64xf32, #tpu.memory_space<vmem>>
        %dma_wait3A_920 = tpu.memref_squeeze %dma_wait3A_919 : memref<1x104x64xf32, #tpu.memory_space<vmem>> -> memref<104x64xf32, #tpu.memory_space<vmem>>
        %dma_wait3A_921 = arith.constant 0 : i32
        %dma_wait3A_922 = tpu.memref_slice %arg7[%dma_wait3A, %dma_wait3A_921] : memref<63x104xi32, #tpu.memory_space<vmem>> -> memref<1x104xi32, #tpu.memory_space<vmem>>
        %dma_wait3A_923 = tpu.memref_squeeze %dma_wait3A_922 : memref<1x104xi32, #tpu.memory_space<vmem>> -> memref<104xi32, #tpu.memory_space<vmem>>
        %dma_wait3A_924 = arith.constant 0 : i32
        %dma_wait3A_925 = arith.constant 0 : i32
        %dma_wait3A_926 = tpu.memref_slice %arg2[%dma_wait3A_924, %dma_wait3A_925] : memref<50000x64xf32, #tpu.memory_space<hbm>> -> memref<50000x64xf32, #tpu.memory_space<hbm>>
        tpu.wait_indirect_dma semaphore(%arg17 : memref<!tpu.dma_semaphore, #tpu.memory_space<semaphore_mem>>) src(%dma_wait3A_926 : memref<50000x64xf32, #tpu.memory_space<hbm>>) dst(%dma_wait3A_920 : memref<104x64xf32, #tpu.memory_space<vmem>>)
      } else {
      }
      %lt3A_883 = arith.cmpi slt, %add3A_878, %select_n3A_592 : i32
      %convert_element_type3A_884 = arith.extui %lt3A_883 : i1 to i32
      %cond3A_885 = arith.constant 0 : i32
      %cond3A_886 = arith.cmpi ne, %convert_element_type3A_884, %cond3A_885 : i32
      scf.if %cond3A_886 {
        %dma_start3A = arith.constant 5 : i32
        %dma_start3A_916 = arith.constant 0 : i32
        %dma_start3A_917 = arith.constant 0 : i32
        %dma_start3A_918 = tpu.memref_slice %arg11[%dma_start3A, %dma_start3A_916, %dma_start3A_917] : memref<6x104x64xf32, #tpu.memory_space<vmem>> -> memref<1x104x64xf32, #tpu.memory_space<vmem>>
        %dma_start3A_919 = tpu.memref_squeeze %dma_start3A_918 : memref<1x104x64xf32, #tpu.memory_space<vmem>> -> memref<104x64xf32, #tpu.memory_space<vmem>>
        %dma_start3A_920 = arith.constant 0 : i32
        %dma_start3A_921 = tpu.memref_slice %arg8[%add3A_878, %dma_start3A_920] : memref<63x104xi32, #tpu.memory_space<vmem>> -> memref<1x104xi32, #tpu.memory_space<vmem>>
        %dma_start3A_922 = tpu.memref_squeeze %dma_start3A_921 : memref<1x104xi32, #tpu.memory_space<vmem>> -> memref<104xi32, #tpu.memory_space<vmem>>
        %dma_start3A_923 = arith.constant 0 : i32
        %dma_start3A_924 = arith.constant 0 : i32
        %dma_start3A_925 = tpu.memref_slice %arg5[%dma_start3A_923, %dma_start3A_924] : memref<204808x64xf32, #tpu.memory_space<hbm>> -> memref<204808x64xf32, #tpu.memory_space<hbm>>
        tpu.enqueue_indirect_dma source(%dma_start3A_919 : memref<104x64xf32, #tpu.memory_space<vmem>>) target(%dma_start3A_925 : memref<204808x64xf32, #tpu.memory_space<hbm>>) offsets(%dma_start3A_922 : memref<104xi32, #tpu.memory_space<vmem>>) semaphore(%arg23 : memref<!tpu.dma_semaphore, #tpu.memory_space<semaphore_mem>>)
      } else {
      }
      %ge3A_887 = arith.cmpi sge, %add3A_878, %select_n3A_592 : i32
      %lt3A_888 = arith.cmpi slt, %add3A_878, %add3A_621 : i32
      %and3A_889 = arith.andi %ge3A_887, %lt3A_888 : i1
      %convert_element_type3A_890 = arith.extui %and3A_889 : i1 to i32
      %cond3A_891 = arith.constant 0 : i32
      %cond3A_892 = arith.cmpi ne, %convert_element_type3A_890, %cond3A_891 : i32
      scf.if %cond3A_892 {
        %sub3A_916 = arith.subi %add3A_878, %select_n3A_592 : i32
        %dma_start3A = arith.constant 5 : i32
        %dma_start3A_917 = arith.constant 0 : i32
        %dma_start3A_918 = arith.constant 0 : i32
        %dma_start3A_919 = tpu.memref_slice %arg11[%dma_start3A, %dma_start3A_917, %dma_start3A_918] : memref<6x104x64xf32, #tpu.memory_space<vmem>> -> memref<1x104x64xf32, #tpu.memory_space<vmem>>
        %dma_start3A_920 = tpu.memref_squeeze %dma_start3A_919 : memref<1x104x64xf32, #tpu.memory_space<vmem>> -> memref<104x64xf32, #tpu.memory_space<vmem>>
        %dma_start3A_921 = arith.constant 0 : i32
        %dma_start3A_922 = tpu.memref_slice %arg10[%sub3A_916, %dma_start3A_921] : memref<63x104xi32, #tpu.memory_space<vmem>> -> memref<1x104xi32, #tpu.memory_space<vmem>>
        %dma_start3A_923 = tpu.memref_squeeze %dma_start3A_922 : memref<1x104xi32, #tpu.memory_space<vmem>> -> memref<104xi32, #tpu.memory_space<vmem>>
        %dma_start3A_924 = arith.constant 0 : i32
        %dma_start3A_925 = arith.constant 0 : i32
        %dma_start3A_926 = tpu.memref_slice %arg5[%dma_start3A_924, %dma_start3A_925] : memref<204808x64xf32, #tpu.memory_space<hbm>> -> memref<204808x64xf32, #tpu.memory_space<hbm>>
        tpu.enqueue_indirect_dma source(%dma_start3A_920 : memref<104x64xf32, #tpu.memory_space<vmem>>) target(%dma_start3A_926 : memref<204808x64xf32, #tpu.memory_space<hbm>>) offsets(%dma_start3A_923 : memref<104xi32, #tpu.memory_space<vmem>>) semaphore(%arg23 : memref<!tpu.dma_semaphore, #tpu.memory_space<semaphore_mem>>)
      } else {
      }
      %add3A_893 = arith.constant 3 : i32
      %add3A_894 = arith.addi %add3A_878, %add3A_893 : i32
      %sub3A_895 = arith.constant 6 : i32
      %sub3A_896 = arith.subi %add3A_894, %sub3A_895 : i32
      %ge3A_897 = arith.constant 0 : i32
      %ge3A_898 = arith.cmpi sge, %sub3A_896, %ge3A_897 : i32
      %lt3A_899 = arith.cmpi slt, %sub3A_896, %add3A_621 : i32
      %and3A_900 = arith.andi %ge3A_898, %lt3A_899 : i1
      %convert_element_type3A_901 = arith.extui %and3A_900 : i1 to i32
      %cond3A_902 = arith.constant 0 : i32
      %cond3A_903 = arith.cmpi ne, %convert_element_type3A_901, %cond3A_902 : i32
      scf.if %cond3A_903 {
        %dma_wait3A = arith.constant 2 : i32
        %dma_wait3A_916 = arith.constant 0 : i32
        %dma_wait3A_917 = arith.constant 0 : i32
        %dma_wait3A_918 = arith.constant 0 : i32
        %dma_wait3A_919 = tpu.memref_slice %arg11[%dma_wait3A, %dma_wait3A_917, %dma_wait3A_918] : memref<6x104x64xf32, #tpu.memory_space<vmem>> -> memref<1x104x64xf32, #tpu.memory_space<vmem>>
        %dma_wait3A_920 = tpu.memref_squeeze %dma_wait3A_919 : memref<1x104x64xf32, #tpu.memory_space<vmem>> -> memref<104x64xf32, #tpu.memory_space<vmem>>
        %dma_wait3A_921 = arith.constant 0 : i32
        %dma_wait3A_922 = tpu.memref_slice %arg8[%dma_wait3A_916, %dma_wait3A_921] : memref<63x104xi32, #tpu.memory_space<vmem>> -> memref<1x104xi32, #tpu.memory_space<vmem>>
        %dma_wait3A_923 = tpu.memref_squeeze %dma_wait3A_922 : memref<1x104xi32, #tpu.memory_space<vmem>> -> memref<104xi32, #tpu.memory_space<vmem>>
        %dma_wait3A_924 = arith.constant 0 : i32
        %dma_wait3A_925 = arith.constant 0 : i32
        %dma_wait3A_926 = tpu.memref_slice %arg5[%dma_wait3A_924, %dma_wait3A_925] : memref<204808x64xf32, #tpu.memory_space<hbm>> -> memref<204808x64xf32, #tpu.memory_space<hbm>>
        tpu.wait_indirect_dma semaphore(%arg20 : memref<!tpu.dma_semaphore, #tpu.memory_space<semaphore_mem>>) src(%dma_wait3A_920 : memref<104x64xf32, #tpu.memory_space<vmem>>) dst(%dma_wait3A_926 : memref<204808x64xf32, #tpu.memory_space<hbm>>)
      } else {
      }
      %add3A_904 = arith.constant 3 : i32
      %add3A_905 = arith.addi %add3A_878, %add3A_904 : i32
      %lt3A_906 = arith.cmpi slt, %add3A_905, %select_n3A_592 : i32
      %convert_element_type3A_907 = arith.extui %lt3A_906 : i1 to i32
      %cond3A_908 = arith.constant 0 : i32
      %cond3A_909 = arith.cmpi ne, %convert_element_type3A_907, %cond3A_908 : i32
      scf.if %cond3A_909 {
        %dma_start3A = arith.constant 2 : i32
        %dma_start3A_916 = arith.constant 0 : i32
        %dma_start3A_917 = arith.constant 0 : i32
        %dma_start3A_918 = tpu.memref_slice %arg11[%dma_start3A, %dma_start3A_916, %dma_start3A_917] : memref<6x104x64xf32, #tpu.memory_space<vmem>> -> memref<1x104x64xf32, #tpu.memory_space<vmem>>
        %dma_start3A_919 = tpu.memref_squeeze %dma_start3A_918 : memref<1x104x64xf32, #tpu.memory_space<vmem>> -> memref<104x64xf32, #tpu.memory_space<vmem>>
        %dma_start3A_920 = arith.constant 0 : i32
        %dma_start3A_921 = tpu.memref_slice %arg7[%add3A_905, %dma_start3A_920] : memref<63x104xi32, #tpu.memory_space<vmem>> -> memref<1x104xi32, #tpu.memory_space<vmem>>
        %dma_start3A_922 = tpu.memref_squeeze %dma_start3A_921 : memref<1x104xi32, #tpu.memory_space<vmem>> -> memref<104xi32, #tpu.memory_space<vmem>>
        %dma_start3A_923 = arith.constant 0 : i32
        %dma_start3A_924 = arith.constant 0 : i32
        %dma_start3A_925 = tpu.memref_slice %arg2[%dma_start3A_923, %dma_start3A_924] : memref<50000x64xf32, #tpu.memory_space<hbm>> -> memref<50000x64xf32, #tpu.memory_space<hbm>>
        tpu.enqueue_indirect_dma source(%dma_start3A_925 : memref<50000x64xf32, #tpu.memory_space<hbm>>) target(%dma_start3A_919 : memref<104x64xf32, #tpu.memory_space<vmem>>) offsets(%dma_start3A_922 : memref<104xi32, #tpu.memory_space<vmem>>) semaphore(%arg14 : memref<!tpu.dma_semaphore, #tpu.memory_space<semaphore_mem>>)
      } else {
      }
      %ge3A_910 = arith.cmpi sge, %add3A_905, %select_n3A_592 : i32
      %lt3A_911 = arith.cmpi slt, %add3A_905, %add3A_621 : i32
      %and3A_912 = arith.andi %ge3A_910, %lt3A_911 : i1
      %convert_element_type3A_913 = arith.extui %and3A_912 : i1 to i32
      %cond3A_914 = arith.constant 0 : i32
      %cond3A_915 = arith.cmpi ne, %convert_element_type3A_913, %cond3A_914 : i32
      scf.if %cond3A_915 {
        %sub3A_916 = arith.subi %add3A_905, %select_n3A_592 : i32
        %dma_start3A = arith.constant 2 : i32
        %dma_start3A_917 = arith.constant 0 : i32
        %dma_start3A_918 = arith.constant 0 : i32
        %dma_start3A_919 = tpu.memref_slice %arg11[%dma_start3A, %dma_start3A_917, %dma_start3A_918] : memref<6x104x64xf32, #tpu.memory_space<vmem>> -> memref<1x104x64xf32, #tpu.memory_space<vmem>>
        %dma_start3A_920 = tpu.memref_squeeze %dma_start3A_919 : memref<1x104x64xf32, #tpu.memory_space<vmem>> -> memref<104x64xf32, #tpu.memory_space<vmem>>
        %dma_start3A_921 = arith.constant 0 : i32
        %dma_start3A_922 = tpu.memref_slice %arg9[%sub3A_916, %dma_start3A_921] : memref<63x104xi32, #tpu.memory_space<vmem>> -> memref<1x104xi32, #tpu.memory_space<vmem>>
        %dma_start3A_923 = tpu.memref_squeeze %dma_start3A_922 : memref<1x104xi32, #tpu.memory_space<vmem>> -> memref<104xi32, #tpu.memory_space<vmem>>
        %dma_start3A_924 = arith.constant 0 : i32
        %dma_start3A_925 = arith.constant 0 : i32
        %dma_start3A_926 = tpu.memref_slice %arg3[%dma_start3A_924, %dma_start3A_925] : memref<50000x64xf32, #tpu.memory_space<hbm>> -> memref<50000x64xf32, #tpu.memory_space<hbm>>
        tpu.enqueue_indirect_dma source(%dma_start3A_926 : memref<50000x64xf32, #tpu.memory_space<hbm>>) target(%dma_start3A_920 : memref<104x64xf32, #tpu.memory_space<vmem>>) offsets(%dma_start3A_923 : memref<104xi32, #tpu.memory_space<vmem>>) semaphore(%arg14 : memref<!tpu.dma_semaphore, #tpu.memory_space<semaphore_mem>>)
      } else {
      }
    }
    %scan3A_668 = arith.constant 11 : i32
    return
  }
}

</mosaic_0001>

<sc_bundles>
// kernel: kernel.3.cloned.1.call-start
scs
__scs_entry_jumppad:
0x0: {  	(pc) =	sbr.rel $0x88, $3  }
0x1: {  	(tag) =	ssettag $0x0;
	lr =	simm.s32 $0x1  }
0x2: {  	[smem:$0x3F9E] =	sst lr;
	_ =	strace $0xD0000000  }
0x3: {  	_ = 	snop  }
0x4: {  	_ = 	snop  }
0x5: {  	_ = 	snop  }
0x6: {  	_ = 	snop  }
0x7: {  	_ = 	snop  }
__scs_overlays_trampoline_lowered:
0x8: {  	[smem:$0x3FAD] =	sst s0  }
0x9: {  	[smem:$0x3FAE] =	sst s1  }
0xa: {  	[smem:$0x3FAF] =	sst s2  }
0xb: {  	[smem:$0x3FB0] =	sst s3  }
0xc: {  	[smem:$0x3FB1] =	sst s4  }
0xd: {  	[smem:$0x3FB2] =	sst s5  }
0xe: {  	[smem:$0x3FB3] =	sst s6  }
0xf: {  	[smem:$0x3FB4] =	sst s7  }
0x10: {  	[smem:$0x3FB5] =	sst s8  }
0x11: {  	[smem:$0x3FB6] =	sst s9;
	s0 =	simm.s32 @!p0 $0x0  }
0x12: {  	s1 =	sld [smem:$0x3F9C];
	s0 =	simm.s32 @p0 $0x1  }
0x13: {  	[smem:$0x3FB7] =	sst s0;
	s0 =	simm.s32 @!p1 $0x0  }
0x14: {  	s2 =	sld [smem:$0x3F9B];
	s0 =	simm.s32 @p1 $0x1  }
0x15: {  	[smem:$0x3FB8] =	sst s0;
	s0 =	simm.s32 @!p2 $0x0  }
0x16: {  	s3 =	sld [smem:$0x3FDB];
	s0 =	simm.s32 @p2 $0x1  }
0x17: {  	s4 =	simm.s32 $0x1BF5;
	[smem:$0x3FBA] =	sst s0  }
0x18: {  	s0 =	sld [smem:$0x3F9D];
	_ =	swait.ge [sflag:s4], $0x0  }
0x19: {  	s7 =	sld [smem:$0x3F9E]  }
0x1a: {  	s8 =	sadd.s32 $0xFFFFE003, lr  }
0x1b: {  	s9 =	sadd.s32 $0xFFFFFEF7, lr;
	s5 =	simm.s32 $0xFFFFFFFF;
	p2 =	slt.u32 s8, $0xFFFFF086  }
0x1c: {  	p1 =	slt.u32 s9, $0xF7A;
	s5 =	simm.s32 @!p2 $0x0  }
0x1d: {  	s5 =	simm.s32 @p1 $0x1;
	p0 =	seq.s32 s7, s2  }
0x1e: {  	s7 =	smul.u32 @!p0 $0xF7A, s2;
	p2 =	seq.s32 @!p0 s5, $0x0  }
0x1f: {  	s9 =	smul.u32 $0xF7A, s1;
	s8 =	simm.s32 @!p0 $0x1BF5;
	p2 =	por !p2, p0  }
0x20: {  	[sflag:s8] =	ssyncset.s32 @!p0 $0xFFFFF086;
	s6 =	sadd.s32 @!p0 s3, s7;
	s7 =	simm.s32 @!p0 $0x108  }
0x21: {  	s3 =	sadd.s32 s3, s9;
	s6 =	sadd.s32 @!p0 $0x88, s6;
	s7 =	simm.s32 @p2 $0x1082  }
0x22: {  	[simem:s7], [sflag:s8] =	dma.local @!p0 [hbm:s6], $0xF7A  }
0x23: {  	s9 =	sor.u32 $0xD0000000, s2;
	s6 =	simm.s32 $0x108;
	_ =	swait.ge @!p0 [sflag:s8], $0x0  }
0x24: {  	s3 =	sadd.s32 $0x88, s3;
	s6 =	simm.s32 @!p1 $0x1082;
	[sflag:s4] =	ssyncset.s32 $0xFFFFF086  }
0x25: {  	[simem:s6], [sflag:s4] =	dma.local [hbm:s3], $0xF7A  }
0x26: {  	[smem:$0x3F9E] =	sst s1;
	(tag) =	ssettag s2;
	_ =	strace s9  }
0x27: {  	s1 =	sld [smem:$0x3FAE]  }
0x28: {  	s2 =	sld [smem:$0x3FAF]  }
0x29: {  	s4 =	sld [smem:$0x3FB1]  }
0x2a: {  	p0 =	seq.s32 s5, $0x0;
	s5 =	sld [smem:$0x3FB2]  }
0x2b: {  	s6 =	sld [smem:$0x3FB3]  }
0x2c: {  	s7 =	sld [smem:$0x3FB4]  }
0x2d: {  	s3 =	simm.s32 $0x108;
	s8 =	sld [smem:$0x3FB5]  }
0x2e: {  	s3 =	simm.s32 @!p0 $0x1082;
	s9 =	sld [smem:$0x3FB6]  }
0x2f: {  	lr =	sadd.s32 s0, s3;
	s0 =	sld [smem:$0x3FAD]  }
0x30: {  	s3 =	sld [smem:$0x3FB0]  }
0x31: {  	[smem:$0x3FB9] =	sst s10  }
0x32: {  	s10 =	sld [smem:$0x3FB7];
	_ =	sdelay $0x3  }
0x33: {  	p0 =	seq.s32 s10, $0x1;
	s10 =	sld [smem:$0x3FB9];
	_ =	sdelay $0x3  }
0x34: {  	[smem:$0x3FB9] =	sst s10  }
0x35: {  	s10 =	sld [smem:$0x3FB8];
	_ =	sdelay $0x3  }
0x36: {  	p1 =	seq.s32 s10, $0x1;
	s10 =	sld [smem:$0x3FB9];
	_ =	sdelay $0x3  }
0x37: {  	[smem:$0x3FB9] =	sst s10  }
0x38: {  	s10 =	sld [smem:$0x3FBA]  }
0x39: {  	_ = 	snop;
	(pc) =	sbr.ind lr, $3  }
0x3a: {  	_ = 	snop  }
0x3b: {  	_ = 	snop  }
0x3c: {  	p2 =	seq.s32 s10, $0x1;
	s10 =	sld [smem:$0x3FB9]  }
0x3d: {  	_ =	shalt  }
0x3e: {  	_ =	shalt  }
0x3f: {  	_ =	shalt  }
0x40: {  	_ =	shalt  }
0x41: {  	_ =	shalt  }
0x42: {  	_ =	shalt  }
0x43: {  	_ =	shalt  }
0x44: {  	_ =	shalt  }
0x45: {  	_ =	shalt  }
0x46: {  	_ =	shalt  }
0x47: {  	_ =	shalt  }
0x48: {  	_ =	shalt  }
0x49: {  	_ =	shalt  }
0x4a: {  	_ =	shalt  }
0x4b: {  	_ =	shalt  }
0x4c: {  	_ =	shalt  }
0x4d: {  	_ =	shalt  }
0x4e: {  	_ =	shalt  }
0x4f: {  	_ =	shalt  }
0x50: {  	_ =	shalt  }
0x51: {  	_ =	shalt  }
0x52: {  	_ =	shalt  }
0x53: {  	_ =	shalt  }
0x54: {  	_ =	shalt  }
0x55: {  	_ =	shalt  }
0x56: {  	_ =	shalt  }
0x57: {  	_ =	shalt  }
0x58: {  	_ =	shalt  }
0x59: {  	_ =	shalt  }
0x5a: {  	_ =	shalt  }
0x5b: {  	_ =	shalt  }
0x5c: {  	_ =	shalt  }
0x5d: {  	_ =	shalt  }
0x5e: {  	_ =	shalt  }
0x5f: {  	_ =	shalt  }
0x60: {  	_ =	shalt  }
0x61: {  	_ =	shalt  }
0x62: {  	_ =	shalt  }
0x63: {  	_ =	shalt  }
0x64: {  	_ =	shalt  }
0x65: {  	_ =	shalt  }
0x66: {  	_ =	shalt  }
0x67: {  	_ =	shalt  }
0x68: {  	_ =	shalt  }
0x69: {  	_ =	shalt  }
0x6a: {  	_ =	shalt  }
0x6b: {  	_ =	shalt  }
0x6c: {  	_ =	shalt  }
0x6d: {  	_ =	shalt  }
0x6e: {  	_ =	shalt  }
0x6f: {  	_ =	shalt  }
0x70: {  	_ =	shalt  }
0x71: {  	_ =	shalt  }
0x72: {  	_ =	shalt  }
0x73: {  	_ =	shalt  }
0x74: {  	_ =	shalt  }
0x75: {  	_ =	shalt  }
0x76: {  	_ =	shalt  }
0x77: {  	_ =	shalt  }
0x78: {  	_ =	shalt  }
0x79: {  	_ =	shalt  }
0x7a: {  	_ =	shalt  }
0x7b: {  	_ =	shalt  }
0x7c: {  	_ =	shalt  }
0x7d: {  	_ =	shalt  }
0x7e: {  	_ =	shalt  }
0x7f: {  	_ =	shalt  }
0x80: {  	_ =	shalt  }
0x81: {  	_ =	shalt  }
0x82: {  	_ =	shalt  }
0x83: {  	_ =	shalt  }
0x84: {  	_ =	shalt  }
0x85: {  	_ =	shalt  }
0x86: {  	_ =	shalt  }
0x87: {  	_ =	shalt  }
.Lfunc_end0:
.L_simem_size_0:
called_computation.1_lowered:
.L_overlay_start_0:
0x88: {  	s2 =	sld [smem:$0x3FD9]  }
0x89: {  	s3 =	sld [smem:$0x3FFE];
	_ =	sdelay $0x1  }
0x8a: {  	s1 =	srdreg.scid  }
0x8b: {  	s0 =	sand.u32 $0x1, s1  }
0x8c: {  	s17 =	sshll.u32 s0, $0xA;
	s2 =	sadd.s32 s3, s2  }
0x8d: {  	s2 =	sadd.s32 s2, s17  }
0x8e: {  	[smem:$0x3FC5] =	sst s2  }
0x8f: {  	_ = 	snop  }
0x90: {  	s2 =	sld [smem:$0x3FD0];
	(tm) =	ssettm $0x1  }
0x91: {  	s18 =	sld [smem:$0x3FFB];
	_ =	sdelay $0x3  }
0x92: {  	_ =	strace s18  }
0x93: {  	s3 =	sld [smem:$0x3FFC];
	_ =	sdelay $0x3  }
0x94: {  	_ =	strace s3  }
0x95: {  	s3 =	sld [smem:$0x3FFD];
	_ =	sdelay $0x3  }
0x96: {  	_ =	strace s3  }
0x97: {  	_ =	strace $0x8FFFFFFF  }
0x98: {  	s19 =	sld [smem:$0x3FDB];
	_ =	sdelay $0x1  }
0x99: {  	s4 =	simm.s32 $_scs_section_size  }
0x9a: {  	s5 =	simm.s32 $_size__tile_overlayer_lowered;
	s6 =	simm.s32 $_tile_overlayer_lowered  }
0x9b: {  	s22 =	simm.s32 $0x1BFF;
	s21 =	sshll.u32 s6, $0x1;
	s3 =	sadd.s32 s4, s19  }
0x9c: {  	s7 =	simm.s32 $0x0;
	s20 =	sshll.u32 s5, $0x1;
	s5 =	sadd.s32 s21, s3  }
0x9d: {  	[timem:s7], [sflag:s22] =	dma.local [hbm:s5], s20  }
0x9e: {  	_ =	swait.ge [sflag:s22], s20  }
0x9f: {  	s4 =	ssub.s32 $0x0, s20;
	[sflag:s22] =	ssyncset.done $0x0  }
0xa0: {  	[sflag:s22] =	ssyncadd.s32 s4;
	_ =	sdelay $0x1  }
0xa1: {  	s23 =	simm.s32 $0x1B8B  }
0xa2: {  	_ =	swait.ge [sflag:s23], $0x1  }
0xa3: {  	[sflag:s23] =	ssyncset.done $0x0  }
0xa4: {  	s25 =	simm.s32 $0x1B8E;
	s24 =	sld [smem:$0x3FFE];
	[sflag:s23] =	ssyncadd.s32 $0xFFFFFFFF  }
0xa5: {  	s26 =	simm.s32 $execute0_lowered;
	[smem:$0x3FD2] =	sst s25  }
0xa6: {  	s5 =	sshll.u32 s26, $0x1;
	_ =	strace $0x80000046;
	[dreg:$0x1] =	wrdreg $0xFFFFFFFF  }
0xa7: {  	s28 =	simm.s32 $_size_execute0_lowered;
	s3 =	sadd.s32 s3, s5;
	[dreg:$0x0] =	wrdreg $0x0  }
0xa8: {  	s5 =	sshll.u32 s28, $0x1;
	[dreg:$0x2] =	wrdreg s3  }
0xa9: {  	[dreg:$0x3] =	wrdreg s5  }
0xaa: {  	[dreg:$0x4] =	wrdreg $0xC0  }
0xab: {  	_ =	task [dreg:s7], $0x5FFFF  }
0xac: {  	[dreg:$0x1] =	wrdreg $0xFFFFFFFF  }
0xad: {  	[dreg:$0x0] =	wrdreg $0x60  }
0xae: {  	[dreg:$0x2] =	wrdreg s2  }
0xaf: {  	[dreg:$0x3] =	wrdreg s24  }
0xb0: {  	[dreg:$0x4] =	wrdreg $0x9  }
0xb1: {  	_ =	task.clear_ibuf [dreg:s7], $0x5FFFF;
	_ =	strace $0x90000046  }
0xb2: {  	s29 =	simm.s32 $0x9;
	_ =	strace $0x80000048  }
0xb3: {  	_ =	swait.ge [sflag:s29], $0x1  }
0xb4: {  	[sflag:s29] =	ssyncadd.s32 $0xFFFFFFFF  }
0xb5: {  	_ =	strace $0x90000048  }
0xb6: {  	_ =	sfence  }
0xb7: {  	s30 =	sld [smem:$0x0];
	_ =	sdelay $0x2  }
0xb8: {  	s31 =	sshll.u32 s1, $0xD;
	s1 =	sshrl.u32 s1, $0x2  }
0xb9: {  	s3 =	sand.u32 $0x4000, s31;
	s1 =	sadd.s32 s1, s30  }
0xba: {  	s0 =	sor.u32 s3, s0;
	s1 =	sshll.u32 s1, $0x11  }
0xbb: {  	s0 =	sor.u32 s1, s0  }
0xbc: {  	s0 =	sadd.s32 $0x8F2B, s0  }
0xbd: {  	[sflag:s0] =	ssyncadd.remote.s32 $0x1  }
0xbe: {  	_ =	sfence.sel $0xFFFF  }
0xbf: {  	[dreg:$0x0] =	wrdreg $0xFFFFFFFF;
	(pc) =	sbr.abs _section_cstart, $3  }
0xc0: {  	[dreg:$0x1] =	wrdreg $0xFFFFFFFF  }
0xc1: {  	_ =	task.clear_ibuf [dreg:s7], $0x2FFFF;
	_ =	strace $0x9FFFFFFF  }
0xc2: {  	(tm) =	ssettm $0x7FFFFFFF  }
0xc3: {  	_ =	shalt  }
tec
execute0_lowered:
.L_overlay_start_1:
0x0: {  	(tag) =	ssettag $0x1  }
0x1: {  	v58 =	vlaneseq.u32  }
0x2: {  	s4 =	simm.s32 $0x0;
	v4 =	vmul.u32 $0xFFFFFFFF, v58  }
0x3: {  	[smem:$0x7FF] =	sst s4;
	v0 =	vor.u32 $0x10, v58  }
0x4: {  	s0 =	rddreg [dreg:$0x1];
	_ =	strace $0x80000047;
	[tilespmem:$0x1FF30] =	vst v0;
	v0 =	vadd.s32 $0xFFFFFFF0, v4  }
0x5: {  	[tilespmem:$0x1FF40] =	vst v0;
	v0 =	vor.u32 $0x20, v58  }
0x6: {  	[tilespmem:$0x1FF50] =	vst v0;
	v0 =	vadd.s32 $0xFFFFFFE0, v4  }
0x7: {  	[tilespmem:$0x1FF60] =	vst v0;
	v0 =	vor.u32 $0x30, v58  }
0x8: {  	[tilespmem:$0x1FF70] =	vst v0;
	v0 =	vadd.s32 $0xFFFFFFD0, v4  }
0x9: {  	s2 =	srdreg.scid;
	s1 =	stileid.u32;
	[tilespmem:$0x1FF80] =	vst v0;
	v0 =	vor.u32 $0x40, v58  }
0xa: {  	v1 =	vimm.s32 $0xECA86420;
	s2 =	sand.u32 $0x1, s2;
	s3 =	sshll.u32 s1, $0x1;
	s7 =	smul.u32 $0x3200, s1;
	[tilespmem:$0x1FF90] =	vst v0;
	v0 =	vadd.s32 $0xFFFFFFC0, v4  }
0xb: {  	vm0 =	vcmask $0xB08;
	vm1 =	vcmask $0x1310;
	s3 =	sor.u32 s2, s3;
	s6 =	ssub.s32 $0x2, s2;
	s2 =	smul.u32 $0x1900, s2;
	[tilespmem:$0x1FFA0] =	vst v0;
	v0 =	vor.u32 $0x50, v58  }
0xc: {  	vm2 =	vcmask $0x1B18;
	vm11 =	vcmask $0x300;
	s24 =	sadd.s32 $0x6C00, s0;
	s3 =	smul.u32 $0x1900, s3;
	[tilespmem:$0x1FFB0] =	vst v0;
	v0 =	vadd.s32 $0xFFFFFFB0, v4  }
0xd: {  	vm5 =	vcmask $0x2320;
	vm6 =	vcmask $0x2B28;
	s5 =	sadd.s32 $0x68800, s0;
	[dreg:$0x5] =	wrdreg s24;
	s8 =	sshrl.u32 s6, $0x1;
	[tilespmem:$0x1FFC0] =	vst v0;
	v0 =	vor.u32 $0x60, v58  }
0xe: {  	vm7 =	vcmask $0x3330;
	vm8 =	vcmask $0x3B38;
	s29 =	ssub.s32 s6, s8;
	s31 =	sadd.s32 s2, s7;
	s3 =	sshrl.u32 s3, $0x3;
	[tilespmem:$0x1FFD0] =	vst v0;
	v0 =	vadd.s32 $0xFFFFFFA0, v4  }
0xf: {  	vm3 =	vmmov $0xff;
	v2 =	vunpack.c.l.s4.s8 v1;
	[dreg:$0xa] =	wrdreg s31;
	s3 =	sadd.s32 s3, s0;
	s0 =	smax.u32 s29, $0x1;
	[tilespmem:$0x1FFE0] =	vst v0;
	v0 =	vimm.s32 $0x0  }
0x10: {  	vm12 =	vcmask $0x1F1C;
	vm10 =	vcmask $0x2724;
	s30 =	sadd.s32 $0x800, s3;
	[dreg:$0x9] =	wrdreg s0;
	v0 =	vsel vm3, $0xFFFFFFFF, v0  }
0x11: {  	v1 =	vimm.s32 $0x0;
	v3 =	vmul.u32 $0x2, v58;
	s1 =	simm.s32 $0x0;
	v2 =	vunpack.c.0.s8.s32 v2;
	[dreg:$0x8] =	wrdreg s30;
	[tilespmem:$0x1FFF0] =	vst v0  }
.LBB2_1:
0x12: {  	[dreg:$0xb] =	wrdreg s1  }
0x13: {  	s0 =	simm.s32 $0x0;
	s30 =	rddreg [dreg:$0x8];
	s31 =	simm.s32 $0xD  }
0x14: {  	[tilespmem:s0], [sflag:$0xD] =	stream.linear.gather [hbm4b:s30+s0], $0x1900, $0x38;
	[tilespmem:$0x11B60] =	vst v63  }
0x15: {  	_ =	swait.ge [sflag:s31], $0x1900  }
0x16: {  	s4 =	simm.s32 $0x0;
	s2 =	simm.s32 $0x0;
	[sflag:s31] =	ssyncset.done $0x0  }
0x17: {  	s0 =	simm.s32 $0x0;
	s3 =	rddreg [dreg:$0xa];
	[sflag:s31] =	ssyncadd.s32 $0xFFFFE700  }
.LBB2_2:
0x18: {  	[smem:$0x7FD] =	sst s0  }
0x19: {  	s0 =	sld [smem:$0x7FD];
	_ =	sdelay $0x2  }
0x1a: {  	s0 =	sshra.s32 s0, $0x2  }
0x1b: {  	v5 =	vld [tilespmem:s0+$0x0];
	_ =	sdelay $0x4  }
0x1c: {  	vm9 =	vlt.s32 v5, $0xC350  }
0x1d: {  	v6 =	vsel vm9, $0x1, v1  }
0x1e: {  	(xrf0) =	vadd.scan.msk.s32 $0xffff, v6;
	_ =	sdelay $0x2  }
0x1f: {  	v6 =	vmov s2  }
0x20: {  	v6 =	vadd.s32 $0xFFFFFFFF, v6  }
0x21: {  	v6 =	vbroadcast v6, $0x0  }
0x22: {  	v7, _, _ =	vpop (xrf0)  }
0x23: {  	(v2sf) =	vpush v7, $0xF;
	v6 =	vadd.s32 v7, v6  }
0x24: {  	(v2sf) =	vpush v6, $0xD;
	_ =	sdelay $0x1  }
0x25: {  	(v2sf) =	vpush v6, $0xC;
	_ =	sdelay $0x1  }
0x26: {  	(v2sf) =	vpush v6, $0xE;
	_ =	sdelay $0x1  }
0x27: {  	(v2sf) =	vpush v6, $0xF;
	_ =	sdelay $0x1  }
0x28: {  	(v2sf) =	vpush v6, $0x9;
	_ =	sdelay $0x1  }
0x29: {  	(v2sf) =	vpush v6, $0x8  }
0x2a: {  	(v2sf) =	vpush v6, $0xA;
	_ =	sdelay $0x2  }
0x2b: {  	s31 =	spop (v2sf);
	(v2sf) =	vpush v6, $0xB  }
0x2c: {  	[dreg:$0xc] =	wrdreg s2;
	s0 =	spop (v2sf)  }
0x2d: {  	[smem:$0x7FC] =	sst s31;
	(v2sf) =	vpush v6, $0x0;
	s7 =	smulhi.u32 $0x4EC4EC4F, s0;
	s2 =	sshra.s32 s0, $0x1F  }
0x2e: {  	s6 =	spop (v2sf);
	(v2sf) =	vpush v6, $0x1;
	s31 =	smul.u32 $0x4EC4EC4F, s2  }
0x2f: {  	s9 =	smulhi.u32 $0x4EC4EC4F, s6;
	s6 =	sshra.s32 s6, $0x1F  }
0x30: {  	s1 =	spop (v2sf);
	s22 =	smul.u32 $0x4EC4EC4F, s6  }
0x31: {  	[smem:$0x7FB] =	sst s3;
	(v2sf) =	vpush v6, $0x2;
	s11 =	smulhi.u32 $0x4EC4EC4F, s1;
	s6 =	sshra.s32 s1, $0x1F  }
0x32: {  	s2 =	spop (v2sf);
	s3 =	smul.u32 $0x4EC4EC4F, s6  }
0x33: {  	(v2sf) =	vpush v6, $0x3;
	s12 =	smulhi.u32 $0x4EC4EC4F, s2;
	s6 =	sshra.s32 s2, $0x1F  }
0x34: {  	s8 =	spop (v2sf);
	(v2sf) =	vpush v6, $0x4;
	s2 =	smul.u32 $0x4EC4EC4F, s6  }
0x35: {  	s13 =	smulhi.u32 $0x4EC4EC4F, s8;
	s6 =	sshra.s32 s8, $0x1F  }
0x36: {  	s10 =	spop (v2sf);
	(v2sf) =	vpush v6, $0x5;
	s0 =	smul.u32 $0x4EC4EC4F, s6  }
0x37: {  	s14 =	smulhi.u32 $0x4EC4EC4F, s10;
	s6 =	sshra.s32 s10, $0x1F;
	s15 =	spop (v2sf);
	(v2sf) =	vpush v6, $0x6  }
0x38: {  	s21 =	smul.u32 $0x4EC4EC4F, s6  }
0x39: {  	s18 =	smulhi.u32 $0x4EC4EC4F, s15;
	s6 =	sshra.s32 s15, $0x1F  }
0x3a: {  	s30 =	smul.u32 $0x4EC4EC4F, s6;
	s16 =	spop (v2sf)  }
0x3b: {  	[dreg:$0xd] =	wrdreg s4;
	s1 =	smulhi.u32 $0x4EC4EC4F, s16;
	s6 =	sshra.s32 s16, $0x1F  }
0x3c: {  	s17 =	spop (v2sf);
	s28 =	smul.u32 $0x4EC4EC4F, s6  }
0x3d: {  	v8 =	vsub.s32 s4, v7;
	(v2sf) =	vpush v6, $0x7;
	s4 =	smulhi.u32 $0x4EC4EC4F, s17;
	s6 =	sshra.s32 s17, $0x1F;
	s19 =	spop (v2sf)  }
0x3e: {  	v7 =	vadd.s32 v58, v8;
	[smem:$0x7E7] =	sst s1;
	s1 =	smul.u32 $0x4EC4EC4F, s6  }
0x3f: {  	(v2sf) =	vpush v7, $0xD;
	s8 =	smulhi.u32 $0x4EC4EC4F, s19;
	s6 =	sshra.s32 s19, $0x1F  }
0x40: {  	s20 =	spop (v2sf);
	s26 =	smul.u32 $0x4EC4EC4F, s6  }
0x41: {  	s6 =	smulhi.u32 $0x4EC4EC4F, s20;
	[smem:$0x7E8] =	sst s8;
	s8 =	sshra.s32 s20, $0x1F  }
0x42: {  	s10 =	spop (v2sf);
	s25 =	smul.u32 $0x4EC4EC4F, s8  }
0x43: {  	(v2sf) =	vpush v7, $0xC;
	s29 =	spop (v2sf);
	s8 =	smulhi.u32 $0x4EC4EC4F, s10  }
0x44: {  	s10 =	sshra.s32 s10, $0x1F;
	s23 =	smulhi.u32 $0x4EC4EC4F, s29  }
0x45: {  	(v2sf) =	vpush v7, $0xE;
	s15 =	spop (v2sf);
	s24 =	smul.u32 $0x4EC4EC4F, s10  }
0x46: {  	(v2sf) =	vpush v7, $0xF;
	s29 =	sshra.s32 s29, $0x1F;
	s16 =	smulhi.u32 $0x4EC4EC4F, s15;
	s17 =	spop (v2sf)  }
0x47: {  	(v2sf) =	vpush v7, $0x9;
	[smem:$0x7E9] =	sst s23;
	s23 =	smul.u32 $0x4EC4EC4F, s29  }
0x48: {  	s29 =	sshra.s32 s15, $0x1F;
	s19 =	smulhi.u32 $0x4EC4EC4F, s17  }
0x49: {  	[smem:$0x7EA] =	sst s16;
	s20 =	smul.u32 $0x4EC4EC4F, s29;
	s29 =	sshra.s32 s17, $0x1F  }
0x4a: {  	(v2sf) =	vpush v7, $0x8;
	s24 =	sadd.s32 s24, s8;
	s8 =	sld [smem:$0x7E9];
	s29 =	smul.u32 $0x4EC4EC4F, s29  }
0x4b: {  	[smem:$0x7EB] =	sst s19  }
0x4c: {  	s25 =	sadd.s32 s25, s6;
	[smem:$0x7EC] =	sst s29;
	s15 =	spop (v2sf)  }
0x4d: {  	s6 =	sld [smem:$0x7EC];
	s16 =	smulhi.u32 $0x4EC4EC4F, s15;
	s29 =	sshra.s32 s15, $0x1F  }
0x4e: {  	(v2sf) =	vpush v7, $0xA;
	s19 =	spop (v2sf);
	s17 =	smul.u32 $0x4EC4EC4F, s29  }
0x4f: {  	s15 =	smulhi.u32 $0x4EC4EC4F, s19;
	[smem:$0x7ED] =	sst s16  }
0x50: {  	s31 =	sadd.s32 s31, s7;
	(v2sf) =	vpush v7, $0xB;
	s29 =	sshra.s32 s19, $0x1F;
	[smem:$0x7EE] =	sst s17  }
0x51: {  	s22 =	sadd.s32 s22, s9;
	s16 =	smul.u32 $0x4EC4EC4F, s29;
	[smem:$0x7EF] =	sst s15  }
0x52: {  	(v2sf) =	vpush v7, $0x0;
	s17 =	spop (v2sf);
	s15 =	sadd.s32 s3, s11;
	s3 =	sld [smem:$0x7E8]  }
0x53: {  	[smem:$0x7F0] =	sst s16;
	s19 =	smulhi.u32 $0x4EC4EC4F, s17;
	s29 =	sshra.s32 s17, $0x1F  }
0x54: {  	s30 =	sadd.s32 s30, s18;
	s7 =	spop (v2sf);
	s29 =	smul.u32 $0x4EC4EC4F, s29  }
0x55: {  	s16 =	sadd.s32 s2, s12;
	s9 =	smulhi.u32 $0x4EC4EC4F, s7;
	s10 =	spop (v2sf)  }
0x56: {  	s17 =	sadd.s32 s0, s13;
	s11 =	smulhi.u32 $0x4EC4EC4F, s10;
	s12 =	spop (v2sf)  }
0x57: {  	[smem:$0x7F2] =	sst s29;
	s29 =	sshra.s32 s7, $0x1F;
	s18 =	smulhi.u32 $0x4EC4EC4F, s12  }
0x58: {  	[smem:$0x7F1] =	sst s19;
	s13 =	sshra.s32 s12, $0x1F;
	s19 =	smul.u32 $0x4EC4EC4F, s29  }
0x59: {  	s2 =	spop (v2sf);
	s29 =	sshra.s32 s10, $0x1F;
	s12 =	smul.u32 $0x4EC4EC4F, s13  }
0x5a: {  	s21 =	sadd.s32 s21, s14;
	s14 =	smul.u32 $0x4EC4EC4F, s29;
	s29 =	sld [smem:$0x7E7]  }
0x5b: {  	[smem:$0x7F3] =	sst s9;
	s13 =	smulhi.u32 $0x4EC4EC4F, s2;
	s0 =	sshra.s32 s2, $0x1F  }
0x5c: {  	s23 =	sadd.s32 s23, s8;
	[smem:$0x7F4] =	sst s11;
	s11 =	smul.u32 $0x4EC4EC4F, s0  }
0x5d: {  	s29 =	sadd.s32 s28, s29;
	s28 =	sadd.s32 s1, s4;
	s4 =	spop (v2sf)  }
0x5e: {  	s10 =	smulhi.u32 $0x4EC4EC4F, s4;
	s0 =	sshra.s32 s4, $0x1F;
	s4 =	sld [smem:$0x7EB]  }
0x5f: {  	s26 =	sadd.s32 s26, s3;
	s9 =	smul.u32 $0x4EC4EC4F, s0;
	s7 =	spop (v2sf)  }
0x60: {  	s2 =	sld [smem:$0x7EA];
	s8 =	smulhi.u32 $0x4EC4EC4F, s7;
	s0 =	sshra.s32 s7, $0x1F  }
0x61: {  	s3 =	spop (v2sf);
	s7 =	smul.u32 $0x4EC4EC4F, s0;
	s1 =	sadd.s32 s6, s4  }
0x62: {  	s6 =	smulhi.u32 $0x4EC4EC4F, s3;
	s0 =	sshra.s32 s3, $0x1F;
	s3 =	sld [smem:$0x7ED]  }
0x63: {  	(v2sf) =	vpush v7, $0x1;
	s4 =	sld [smem:$0x7EE]  }
0x64: {  	s20 =	sadd.s32 s20, s2;
	s2 =	sld [smem:$0x7EF]  }
0x65: {  	(v2sf) =	vpush v7, $0x2;
	[smem:$0x7F6] =	sst s1  }
0x66: {  	(v2sf) =	vpush v7, $0x3;
	s1 =	sadd.s32 s4, s3;
	s4 =	sld [smem:$0x7F0];
	_ =	sdelay $0x1  }
0x67: {  	[smem:$0x7F5] =	sst s1  }
0x68: {  	s1 =	sadd.s32 s4, s2;
	s4 =	sld [smem:$0x7F2]  }
0x69: {  	[smem:$0x7F8] =	sst s1  }
0x6a: {  	s1 =	sld [smem:$0x7F1];
	_ =	sdelay $0x2  }
0x6b: {  	s1 =	sadd.s32 s4, s1;
	s4 =	sld [smem:$0x7F3];
	_ =	sdelay $0x2  }
0x6c: {  	s19 =	sadd.s32 s19, s4;
	s4 =	sld [smem:$0x7F4]  }
0x6d: {  	s3 =	smul.u32 $0x4EC4EC4F, s0;
	s0 =	spop (v2sf)  }
0x6e: {  	s2 =	smulhi.u32 $0x4EC4EC4F, s0;
	s0 =	sshra.s32 s0, $0x1F;
	[smem:$0x7F7] =	sst s1  }
0x6f: {  	s1 =	smul.u32 $0x4EC4EC4F, s0;
	s0 =	spop (v2sf);
	s14 =	sadd.s32 s14, s4  }
0x70: {  	[smem:$0x7FA] =	sst s14;
	s14 =	spop (v2sf)  }
0x71: {  	s4 =	smulhi.u32 $0x4EC4EC4F, s14;
	s14 =	sshra.s32 s14, $0x1F  }
0x72: {  	s9 =	sadd.s32 s9, s10;
	s10 =	sadd.s32 s7, s8;
	s14 =	smul.u32 $0x4EC4EC4F, s14  }
0x73: {  	[smem:$0x7F9] =	sst s19;
	s19 =	smulhi.u32 $0x4EC4EC4F, s0;
	s0 =	sshra.s32 s0, $0x1F  }
0x74: {  	(v2sf) =	vpush v7, $0x4;
	s8 =	sadd.s32 s3, s6;
	s0 =	smul.u32 $0x4EC4EC4F, s0;
	s3 =	sadd.s32 s14, s4  }
0x75: {  	(v2sf) =	vpush v7, $0x5;
	s4 =	sshrl.u32 s22, $0x1F;
	s14 =	sshra.s32 s22, $0x5;
	s22 =	sshrl.u32 s28, $0x1F  }
0x76: {  	(v2sf) =	vpush v7, $0x6;
	s6 =	sshra.s32 s31, $0x5;
	s7 =	sadd.s32 s1, s2;
	v9 =	vmov s22  }
0x77: {  	(v2sf) =	vpush v7, $0x7;
	s1 =	sadd.s32 s0, s19;
	s0 =	sshrl.u32 s31, $0x1F;
	s31 =	sshrl.u32 s26, $0x1F;
	v9 =	vnsel vm11, $0x0, v9  }
0x78: {  	s12 =	sadd.s32 s12, s18;
	v10 =	vmov s4;
	s4 =	sshrl.u32 s25, $0x1F;
	v9 =	vsel vm0, s31, v9  }
0x79: {  	s18 =	sshrl.u32 s15, $0x1F;
	s11 =	sadd.s32 s11, s13;
	s31 =	sshrl.u32 s24, $0x1F;
	v9 =	vsel vm1, s4, v9  }
0x7a: {  	s13 =	sshra.s32 s17, $0x5;
	s2 =	sshra.s32 s16, $0x5;
	v9 =	vsel vm2, s31, v9;
	s31 =	sld [smem:$0x7F5]  }
0x7b: {  	s19 =	sshrl.u32 s16, $0x1F;
	s16 =	sshrl.u32 s17, $0x1F;
	v10 =	vsel vm0, s0, v10;
	s0 =	sshra.s32 s21, $0x5  }
0x7c: {  	s17 =	sshrl.u32 s21, $0x1F;
	s22 =	sshrl.u32 s29, $0x1F;
	v10 =	vsel vm1, s18, v10;
	s18 =	sshra.s32 s30, $0x5;
	v14 =	vmov s0  }
0x7d: {  	v11 =	vmov s17;
	v10 =	vsel vm2, s19, v10;
	s19 =	sshra.s32 s29, $0x5;
	s29 =	sshrl.u32 s23, $0x1F;
	v14 =	vsel vm0, s13, v14;
	s4 =	sshra.s32 s31, $0x1F  }
0x7e: {  	s15 =	sshra.s32 s15, $0x5;
	v14 =	vsel vm1, s18, v14;
	s18 =	sld [smem:$0x7F7];
	v9 =	vsel vm5, s29, v9;
	v12 =	vmov s4;
	s4 =	sshrl.u32 s20, $0x1F  }
0x7f: {  	s17 =	sshra.s32 s26, $0x1F;
	v11 =	vsel vm0, s16, v11;
	s16 =	sshra.s32 s26, $0x5;
	v13 =	vmov s14;
	v9 =	vsel vm6, s4, v9;
	s4 =	sld [smem:$0x7F6]  }
0x80: {  	s14 =	sshra.s32 s23, $0x5;
	s21 =	sshrl.u32 s30, $0x1F;
	v13 =	vsel vm0, s6, v13;
	s30 =	sshra.s32 s28, $0x5  }
0x81: {  	vm13 =	vcmask $0x704;
	s28 =	sshra.s32 s28, $0x1F;
	v11 =	vsel vm1, s21, v11;
	s21 =	sshra.s32 s25, $0x1F;
	v13 =	vsel vm1, s15, v13;
	s15 =	sshrl.u32 s9, $0x1F  }
0x82: {  	s9 =	sshra.s32 s9, $0x5;
	v11 =	vsel vm2, s22, v11;
	v14 =	vsel vm2, s19, v14;
	s19 =	sshrl.u32 s18, $0x1F;
	v12 =	vsel vm11, s30, v12;
	s29 =	sshrl.u32 s4, $0x1F  }
0x83: {  	s22 =	sshra.s32 s24, $0x5;
	v15 =	vmov s19;
	s19 =	sshra.s32 s18, $0x5;
	v12 =	vsel vm13, s28, v12;
	v9 =	vsel vm7, s29, v9;
	s29 =	spop (v2sf)  }
0x84: {  	vm14 =	vcmask $0xF0C;
	s30 =	sshrl.u32 s31, $0x1F;
	s28 =	sshra.s32 s25, $0x5;
	v12 =	vsel vm0, s16, v12;
	s26 =	spop (v2sf)  }
0x85: {  	s25 =	sshra.s32 s20, $0x5;
	v12 =	vsel vm14, s17, v12;
	v9 =	vsel vm8, s30, v9;
	s30 =	sshra.s32 s24, $0x1F;
	s24 =	spop (v2sf)  }
0x86: {  	vm4 =	vcmask $0x1714;
	v10 =	vcombine.low v11, v10;
	s16 =	sld [smem:$0x7F9];
	v12 =	vsel vm1, s28, v12;
	s28 =	sshra.s32 s23, $0x1F;
	s17 =	spop (v2sf)  }
0x87: {  	vm15 =	vcmask $0x2F2C;
	v13 =	vsel vm2, s2, v13;
	s23 =	sshra.s32 s20, $0x1F;
	v12 =	vsel vm4, s21, v12;
	s13 =	smulhi.u32 $0x4EC4EC4F, s17;
	s6 =	sshra.s32 s17, $0x1F  }
0x88: {  	v10 =	vperm.xlane v10, v2;
	v13 =	vcombine.low v14, v13;
	s20 =	sshrl.u32 s11, $0x1F;
	v12 =	vsel vm2, s22, v12;
	s17 =	sld [smem:$0x7F8];
	s2 =	smul.u32 $0x4EC4EC4F, s6  }
0x89: {  	s18 =	sshra.s32 s8, $0x5;
	v17 =	vmov s19;
	s19 =	sshrl.u32 s8, $0x1F;
	v16 =	vmov s20;
	v12 =	vsel vm12, s30, v12;
	s30 =	sshrl.u32 s12, $0x1F  }
0x8a: {  	s8 =	sshra.s32 s8, $0x1F;
	v52 =	vmov s19;
	s19 =	sshra.s32 s3, $0x5;
	v9 =	vperm.xlane v9, v3;
	v16 =	vsel vm0, s30, v16;
	s20 =	sadd.s32 s2, s13  }
0x8b: {  	v13 =	vperm.xlane v13, v2;
	s22 =	sshrl.u32 s16, $0x1F;
	v12 =	vsel vm5, s14, v12;
	v16 =	vsel vm1, s15, v16;
	s21 =	sshrl.u32 s17, $0x1F;
	s15 =	sshra.s32 s20, $0x1F  }
0x8c: {  	s16 =	sshra.s32 s16, $0x5;
	s14 =	sshra.s32 s11, $0x5;
	v9 =	vsel vm3, v9, v10;
	s6 =	sshrl.u32 s7, $0x1F;
	v15 =	vsel vm0, s21, v15;
	v49 =	vmov s15  }
0x8d: {  	v18 =	vmov s14;
	s14 =	sshra.s32 s29, $0x1F;
	s13 =	sld [smem:$0x7FA];
	v15 =	vsel vm1, s22, v15;
	s22 =	sshrl.u32 s10, $0x1F;
	v11 =	vsel vm11, s18, v49  }
0x8e: {  	v12 =	vsel vm10, s28, v12;
	s30 =	sshra.s32 s17, $0x5;
	s17 =	sshra.s32 s12, $0x5;
	v16 =	vsel vm2, s22, v16;
	s22 =	sshra.s32 s7, $0x5;
	v11 =	vsel vm13, s8, v11  }
0x8f: {  	v12 =	vsel vm6, s25, v12;
	s12 =	sshra.s32 s10, $0x5;
	v17 =	vsel vm0, s30, v17;
	s30 =	sshrl.u32 s1, $0x1F;
	s7 =	sshra.s32 s7, $0x1F;
	v11 =	vsel vm0, s22, v11  }
0x90: {  	v12 =	vsel vm15, s23, v12;
	v18 =	vsel vm0, s17, v18;
	s15 =	sshra.s32 s1, $0x5;
	s10 =	smul.u32 $0x4EC4EC4F, s14;
	s21 =	sshrl.u32 s13, $0x1F;
	v11 =	vsel vm14, s7, v11  }
0x91: {  	v17 =	vsel vm1, s16, v17;
	s1 =	sshra.s32 s1, $0x1F;
	v15 =	vsel vm2, s21, v15;
	s21 =	sshra.s32 s13, $0x5;
	s13 =	smulhi.u32 $0x4EC4EC4F, s29;
	v11 =	vsel vm1, s15, v11  }
0x92: {  	s0 =	sshra.s32 s4, $0x5;
	s17 =	smulhi.u32 $0x4EC4EC4F, s26;
	v18 =	vsel vm1, s9, v18;
	s18 =	sshra.s32 s26, $0x1F;
	v17 =	vsel vm2, s21, v17;
	v11 =	vsel vm4, s1, v11  }
0x93: {  	v51 =	vcombine.low v16, v15;
	v15 =	vnsel vm11, $0x0, v52;
	s21 =	smul.u32 $0x4EC4EC4F, s18;
	s22 =	sshra.s32 s3, $0x1F;
	s9 =	sadd.s32 s10, s13;
	v11 =	vsel vm2, s19, v11  }
0x94: {  	s28 =	sshra.s32 s24, $0x1F;
	v12 =	vsel vm7, s0, v12;
	s26 =	smulhi.u32 $0x4EC4EC4F, s24;
	v15 =	vsel vm0, s6, v15;
	s29 =	sshra.s32 s9, $0x5;
	v11 =	vsel vm12, s22, v11  }
0x95: {  	v50 =	vsel vm2, s12, v18;
	s6 =	smul.u32 $0x4EC4EC4F, s28;
	v15 =	vsel vm1, s30, v15;
	s2 =	sadd.s32 s21, s17;
	s30 =	sshra.s32 s9, $0x1F;
	v11 =	vsel vm5, s29, v11  }
0x96: {  	s4 =	sshra.s32 s4, $0x1F;
	s16 =	sshrl.u32 s3, $0x1F;
	v10 =	vcombine.low v50, v17;
	v14 =	vperm.xlane v51, v2;
	s11 =	sshra.s32 s2, $0x5;
	v11 =	vsel vm10, s30, v11  }
0x97: {  	s10 =	sshrl.u32 s9, $0x1F;
	v15 =	vsel vm2, s16, v15;
	s3 =	sadd.s32 s6, s26;
	s13 =	sshra.s32 s2, $0x1F;
	vm4 =	vcmask $0x3734;
	v11 =	vsel vm6, s11, v11  }
0x98: {  	s14 =	sshra.s32 s31, $0x5;
	s12 =	sshrl.u32 s2, $0x1F;
	v15 =	vsel vm5, s10, v15;
	v12 =	vsel vm4, s4, v12;
	s16 =	sshra.s32 s3, $0x5;
	v11 =	vsel vm15, s13, v11  }
0x99: {  	s15 =	sshrl.u32 s3, $0x1F;
	s19 =	sshra.s32 s3, $0x1F;
	v15 =	vsel vm6, s12, v15;
	v12 =	vsel vm8, s14, v12;
	v11 =	vsel vm7, s16, v11  }
0x9a: {  	s18 =	sshrl.u32 s20, $0x1F;
	s22 =	sshra.s32 s20, $0x5;
	v15 =	vsel vm7, s15, v15;
	v12 =	vperm.xlane v12, v3;
	v11 =	vsel vm4, s19, v11  }
0x9b: {  	v10 =	vperm.xlane v10, v2;
	v15 =	vsel vm8, s18, v15;
	v11 =	vsel vm8, s22, v11  }
0x9c: {  	v15 =	vperm.xlane v15, v3;
	v12 =	vsel vm3, v12, v13;
	v11 =	vperm.xlane v11, v3  }
0x9d: {  	v9 =	vadd.s32 v9, v12  }
0x9e: {  	v53 =	vsel vm3, v15, v14;
	v54 =	vmul.u32 $0xFFFFFF98, v9;
	v10 =	vsel vm3, v11, v10  }
0x9f: {  	v55 =	vsub.s32 $0x0, v6;
	vm4 =	vmmov vm11;
	v10 =	vadd.s32 v53, v10  }
0xa0: {  	vm11 =	vlt.s32 v6, $0x1;
	vm10 =	vne.s32 v54, v55;
	v56 =	vmul.u32 $0xFFFFFF98, v10  }
0xa1: {  	v8 =	vsub.s32 v4, v8;
	vm10 =	vmand vm11, vm10  }
0xa2: {  	v57 =	vsel vm10, $0xFFFFFFFF, v1;
	vm10 =	vlt.s32 v7, $0x1;
	vm11 =	vne.s32 v56, v8  }
0xa3: {  	v8 =	vadd.s32 v57, v9;
	vm10 =	vmand vm10, vm11  }
0xa4: {  	v8 =	vmul.u32 $0x68, v8;
	v59 =	vsel vm10, $0xFFFFFFFF, v1  }
0xa5: {  	v9 =	vadd.s32 v59, v10  }
0xa6: {  	v60 =	vsub.s32 v6, v8;
	v9 =	vmul.u32 $0x68, v9  }
0xa7: {  	v10 =	vand.u32 $0xFFFFFFF8, v60  }
0xa8: {  	v6 =	vand.u32 $0x7, v6;
	v8 =	vadd.s32 v8, v10;
	v61 =	vsub.s32 v7, v9  }
0xa9: {  	s29 =	sld [smem:$0x7FD];
	v6 =	vor.u32 v6, v8;
	v62 =	vand.u32 $0xFFFFFFF8, v61  }
0xaa: {  	vm10 =	vge.s32 v5, $0xC350;
	v7 =	vand.u32 $0x7, v7;
	v8 =	vadd.s32 v9, v62  }
0xab: {  	s21 =	sld [smem:$0x7FB];
	v7 =	vor.u32 v7, v8  }
0xac: {  	s31 =	sld [smem:$0x7FD];
	p0 =	sne.s32 s29, $0x63C0  }
.Ltmp0:
0xad: {  	s23 =	simm.s32 $0x1900;
	s26 =	sld [smem:$0x7FC];
	(pc) =	sbr.rel @p0 .LBB2_2-.Ltmp0, $4  }
0xae: {  	s24 =	simm.s32 $0x3298;
	s28 =	rddreg [dreg:$0xd];
	v63 =	vor.u32 s21, v58;
	[tilespmem:v6+s23+$0x0] =	vst.idx.msk vm9, v5  }
0xaf: {  	s25 =	simm.s32 $0x4C30;
	s17 =	rddreg [dreg:$0xc];
	v5 =	vadd.s32 $0xFFFF3CB0, v5;
	[tilespmem:v6+s24+$0x0] =	vst.idx.msk vm9, v63  }
0xb0: {  	s3 =	sadd.s32 $0x10, s21;
	s0 =	ssub.s32 s28, s26;
	s30 =	simm.s32 $0x65C8;
	[tilespmem:v7+s25+$0x0] =	vst.idx.msk vm10, v5  }
0xb1: {  	s2 =	sadd.s32 s17, s26;
	s4 =	sadd.s32 $0x10, s0;
	s0 =	sadd.s32 $0x40, s31;
	vm11 =	vmmov vm4;
	[tilespmem:v7+s30+$0x0] =	vst.idx.msk vm10, v63;
	vm10 =	vcmask $0x2724  }
0xb2: {  	v18 =	vadd.s32 s2, v58  }
0xb3: {  	(v2sf) =	vpush v18, $0xD;
	_ =	sdelay $0x1  }
0xb4: {  	(v2sf) =	vpush v18, $0xC;
	_ =	sdelay $0x1  }
0xb5: {  	(v2sf) =	vpush v18, $0xE;
	_ =	sdelay $0x1  }
0xb6: {  	(v2sf) =	vpush v18, $0xF;
	_ =	sdelay $0x1  }
0xb7: {  	(v2sf) =	vpush v18, $0x9;
	_ =	sdelay $0x1  }
0xb8: {  	(v2sf) =	vpush v18, $0x8;
	_ =	sdelay $0x1  }
0xb9: {  	(v2sf) =	vpush v18, $0xA  }
0xba: {  	(v2sf) =	vpush v18, $0xB;
	_ =	sdelay $0x1  }
0xbb: {  	s0 =	spop (v2sf)  }
0xbc: {  	(v2sf) =	vpush v18, $0x0;
	s1 =	smulhi.u32 $0x4EC4EC4F, s0;
	s0 =	sshra.s32 s0, $0x1F  }
0xbd: {  	s30 =	spop (v2sf);
	s17 =	smul.u32 $0x4EC4EC4F, s0  }
0xbe: {  	(v2sf) =	vpush v18, $0x1;
	s16 =	smulhi.u32 $0x4EC4EC4F, s30;
	s0 =	sshra.s32 s30, $0x1F  }
0xbf: {  	s31 =	spop (v2sf);
	(v2sf) =	vpush v18, $0x2;
	s19 =	smul.u32 $0x4EC4EC4F, s0  }
0xc0: {  	[smem:$0x66A] =	sst s1;
	s18 =	smulhi.u32 $0x4EC4EC4F, s31;
	s0 =	sshra.s32 s31, $0x1F  }
0xc1: {  	s1 =	spop (v2sf);
	(v2sf) =	vpush v18, $0x3;
	s21 =	smul.u32 $0x4EC4EC4F, s0  }
0xc2: {  	s20 =	smulhi.u32 $0x4EC4EC4F, s1;
	s0 =	sshra.s32 s1, $0x1F  }
0xc3: {  	s3 =	spop (v2sf);
	(v2sf) =	vpush v18, $0x4;
	s23 =	smul.u32 $0x4EC4EC4F, s0  }
0xc4: {  	s22 =	smulhi.u32 $0x4EC4EC4F, s3;
	s0 =	sshra.s32 s3, $0x1F  }
0xc5: {  	s6 =	spop (v2sf);
	(v2sf) =	vpush v18, $0x5;
	s25 =	smul.u32 $0x4EC4EC4F, s0  }
0xc6: {  	s24 =	smulhi.u32 $0x4EC4EC4F, s6;
	s0 =	sshra.s32 s6, $0x1F  }
0xc7: {  	s7 =	spop (v2sf);
	(v2sf) =	vpush v18, $0x6;
	s28 =	smul.u32 $0x4EC4EC4F, s0  }
0xc8: {  	s26 =	smulhi.u32 $0x4EC4EC4F, s7;
	s0 =	sshra.s32 s7, $0x1F;
	s8 =	spop (v2sf);
	(v2sf) =	vpush v18, $0x7  }
0xc9: {  	s30 =	smul.u32 $0x4EC4EC4F, s0  }
0xca: {  	v19 =	vadd.s32 s4, v58;
	s29 =	smulhi.u32 $0x4EC4EC4F, s8;
	s0 =	sshra.s32 s8, $0x1F  }
0xcb: {  	s31 =	smul.u32 $0x4EC4EC4F, s0;
	s9 =	spop (v2sf);
	(v2sf) =	vpush v19, $0xD  }
0xcc: {  	s10 =	smulhi.u32 $0x4EC4EC4F, s9;
	s0 =	sshra.s32 s9, $0x1F  }
0xcd: {  	s11 =	spop (v2sf);
	s12 =	smul.u32 $0x4EC4EC4F, s0  }
0xce: {  	(v2sf) =	vpush v19, $0xC;
	s13 =	smulhi.u32 $0x4EC4EC4F, s11;
	s0 =	sshra.s32 s11, $0x1F;
	s14 =	spop (v2sf)  }
0xcf: {  	[smem:$0x66B] =	sst s10;
	s3 =	smul.u32 $0x4EC4EC4F, s0  }
0xd0: {  	s15 =	smulhi.u32 $0x4EC4EC4F, s14;
	s0 =	sshra.s32 s14, $0x1F;
	s6 =	spop (v2sf)  }
0xd1: {  	(v2sf) =	vpush v19, $0xE;
	[smem:$0x66C] =	sst s13;
	s9 =	smul.u32 $0x4EC4EC4F, s0  }
0xd2: {  	s7 =	smulhi.u32 $0x4EC4EC4F, s6;
	s0 =	sshra.s32 s6, $0x1F;
	s8 =	spop (v2sf)  }
0xd3: {  	[smem:$0x66D] =	sst s15;
	s6 =	smul.u32 $0x4EC4EC4F, s0  }
0xd4: {  	(v2sf) =	vpush v19, $0xF;
	s10 =	smulhi.u32 $0x4EC4EC4F, s8;
	s11 =	spop (v2sf)  }
0xd5: {  	[smem:$0x66E] =	sst s7;
	s7 =	smulhi.u32 $0x4EC4EC4F, s11  }
0xd6: {  	s0 =	sshra.s32 s8, $0x1F;
	s13 =	spop (v2sf);
	[smem:$0x66F] =	sst s10  }
0xd7: {  	(v2sf) =	vpush v19, $0x9;
	s1 =	sshra.s32 s11, $0x1F;
	s8 =	smulhi.u32 $0x4EC4EC4F, s13;
	s14 =	spop (v2sf)  }
0xd8: {  	[smem:$0x670] =	sst s7;
	s7 =	smul.u32 $0x4EC4EC4F, s1  }
0xd9: {  	s1 =	sshra.s32 s13, $0x1F;
	s10 =	smulhi.u32 $0x4EC4EC4F, s14;
	[smem:$0x671] =	sst s8  }
0xda: {  	(v2sf) =	vpush v19, $0x8;
	s8 =	smul.u32 $0x4EC4EC4F, s1;
	s1 =	sshra.s32 s14, $0x1F;
	s15 =	spop (v2sf)  }
0xdb: {  	s11 =	smul.u32 $0x4EC4EC4F, s1;
	s1 =	sshra.s32 s15, $0x1F  }
0xdc: {  	(v2sf) =	vpush v19, $0xA;
	s1 =	smul.u32 $0x4EC4EC4F, s1  }
0xdd: {  	s13 =	smulhi.u32 $0x4EC4EC4F, s15;
	s14 =	spop (v2sf)  }
0xde: {  	(v2sf) =	vpush v19, $0xB;
	s15 =	smulhi.u32 $0x4EC4EC4F, s14;
	[smem:$0x674] =	sst s1;
	s1 =	sshra.s32 s14, $0x1F  }
0xdf: {  	s1 =	smul.u32 $0x4EC4EC4F, s1  }
0xe0: {  	(v2sf) =	vpush v19, $0x0;
	[smem:$0x673] =	sst s13;
	s13 =	spop (v2sf)  }
0xe1: {  	[smem:$0x676] =	sst s1;
	s1 =	sshra.s32 s13, $0x1F  }
0xe2: {  	[smem:$0x675] =	sst s15;
	s1 =	smul.u32 $0x4EC4EC4F, s1  }
0xe3: {  	(v2sf) =	vpush v19, $0x1;
	s14 =	smulhi.u32 $0x4EC4EC4F, s13;
	s15 =	spop (v2sf)  }
0xe4: {  	[smem:$0x678] =	sst s1;
	s1 =	sshra.s32 s15, $0x1F  }
0xe5: {  	(v2sf) =	vpush v19, $0x2;
	[smem:$0x677] =	sst s14;
	s1 =	smul.u32 $0x4EC4EC4F, s1  }
0xe6: {  	s14 =	spop (v2sf);
	s13 =	smulhi.u32 $0x4EC4EC4F, s15  }
0xe7: {  	s15 =	smulhi.u32 $0x4EC4EC4F, s14;
	[smem:$0x67A] =	sst s1;
	s1 =	sshra.s32 s14, $0x1F  }
0xe8: {  	[smem:$0x679] =	sst s13;
	s1 =	smul.u32 $0x4EC4EC4F, s1  }
0xe9: {  	(v2sf) =	vpush v19, $0x3;
	s13 =	spop (v2sf);
	[smem:$0x67B] =	sst s15  }
0xea: {  	s14 =	smulhi.u32 $0x4EC4EC4F, s13;
	[smem:$0x67C] =	sst s1;
	s1 =	sshra.s32 s13, $0x1F  }
0xeb: {  	s15 =	spop (v2sf);
	s1 =	smul.u32 $0x4EC4EC4F, s1  }
0xec: {  	[smem:$0x67D] =	sst s14;
	s13 =	smulhi.u32 $0x4EC4EC4F, s15  }
0xed: {  	(v2sf) =	vpush v19, $0x4;
	s14 =	spop (v2sf);
	[smem:$0x67E] =	sst s1;
	s1 =	sshra.s32 s15, $0x1F  }
0xee: {  	[smem:$0x67F] =	sst s13;
	s1 =	smul.u32 $0x4EC4EC4F, s1  }
0xef: {  	s13 =	spop (v2sf);
	s15 =	smulhi.u32 $0x4EC4EC4F, s14  }
0xf0: {  	[smem:$0x680] =	sst s1;
	s1 =	sshra.s32 s14, $0x1F;
	s14 =	smulhi.u32 $0x4EC4EC4F, s13  }
0xf1: {  	(v2sf) =	vpush v19, $0x5;
	[smem:$0x681] =	sst s15;
	s1 =	smul.u32 $0x4EC4EC4F, s1  }
0xf2: {  	s15 =	spop (v2sf);
	[smem:$0x683] =	sst s14  }
0xf3: {  	v0 =	vld [tilespmem:$0x1FF30];
	s14 =	smulhi.u32 $0x4EC4EC4F, s15;
	[smem:$0x682] =	sst s1;
	s1 =	sshra.s32 s13, $0x1F  }
0xf4: {  	s13 =	smul.u32 $0x4EC4EC4F, s1;
	s1 =	sshra.s32 s15, $0x1F;
	s15 =	spop (v2sf)  }
0xf5: {  	(v2sf) =	vpush v19, $0x6;
	[smem:$0x684] =	sst s14;
	s14 =	smulhi.u32 $0x4EC4EC4F, s15  }
0xf6: {  	[smem:$0x672] =	sst s10  }
0xf7: {  	s10 =	smul.u32 $0x4EC4EC4F, s1;
	s1 =	sshra.s32 s15, $0x1F;
	[smem:$0x685] =	sst s14  }
0xf8: {  	v20 =	vadd.s32 s2, v0;
	s14 =	smov.u32 s2;
	s2 =	smul.u32 $0x4EC4EC4F, s1;
	s1 =	spop (v2sf)  }
0xf9: {  	(v2sf) =	vpush v19, $0x7;
	s15 =	smulhi.u32 $0x4EC4EC4F, s1;
	s1 =	sshra.s32 s1, $0x1F  }
0xfa: {  	s1 =	smul.u32 $0x4EC4EC4F, s1;
	_ =	sdelay $0x1  }
0xfb: {  	[smem:$0x687] =	sst s1;
	s1 =	spop (v2sf)  }
0xfc: {  	(v2sf) =	vpush v20, $0xD;
	[smem:$0x686] =	sst s15;
	s15 =	smulhi.u32 $0x4EC4EC4F, s1;
	s1 =	sshra.s32 s1, $0x1F  }
0xfd: {  	s1 =	smul.u32 $0x4EC4EC4F, s1;
	_ =	sdelay $0x1  }
0xfe: {  	[smem:$0x689] =	sst s1;
	s1 =	spop (v2sf)  }
0xff: {  	(v2sf) =	vpush v20, $0xC;
	[smem:$0x688] =	sst s15;
	s15 =	smulhi.u32 $0x4EC4EC4F, s1;
	s1 =	sshra.s32 s1, $0x1F  }
0x100: {  	s1 =	smul.u32 $0x4EC4EC4F, s1;
	_ =	sdelay $0x1  }
0x101: {  	[smem:$0x68B] =	sst s1;
	s1 =	spop (v2sf)  }
0x102: {  	(v2sf) =	vpush v20, $0xE;
	[smem:$0x68A] =	sst s15;
	s15 =	smulhi.u32 $0x4EC4EC4F, s1;
	s1 =	sshra.s32 s1, $0x1F  }
0x103: {  	s1 =	smul.u32 $0x4EC4EC4F, s1;
	_ =	sdelay $0x1  }
0x104: {  	[smem:$0x68D] =	sst s1;
	s1 =	spop (v2sf)  }
0x105: {  	(v2sf) =	vpush v20, $0xF;
	[smem:$0x68C] =	sst s15;
	s15 =	smulhi.u32 $0x4EC4EC4F, s1;
	s1 =	sshra.s32 s1, $0x1F  }
0x106: {  	s1 =	smul.u32 $0x4EC4EC4F, s1;
	_ =	sdelay $0x1  }
0x107: {  	[smem:$0x68F] =	sst s1;
	s1 =	spop (v2sf)  }
0x108: {  	(v2sf) =	vpush v20, $0x9;
	[smem:$0x68E] =	sst s15;
	s15 =	smulhi.u32 $0x4EC4EC4F, s1;
	s1 =	sshra.s32 s1, $0x1F  }
0x109: {  	s1 =	smul.u32 $0x4EC4EC4F, s1;
	_ =	sdelay $0x1  }
0x10a: {  	[smem:$0x691] =	sst s1;
	s1 =	spop (v2sf)  }
0x10b: {  	(v2sf) =	vpush v20, $0x8;
	[smem:$0x690] =	sst s15;
	s15 =	smulhi.u32 $0x4EC4EC4F, s1;
	s1 =	sshra.s32 s1, $0x1F  }
0x10c: {  	s1 =	smul.u32 $0x4EC4EC4F, s1;
	_ =	sdelay $0x1  }
0x10d: {  	[smem:$0x693] =	sst s1;
	s1 =	spop (v2sf)  }
0x10e: {  	(v2sf) =	vpush v20, $0xA;
	[smem:$0x692] =	sst s15;
	s15 =	smulhi.u32 $0x4EC4EC4F, s1;
	s1 =	sshra.s32 s1, $0x1F  }
0x10f: {  	s1 =	smul.u32 $0x4EC4EC4F, s1;
	_ =	sdelay $0x1  }
0x110: {  	[smem:$0x695] =	sst s1;
	s1 =	spop (v2sf)  }
0x111: {  	(v2sf) =	vpush v20, $0xB;
	[smem:$0x694] =	sst s15;
	s15 =	smulhi.u32 $0x4EC4EC4F, s1;
	s1 =	sshra.s32 s1, $0x1F  }
0x112: {  	s1 =	smul.u32 $0x4EC4EC4F, s1;
	_ =	sdelay $0x1  }
0x113: {  	[smem:$0x697] =	sst s1;
	s1 =	spop (v2sf)  }
0x114: {  	(v2sf) =	vpush v20, $0x0;
	[smem:$0x696] =	sst s15;
	s15 =	smulhi.u32 $0x4EC4EC4F, s1;
	s1 =	sshra.s32 s1, $0x1F  }
0x115: {  	s1 =	smul.u32 $0x4EC4EC4F, s1;
	_ =	sdelay $0x1  }
0x116: {  	[smem:$0x699] =	sst s1;
	s1 =	spop (v2sf)  }
0x117: {  	(v2sf) =	vpush v20, $0x1;
	[smem:$0x698] =	sst s15;
	s15 =	smulhi.u32 $0x4EC4EC4F, s1;
	s1 =	sshra.s32 s1, $0x1F  }
0x118: {  	s1 =	smul.u32 $0x4EC4EC4F, s1;
	_ =	sdelay $0x1  }
0x119: {  	[smem:$0x69B] =	sst s1;
	s1 =	spop (v2sf)  }
0x11a: {  	(v2sf) =	vpush v20, $0x2;
	[smem:$0x69A] =	sst s15;
	s15 =	smulhi.u32 $0x4EC4EC4F, s1;
	s1 =	sshra.s32 s1, $0x1F  }
0x11b: {  	s1 =	smul.u32 $0x4EC4EC4F, s1;
	_ =	sdelay $0x1  }
0x11c: {  	[smem:$0x69D] =	sst s1;
	s1 =	spop (v2sf)  }
0x11d: {  	(v2sf) =	vpush v20, $0x3;
	[smem:$0x69C] =	sst s15;
	s15 =	smulhi.u32 $0x4EC4EC4F, s1;
	s1 =	sshra.s32 s1, $0x1F  }
0x11e: {  	s1 =	smul.u32 $0x4EC4EC4F, s1;
	_ =	sdelay $0x1  }
0x11f: {  	[smem:$0x69F] =	sst s1;
	s1 =	spop (v2sf)  }
0x120: {  	(v2sf) =	vpush v20, $0x4;
	[smem:$0x69E] =	sst s15;
	s15 =	smulhi.u32 $0x4EC4EC4F, s1;
	s1 =	sshra.s32 s1, $0x1F  }
0x121: {  	s1 =	smul.u32 $0x4EC4EC4F, s1;
	_ =	sdelay $0x1  }
0x122: {  	[smem:$0x6A1] =	sst s1;
	s1 =	spop (v2sf)  }
0x123: {  	(v2sf) =	vpush v20, $0x5;
	[smem:$0x6A0] =	sst s15;
	s15 =	smulhi.u32 $0x4EC4EC4F, s1;
	s1 =	sshra.s32 s1, $0x1F  }
0x124: {  	s1 =	smul.u32 $0x4EC4EC4F, s1;
	_ =	sdelay $0x1  }
0x125: {  	[smem:$0x6A3] =	sst s1;
	s1 =	spop (v2sf)  }
0x126: {  	(v2sf) =	vpush v20, $0x6;
	[smem:$0x6A2] =	sst s15;
	s15 =	smulhi.u32 $0x4EC4EC4F, s1;
	s1 =	sshra.s32 s1, $0x1F  }
0x127: {  	s1 =	smul.u32 $0x4EC4EC4F, s1;
	_ =	sdelay $0x1  }
0x128: {  	[smem:$0x6A5] =	sst s1;
	s1 =	spop (v2sf)  }
0x129: {  	(v2sf) =	vpush v20, $0x7;
	[smem:$0x6A4] =	sst s15;
	s15 =	smulhi.u32 $0x4EC4EC4F, s1;
	s1 =	sshra.s32 s1, $0x1F  }
0x12a: {  	s1 =	smul.u32 $0x4EC4EC4F, s1;
	_ =	sdelay $0x1  }
0x12b: {  	v21 =	vadd.s32 s4, v0;
	[smem:$0x6A7] =	sst s1;
	s1 =	spop (v2sf)  }
0x12c: {  	(v2sf) =	vpush v21, $0xD;
	[smem:$0x6A6] =	sst s15;
	s15 =	smulhi.u32 $0x4EC4EC4F, s1;
	s1 =	sshra.s32 s1, $0x1F  }
0x12d: {  	s1 =	smul.u32 $0x4EC4EC4F, s1;
	_ =	sdelay $0x1  }
0x12e: {  	[smem:$0x6A9] =	sst s1;
	s1 =	spop (v2sf)  }
0x12f: {  	(v2sf) =	vpush v21, $0xC;
	[smem:$0x6A8] =	sst s15;
	s15 =	smulhi.u32 $0x4EC4EC4F, s1;
	s1 =	sshra.s32 s1, $0x1F  }
0x130: {  	s1 =	smul.u32 $0x4EC4EC4F, s1;
	_ =	sdelay $0x1  }
0x131: {  	[smem:$0x6AB] =	sst s1;
	s1 =	spop (v2sf)  }
0x132: {  	(v2sf) =	vpush v21, $0xE;
	[smem:$0x6AA] =	sst s15;
	s15 =	smulhi.u32 $0x4EC4EC4F, s1;
	s1 =	sshra.s32 s1, $0x1F  }
0x133: {  	s1 =	smul.u32 $0x4EC4EC4F, s1;
	_ =	sdelay $0x1  }
0x134: {  	[smem:$0x6AD] =	sst s1;
	s1 =	spop (v2sf)  }
0x135: {  	(v2sf) =	vpush v21, $0xF;
	[smem:$0x6AC] =	sst s15;
	s15 =	smulhi.u32 $0x4EC4EC4F, s1;
	s1 =	sshra.s32 s1, $0x1F  }
0x136: {  	s1 =	smul.u32 $0x4EC4EC4F, s1;
	_ =	sdelay $0x1  }
0x137: {  	[smem:$0x6AF] =	sst s1;
	s1 =	spop (v2sf)  }
0x138: {  	(v2sf) =	vpush v21, $0x9;
	[smem:$0x6AE] =	sst s15;
	s15 =	smulhi.u32 $0x4EC4EC4F, s1;
	s1 =	sshra.s32 s1, $0x1F  }
0x139: {  	s1 =	smul.u32 $0x4EC4EC4F, s1;
	_ =	sdelay $0x1  }
0x13a: {  	[smem:$0x6B1] =	sst s1;
	s1 =	spop (v2sf)  }
0x13b: {  	(v2sf) =	vpush v21, $0x8;
	[smem:$0x6B0] =	sst s15;
	s15 =	smulhi.u32 $0x4EC4EC4F, s1;
	s1 =	sshra.s32 s1, $0x1F  }
0x13c: {  	s1 =	smul.u32 $0x4EC4EC4F, s1;
	_ =	sdelay $0x1  }
0x13d: {  	[smem:$0x6B3] =	sst s1;
	s1 =	spop (v2sf)  }
0x13e: {  	(v2sf) =	vpush v21, $0xA;
	[smem:$0x6B2] =	sst s15;
	s15 =	smulhi.u32 $0x4EC4EC4F, s1;
	s1 =	sshra.s32 s1, $0x1F  }
0x13f: {  	s1 =	smul.u32 $0x4EC4EC4F, s1;
	_ =	sdelay $0x1  }
0x140: {  	[smem:$0x6B5] =	sst s1;
	s1 =	spop (v2sf)  }
0x141: {  	(v2sf) =	vpush v21, $0xB;
	[smem:$0x6B4] =	sst s15;
	s15 =	smulhi.u32 $0x4EC4EC4F, s1;
	s1 =	sshra.s32 s1, $0x1F  }
0x142: {  	s1 =	smul.u32 $0x4EC4EC4F, s1;
	_ =	sdelay $0x1  }
0x143: {  	[smem:$0x6B7] =	sst s1;
	s1 =	spop (v2sf)  }
0x144: {  	(v2sf) =	vpush v21, $0x0;
	[smem:$0x6B6] =	sst s15;
	s15 =	smulhi.u32 $0x4EC4EC4F, s1;
	s1 =	sshra.s32 s1, $0x1F  }
0x145: {  	s1 =	smul.u32 $0x4EC4EC4F, s1;
	_ =	sdelay $0x1  }
0x146: {  	[smem:$0x6B9] =	sst s1;
	s1 =	spop (v2sf)  }
0x147: {  	(v2sf) =	vpush v21, $0x1;
	[smem:$0x6B8] =	sst s15;
	s15 =	smulhi.u32 $0x4EC4EC4F, s1;
	s1 =	sshra.s32 s1, $0x1F  }
0x148: {  	s1 =	smul.u32 $0x4EC4EC4F, s1;
	_ =	sdelay $0x1  }
0x149: {  	[smem:$0x6BB] =	sst s1;
	s1 =	spop (v2sf)  }
0x14a: {  	(v2sf) =	vpush v21, $0x2;
	[smem:$0x6BA] =	sst s15;
	s15 =	smulhi.u32 $0x4EC4EC4F, s1;
	s1 =	sshra.s32 s1, $0x1F  }
0x14b: {  	s1 =	smul.u32 $0x4EC4EC4F, s1;
	_ =	sdelay $0x1  }
0x14c: {  	[smem:$0x6BD] =	sst s1;
	s1 =	spop (v2sf)  }
0x14d: {  	(v2sf) =	vpush v21, $0x3;
	[smem:$0x6BC] =	sst s15;
	s15 =	smulhi.u32 $0x4EC4EC4F, s1;
	s1 =	sshra.s32 s1, $0x1F  }
0x14e: {  	s1 =	smul.u32 $0x4EC4EC4F, s1;
	_ =	sdelay $0x1  }
0x14f: {  	[smem:$0x6BF] =	sst s1;
	s1 =	spop (v2sf)  }
0x150: {  	(v2sf) =	vpush v21, $0x4;
	[smem:$0x6BE] =	sst s15;
	s15 =	smulhi.u32 $0x4EC4EC4F, s1;
	s1 =	sshra.s32 s1, $0x1F  }
0x151: {  	s1 =	smul.u32 $0x4EC4EC4F, s1;
	_ =	sdelay $0x1  }
0x152: {  	[smem:$0x6C1] =	sst s1;
	s1 =	spop (v2sf)  }
0x153: {  	(v2sf) =	vpush v21, $0x5;
	[smem:$0x6C0] =	sst s15;
	s15 =	smulhi.u32 $0x4EC4EC4F, s1;
	s1 =	sshra.s32 s1, $0x1F  }
0x154: {  	s1 =	smul.u32 $0x4EC4EC4F, s1;
	_ =	sdelay $0x1  }
0x155: {  	[smem:$0x6C3] =	sst s1;
	s1 =	spop (v2sf)  }
0x156: {  	(v2sf) =	vpush v21, $0x6;
	[smem:$0x6C2] =	sst s15;
	s15 =	smulhi.u32 $0x4EC4EC4F, s1;
	s1 =	sshra.s32 s1, $0x1F  }
0x157: {  	s1 =	smul.u32 $0x4EC4EC4F, s1  }
0x158: {  	v0 =	vld [tilespmem:$0x1FF50]  }
0x159: {  	[smem:$0x6C5] =	sst s1;
	s1 =	spop (v2sf)  }
0x15a: {  	(v2sf) =	vpush v21, $0x7;
	[smem:$0x6C4] =	sst s15;
	s15 =	smulhi.u32 $0x4EC4EC4F, s1;
	s1 =	sshra.s32 s1, $0x1F  }
0x15b: {  	s1 =	smul.u32 $0x4EC4EC4F, s1;
	_ =	sdelay $0x1  }
0x15c: {  	v22 =	vadd.s32 s14, v0;
	[smem:$0x6C7] =	sst s1;
	s1 =	spop (v2sf)  }
0x15d: {  	(v2sf) =	vpush v22, $0xD;
	[smem:$0x6C6] =	sst s15;
	s15 =	smulhi.u32 $0x4EC4EC4F, s1;
	s1 =	sshra.s32 s1, $0x1F  }
0x15e: {  	s1 =	smul.u32 $0x4EC4EC4F, s1;
	_ =	sdelay $0x1  }
0x15f: {  	[smem:$0x6C9] =	sst s1;
	s1 =	spop (v2sf)  }
0x160: {  	(v2sf) =	vpush v22, $0xC;
	[smem:$0x6C8] =	sst s15;
	s15 =	smulhi.u32 $0x4EC4EC4F, s1;
	s1 =	sshra.s32 s1, $0x1F  }
0x161: {  	s1 =	smul.u32 $0x4EC4EC4F, s1;
	_ =	sdelay $0x1  }
0x162: {  	[smem:$0x6CB] =	sst s1;
	s1 =	spop (v2sf)  }
0x163: {  	(v2sf) =	vpush v22, $0xE;
	[smem:$0x6CA] =	sst s15;
	s15 =	smulhi.u32 $0x4EC4EC4F, s1;
	s1 =	sshra.s32 s1, $0x1F  }
0x164: {  	s1 =	smul.u32 $0x4EC4EC4F, s1;
	_ =	sdelay $0x1  }
0x165: {  	[smem:$0x6CD] =	sst s1;
	s1 =	spop (v2sf)  }
0x166: {  	(v2sf) =	vpush v22, $0xF;
	[smem:$0x6CC] =	sst s15;
	s15 =	smulhi.u32 $0x4EC4EC4F, s1;
	s1 =	sshra.s32 s1, $0x1F  }
0x167: {  	s1 =	smul.u32 $0x4EC4EC4F, s1;
	_ =	sdelay $0x1  }
0x168: {  	[smem:$0x6CF] =	sst s1;
	s1 =	spop (v2sf)  }
0x169: {  	(v2sf) =	vpush v22, $0x9;
	[smem:$0x6CE] =	sst s15;
	s15 =	smulhi.u32 $0x4EC4EC4F, s1;
	s1 =	sshra.s32 s1, $0x1F  }
0x16a: {  	s1 =	smul.u32 $0x4EC4EC4F, s1;
	_ =	sdelay $0x1  }
0x16b: {  	[smem:$0x6D1] =	sst s1;
	s1 =	spop (v2sf)  }
0x16c: {  	(v2sf) =	vpush v22, $0x8;
	[smem:$0x6D0] =	sst s15;
	s15 =	smulhi.u32 $0x4EC4EC4F, s1;
	s1 =	sshra.s32 s1, $0x1F  }
0x16d: {  	s1 =	smul.u32 $0x4EC4EC4F, s1;
	_ =	sdelay $0x1  }
0x16e: {  	[smem:$0x6D3] =	sst s1;
	s1 =	spop (v2sf)  }
0x16f: {  	(v2sf) =	vpush v22, $0xA;
	[smem:$0x6D2] =	sst s15;
	s15 =	smulhi.u32 $0x4EC4EC4F, s1;
	s1 =	sshra.s32 s1, $0x1F  }
0x170: {  	s1 =	smul.u32 $0x4EC4EC4F, s1;
	_ =	sdelay $0x1  }
0x171: {  	[smem:$0x6D5] =	sst s1;
	s1 =	spop (v2sf)  }
0x172: {  	(v2sf) =	vpush v22, $0xB;
	[smem:$0x6D4] =	sst s15;
	s15 =	smulhi.u32 $0x4EC4EC4F, s1;
	s1 =	sshra.s32 s1, $0x1F  }
0x173: {  	s1 =	smul.u32 $0x4EC4EC4F, s1;
	_ =	sdelay $0x1  }
0x174: {  	[smem:$0x6D7] =	sst s1;
	s1 =	spop (v2sf)  }
0x175: {  	(v2sf) =	vpush v22, $0x0;
	[smem:$0x6D6] =	sst s15;
	s15 =	smulhi.u32 $0x4EC4EC4F, s1;
	s1 =	sshra.s32 s1, $0x1F  }
0x176: {  	s1 =	smul.u32 $0x4EC4EC4F, s1;
	_ =	sdelay $0x1  }
0x177: {  	[smem:$0x6D9] =	sst s1;
	s1 =	spop (v2sf)  }
0x178: {  	(v2sf) =	vpush v22, $0x1;
	[smem:$0x6D8] =	sst s15;
	s15 =	smulhi.u32 $0x4EC4EC4F, s1;
	s1 =	sshra.s32 s1, $0x1F  }
0x179: {  	s1 =	smul.u32 $0x4EC4EC4F, s1;
	_ =	sdelay $0x1  }
0x17a: {  	[smem:$0x6DB] =	sst s1;
	s1 =	spop (v2sf)  }
0x17b: {  	(v2sf) =	vpush v22, $0x2;
	[smem:$0x6DA] =	sst s15;
	s15 =	smulhi.u32 $0x4EC4EC4F, s1;
	s1 =	sshra.s32 s1, $0x1F  }
0x17c: {  	s1 =	smul.u32 $0x4EC4EC4F, s1;
	_ =	sdelay $0x1  }
0x17d: {  	[smem:$0x6DD] =	sst s1;
	s1 =	spop (v2sf)  }
0x17e: {  	(v2sf) =	vpush v22, $0x3;
	[smem:$0x6DC] =	sst s15;
	s15 =	smulhi.u32 $0x4EC4EC4F, s1;
	s1 =	sshra.s32 s1, $0x1F  }
0x17f: {  	s1 =	smul.u32 $0x4EC4EC4F, s1;
	_ =	sdelay $0x1  }
0x180: {  	[smem:$0x6DF] =	sst s1;
	s1 =	spop (v2sf)  }
0x181: {  	(v2sf) =	vpush v22, $0x4;
	[smem:$0x6DE] =	sst s15;
	s15 =	smulhi.u32 $0x4EC4EC4F, s1;
	s1 =	sshra.s32 s1, $0x1F  }
0x182: {  	s1 =	smul.u32 $0x4EC4EC4F, s1;
	_ =	sdelay $0x1  }
0x183: {  	[smem:$0x6E1] =	sst s1;
	s1 =	spop (v2sf)  }
0x184: {  	(v2sf) =	vpush v22, $0x5;
	[smem:$0x6E0] =	sst s15;
	s15 =	smulhi.u32 $0x4EC4EC4F, s1;
	s1 =	sshra.s32 s1, $0x1F  }
0x185: {  	s1 =	smul.u32 $0x4EC4EC4F, s1;
	_ =	sdelay $0x1  }
0x186: {  	[smem:$0x6E3] =	sst s1;
	s1 =	spop (v2sf)  }
0x187: {  	(v2sf) =	vpush v22, $0x6;
	[smem:$0x6E2] =	sst s15;
	s15 =	smulhi.u32 $0x4EC4EC4F, s1;
	s1 =	sshra.s32 s1, $0x1F  }
0x188: {  	s1 =	smul.u32 $0x4EC4EC4F, s1;
	_ =	sdelay $0x1  }
0x189: {  	[smem:$0x6E5] =	sst s1;
	s1 =	spop (v2sf)  }
0x18a: {  	(v2sf) =	vpush v22, $0x7;
	[smem:$0x6E4] =	sst s15;
	s15 =	smulhi.u32 $0x4EC4EC4F, s1;
	s1 =	sshra.s32 s1, $0x1F  }
0x18b: {  	s1 =	smul.u32 $0x4EC4EC4F, s1;
	_ =	sdelay $0x1  }
0x18c: {  	v23 =	vadd.s32 s4, v0;
	[smem:$0x6E7] =	sst s1;
	s1 =	spop (v2sf)  }
0x18d: {  	(v2sf) =	vpush v23, $0xD;
	[smem:$0x6E6] =	sst s15;
	s15 =	smulhi.u32 $0x4EC4EC4F, s1;
	s1 =	sshra.s32 s1, $0x1F  }
0x18e: {  	s1 =	smul.u32 $0x4EC4EC4F, s1;
	_ =	sdelay $0x1  }
0x18f: {  	[smem:$0x6E9] =	sst s1;
	s1 =	spop (v2sf)  }
0x190: {  	(v2sf) =	vpush v23, $0xC;
	[smem:$0x6E8] =	sst s15;
	s15 =	smulhi.u32 $0x4EC4EC4F, s1;
	s1 =	sshra.s32 s1, $0x1F  }
0x191: {  	s1 =	smul.u32 $0x4EC4EC4F, s1;
	_ =	sdelay $0x1  }
0x192: {  	[smem:$0x6EB] =	sst s1;
	s1 =	spop (v2sf)  }
0x193: {  	(v2sf) =	vpush v23, $0xE;
	[smem:$0x6EA] =	sst s15;
	s15 =	smulhi.u32 $0x4EC4EC4F, s1;
	s1 =	sshra.s32 s1, $0x1F  }
0x194: {  	s1 =	smul.u32 $0x4EC4EC4F, s1;
	_ =	sdelay $0x1  }
0x195: {  	[smem:$0x6ED] =	sst s1;
	s1 =	spop (v2sf)  }
0x196: {  	(v2sf) =	vpush v23, $0xF;
	[smem:$0x6EC] =	sst s15;
	s15 =	smulhi.u32 $0x4EC4EC4F, s1;
	s1 =	sshra.s32 s1, $0x1F  }
0x197: {  	s1 =	smul.u32 $0x4EC4EC4F, s1;
	_ =	sdelay $0x1  }
0x198: {  	[smem:$0x6EF] =	sst s1;
	s1 =	spop (v2sf)  }
0x199: {  	(v2sf) =	vpush v23, $0x9;
	[smem:$0x6EE] =	sst s15;
	s15 =	smulhi.u32 $0x4EC4EC4F, s1;
	s1 =	sshra.s32 s1, $0x1F  }
0x19a: {  	s1 =	smul.u32 $0x4EC4EC4F, s1;
	_ =	sdelay $0x1  }
0x19b: {  	[smem:$0x6F1] =	sst s1;
	s1 =	spop (v2sf)  }
0x19c: {  	(v2sf) =	vpush v23, $0x8;
	[smem:$0x6F0] =	sst s15;
	s15 =	smulhi.u32 $0x4EC4EC4F, s1;
	s1 =	sshra.s32 s1, $0x1F  }
0x19d: {  	s1 =	smul.u32 $0x4EC4EC4F, s1;
	_ =	sdelay $0x1  }
0x19e: {  	[smem:$0x6F3] =	sst s1;
	s1 =	spop (v2sf)  }
0x19f: {  	(v2sf) =	vpush v23, $0xA;
	[smem:$0x6F2] =	sst s15;
	s15 =	smulhi.u32 $0x4EC4EC4F, s1;
	s1 =	sshra.s32 s1, $0x1F  }
0x1a0: {  	s1 =	smul.u32 $0x4EC4EC4F, s1;
	_ =	sdelay $0x1  }
0x1a1: {  	[smem:$0x6F5] =	sst s1;
	s1 =	spop (v2sf)  }
0x1a2: {  	(v2sf) =	vpush v23, $0xB;
	[smem:$0x6F4] =	sst s15;
	s15 =	smulhi.u32 $0x4EC4EC4F, s1;
	s1 =	sshra.s32 s1, $0x1F  }
0x1a3: {  	s1 =	smul.u32 $0x4EC4EC4F, s1;
	_ =	sdelay $0x1  }
0x1a4: {  	[smem:$0x6F7] =	sst s1;
	s1 =	spop (v2sf)  }
0x1a5: {  	(v2sf) =	vpush v23, $0x0;
	[smem:$0x6F6] =	sst s15;
	s15 =	smulhi.u32 $0x4EC4EC4F, s1;
	s1 =	sshra.s32 s1, $0x1F  }
0x1a6: {  	s1 =	smul.u32 $0x4EC4EC4F, s1;
	_ =	sdelay $0x1  }
0x1a7: {  	[smem:$0x6F9] =	sst s1;
	s1 =	spop (v2sf)  }
0x1a8: {  	[smem:$0x6F8] =	sst s15;
	s15 =	smulhi.u32 $0x4EC4EC4F, s1;
	s1 =	sshra.s32 s1, $0x1F  }
0x1a9: {  	s1 =	smul.u32 $0x4EC4EC4F, s1;
	_ =	sdelay $0x1  }
0x1aa: {  	[smem:$0x6FB] =	sst s1;
	s1 =	spop (v2sf)  }
0x1ab: {  	(v2sf) =	vpush v23, $0x1;
	[smem:$0x6FA] =	sst s15;
	s15 =	smulhi.u32 $0x4EC4EC4F, s1;
	s1 =	sshra.s32 s1, $0x1F  }
0x1ac: {  	s1 =	smul.u32 $0x4EC4EC4F, s1;
	_ =	sdelay $0x1  }
0x1ad: {  	[smem:$0x6FD] =	sst s1;
	s1 =	spop (v2sf)  }
0x1ae: {  	[smem:$0x6FC] =	sst s15;
	s15 =	smulhi.u32 $0x4EC4EC4F, s1;
	s1 =	sshra.s32 s1, $0x1F  }
0x1af: {  	s1 =	smul.u32 $0x4EC4EC4F, s1;
	_ =	sdelay $0x1  }
0x1b0: {  	[smem:$0x6FF] =	sst s1;
	s1 =	spop (v2sf)  }
0x1b1: {  	[smem:$0x6FE] =	sst s15;
	s15 =	smulhi.u32 $0x4EC4EC4F, s1  }
0x1b2: {  	v0 =	vld [tilespmem:$0x1FF70];
	(v2sf) =	vpush v23, $0x2  }
0x1b3: {  	(v2sf) =	vpush v23, $0x3;
	[smem:$0x700] =	sst s15  }
0x1b4: {  	(v2sf) =	vpush v23, $0x4;
	s1 =	sshra.s32 s1, $0x1F;
	s15 =	sld [smem:$0x66A]  }
0x1b5: {  	(v2sf) =	vpush v23, $0x5;
	s1 =	smul.u32 $0x4EC4EC4F, s1  }
0x1b6: {  	(v2sf) =	vpush v23, $0x6  }
0x1b7: {  	v24 =	vadd.s32 s14, v0;
	(v2sf) =	vpush v23, $0x7;
	[smem:$0x701] =	sst s1;
	s15 =	sadd.s32 s17, s15  }
0x1b8: {  	s16 =	sadd.s32 s19, s16;
	(v2sf) =	vpush v24, $0xD;
	s1 =	spop (v2sf);
	[smem:$0x75B] =	sst s15  }
0x1b9: {  	s19 =	sadd.s32 s21, s18;
	[smem:$0x759] =	sst s16  }
0x1ba: {  	s20 =	sadd.s32 s23, s20;
	[smem:$0x75C] =	sst s19  }
0x1bb: {  	s23 =	sadd.s32 s25, s22;
	[smem:$0x75E] =	sst s20  }
0x1bc: {  	s25 =	sadd.s32 s28, s24;
	[smem:$0x761] =	sst s23  }
0x1bd: {  	s22 =	sadd.s32 s30, s26;
	[smem:$0x75F] =	sst s25  }
0x1be: {  	[smem:$0x763] =	sst s22;
	s23 =	sadd.s32 s31, s29  }
0x1bf: {  	[smem:$0x765] =	sst s23  }
0x1c0: {  	s17 =	smulhi.u32 $0x4EC4EC4F, s1;
	s1 =	sshra.s32 s1, $0x1F;
	s25 =	sld [smem:$0x66B]  }
0x1c1: {  	s16 =	smul.u32 $0x4EC4EC4F, s1;
	s26 =	sld [smem:$0x66C]  }
0x1c2: {  	s1 =	spop (v2sf);
	s29 =	sld [smem:$0x66D]  }
0x1c3: {  	s30 =	sld [smem:$0x66E];
	s18 =	smulhi.u32 $0x4EC4EC4F, s1;
	s1 =	sshra.s32 s1, $0x1F  }
0x1c4: {  	s21 =	spop (v2sf);
	s20 =	smul.u32 $0x4EC4EC4F, s1  }
0x1c5: {  	s19 =	smulhi.u32 $0x4EC4EC4F, s21;
	s1 =	sshra.s32 s21, $0x1F;
	s28 =	spop (v2sf)  }
0x1c6: {  	s12 =	sadd.s32 s12, s25;
	s3 =	sadd.s32 s3, s26;
	s26 =	sld [smem:$0x670]  }
0x1c7: {  	s21 =	smul.u32 $0x4EC4EC4F, s1;
	[smem:$0x75A] =	sst s12  }
0x1c8: {  	s22 =	smulhi.u32 $0x4EC4EC4F, s28;
	s1 =	sshra.s32 s28, $0x1F;
	[smem:$0x75D] =	sst s3  }
0x1c9: {  	s24 =	spop (v2sf);
	s3 =	sadd.s32 s9, s29;
	s29 =	sld [smem:$0x671]  }
0x1ca: {  	(v2sf) =	vpush v24, $0xC;
	s23 =	smul.u32 $0x4EC4EC4F, s1;
	[smem:$0x760] =	sst s3  }
0x1cb: {  	s15 =	smulhi.u32 $0x4EC4EC4F, s24;
	s3 =	sadd.s32 s6, s30;
	s6 =	sld [smem:$0x66F]  }
0x1cc: {  	(v2sf) =	vpush v24, $0xE;
	s1 =	sshra.s32 s24, $0x1F;
	s28 =	spop (v2sf);
	s30 =	sld [smem:$0x672]  }
0x1cd: {  	s12 =	smul.u32 $0x4EC4EC4F, s1;
	s1 =	sshra.s32 s28, $0x1F;
	[smem:$0x762] =	sst s3  }
0x1ce: {  	s24 =	smul.u32 $0x4EC4EC4F, s1;
	s1 =	sadd.s32 s7, s26;
	s26 =	sld [smem:$0x673]  }
0x1cf: {  	s0 =	smul.u32 $0x4EC4EC4F, s0;
	[smem:$0x766] =	sst s1  }
0x1d0: {  	s9 =	smulhi.u32 $0x4EC4EC4F, s28;
	s1 =	sadd.s32 s8, s29;
	s29 =	sld [smem:$0x675]  }
0x1d1: {  	s31 =	spop (v2sf);
	s0 =	sadd.s32 s0, s6;
	[smem:$0x767] =	sst s1  }
0x1d2: {  	s28 =	spop (v2sf);
	[smem:$0x764] =	sst s0  }
0x1d3: {  	s8 =	smulhi.u32 $0x4EC4EC4F, s28;
	s0 =	sshra.s32 s28, $0x1F;
	s28 =	sld [smem:$0x674]  }
0x1d4: {  	s1 =	sadd.s32 s11, s30;
	s30 =	sld [smem:$0x676]  }
0x1d5: {  	s25 =	sshra.s32 s31, $0x1F;
	[smem:$0x758] =	sst s1  }
0x1d6: {  	s7 =	smul.u32 $0x4EC4EC4F, s25;
	s1 =	sadd.s32 s28, s26;
	s28 =	sld [smem:$0x677]  }
0x1d7: {  	s6 =	smulhi.u32 $0x4EC4EC4F, s31;
	[smem:$0x76A] =	sst s1  }
0x1d8: {  	s25 =	smul.u32 $0x4EC4EC4F, s0;
	s1 =	sadd.s32 s30, s29;
	s29 =	sld [smem:$0x678]  }
0x1d9: {  	(v2sf) =	vpush v24, $0xF;
	s30 =	sld [smem:$0x679];
	s31 =	spop (v2sf)  }
0x1da: {  	[smem:$0x76B] =	sst s1;
	s11 =	smulhi.u32 $0x4EC4EC4F, s31;
	s0 =	sshra.s32 s31, $0x1F  }
0x1db: {  	(v2sf) =	vpush v24, $0x9;
	s31 =	spop (v2sf);
	s1 =	sadd.s32 s29, s28;
	s26 =	smul.u32 $0x4EC4EC4F, s0  }
0x1dc: {  	s28 =	smulhi.u32 $0x4EC4EC4F, s31;
	s0 =	sshra.s32 s31, $0x1F;
	s31 =	sld [smem:$0x67A]  }
0x1dd: {  	s29 =	sld [smem:$0x67B]  }
0x1de: {  	[smem:$0x76D] =	sst s1  }
0x1df: {  	s1 =	sadd.s32 s31, s30;
	s31 =	sld [smem:$0x67C]  }
0x1e0: {  	s3 =	sld [smem:$0x67D]  }
0x1e1: {  	[smem:$0x76F] =	sst s1  }
0x1e2: {  	s1 =	sadd.s32 s31, s29;
	s31 =	sld [smem:$0x67E];
	_ =	sdelay $0x1  }
0x1e3: {  	[smem:$0x773] =	sst s1  }
0x1e4: {  	s1 =	sadd.s32 s31, s3;
	s3 =	sld [smem:$0x680]  }
0x1e5: {  	[smem:$0x771] =	sst s1  }
0x1e6: {  	s1 =	sld [smem:$0x67F]  }
0x1e7: {  	s30 =	smul.u32 $0x4EC4EC4F, s0;
	s0 =	spop (v2sf)  }
0x1e8: {  	s29 =	smulhi.u32 $0x4EC4EC4F, s0;
	s0 =	sshra.s32 s0, $0x1F  }
0x1e9: {  	s31 =	smul.u32 $0x4EC4EC4F, s0;
	s0 =	spop (v2sf);
	s1 =	sadd.s32 s3, s1  }
0x1ea: {  	s3 =	smulhi.u32 $0x4EC4EC4F, s0;
	[smem:$0x775] =	sst s1  }
0x1eb: {  	s1 =	sld [smem:$0x681]  }
0x1ec: {  	[smem:$0x702] =	sst s3  }
0x1ed: {  	(v2sf) =	vpush v24, $0x8;
	s3 =	sld [smem:$0x682];
	_ =	sdelay $0x2  }
0x1ee: {  	(v2sf) =	vpush v24, $0xA;
	s1 =	sadd.s32 s3, s1;
	s3 =	sld [smem:$0x683];
	_ =	sdelay $0x1  }
0x1ef: {  	[smem:$0x777] =	sst s1  }
0x1f0: {  	s1 =	sadd.s32 s13, s3;
	s13 =	sld [smem:$0x684]  }
0x1f1: {  	(v2sf) =	vpush v24, $0xB  }
0x1f2: {  	[smem:$0x769] =	sst s1  }
0x1f3: {  	s1 =	sadd.s32 s10, s13;
	s13 =	sld [smem:$0x685];
	_ =	sdelay $0x1  }
0x1f4: {  	[smem:$0x76C] =	sst s1  }
0x1f5: {  	s0 =	sshra.s32 s0, $0x1F;
	s1 =	sadd.s32 s2, s13;
	s2 =	sld [smem:$0x687]  }
0x1f6: {  	s0 =	smul.u32 $0x4EC4EC4F, s0;
	[smem:$0x76E] =	sst s1  }
0x1f7: {  	s1 =	sld [smem:$0x686]  }
0x1f8: {  	[smem:$0x703] =	sst s0;
	s0 =	spop (v2sf)  }
0x1f9: {  	s3 =	smulhi.u32 $0x4EC4EC4F, s0;
	s0 =	sshra.s32 s0, $0x1F  }
0x1fa: {  	s10 =	smul.u32 $0x4EC4EC4F, s0;
	s1 =	sadd.s32 s2, s1;
	s2 =	sld [smem:$0x689]  }
0x1fb: {  	s0 =	spop (v2sf);
	[smem:$0x770] =	sst s1  }
0x1fc: {  	(v2sf) =	vpush v24, $0x0;
	s13 =	smulhi.u32 $0x4EC4EC4F, s0;
	s0 =	sshra.s32 s0, $0x1F;
	s1 =	sld [smem:$0x688]  }
0x1fd: {  	s0 =	smul.u32 $0x4EC4EC4F, s0;
	_ =	sdelay $0x1  }
0x1fe: {  	[smem:$0x704] =	sst s0;
	s0 =	spop (v2sf);
	s1 =	sadd.s32 s2, s1  }
0x1ff: {  	s2 =	smulhi.u32 $0x4EC4EC4F, s0;
	[smem:$0x772] =	sst s1  }
0x200: {  	s1 =	sld [smem:$0x68A]  }
0x201: {  	[smem:$0x705] =	sst s2  }
0x202: {  	s2 =	sld [smem:$0x68B];
	_ =	sdelay $0x2  }
0x203: {  	s1 =	sadd.s32 s2, s1;
	s2 =	sld [smem:$0x68D]  }
0x204: {  	[smem:$0x774] =	sst s1  }
0x205: {  	(v2sf) =	vpush v24, $0x1;
	s0 =	sshra.s32 s0, $0x1F;
	s1 =	sld [smem:$0x68C]  }
0x206: {  	s0 =	smul.u32 $0x4EC4EC4F, s0;
	_ =	sdelay $0x1  }
0x207: {  	[smem:$0x706] =	sst s0;
	s0 =	spop (v2sf);
	s1 =	sadd.s32 s2, s1  }
0x208: {  	s2 =	smulhi.u32 $0x4EC4EC4F, s0;
	[smem:$0x776] =	sst s1  }
0x209: {  	s1 =	sld [smem:$0x68E]  }
0x20a: {  	[smem:$0x707] =	sst s2  }
0x20b: {  	s2 =	sld [smem:$0x68F];
	_ =	sdelay $0x2  }
0x20c: {  	s1 =	sadd.s32 s2, s1;
	s2 =	sld [smem:$0x691]  }
0x20d: {  	[smem:$0x768] =	sst s1  }
0x20e: {  	(v2sf) =	vpush v24, $0x2;
	s0 =	sshra.s32 s0, $0x1F;
	s1 =	sld [smem:$0x690]  }
0x20f: {  	s0 =	smul.u32 $0x4EC4EC4F, s0;
	_ =	sdelay $0x1  }
0x210: {  	[smem:$0x708] =	sst s0;
	s0 =	spop (v2sf);
	s1 =	sadd.s32 s2, s1  }
0x211: {  	s2 =	smulhi.u32 $0x4EC4EC4F, s0;
	[smem:$0x778] =	sst s1  }
0x212: {  	s1 =	sld [smem:$0x692]  }
0x213: {  	[smem:$0x709] =	sst s2  }
0x214: {  	s2 =	sld [smem:$0x693];
	_ =	sdelay $0x2  }
0x215: {  	s1 =	sadd.s32 s2, s1;
	s2 =	sld [smem:$0x695]  }
0x216: {  	[smem:$0x779] =	sst s1  }
0x217: {  	(v2sf) =	vpush v24, $0x3;
	s0 =	sshra.s32 s0, $0x1F;
	s1 =	sld [smem:$0x694]  }
0x218: {  	s0 =	smul.u32 $0x4EC4EC4F, s0;
	_ =	sdelay $0x1  }
0x219: {  	[smem:$0x70A] =	sst s0;
	s0 =	spop (v2sf);
	s1 =	sadd.s32 s2, s1  }
0x21a: {  	s2 =	smulhi.u32 $0x4EC4EC4F, s0;
	[smem:$0x77C] =	sst s1  }
0x21b: {  	s1 =	sld [smem:$0x696]  }
0x21c: {  	[smem:$0x70B] =	sst s2  }
0x21d: {  	s2 =	sld [smem:$0x697];
	_ =	sdelay $0x2  }
0x21e: {  	s1 =	sadd.s32 s2, s1;
	s2 =	sld [smem:$0x699]  }
0x21f: {  	[smem:$0x77D] =	sst s1  }
0x220: {  	(v2sf) =	vpush v24, $0x4;
	s0 =	sshra.s32 s0, $0x1F;
	s1 =	sld [smem:$0x698]  }
0x221: {  	s0 =	smul.u32 $0x4EC4EC4F, s0;
	_ =	sdelay $0x1  }
0x222: {  	[smem:$0x70C] =	sst s0;
	s0 =	spop (v2sf);
	s1 =	sadd.s32 s2, s1  }
0x223: {  	s2 =	smulhi.u32 $0x4EC4EC4F, s0;
	[smem:$0x782] =	sst s1  }
0x224: {  	s1 =	sld [smem:$0x69A]  }
0x225: {  	[smem:$0x70D] =	sst s2  }
0x226: {  	s2 =	sld [smem:$0x69B];
	_ =	sdelay $0x2  }
0x227: {  	s1 =	sadd.s32 s2, s1;
	s2 =	sld [smem:$0x69D]  }
0x228: {  	[smem:$0x780] =	sst s1  }
0x229: {  	(v2sf) =	vpush v24, $0x5;
	s0 =	sshra.s32 s0, $0x1F;
	s1 =	sld [smem:$0x69C]  }
0x22a: {  	s0 =	smul.u32 $0x4EC4EC4F, s0;
	_ =	sdelay $0x1  }
0x22b: {  	[smem:$0x70E] =	sst s0;
	s0 =	spop (v2sf);
	s1 =	sadd.s32 s2, s1  }
0x22c: {  	s2 =	smulhi.u32 $0x4EC4EC4F, s0;
	[smem:$0x784] =	sst s1  }
0x22d: {  	s1 =	sld [smem:$0x69E]  }
0x22e: {  	[smem:$0x70F] =	sst s2  }
0x22f: {  	s2 =	sld [smem:$0x69F];
	_ =	sdelay $0x2  }
0x230: {  	s1 =	sadd.s32 s2, s1;
	s2 =	sld [smem:$0x6A1]  }
0x231: {  	[smem:$0x786] =	sst s1  }
0x232: {  	(v2sf) =	vpush v24, $0x6;
	s0 =	sshra.s32 s0, $0x1F;
	s1 =	sld [smem:$0x6A0]  }
0x233: {  	s0 =	smul.u32 $0x4EC4EC4F, s0;
	_ =	sdelay $0x1  }
0x234: {  	[smem:$0x710] =	sst s0;
	s0 =	spop (v2sf);
	s1 =	sadd.s32 s2, s1  }
0x235: {  	s2 =	smulhi.u32 $0x4EC4EC4F, s0;
	[smem:$0x77B] =	sst s1  }
0x236: {  	s1 =	sld [smem:$0x6A2]  }
0x237: {  	[smem:$0x711] =	sst s2  }
0x238: {  	s2 =	sld [smem:$0x6A3];
	_ =	sdelay $0x2  }
0x239: {  	s1 =	sadd.s32 s2, s1;
	s2 =	sld [smem:$0x6A5]  }
0x23a: {  	[smem:$0x77E] =	sst s1  }
0x23b: {  	(v2sf) =	vpush v24, $0x7;
	s0 =	sshra.s32 s0, $0x1F;
	s1 =	sld [smem:$0x6A4]  }
0x23c: {  	s0 =	smul.u32 $0x4EC4EC4F, s0;
	_ =	sdelay $0x1  }
0x23d: {  	[smem:$0x712] =	sst s0;
	s0 =	spop (v2sf);
	s1 =	sadd.s32 s2, s1  }
0x23e: {  	s2 =	smulhi.u32 $0x4EC4EC4F, s0;
	[smem:$0x77F] =	sst s1  }
0x23f: {  	s1 =	sld [smem:$0x6A6]  }
0x240: {  	[smem:$0x713] =	sst s2  }
0x241: {  	s2 =	sld [smem:$0x6A7];
	_ =	sdelay $0x2  }
0x242: {  	s1 =	sadd.s32 s2, s1;
	s2 =	sld [smem:$0x6A9]  }
0x243: {  	v25 =	vadd.s32 s4, v0;
	[smem:$0x781] =	sst s1  }
0x244: {  	(v2sf) =	vpush v25, $0xD;
	s0 =	sshra.s32 s0, $0x1F;
	s1 =	sld [smem:$0x6A8]  }
0x245: {  	s0 =	smul.u32 $0x4EC4EC4F, s0;
	_ =	sdelay $0x1  }
0x246: {  	[smem:$0x714] =	sst s0;
	s0 =	spop (v2sf);
	s1 =	sadd.s32 s2, s1  }
0x247: {  	s2 =	smulhi.u32 $0x4EC4EC4F, s0;
	[smem:$0x783] =	sst s1  }
0x248: {  	s1 =	sld [smem:$0x6AA]  }
0x249: {  	[smem:$0x715] =	sst s2  }
0x24a: {  	s2 =	sld [smem:$0x6AB];
	_ =	sdelay $0x2  }
0x24b: {  	s1 =	sadd.s32 s2, s1;
	s2 =	sld [smem:$0x6AD]  }
0x24c: {  	[smem:$0x785] =	sst s1  }
0x24d: {  	(v2sf) =	vpush v25, $0xC;
	s0 =	sshra.s32 s0, $0x1F;
	s1 =	sld [smem:$0x6AC]  }
0x24e: {  	s0 =	smul.u32 $0x4EC4EC4F, s0;
	_ =	sdelay $0x1  }
0x24f: {  	[smem:$0x716] =	sst s0;
	s0 =	spop (v2sf);
	s1 =	sadd.s32 s2, s1  }
0x250: {  	s2 =	smulhi.u32 $0x4EC4EC4F, s0;
	[smem:$0x787] =	sst s1  }
0x251: {  	s1 =	sld [smem:$0x6AE]  }
0x252: {  	[smem:$0x717] =	sst s2  }
0x253: {  	s2 =	sld [smem:$0x6AF];
	_ =	sdelay $0x2  }
0x254: {  	s1 =	sadd.s32 s2, s1;
	s2 =	sld [smem:$0x6B1]  }
0x255: {  	[smem:$0x77A] =	sst s1  }
0x256: {  	(v2sf) =	vpush v25, $0xE;
	s0 =	sshra.s32 s0, $0x1F;
	s1 =	sld [smem:$0x6B0]  }
0x257: {  	s0 =	smul.u32 $0x4EC4EC4F, s0;
	_ =	sdelay $0x1  }
0x258: {  	[smem:$0x718] =	sst s0;
	s0 =	spop (v2sf);
	s1 =	sadd.s32 s2, s1  }
0x259: {  	s2 =	smulhi.u32 $0x4EC4EC4F, s0;
	[smem:$0x78B] =	sst s1  }
0x25a: {  	s1 =	sld [smem:$0x6B2]  }
0x25b: {  	[smem:$0x719] =	sst s2  }
0x25c: {  	s2 =	sld [smem:$0x6B3];
	_ =	sdelay $0x2  }
0x25d: {  	s1 =	sadd.s32 s2, s1;
	s2 =	sld [smem:$0x6B5]  }
0x25e: {  	[smem:$0x789] =	sst s1  }
0x25f: {  	(v2sf) =	vpush v25, $0xF;
	s0 =	sshra.s32 s0, $0x1F;
	s1 =	sld [smem:$0x6B4]  }
0x260: {  	s0 =	smul.u32 $0x4EC4EC4F, s0;
	_ =	sdelay $0x1  }
0x261: {  	[smem:$0x71A] =	sst s0;
	s0 =	spop (v2sf);
	s1 =	sadd.s32 s2, s1  }
0x262: {  	s2 =	smulhi.u32 $0x4EC4EC4F, s0;
	[smem:$0x78C] =	sst s1  }
0x263: {  	s1 =	sld [smem:$0x6B6]  }
0x264: {  	[smem:$0x71B] =	sst s2  }
0x265: {  	s2 =	sld [smem:$0x6B7];
	_ =	sdelay $0x2  }
0x266: {  	s1 =	sadd.s32 s2, s1;
	s2 =	sld [smem:$0x6B9]  }
0x267: {  	[smem:$0x78E] =	sst s1  }
0x268: {  	(v2sf) =	vpush v25, $0x9;
	s0 =	sshra.s32 s0, $0x1F;
	s1 =	sld [smem:$0x6B8]  }
0x269: {  	s0 =	smul.u32 $0x4EC4EC4F, s0;
	_ =	sdelay $0x1  }
0x26a: {  	[smem:$0x71C] =	sst s0;
	s0 =	spop (v2sf);
	s1 =	sadd.s32 s2, s1  }
0x26b: {  	s2 =	smulhi.u32 $0x4EC4EC4F, s0;
	[smem:$0x791] =	sst s1  }
0x26c: {  	s1 =	sld [smem:$0x6BA]  }
0x26d: {  	[smem:$0x71D] =	sst s2  }
0x26e: {  	s2 =	sld [smem:$0x6BB];
	_ =	sdelay $0x2  }
0x26f: {  	s1 =	sadd.s32 s2, s1;
	s2 =	sld [smem:$0x6BD]  }
0x270: {  	[smem:$0x78F] =	sst s1  }
0x271: {  	(v2sf) =	vpush v25, $0x8;
	s0 =	sshra.s32 s0, $0x1F;
	s1 =	sld [smem:$0x6BC]  }
0x272: {  	s0 =	smul.u32 $0x4EC4EC4F, s0;
	_ =	sdelay $0x1  }
0x273: {  	[smem:$0x71E] =	sst s0;
	s0 =	spop (v2sf);
	s1 =	sadd.s32 s2, s1  }
0x274: {  	s2 =	smulhi.u32 $0x4EC4EC4F, s0;
	[smem:$0x792] =	sst s1  }
0x275: {  	s1 =	sld [smem:$0x6BE]  }
0x276: {  	[smem:$0x71F] =	sst s2  }
0x277: {  	s2 =	sld [smem:$0x6BF];
	_ =	sdelay $0x2  }
0x278: {  	s1 =	sadd.s32 s2, s1;
	s2 =	sld [smem:$0x6C1]  }
0x279: {  	[smem:$0x794] =	sst s1  }
0x27a: {  	(v2sf) =	vpush v25, $0xA;
	s0 =	sshra.s32 s0, $0x1F;
	s1 =	sld [smem:$0x6C0]  }
0x27b: {  	s0 =	smul.u32 $0x4EC4EC4F, s0;
	_ =	sdelay $0x1  }
0x27c: {  	[smem:$0x720] =	sst s0;
	s0 =	spop (v2sf);
	s1 =	sadd.s32 s2, s1  }
0x27d: {  	s2 =	smulhi.u32 $0x4EC4EC4F, s0;
	[smem:$0x78A] =	sst s1  }
0x27e: {  	s1 =	sld [smem:$0x6C2]  }
0x27f: {  	[smem:$0x721] =	sst s2  }
0x280: {  	s2 =	sld [smem:$0x6C3];
	_ =	sdelay $0x2  }
0x281: {  	s1 =	sadd.s32 s2, s1;
	s2 =	sld [smem:$0x6C5]  }
0x282: {  	[smem:$0x78D] =	sst s1  }
0x283: {  	(v2sf) =	vpush v25, $0xB;
	s0 =	sshra.s32 s0, $0x1F;
	s1 =	sld [smem:$0x6C4]  }
0x284: {  	s0 =	smul.u32 $0x4EC4EC4F, s0;
	_ =	sdelay $0x1  }
0x285: {  	[smem:$0x722] =	sst s0;
	s0 =	spop (v2sf);
	s1 =	sadd.s32 s2, s1  }
0x286: {  	s2 =	smulhi.u32 $0x4EC4EC4F, s0;
	[smem:$0x790] =	sst s1  }
0x287: {  	s1 =	sld [smem:$0x6C6]  }
0x288: {  	[smem:$0x723] =	sst s2  }
0x289: {  	s2 =	sld [smem:$0x6C7];
	_ =	sdelay $0x2  }
0x28a: {  	s1 =	sadd.s32 s2, s1;
	s2 =	sld [smem:$0x6C9]  }
0x28b: {  	[smem:$0x793] =	sst s1  }
0x28c: {  	(v2sf) =	vpush v25, $0x0;
	s0 =	sshra.s32 s0, $0x1F;
	s1 =	sld [smem:$0x6C8]  }
0x28d: {  	s0 =	smul.u32 $0x4EC4EC4F, s0;
	_ =	sdelay $0x1  }
0x28e: {  	[smem:$0x724] =	sst s0;
	s0 =	spop (v2sf);
	s1 =	sadd.s32 s2, s1  }
0x28f: {  	s2 =	smulhi.u32 $0x4EC4EC4F, s0;
	[smem:$0x795] =	sst s1  }
0x290: {  	s1 =	sld [smem:$0x6CA]  }
0x291: {  	[smem:$0x725] =	sst s2  }
0x292: {  	s2 =	sld [smem:$0x6CB];
	_ =	sdelay $0x2  }
0x293: {  	s1 =	sadd.s32 s2, s1;
	s2 =	sld [smem:$0x6CD]  }
0x294: {  	[smem:$0x796] =	sst s1  }
0x295: {  	(v2sf) =	vpush v25, $0x1;
	s0 =	sshra.s32 s0, $0x1F;
	s1 =	sld [smem:$0x6CC]  }
0x296: {  	s0 =	smul.u32 $0x4EC4EC4F, s0;
	_ =	sdelay $0x1  }
0x297: {  	[smem:$0x726] =	sst s0;
	s0 =	spop (v2sf);
	s1 =	sadd.s32 s2, s1  }
0x298: {  	s2 =	smulhi.u32 $0x4EC4EC4F, s0;
	[smem:$0x797] =	sst s1  }
0x299: {  	s1 =	sld [smem:$0x6CE]  }
0x29a: {  	[smem:$0x727] =	sst s2  }
0x29b: {  	s2 =	sld [smem:$0x6CF];
	_ =	sdelay $0x2  }
0x29c: {  	s1 =	sadd.s32 s2, s1;
	s2 =	sld [smem:$0x6D1]  }
0x29d: {  	[smem:$0x788] =	sst s1  }
0x29e: {  	(v2sf) =	vpush v25, $0x2;
	s0 =	sshra.s32 s0, $0x1F;
	s1 =	sld [smem:$0x6D0]  }
0x29f: {  	s0 =	smul.u32 $0x4EC4EC4F, s0;
	_ =	sdelay $0x1  }
0x2a0: {  	[smem:$0x728] =	sst s0;
	s0 =	spop (v2sf);
	s1 =	sadd.s32 s2, s1  }
0x2a1: {  	s2 =	smulhi.u32 $0x4EC4EC4F, s0;
	[smem:$0x79C] =	sst s1  }
0x2a2: {  	s1 =	sld [smem:$0x6D2]  }
0x2a3: {  	[smem:$0x729] =	sst s2  }
0x2a4: {  	s2 =	sld [smem:$0x6D3];
	_ =	sdelay $0x2  }
0x2a5: {  	s1 =	sadd.s32 s2, s1;
	s2 =	sld [smem:$0x6D5]  }
0x2a6: {  	[smem:$0x79A] =	sst s1  }
0x2a7: {  	(v2sf) =	vpush v25, $0x3;
	s0 =	sshra.s32 s0, $0x1F;
	s1 =	sld [smem:$0x6D4]  }
0x2a8: {  	s0 =	smul.u32 $0x4EC4EC4F, s0;
	_ =	sdelay $0x1  }
0x2a9: {  	[smem:$0x72A] =	sst s0;
	s0 =	spop (v2sf);
	s1 =	sadd.s32 s2, s1  }
0x2aa: {  	s2 =	smulhi.u32 $0x4EC4EC4F, s0;
	[smem:$0x79D] =	sst s1  }
0x2ab: {  	s1 =	sld [smem:$0x6D6]  }
0x2ac: {  	[smem:$0x72B] =	sst s2  }
0x2ad: {  	s2 =	sld [smem:$0x6D7];
	_ =	sdelay $0x2  }
0x2ae: {  	s1 =	sadd.s32 s2, s1;
	s2 =	sld [smem:$0x6D9]  }
0x2af: {  	[smem:$0x79F] =	sst s1  }
0x2b0: {  	(v2sf) =	vpush v25, $0x4;
	s0 =	sshra.s32 s0, $0x1F;
	s1 =	sld [smem:$0x6D8]  }
0x2b1: {  	s0 =	smul.u32 $0x4EC4EC4F, s0;
	_ =	sdelay $0x1  }
0x2b2: {  	[smem:$0x72C] =	sst s0;
	s0 =	spop (v2sf);
	s1 =	sadd.s32 s2, s1  }
0x2b3: {  	s2 =	smulhi.u32 $0x4EC4EC4F, s0;
	[smem:$0x7A2] =	sst s1  }
0x2b4: {  	s1 =	sld [smem:$0x6DA]  }
0x2b5: {  	[smem:$0x72D] =	sst s2  }
0x2b6: {  	s2 =	sld [smem:$0x6DB];
	_ =	sdelay $0x2  }
0x2b7: {  	s1 =	sadd.s32 s2, s1;
	s2 =	sld [smem:$0x6DD]  }
0x2b8: {  	[smem:$0x7A0] =	sst s1  }
0x2b9: {  	(v2sf) =	vpush v25, $0x5;
	s0 =	sshra.s32 s0, $0x1F;
	s1 =	sld [smem:$0x6DC]  }
0x2ba: {  	s0 =	smul.u32 $0x4EC4EC4F, s0;
	_ =	sdelay $0x1  }
0x2bb: {  	[smem:$0x72E] =	sst s0;
	s0 =	spop (v2sf);
	s1 =	sadd.s32 s2, s1  }
0x2bc: {  	s2 =	smulhi.u32 $0x4EC4EC4F, s0;
	[smem:$0x7A4] =	sst s1  }
0x2bd: {  	s1 =	sld [smem:$0x6DE]  }
0x2be: {  	[smem:$0x72F] =	sst s2  }
0x2bf: {  	s2 =	sld [smem:$0x6DF];
	_ =	sdelay $0x2  }
0x2c0: {  	s1 =	sadd.s32 s2, s1;
	s2 =	sld [smem:$0x6E1]  }
0x2c1: {  	[smem:$0x7A6] =	sst s1  }
0x2c2: {  	(v2sf) =	vpush v25, $0x6;
	s0 =	sshra.s32 s0, $0x1F;
	s1 =	sld [smem:$0x6E0]  }
0x2c3: {  	s0 =	smul.u32 $0x4EC4EC4F, s0;
	_ =	sdelay $0x1  }
0x2c4: {  	[smem:$0x730] =	sst s0;
	s0 =	spop (v2sf);
	s1 =	sadd.s32 s2, s1  }
0x2c5: {  	s2 =	smulhi.u32 $0x4EC4EC4F, s0;
	[smem:$0x799] =	sst s1  }
0x2c6: {  	s1 =	sld [smem:$0x6E2]  }
0x2c7: {  	[smem:$0x731] =	sst s2  }
0x2c8: {  	s2 =	sld [smem:$0x6E3];
	_ =	sdelay $0x2  }
0x2c9: {  	s1 =	sadd.s32 s2, s1;
	s2 =	sld [smem:$0x6E5]  }
0x2ca: {  	[smem:$0x79B] =	sst s1  }
0x2cb: {  	(v2sf) =	vpush v25, $0x7;
	s0 =	sshra.s32 s0, $0x1F;
	s1 =	sld [smem:$0x6E4]  }
0x2cc: {  	s0 =	smul.u32 $0x4EC4EC4F, s0;
	_ =	sdelay $0x1  }
0x2cd: {  	[smem:$0x732] =	sst s0;
	s0 =	spop (v2sf);
	s1 =	sadd.s32 s2, s1  }
0x2ce: {  	s2 =	smulhi.u32 $0x4EC4EC4F, s0;
	[smem:$0x79E] =	sst s1  }
0x2cf: {  	s1 =	sld [smem:$0x6E6]  }
0x2d0: {  	v0 =	vld [tilespmem:$0x1FF90];
	[smem:$0x733] =	sst s2  }
0x2d1: {  	s2 =	sld [smem:$0x6E7];
	_ =	sdelay $0x2  }
0x2d2: {  	s1 =	sadd.s32 s2, s1;
	s2 =	sld [smem:$0x6E9]  }
0x2d3: {  	v26 =	vadd.s32 s14, v0;
	[smem:$0x7A1] =	sst s1  }
0x2d4: {  	(v2sf) =	vpush v26, $0xD;
	s0 =	sshra.s32 s0, $0x1F;
	s1 =	sld [smem:$0x6E8]  }
0x2d5: {  	s0 =	smul.u32 $0x4EC4EC4F, s0;
	_ =	sdelay $0x1  }
0x2d6: {  	[smem:$0x734] =	sst s0;
	s0 =	spop (v2sf);
	s1 =	sadd.s32 s2, s1  }
0x2d7: {  	s2 =	smulhi.u32 $0x4EC4EC4F, s0;
	[smem:$0x7A3] =	sst s1  }
0x2d8: {  	s1 =	sld [smem:$0x6EA]  }
0x2d9: {  	[smem:$0x735] =	sst s2  }
0x2da: {  	s2 =	sld [smem:$0x6EB];
	_ =	sdelay $0x2  }
0x2db: {  	s1 =	sadd.s32 s2, s1;
	s2 =	sld [smem:$0x6ED]  }
0x2dc: {  	[smem:$0x7A5] =	sst s1  }
0x2dd: {  	(v2sf) =	vpush v26, $0xC;
	s0 =	sshra.s32 s0, $0x1F;
	s1 =	sld [smem:$0x6EC]  }
0x2de: {  	s0 =	smul.u32 $0x4EC4EC4F, s0;
	_ =	sdelay $0x1  }
0x2df: {  	[smem:$0x736] =	sst s0;
	s0 =	spop (v2sf);
	s1 =	sadd.s32 s2, s1  }
0x2e0: {  	s2 =	smulhi.u32 $0x4EC4EC4F, s0;
	[smem:$0x7A7] =	sst s1  }
0x2e1: {  	s1 =	sld [smem:$0x6EE]  }
0x2e2: {  	[smem:$0x737] =	sst s2  }
0x2e3: {  	s2 =	sld [smem:$0x6EF];
	_ =	sdelay $0x2  }
0x2e4: {  	s1 =	sadd.s32 s2, s1;
	s2 =	sld [smem:$0x6F1]  }
0x2e5: {  	[smem:$0x798] =	sst s1  }
0x2e6: {  	(v2sf) =	vpush v26, $0xE;
	s0 =	sshra.s32 s0, $0x1F;
	s1 =	sld [smem:$0x6F0]  }
0x2e7: {  	s0 =	smul.u32 $0x4EC4EC4F, s0;
	_ =	sdelay $0x1  }
0x2e8: {  	[smem:$0x738] =	sst s0;
	s0 =	spop (v2sf);
	s1 =	sadd.s32 s2, s1  }
0x2e9: {  	s2 =	smulhi.u32 $0x4EC4EC4F, s0;
	[smem:$0x7A8] =	sst s1  }
0x2ea: {  	s1 =	sld [smem:$0x6F2]  }
0x2eb: {  	[smem:$0x739] =	sst s2  }
0x2ec: {  	s2 =	sld [smem:$0x6F3];
	_ =	sdelay $0x2  }
0x2ed: {  	s1 =	sadd.s32 s2, s1;
	s2 =	sld [smem:$0x6F5]  }
0x2ee: {  	[smem:$0x7AA] =	sst s1  }
0x2ef: {  	(v2sf) =	vpush v26, $0xF;
	s0 =	sshra.s32 s0, $0x1F;
	s1 =	sld [smem:$0x6F4]  }
0x2f0: {  	s0 =	smul.u32 $0x4EC4EC4F, s0;
	_ =	sdelay $0x1  }
0x2f1: {  	[smem:$0x73A] =	sst s0;
	s0 =	spop (v2sf);
	s1 =	sadd.s32 s2, s1  }
0x2f2: {  	s2 =	smulhi.u32 $0x4EC4EC4F, s0;
	[smem:$0x7AC] =	sst s1  }
0x2f3: {  	s1 =	sld [smem:$0x6F6]  }
0x2f4: {  	[smem:$0x73B] =	sst s2  }
0x2f5: {  	s2 =	sld [smem:$0x6F7];
	_ =	sdelay $0x2  }
0x2f6: {  	s1 =	sadd.s32 s2, s1;
	s2 =	sld [smem:$0x6F9]  }
0x2f7: {  	[smem:$0x7AE] =	sst s1  }
0x2f8: {  	(v2sf) =	vpush v26, $0x9;
	s0 =	sshra.s32 s0, $0x1F;
	s1 =	sld [smem:$0x6F8]  }
0x2f9: {  	s0 =	smul.u32 $0x4EC4EC4F, s0;
	_ =	sdelay $0x1  }
0x2fa: {  	[smem:$0x73C] =	sst s0;
	s0 =	spop (v2sf);
	s1 =	sadd.s32 s2, s1  }
0x2fb: {  	s2 =	smulhi.u32 $0x4EC4EC4F, s0;
	[smem:$0x7B2] =	sst s1  }
0x2fc: {  	s1 =	sld [smem:$0x6FA]  }
0x2fd: {  	[smem:$0x73D] =	sst s2  }
0x2fe: {  	s2 =	sld [smem:$0x6FB];
	_ =	sdelay $0x2  }
0x2ff: {  	s1 =	sadd.s32 s2, s1;
	s2 =	sld [smem:$0x6FD]  }
0x300: {  	(v2sf) =	vpush v26, $0x8;
	[smem:$0x7B0] =	sst s1  }
0x301: {  	s0 =	sshra.s32 s0, $0x1F;
	s1 =	sld [smem:$0x6FC]  }
0x302: {  	s0 =	smul.u32 $0x4EC4EC4F, s0;
	_ =	sdelay $0x1  }
0x303: {  	[smem:$0x73E] =	sst s0;
	s0 =	spop (v2sf);
	s1 =	sadd.s32 s2, s1  }
0x304: {  	s2 =	smulhi.u32 $0x4EC4EC4F, s0;
	[smem:$0x7B4] =	sst s1  }
0x305: {  	s1 =	sld [smem:$0x6FE]  }
0x306: {  	[smem:$0x73F] =	sst s2  }
0x307: {  	s2 =	sld [smem:$0x6FF];
	_ =	sdelay $0x2  }
0x308: {  	s1 =	sadd.s32 s2, s1;
	s2 =	sld [smem:$0x701]  }
0x309: {  	s0 =	sshra.s32 s0, $0x1F;
	[smem:$0x7B6] =	sst s1  }
0x30a: {  	s0 =	smul.u32 $0x4EC4EC4F, s0;
	s1 =	sld [smem:$0x700]  }
0x30b: {  	[dreg:$0xd] =	wrdreg s4  }
0x30c: {  	[smem:$0x740] =	sst s0;
	s0 =	spop (v2sf)  }
0x30d: {  	[dreg:$0xc] =	wrdreg s14;
	s1 =	sadd.s32 s2, s1;
	s2 =	smulhi.u32 $0x4EC4EC4F, s0  }
0x30e: {  	s0 =	sshra.s32 s0, $0x1F;
	[smem:$0x7AB] =	sst s1  }
0x30f: {  	s0 =	smul.u32 $0x4EC4EC4F, s0;
	[smem:$0x741] =	sst s2;
	s2 =	sadd.s32 s16, s17  }
0x310: {  	[smem:$0x7AD] =	sst s2  }
0x311: {  	s17 =	sadd.s32 s20, s18;
	[smem:$0x742] =	sst s0  }
0x312: {  	s20 =	sadd.s32 s21, s19;
	[smem:$0x7AF] =	sst s17  }
0x313: {  	s19 =	sadd.s32 s24, s9;
	[smem:$0x7B1] =	sst s20  }
0x314: {  	(v2sf) =	vpush v26, $0xA;
	s2 =	sadd.s32 s23, s22;
	[smem:$0x7B7] =	sst s19  }
0x315: {  	s23 =	sadd.s32 s26, s11;
	s26 =	sadd.s32 s31, s29;
	s29 =	sld [smem:$0x702]  }
0x316: {  	(v2sf) =	vpush v26, $0xB;
	s22 =	sadd.s32 s25, s8;
	s25 =	sadd.s32 s30, s28;
	s30 =	sld [smem:$0x703]  }
0x317: {  	s17 =	sadd.s32 s12, s15;
	s15 =	sld [smem:$0x704]  }
0x318: {  	s19 =	sld [smem:$0x707]  }
0x319: {  	[smem:$0x7B3] =	sst s2  }
0x31a: {  	s20 =	sadd.s32 s7, s6;
	[smem:$0x7B5] =	sst s17  }
0x31b: {  	(v2sf) =	vpush v26, $0x0;
	[smem:$0x7A9] =	sst s20  }
0x31c: {  	[smem:$0x7B9] =	sst s22  }
0x31d: {  	(v2sf) =	vpush v26, $0x1;
	[smem:$0x7BB] =	sst s23  }
0x31e: {  	[smem:$0x7BC] =	sst s25  }
0x31f: {  	s31 =	sadd.s32 s10, s3;
	[smem:$0x7BE] =	sst s26  }
0x320: {  	(v2sf) =	vpush v26, $0x2;
	[smem:$0x7C0] =	sst s31  }
0x321: {  	s17 =	sld [smem:$0x706]  }
0x322: {  	(v2sf) =	vpush v26, $0x3;
	s20 =	sld [smem:$0x708]  }
0x323: {  	s16 =	spop (v2sf);
	s22 =	sld [smem:$0x709]  }
0x324: {  	s18 =	smulhi.u32 $0x4EC4EC4F, s16;
	s23 =	sld [smem:$0x70A]  }
0x325: {  	s0 =	sshra.s32 s16, $0x1F;
	s21 =	spop (v2sf);
	s25 =	sld [smem:$0x70B]  }
0x326: {  	(v2sf) =	vpush v26, $0x4;
	s0 =	smul.u32 $0x4EC4EC4F, s0;
	s26 =	sld [smem:$0x70C]  }
0x327: {  	(v2sf) =	vpush v26, $0x5;
	s16 =	smulhi.u32 $0x4EC4EC4F, s21;
	[smem:$0x743] =	sst s18  }
0x328: {  	[smem:$0x744] =	sst s0  }
0x329: {  	[smem:$0x745] =	sst s16  }
0x32a: {  	s18 =	spop (v2sf);
	s16 =	sld [smem:$0x705]  }
0x32b: {  	v27 =	vadd.s32 s4, v0;
	s4 =	smulhi.u32 $0x4EC4EC4F, s18;
	s1 =	sadd.s32 s30, s29;
	s29 =	sld [smem:$0x70D]  }
0x32c: {  	s0 =	sshra.s32 s21, $0x1F;
	s21 =	spop (v2sf);
	s30 =	sld [smem:$0x70E]  }
0x32d: {  	s12 =	smul.u32 $0x4EC4EC4F, s0;
	[smem:$0x7C1] =	sst s1  }
0x32e: {  	s6 =	smulhi.u32 $0x4EC4EC4F, s21;
	s1 =	sadd.s32 s15, s13;
	s13 =	sld [smem:$0x70F]  }
0x32f: {  	s0 =	sshra.s32 s18, $0x1F;
	s24 =	spop (v2sf);
	s15 =	sld [smem:$0x710]  }
0x330: {  	s7 =	smul.u32 $0x4EC4EC4F, s0;
	s0 =	sshra.s32 s21, $0x1F;
	[smem:$0x7C3] =	sst s1  }
0x331: {  	s28 =	spop (v2sf);
	s1 =	sadd.s32 s17, s16;
	s17 =	sld [smem:$0x711]  }
0x332: {  	s8 =	smul.u32 $0x4EC4EC4F, s0;
	[smem:$0x7C5] =	sst s1  }
0x333: {  	(v2sf) =	vpush v26, $0x6;
	s0 =	sshra.s32 s24, $0x1F;
	s1 =	sadd.s32 s20, s19;
	s20 =	sld [smem:$0x713]  }
0x334: {  	s0 =	smul.u32 $0x4EC4EC4F, s0;
	[smem:$0x7BA] =	sst s1  }
0x335: {  	s2 =	spop (v2sf);
	s1 =	sadd.s32 s23, s22;
	s23 =	sld [smem:$0x715]  }
0x336: {  	s18 =	spop (v2sf);
	[smem:$0x746] =	sst s0  }
0x337: {  	(v2sf) =	vpush v26, $0x7;
	s21 =	smulhi.u32 $0x4EC4EC4F, s18;
	[smem:$0x7BD] =	sst s1  }
0x338: {  	s1 =	sadd.s32 s26, s25;
	s26 =	sld [smem:$0x717]  }
0x339: {  	[smem:$0x748] =	sst s21  }
0x33a: {  	s0 =	sshra.s32 s28, $0x1F;
	[smem:$0x7BF] =	sst s1  }
0x33b: {  	s3 =	smul.u32 $0x4EC4EC4F, s0;
	s21 =	sld [smem:$0x714]  }
0x33c: {  	(v2sf) =	vpush v27, $0xD;
	s0 =	sshra.s32 s2, $0x1F;
	s1 =	sadd.s32 s30, s29;
	s30 =	sld [smem:$0x719]  }
0x33d: {  	s0 =	smul.u32 $0x4EC4EC4F, s0;
	[smem:$0x7C2] =	sst s1  }
0x33e: {  	s1 =	sadd.s32 s15, s13;
	s15 =	sld [smem:$0x71B]  }
0x33f: {  	(v2sf) =	vpush v27, $0xC;
	s9 =	smulhi.u32 $0x4EC4EC4F, s24;
	[smem:$0x747] =	sst s0;
	s0 =	sshra.s32 s18, $0x1F  }
0x340: {  	[smem:$0x7C4] =	sst s1;
	s0 =	smul.u32 $0x4EC4EC4F, s0  }
0x341: {  	(v2sf) =	vpush v27, $0xE;
	s11 =	smulhi.u32 $0x4EC4EC4F, s28;
	s18 =	sld [smem:$0x712]  }
0x342: {  	s24 =	spop (v2sf);
	[smem:$0x749] =	sst s0  }
0x343: {  	s28 =	smulhi.u32 $0x4EC4EC4F, s24;
	s0 =	sshra.s32 s24, $0x1F;
	s24 =	sld [smem:$0x716]  }
0x344: {  	s1 =	sadd.s32 s18, s17;
	s18 =	sld [smem:$0x71D]  }
0x345: {  	[smem:$0x74A] =	sst s28  }
0x346: {  	s31 =	spop (v2sf);
	[smem:$0x7C6] =	sst s1  }
0x347: {  	s16 =	smulhi.u32 $0x4EC4EC4F, s31;
	s28 =	sld [smem:$0x718]  }
0x348: {  	s1 =	sadd.s32 s21, s20;
	s21 =	sld [smem:$0x71F]  }
0x349: {  	(v2sf) =	vpush v27, $0xF;
	[smem:$0x74C] =	sst s16  }
0x34a: {  	s0 =	smul.u32 $0x4EC4EC4F, s0;
	[smem:$0x7C7] =	sst s1  }
0x34b: {  	s19 =	spop (v2sf);
	s16 =	sld [smem:$0x71C]  }
0x34c: {  	s22 =	smulhi.u32 $0x4EC4EC4F, s19;
	[smem:$0x74B] =	sst s0  }
0x34d: {  	s0 =	sshra.s32 s31, $0x1F;
	s31 =	sld [smem:$0x71A]  }
0x34e: {  	s25 =	spop (v2sf);
	s1 =	sadd.s32 s24, s23;
	[smem:$0x74E] =	sst s22  }
0x34f: {  	s29 =	smulhi.u32 $0x4EC4EC4F, s25;
	[smem:$0x7B8] =	sst s1  }
0x350: {  	s13 =	spop (v2sf);
	s1 =	sadd.s32 s28, s26;
	s22 =	sld [smem:$0x720]  }
0x351: {  	s0 =	smul.u32 $0x4EC4EC4F, s0;
	[smem:$0x7CB] =	sst s1  }
0x352: {  	s17 =	smulhi.u32 $0x4EC4EC4F, s13;
	[smem:$0x750] =	sst s29  }
0x353: {  	[smem:$0x74D] =	sst s0;
	s0 =	sshra.s32 s19, $0x1F  }
0x354: {  	[smem:$0x752] =	sst s17;
	s0 =	smul.u32 $0x4EC4EC4F, s0  }
0x355: {  	s19 =	sld [smem:$0x71E]  }
0x356: {  	s1 =	sadd.s32 s31, s30;
	[smem:$0x74F] =	sst s0;
	s0 =	sshra.s32 s25, $0x1F  }
0x357: {  	(v2sf) =	vpush v27, $0x9;
	[smem:$0x7CA] =	sst s1;
	s1 =	sadd.s32 s16, s15;
	s0 =	smul.u32 $0x4EC4EC4F, s0  }
0x358: {  	(v2sf) =	vpush v27, $0x8;
	s20 =	spop (v2sf);
	[smem:$0x7CD] =	sst s1  }
0x359: {  	(v2sf) =	vpush v27, $0xA;
	s1 =	sadd.s32 s19, s18;
	[smem:$0x751] =	sst s0;
	s0 =	sshra.s32 s13, $0x1F  }
0x35a: {  	(v2sf) =	vpush v27, $0xB;
	[smem:$0x7CE] =	sst s1;
	s1 =	sadd.s32 s22, s21;
	s0 =	smul.u32 $0x4EC4EC4F, s0  }
0x35b: {  	(v2sf) =	vpush v27, $0x0;
	s23 =	smulhi.u32 $0x4EC4EC4F, s20;
	[smem:$0x7D2] =	sst s1  }
0x35c: {  	(v2sf) =	vpush v27, $0x1;
	[smem:$0x753] =	sst s0  }
0x35d: {  	s4 =	sadd.s32 s7, s4;
	(v2sf) =	vpush v27, $0x2;
	[smem:$0x754] =	sst s23  }
0x35e: {  	s6 =	sadd.s32 s8, s6;
	[smem:$0x7DA] =	sst s4  }
0x35f: {  	s11 =	sadd.s32 s3, s11;
	[smem:$0x7DD] =	sst s6  }
0x360: {  	[smem:$0x7E1] =	sst s11  }
0x361: {  	s1 =	sld [smem:$0x721]  }
0x362: {  	s24 =	sld [smem:$0x722]  }
0x363: {  	s26 =	sld [smem:$0x723]  }
0x364: {  	s28 =	sld [smem:$0x724]  }
0x365: {  	s30 =	sld [smem:$0x725]  }
0x366: {  	s31 =	sld [smem:$0x726]  }
0x367: {  	s15 =	sld [smem:$0x727]  }
0x368: {  	s16 =	sld [smem:$0x728]  }
0x369: {  	s18 =	sld [smem:$0x729]  }
0x36a: {  	s19 =	sld [smem:$0x72A]  }
0x36b: {  	s21 =	sld [smem:$0x72B]  }
0x36c: {  	s22 =	sld [smem:$0x72C]  }
0x36d: {  	s23 =	sld [smem:$0x72D]  }
0x36e: {  	s10 =	smulhi.u32 $0x4EC4EC4F, s2;
	s0 =	sshra.s32 s20, $0x1F;
	s2 =	sld [smem:$0x72F]  }
0x36f: {  	s0 =	smul.u32 $0x4EC4EC4F, s0;
	s8 =	sld [smem:$0x746]  }
0x370: {  	s25 =	spop (v2sf);
	s3 =	sld [smem:$0x747]  }
0x371: {  	s4 =	sld [smem:$0x748];
	s29 =	smulhi.u32 $0x4EC4EC4F, s25  }
0x372: {  	[smem:$0x755] =	sst s0  }
0x373: {  	s13 =	spop (v2sf);
	[smem:$0x756] =	sst s29  }
0x374: {  	v0 =	vld [tilespmem:$0x1FFB0];
	s17 =	smulhi.u32 $0x4EC4EC4F, s13;
	s1 =	sadd.s32 s24, s1;
	s24 =	sld [smem:$0x72E]  }
0x375: {  	[smem:$0x7D0] =	sst s1  }
0x376: {  	s1 =	sadd.s32 s28, s26;
	[smem:$0x757] =	sst s17  }
0x377: {  	s0 =	sshra.s32 s25, $0x1F;
	[smem:$0x7D4] =	sst s1;
	s1 =	sadd.s32 s31, s30  }
0x378: {  	s31 =	smul.u32 $0x4EC4EC4F, s0;
	s0 =	sshra.s32 s13, $0x1F;
	s13 =	sld [smem:$0x730]  }
0x379: {  	v28 =	vadd.s32 s14, v0;
	s14 =	sld [smem:$0x738]  }
0x37a: {  	[smem:$0x7D6] =	sst s1  }
0x37b: {  	s20 =	spop (v2sf);
	s1 =	sadd.s32 s16, s15;
	s15 =	sld [smem:$0x731]  }
0x37c: {  	s29 =	smulhi.u32 $0x4EC4EC4F, s20;
	s16 =	sld [smem:$0x732]  }
0x37d: {  	s30 =	smul.u32 $0x4EC4EC4F, s0;
	s0 =	sshra.s32 s20, $0x1F;
	s20 =	sld [smem:$0x735]  }
0x37e: {  	[smem:$0x7C9] =	sst s1  }
0x37f: {  	s1 =	sadd.s32 s19, s18;
	s18 =	sld [smem:$0x733]  }
0x380: {  	s19 =	sld [smem:$0x734]  }
0x381: {  	[smem:$0x7CC] =	sst s1  }
0x382: {  	s1 =	sadd.s32 s22, s21;
	s21 =	sld [smem:$0x736]  }
0x383: {  	[smem:$0x7CF] =	sst s1;
	s1 =	sadd.s32 s24, s23  }
0x384: {  	[smem:$0x7D1] =	sst s1  }
0x385: {  	s25 =	spop (v2sf);
	s1 =	sadd.s32 s13, s2;
	s13 =	sld [smem:$0x737]  }
0x386: {  	s28 =	smulhi.u32 $0x4EC4EC4F, s25;
	[smem:$0x7D3] =	sst s1  }
0x387: {  	s17 =	spop (v2sf);
	s1 =	sadd.s32 s16, s15;
	s15 =	sld [smem:$0x739]  }
0x388: {  	(v2sf) =	vpush v27, $0x3;
	s26 =	smul.u32 $0x4EC4EC4F, s0;
	s0 =	sshra.s32 s25, $0x1F;
	s16 =	sld [smem:$0x73A]  }
0x389: {  	s25 =	smul.u32 $0x4EC4EC4F, s0;
	[smem:$0x7D5] =	sst s1;
	s1 =	sadd.s32 s19, s18  }
0x38a: {  	(v2sf) =	vpush v27, $0x4;
	s0 =	sshra.s32 s17, $0x1F;
	s22 =	spop (v2sf);
	[smem:$0x7D7] =	sst s1  }
0x38b: {  	s23 =	smulhi.u32 $0x4EC4EC4F, s22;
	s1 =	sadd.s32 s21, s20;
	s21 =	sld [smem:$0x73B]  }
0x38c: {  	s20 =	smul.u32 $0x4EC4EC4F, s0;
	s0 =	sshra.s32 s22, $0x1F;
	s22 =	sld [smem:$0x73C]  }
0x38d: {  	(v2sf) =	vpush v27, $0x5;
	[smem:$0x7C8] =	sst s1  }
0x38e: {  	(v2sf) =	vpush v27, $0x6;
	s1 =	sadd.s32 s14, s13;
	s13 =	sld [smem:$0x73D]  }
0x38f: {  	s14 =	sld [smem:$0x73E]  }
0x390: {  	[smem:$0x7DB] =	sst s1;
	s1 =	sadd.s32 s16, s15  }
0x391: {  	s24 =	smulhi.u32 $0x4EC4EC4F, s17;
	[smem:$0x7D9] =	sst s1  }
0x392: {  	s17 =	spop (v2sf);
	s1 =	sadd.s32 s22, s21;
	s21 =	sld [smem:$0x73F]  }
0x393: {  	s18 =	smulhi.u32 $0x4EC4EC4F, s17;
	s22 =	sld [smem:$0x740]  }
0x394: {  	s19 =	smul.u32 $0x4EC4EC4F, s0;
	[smem:$0x7DC] =	sst s1  }
0x395: {  	(v2sf) =	vpush v27, $0x7;
	s0 =	sshra.s32 s17, $0x1F;
	s1 =	sadd.s32 s14, s13;
	s13 =	sld [smem:$0x741]  }
0x396: {  	(v2sf) =	vpush v28, $0xD;
	s17 =	smul.u32 $0x4EC4EC4F, s0;
	s14 =	sld [smem:$0x742]  }
0x397: {  	s15 =	spop (v2sf);
	[smem:$0x7DE] =	sst s1;
	s1 =	sadd.s32 s22, s21  }
0x398: {  	s16 =	smulhi.u32 $0x4EC4EC4F, s15;
	s0 =	sshra.s32 s15, $0x1F;
	[dreg:$0x1b] =	wrdreg s1  }
0x399: {  	s15 =	spop (v2sf);
	s1 =	sadd.s32 s14, s13;
	s13 =	sld [smem:$0x743]  }
0x39a: {  	s21 =	smul.u32 $0x4EC4EC4F, s0;
	s14 =	sld [smem:$0x744]  }
0x39b: {  	(v2sf) =	vpush v28, $0xC;
	s22 =	smulhi.u32 $0x4EC4EC4F, s15;
	s0 =	sshra.s32 s15, $0x1F;
	s15 =	sld [smem:$0x745]  }
0x39c: {  	s6 =	sld [smem:$0x749];
	s2 =	spop (v2sf)  }
0x39d: {  	s7 =	spop (v2sf);
	[smem:$0x7DF] =	sst s1;
	s1 =	sadd.s32 s14, s13  }
0x39e: {  	[dreg:$0x1c] =	wrdreg s1;
	s1 =	sadd.s32 s12, s15;
	s15 =	smul.u32 $0x4EC4EC4F, s0  }
0x39f: {  	s0 =	sshra.s32 s2, $0x1F;
	[dreg:$0x1a] =	wrdreg s1;
	s1 =	sadd.s32 s8, s9  }
0x3a0: {  	s13 =	smul.u32 $0x4EC4EC4F, s0;
	s0 =	sshra.s32 s7, $0x1F;
	[smem:$0x7E0] =	sst s1  }
0x3a1: {  	s11 =	smul.u32 $0x4EC4EC4F, s0;
	s0 =	sadd.s32 s3, s10;
	s3 =	sld [smem:$0x74A]  }
0x3a2: {  	s14 =	smulhi.u32 $0x4EC4EC4F, s2;
	[smem:$0x7E2] =	sst s0  }
0x3a3: {  	s12 =	smulhi.u32 $0x4EC4EC4F, s7;
	s0 =	sadd.s32 s6, s4;
	s4 =	sld [smem:$0x74B]  }
0x3a4: {  	s2 =	spop (v2sf);
	s6 =	sld [smem:$0x74C]  }
0x3a5: {  	s7 =	spop (v2sf);
	s1 =	sshra.s32 s2, $0x1F;
	[smem:$0x7E3] =	sst s0  }
0x3a6: {  	s8 =	smulhi.u32 $0x4EC4EC4F, s7;
	s0 =	sshra.s32 s7, $0x1F;
	s7 =	sld [smem:$0x74D]  }
0x3a7: {  	s9 =	smul.u32 $0x4EC4EC4F, s1;
	s1 =	sadd.s32 s4, s3;
	s4 =	sld [smem:$0x74E]  }
0x3a8: {  	[smem:$0x7E4] =	sst s1  }
0x3a9: {  	s1 =	sadd.s32 s7, s6;
	s6 =	sld [smem:$0x74F]  }
0x3aa: {  	(v2sf) =	vpush v28, $0xE;
	s3 =	spop (v2sf)  }
0x3ab: {  	s7 =	smul.u32 $0x4EC4EC4F, s0;
	s0 =	sshra.s32 s3, $0x1F;
	[smem:$0x7D8] =	sst s1  }
0x3ac: {  	(v2sf) =	vpush v28, $0xF;
	s1 =	sadd.s32 s6, s4;
	s6 =	smulhi.u32 $0x4EC4EC4F, s3;
	s3 =	sld [smem:$0x750]  }
0x3ad: {  	s4 =	sld [smem:$0x751]  }
0x3ae: {  	s10 =	smulhi.u32 $0x4EC4EC4F, s2;
	s2 =	sld [smem:$0x752]  }
0x3af: {  	[dreg:$0x16] =	wrdreg s1  }
0x3b0: {  	s1 =	sadd.s32 s4, s3;
	s4 =	sld [smem:$0x753]  }
0x3b1: {  	(v2sf) =	vpush v28, $0x9  }
0x3b2: {  	[dreg:$0x1e] =	wrdreg s1  }
0x3b3: {  	(v2sf) =	vpush v28, $0x8;
	s1 =	sadd.s32 s4, s2;
	s4 =	sld [smem:$0x755]  }
0x3b4: {  	[dreg:$0x18] =	wrdreg s1  }
0x3b5: {  	s1 =	sld [smem:$0x754]  }
0x3b6: {  	s29 =	sadd.s32 s26, s29;
	(v2sf) =	vpush v28, $0xA  }
0x3b7: {  	[dreg:$0x14] =	wrdreg s29  }
0x3b8: {  	(v2sf) =	vpush v28, $0xB;
	s1 =	sadd.s32 s4, s1;
	s4 =	sld [smem:$0x756]  }
0x3b9: {  	s3 =	smul.u32 $0x4EC4EC4F, s0;
	s0 =	spop (v2sf)  }
0x3ba: {  	s2 =	smulhi.u32 $0x4EC4EC4F, s0;
	s0 =	sshra.s32 s0, $0x1F;
	[dreg:$0x15] =	wrdreg s1  }
0x3bb: {  	s1 =	smul.u32 $0x4EC4EC4F, s0;
	s0 =	spop (v2sf);
	s4 =	sadd.s32 s31, s4  }
0x3bc: {  	(v2sf) =	vpush v28, $0x0;
	s31 =	smulhi.u32 $0x4EC4EC4F, s0;
	s0 =	sshra.s32 s0, $0x1F;
	[dreg:$0x13] =	wrdreg s4  }
0x3bd: {  	s7 =	sadd.s32 s7, s8;
	s4 =	sld [smem:$0x757];
	s0 =	smul.u32 $0x4EC4EC4F, s0  }
0x3be: {  	(v2sf) =	vpush v28, $0x1;
	[dreg:$0xf] =	wrdreg s7;
	s3 =	sadd.s32 s3, s6  }
0x3bf: {  	[dreg:$0xe] =	wrdreg s3;
	s0 =	sadd.s32 s0, s31  }
0x3c0: {  	(v2sf) =	vpush v28, $0x2;
	s4 =	sadd.s32 s30, s4;
	s30 =	spop (v2sf);
	[smem:$0x7E6] =	sst s0  }
0x3c1: {  	[dreg:$0x17] =	wrdreg s4;
	s26 =	smulhi.u32 $0x4EC4EC4F, s30;
	s29 =	sshra.s32 s30, $0x1F  }
0x3c2: {  	s30 =	sadd.s32 s25, s28;
	s4 =	spop (v2sf);
	s28 =	sadd.s32 s19, s23  }
0x3c3: {  	(v2sf) =	vpush v28, $0x3;
	[dreg:$0x12] =	wrdreg s30;
	s25 =	smul.u32 $0x4EC4EC4F, s29;
	s29 =	sadd.s32 s20, s24  }
0x3c4: {  	s20 =	smulhi.u32 $0x4EC4EC4F, s4;
	s30 =	sshra.s32 s4, $0x1F;
	[smem:$0x7E5] =	sst s28  }
0x3c5: {  	(v2sf) =	vpush v28, $0x4;
	s24 =	sadd.s32 s17, s18;
	s19 =	smul.u32 $0x4EC4EC4F, s30;
	s30 =	spop (v2sf)  }
0x3c6: {  	[dreg:$0x1f] =	wrdreg s24;
	s17 =	smulhi.u32 $0x4EC4EC4F, s30  }
0x3c7: {  	(v2sf) =	vpush v28, $0x5;
	s28 =	sshra.s32 s30, $0x1F;
	s30 =	sadd.s32 s21, s16;
	s4 =	spop (v2sf)  }
0x3c8: {  	s21 =	sadd.s32 s13, s14;
	s14 =	sadd.s32 s9, s10;
	s9 =	sld [smem:$0x75B]  }
0x3c9: {  	s23 =	sadd.s32 s15, s22;
	[dreg:$0x1d] =	wrdreg s30;
	s16 =	smul.u32 $0x4EC4EC4F, s28  }
0x3ca: {  	s15 =	smulhi.u32 $0x4EC4EC4F, s4;
	s18 =	sshra.s32 s4, $0x1F;
	[dreg:$0x19] =	wrdreg s21  }
0x3cb: {  	s1 =	sadd.s32 s1, s2;
	s22 =	spop (v2sf);
	s13 =	smul.u32 $0x4EC4EC4F, s18  }
0x3cc: {  	s18 =	sadd.s32 s11, s12;
	s11 =	smulhi.u32 $0x4EC4EC4F, s22;
	s24 =	sshra.s32 s22, $0x1F  }
0x3cd: {  	s8 =	sadd.s32 s25, s26;
	s4 =	spop (v2sf);
	s28 =	smul.u32 $0x4EC4EC4F, s24  }
0x3ce: {  	[dreg:$0x11] =	wrdreg s8;
	s26 =	sadd.s32 s19, s20;
	s7 =	smulhi.u32 $0x4EC4EC4F, s4  }
0x3cf: {  	s12 =	sshra.s32 s4, $0x1F;
	s21 =	spop (v2sf);
	s17 =	sadd.s32 s16, s17  }
0x3d0: {  	s3 =	smul.u32 $0x4EC4EC4F, s12;
	s16 =	sadd.s32 s13, s15;
	s15 =	sld [smem:$0x758]  }
0x3d1: {  	s22 =	smulhi.u32 $0x4EC4EC4F, s21;
	s30 =	sshra.s32 s21, $0x1F;
	s13 =	sld [smem:$0x75D]  }
0x3d2: {  	s0 =	sshra.s32 s9, $0x5;
	s31 =	smul.u32 $0x4EC4EC4F, s30;
	s4 =	spop (v2sf)  }
0x3d3: {  	s10 =	smulhi.u32 $0x4EC4EC4F, s4;
	s2 =	sshra.s32 s4, $0x1F;
	s4 =	sld [smem:$0x75A]  }
0x3d4: {  	s25 =	sadd.s32 s28, s11;
	s2 =	smul.u32 $0x4EC4EC4F, s2;
	s19 =	spop (v2sf)  }
0x3d5: {  	s11 =	sshrl.u32 s9, $0x1F;
	s20 =	smulhi.u32 $0x4EC4EC4F, s19;
	s8 =	sshra.s32 s19, $0x1F  }
0x3d6: {  	s21 =	sadd.s32 s3, s7;
	s24 =	spop (v2sf);
	s8 =	smul.u32 $0x4EC4EC4F, s8  }
0x3d7: {  	s7 =	sshrl.u32 s4, $0x1F;
	s28 =	smulhi.u32 $0x4EC4EC4F, s24;
	s30 =	sshra.s32 s24, $0x1F  }
0x3d8: {  	s24 =	sadd.s32 s2, s10;
	s2 =	sshra.s32 s15, $0x1F;
	s10 =	sld [smem:$0x759]  }
0x3d9: {  	s22 =	sadd.s32 s31, s22;
	s6 =	sshra.s32 s4, $0x5;
	v7 =	vmov s7;
	s7 =	sld [smem:$0x75C];
	v5 =	vmov s2  }
0x3da: {  	vm13 =	vcmask $0x704;
	s31 =	smul.u32 $0x4EC4EC4F, s30;
	s20 =	sadd.s32 s8, s20;
	v5 =	vsel vm11, s6, v5;
	s8 =	sshra.s32 s4, $0x1F  }
0x3db: {  	s19 =	sshra.s32 s13, $0x5;
	s6 =	sld [smem:$0x75E];
	s3 =	sshrl.u32 s10, $0x1F;
	v5 =	vsel vm13, s8, v5  }
0x3dc: {  	vm14 =	vcmask $0xF0C;
	s9 =	sld [smem:$0x760];
	s28 =	sadd.s32 s31, s28;
	s31 =	sshra.s32 s13, $0x1F;
	v6 =	vmov s3;
	v5 =	vsel vm0, s19, v5  }
0x3dd: {  	s12 =	sshrl.u32 s7, $0x1F;
	v6 =	vsel vm0, s11, v6;
	v5 =	vsel vm14, s31, v5;
	s31 =	sld [smem:$0x762]  }
0x3de: {  	v7 =	vnsel vm11, $0x0, v7;
	s30 =	sshrl.u32 s13, $0x1F;
	s4 =	sshrl.u32 s6, $0x1F;
	v6 =	vsel vm1, s12, v6  }
0x3df: {  	s13 =	sshra.s32 s9, $0x5;
	s11 =	sld [smem:$0x75F];
	s12 =	sshrl.u32 s9, $0x1F;
	v8 =	vsel vm2, s4, v6;
	v6 =	vsel vm0, s30, v7  }
0x3e0: {  	s19 =	sshra.s32 s9, $0x1F;
	s4 =	sld [smem:$0x761];
	v6 =	vsel vm1, s12, v6;
	s9 =	sshrl.u32 s31, $0x1F  }
0x3e1: {  	v6 =	vsel vm2, s9, v6;
	s9 =	sld [smem:$0x763]  }
0x3e2: {  	s8 =	sshrl.u32 s11, $0x1F  }
0x3e3: {  	vm15 =	vcmask $0x1714;
	v5 =	vsel vm1, s13, v5;
	s13 =	sld [smem:$0x764];
	v7 =	vmov s8;
	s30 =	sshrl.u32 s4, $0x1F  }
0x3e4: {  	v5 =	vsel vm15, s19, v5;
	s8 =	sld [smem:$0x765];
	v7 =	vsel vm0, s30, v7;
	s30 =	sshra.s32 s31, $0x5;
	s12 =	sshrl.u32 s9, $0x1F  }
0x3e5: {  	s31 =	sshra.s32 s31, $0x1F;
	v5 =	vsel vm2, s30, v5;
	v7 =	vsel vm1, s12, v7;
	s12 =	sld [smem:$0x766]  }
0x3e6: {  	v5 =	vsel vm12, s31, v5;
	s31 =	sshra.s32 s10, $0x5;
	s10 =	sld [smem:$0x767]  }
0x3e7: {  	s19 =	sshrl.u32 s13, $0x1F  }
0x3e8: {  	[dreg:$0x10] =	wrdreg s1;
	v6 =	vsel vm5, s19, v6;
	s19 =	sshrl.u32 s8, $0x1F;
	s30 =	sshrl.u32 s12, $0x1F  }
0x3e9: {  	vm9 =	vcmask $0x2F2C;
	s1 =	sshra.s32 s7, $0x5;
	v35 =	vsel vm2, s19, v7;
	s19 =	sshra.s32 s13, $0x5;
	s3 =	sshrl.u32 s10, $0x1F;
	v6 =	vsel vm6, s30, v6  }
0x3ea: {  	s7 =	sshra.s32 s6, $0x5;
	v7 =	vmov s31;
	s31 =	sshrl.u32 s15, $0x1F;
	v5 =	vsel vm5, s19, v5;
	s30 =	sshra.s32 s13, $0x1F;
	v6 =	vsel vm7, s3, v6  }
0x3eb: {  	s19 =	sshra.s32 s12, $0x5;
	s13 =	sshra.s32 s11, $0x5;
	s11 =	sld [smem:$0x769];
	v5 =	vsel vm10, s30, v5;
	v9 =	vsel vm8, s31, v6;
	v6 =	vsel vm0, s0, v7  }
0x3ec: {  	s30 =	sshra.s32 s4, $0x5;
	s4 =	sshra.s32 s12, $0x1F;
	v7 =	vmov s13;
	v5 =	vsel vm6, s19, v5;
	s13 =	sld [smem:$0x768];
	v6 =	vsel vm1, s1, v6  }
0x3ed: {  	v5 =	vsel vm9, s4, v5;
	v60 =	vsel vm2, s7, v6;
	v6 =	vsel vm0, s30, v7;
	s7 =	sshra.s32 s10, $0x5;
	s30 =	sld [smem:$0x76A]  }
0x3ee: {  	s31 =	sshra.s32 s9, $0x5;
	s9 =	sshra.s32 s10, $0x1F;
	vm9 =	vcmask $0x3734;
	v5 =	vsel vm7, s7, v5;
	s7 =	sld [smem:$0x76B]  }
0x3ef: {  	s6 =	sshra.s32 s8, $0x5;
	s12 =	sshra.s32 s11, $0x5;
	v5 =	vsel vm9, s9, v5;
	s9 =	sld [smem:$0x76C]  }
0x3f0: {  	s19 =	sshra.s32 s11, $0x1F;
	s4 =	sld [smem:$0x76D];
	s8 =	sshra.s32 s13, $0x1F;
	v6 =	vsel vm1, s31, v6  }
0x3f1: {  	s10 =	sshra.s32 s15, $0x5;
	s15 =	sshrl.u32 s11, $0x1F;
	v7 =	vmov s8;
	v32 =	vsel vm2, s6, v6;
	s31 =	sshrl.u32 s30, $0x1F  }
0x3f2: {  	v6 =	vsel vm11, s12, v7;
	v56 =	vsel vm8, s10, v5;
	v5 =	vmov s15;
	s15 =	sld [smem:$0x76E];
	s8 =	sshrl.u32 s7, $0x1F;
	s10 =	sshra.s32 s9, $0x5  }
0x3f3: {  	v6 =	vsel vm13, s19, v6;
	s11 =	sshrl.u32 s9, $0x1F;
	s6 =	sshra.s32 s9, $0x1F;
	s9 =	sld [smem:$0x76F]  }
0x3f4: {  	s0 =	sshra.s32 s30, $0x5;
	s12 =	sshrl.u32 s4, $0x1F;
	v7 =	vmov s8;
	v6 =	vsel vm0, s10, v6;
	s10 =	sld [smem:$0x771]  }
0x3f5: {  	v5 =	vnsel vm11, $0x0, v5;
	s1 =	sshra.s32 s7, $0x5;
	s8 =	sld [smem:$0x770];
	v7 =	vsel vm0, s31, v7;
	s19 =	sshrl.u32 s15, $0x1F  }
0x3f6: {  	v5 =	vsel vm0, s11, v5;
	s30 =	sshra.s32 s15, $0x5;
	s11 =	sld [smem:$0x772];
	v7 =	vsel vm1, s12, v7;
	s7 =	sshrl.u32 s9, $0x1F  }
0x3f7: {  	s31 =	sshra.s32 s15, $0x1F;
	v57 =	vsel vm2, s7, v7;
	s15 =	sshrl.u32 s10, $0x1F;
	s7 =	sld [smem:$0x773]  }
0x3f8: {  	v6 =	vsel vm14, s6, v6;
	v7 =	vmov s15;
	s15 =	sld [smem:$0x774]  }
0x3f9: {  	v5 =	vsel vm1, s19, v5;
	v6 =	vsel vm1, s30, v6;
	s12 =	sshrl.u32 s8, $0x1F;
	s30 =	sshra.s32 s8, $0x5  }
0x3fa: {  	v5 =	vsel vm2, s12, v5;
	v6 =	vsel vm15, s31, v6;
	s19 =	sshrl.u32 s11, $0x1F;
	s31 =	sshra.s32 s8, $0x1F;
	s8 =	sshrl.u32 s7, $0x1F  }
0x3fb: {  	v5 =	vsel vm5, s19, v5;
	s12 =	sshrl.u32 s15, $0x1F;
	v7 =	vsel vm0, s8, v7;
	s8 =	sld [smem:$0x775]  }
0x3fc: {  	v5 =	vsel vm6, s12, v5;
	s12 =	sld [smem:$0x776]  }
0x3fd: {  	v6 =	vsel vm2, s30, v6  }
0x3fe: {  	v6 =	vsel vm12, s31, v6;
	s31 =	sshra.s32 s11, $0x5;
	s19 =	sshrl.u32 s8, $0x1F  }
0x3ff: {  	s30 =	sshrl.u32 s12, $0x1F;
	v7 =	vsel vm1, s19, v7;
	s19 =	sshra.s32 s11, $0x1F;
	s11 =	sld [smem:$0x777]  }
0x400: {  	s2 =	sshra.s32 s4, $0x5;
	s6 =	sld [smem:$0x77C];
	v6 =	vsel vm5, s31, v6;
	s31 =	sshrl.u32 s13, $0x1F;
	v5 =	vsel vm7, s30, v5  }
0x401: {  	s10 =	sshra.s32 s10, $0x5;
	s4 =	sshra.s32 s15, $0x5;
	v59 =	vsel vm8, s31, v5;
	v5 =	vsel vm10, s19, v6;
	v6 =	vmov s1;
	s19 =	sshra.s32 s15, $0x1F  }
0x402: {  	vm13 =	vcmask $0x2F2C;
	s30 =	sshrl.u32 s11, $0x1F;
	v5 =	vsel vm6, s4, v5;
	v6 =	vsel vm0, s0, v6;
	s31 =	sshra.s32 s11, $0x5;
	s11 =	sld [smem:$0x779]  }
0x403: {  	s3 =	sshra.s32 s9, $0x5;
	s9 =	sshra.s32 s7, $0x5;
	v63 =	vsel vm2, s30, v7;
	v7 =	vmov s10;
	v5 =	vsel vm13, s19, v5;
	s19 =	sld [smem:$0x77A]  }
0x404: {  	s7 =	sshra.s32 s12, $0x1F;
	s4 =	sshra.s32 s12, $0x5;
	v6 =	vsel vm1, s2, v6;
	v7 =	vsel vm0, s9, v7;
	s9 =	sld [smem:$0x778]  }
0x405: {  	vm9 =	vcmask $0x3734;
	s15 =	sld [smem:$0x77B];
	s30 =	sshra.s32 s8, $0x5;
	s8 =	sshra.s32 s13, $0x5;
	v5 =	vsel vm7, s4, v5;
	v6 =	vsel vm2, s3, v6  }
0x406: {  	s3 =	sshra.s32 s6, $0x5;
	[tilespmem:$0x1FD90] =	vst v6;
	v6 =	vsel vm1, s30, v7;
	v5 =	vsel vm9, s7, v5;
	s12 =	sshrl.u32 s11, $0x1F;
	s2 =	sshra.s32 s11, $0x5  }
0x407: {  	s13 =	sshra.s32 s19, $0x1F;
	v31 =	vsel vm2, s31, v6;
	v5 =	vsel vm8, s8, v5;
	v6 =	vmov s12;
	s12 =	sld [smem:$0x77E];
	s10 =	sshrl.u32 s9, $0x1F  }
0x408: {  	s30 =	sshrl.u32 s15, $0x1F;
	s31 =	sshra.s32 s15, $0x5;
	[tilespmem:$0x1FDA0] =	vst v5;
	v5 =	vmov s13;
	v6 =	vsel vm0, s10, v6;
	s10 =	sld [smem:$0x77D]  }
0x409: {  	vm9 =	vcmask $0x704;
	s0 =	sshra.s32 s9, $0x5;
	s9 =	sshra.s32 s15, $0x1F;
	v5 =	vsel vm11, s31, v5;
	s31 =	sld [smem:$0x77F]  }
0x40a: {  	s8 =	sshrl.u32 s6, $0x1F;
	v5 =	vsel vm9, s9, v5;
	s15 =	sshra.s32 s12, $0x5;
	s9 =	sld [smem:$0x781]  }
0x40b: {  	v7 =	vmov s30;
	s13 =	sshrl.u32 s12, $0x1F;
	s30 =	sshra.s32 s12, $0x1F;
	v5 =	vsel vm0, s15, v5;
	s15 =	sld [smem:$0x783]  }
0x40c: {  	v6 =	vsel vm1, s8, v6;
	s11 =	sshrl.u32 s10, $0x1F;
	s1 =	sshra.s32 s10, $0x5;
	s4 =	sshrl.u32 s31, $0x1F  }
0x40d: {  	v7 =	vnsel vm11, $0x0, v7;
	v5 =	vsel vm14, s30, v5;
	s12 =	sshra.s32 s31, $0x5;
	s10 =	sld [smem:$0x782];
	v6 =	vsel vm2, s11, v6;
	s11 =	sshrl.u32 s9, $0x1F  }
0x40e: {  	v7 =	vsel vm0, s13, v7;
	v5 =	vsel vm1, s12, v5;
	s12 =	sshra.s32 s9, $0x5;
	s6 =	sshra.s32 s9, $0x1F;
	s9 =	sld [smem:$0x786]  }
0x40f: {  	s13 =	sshra.s32 s31, $0x1F;
	[tilespmem:$0x1FDB0] =	vst v6;
	v6 =	vsel vm1, s4, v7;
	s4 =	sld [smem:$0x780]  }
0x410: {  	v5 =	vsel vm15, s13, v5;
	s13 =	sld [smem:$0x785]  }
0x411: {  	v6 =	vsel vm2, s11, v6;
	s11 =	sld [smem:$0x784]  }
0x412: {  	(v2sf) =	vpush v28, $0x6;
	v5 =	vsel vm2, s12, v5;
	s12 =	sld [smem:$0x787];
	s8 =	sshrl.u32 s4, $0x1F  }
0x413: {  	s31 =	sshrl.u32 s15, $0x1F;
	s30 =	sshrl.u32 s10, $0x1F;
	v7 =	vmov s8  }
0x414: {  	v6 =	vsel vm5, s31, v6;
	s7 =	sshrl.u32 s11, $0x1F;
	s8 =	sshrl.u32 s13, $0x1F;
	v7 =	vsel vm0, s30, v7  }
0x415: {  	s31 =	sshrl.u32 s12, $0x1F;
	v6 =	vsel vm6, s8, v6;
	s30 =	sshrl.u32 s9, $0x1F;
	v7 =	vsel vm1, s7, v7  }
0x416: {  	v6 =	vsel vm7, s31, v6;
	v7 =	vsel vm2, s30, v7;
	s30 =	sshrl.u32 s19, $0x1F  }
0x417: {  	v6 =	vsel vm8, s30, v6  }
0x418: {  	v5 =	vsel vm12, s6, v5;
	s6 =	sshra.s32 s10, $0x5;
	s31 =	sshra.s32 s15, $0x5;
	[tilespmem:$0x1FDE0] =	vst v6;
	v6 =	vmov s2  }
0x419: {  	s10 =	sshra.s32 s4, $0x5;
	v5 =	vsel vm5, s31, v5;
	s31 =	sshra.s32 s15, $0x1F;
	s15 =	sld [smem:$0x788];
	v6 =	vsel vm0, s0, v6  }
0x41a: {  	s4 =	sshra.s32 s9, $0x5;
	s9 =	sshra.s32 s13, $0x5;
	s7 =	sld [smem:$0x78A];
	[tilespmem:$0x1FDC0] =	vst v7;
	v7 =	vmov s10;
	v5 =	vsel vm10, s31, v5;
	v6 =	vsel vm1, s3, v6  }
0x41b: {  	s30 =	sshra.s32 s11, $0x5;
	s10 =	sshra.s32 s13, $0x1F;
	v7 =	vsel vm0, s6, v7;
	v5 =	vsel vm6, s9, v5;
	v6 =	vsel vm2, s1, v6  }
0x41c: {  	s11 =	sshra.s32 s12, $0x5;
	v5 =	vsel vm13, s10, v5;
	s31 =	sshra.s32 s15, $0x1F;
	[tilespmem:$0x1FDD0] =	vst v6;
	v6 =	vsel vm1, s30, v7  }
0x41d: {  	s9 =	sshra.s32 s7, $0x5;
	v5 =	vsel vm7, s11, v5;
	s11 =	sld [smem:$0x789];
	v33 =	vsel vm2, s4, v6;
	v6 =	vmov s31  }
0x41e: {  	v6 =	vsel vm11, s9, v6;
	s9 =	sld [smem:$0x78B]  }
0x41f: {  	vm14 =	vmmov vm12;
	vm12 =	vcmask $0x3734;
	s12 =	sshra.s32 s12, $0x1F  }
0x420: {  	v5 =	vsel vm12, s12, v5;
	s30 =	sshra.s32 s19, $0x5;
	s6 =	sshrl.u32 s11, $0x1F  }
0x421: {  	s13 =	spop (v2sf);
	v34 =	vsel vm8, s30, v5;
	s30 =	sld [smem:$0x78D];
	v7 =	vmov s6;
	s10 =	sshrl.u32 s9, $0x1F  }
0x422: {  	s8 =	smulhi.u32 $0x4EC4EC4F, s13;
	s12 =	sshra.s32 s7, $0x1F;
	v5 =	vsel vm0, s10, v7;
	s10 =	sld [smem:$0x78C]  }
0x423: {  	s4 =	sshra.s32 s13, $0x1F;
	s13 =	sshrl.u32 s7, $0x1F;
	s7 =	sld [smem:$0x78E]  }
0x424: {  	_ = 	snop  }
0x425: {  	vm9 =	vmmov vm13;
	vm13 =	vcmask $0x704;
	s0 =	smul.u32 $0x4EC4EC4F, s4;
	s19 =	sshrl.u32 s10, $0x1F  }
0x426: {  	vm12 =	vcmask $0xF0C;
	v6 =	vsel vm13, s12, v6;
	s12 =	sld [smem:$0x790];
	s31 =	sshra.s32 s30, $0x5;
	s2 =	sshrl.u32 s7, $0x1F;
	v5 =	vsel vm1, s19, v5  }
0x427: {  	s3 =	sshra.s32 s30, $0x1F;
	v6 =	vsel vm0, s31, v6;
	v7 =	vmov s13;
	v5 =	vsel vm2, s2, v5  }
0x428: {  	s4 =	sshrl.u32 s30, $0x1F;
	s31 =	sadd.s32 s0, s8;
	s8 =	sld [smem:$0x78F];
	[tilespmem:$0x1FDF0] =	vst v5;
	v5 =	vsel vm12, s3, v6;
	v6 =	vnsel vm11, $0x0, v7  }
0x429: {  	s13 =	sshra.s32 s12, $0x5;
	v6 =	vsel vm0, s4, v6;
	s4 =	sld [smem:$0x791]  }
0x42a: {  	s30 =	sshra.s32 s12, $0x1F;
	s19 =	sshrl.u32 s12, $0x1F;
	s12 =	sld [smem:$0x793]  }
0x42b: {  	s6 =	sshrl.u32 s8, $0x1F  }
0x42c: {  	v7 =	vmov s6;
	s6 =	sld [smem:$0x792];
	s0 =	sshrl.u32 s4, $0x1F  }
0x42d: {  	v5 =	vsel vm1, s13, v5;
	s13 =	sshrl.u32 s12, $0x1F;
	v6 =	vsel vm1, s19, v6;
	v7 =	vsel vm0, s0, v7;
	s0 =	sld [smem:$0x794]  }
0x42e: {  	v6 =	vsel vm2, s13, v6;
	s13 =	sld [smem:$0x795]  }
0x42f: {  	v5 =	vsel vm15, s30, v5;
	s19 =	sshra.s32 s12, $0x5;
	s3 =	sshrl.u32 s6, $0x1F  }
0x430: {  	s30 =	sshra.s32 s12, $0x1F;
	v5 =	vsel vm2, s19, v5;
	v7 =	vsel vm1, s3, v7;
	s12 =	sshrl.u32 s0, $0x1F  }
0x431: {  	v5 =	vsel vm14, s30, v5;
	s30 =	sshra.s32 s11, $0x5;
	s11 =	sshra.s32 s13, $0x5;
	v7 =	vsel vm2, s12, v7;
	s12 =	sld [smem:$0x796]  }
0x432: {  	v5 =	vsel vm5, s11, v5;
	s11 =	sld [smem:$0x797]  }
0x433: {  	s19 =	sshrl.u32 s13, $0x1F  }
0x434: {  	s7 =	sshra.s32 s7, $0x5;
	v6 =	vsel vm5, s19, v6;
	s3 =	sshrl.u32 s12, $0x1F  }
0x435: {  	s19 =	sshra.s32 s9, $0x5;
	[tilespmem:$0x1FE00] =	vst v7;
	v7 =	vmov s30;
	s30 =	sshra.s32 s13, $0x1F;
	s9 =	sshrl.u32 s11, $0x1F;
	v6 =	vsel vm6, s3, v6  }
0x436: {  	s13 =	sshra.s32 s10, $0x5;
	v7 =	vsel vm0, s19, v7;
	v5 =	vsel vm10, s30, v5;
	s19 =	sshrl.u32 s15, $0x1F;
	s30 =	sshra.s32 s12, $0x5;
	v6 =	vsel vm7, s9, v6  }
0x437: {  	s10 =	sshra.s32 s8, $0x5;
	s12 =	sshra.s32 s12, $0x1F;
	v5 =	vsel vm6, s30, v5;
	s3 =	sshra.s32 s6, $0x5;
	v6 =	vsel vm8, s19, v6  }
0x438: {  	s9 =	smov.u32 s15;
	v5 =	vsel vm9, s12, v5;
	s15 =	sld [smem:$0x798];
	s19 =	sshra.s32 s11, $0x5;
	[tilespmem:$0x1FE20] =	vst v6;
	v6 =	vsel vm1, s13, v7  }
0x439: {  	vm12 =	vcmask $0x3734;
	s6 =	sld [smem:$0x799];
	s13 =	sshra.s32 s4, $0x5;
	v5 =	vsel vm7, s19, v5;
	s4 =	sshra.s32 s11, $0x1F;
	v6 =	vsel vm2, s7, v6  }
0x43a: {  	v5 =	vsel vm12, s4, v5;
	s4 =	sld [smem:$0x79C];
	[tilespmem:$0x1FE10] =	vst v6;
	v6 =	vmov s10  }
0x43b: {  	s30 =	sshra.s32 s15, $0x1F;
	v6 =	vsel vm0, s13, v6;
	s13 =	sld [smem:$0x79B]  }
0x43c: {  	s9 =	sshra.s32 s9, $0x5;
	s7 =	sshra.s32 s6, $0x5;
	v7 =	vmov s30  }
0x43d: {  	s8 =	sshra.s32 s0, $0x5;
	s10 =	sshra.s32 s6, $0x1F;
	v5 =	vsel vm8, s9, v5;
	s9 =	sld [smem:$0x79A];
	v7 =	vsel vm11, s7, v7  }
0x43e: {  	s11 =	sshrl.u32 s6, $0x1F;
	[tilespmem:$0x1FE30] =	vst v5;
	v5 =	vsel vm13, s10, v7;
	s6 =	sshrl.u32 s4, $0x1F;
	s19 =	sshra.s32 s13, $0x5  }
0x43f: {  	vm12 =	vcmask $0xF0C;
	s2 =	sshra.s32 s4, $0x5;
	s4 =	sld [smem:$0x79D];
	s0 =	sshra.s32 s13, $0x1F;
	v5 =	vsel vm0, s19, v5  }
0x440: {  	v6 =	vsel vm1, s3, v6;
	s12 =	sshrl.u32 s9, $0x1F;
	v5 =	vsel vm12, s0, v5;
	s0 =	sld [smem:$0x79F]  }
0x441: {  	v30 =	vsel vm2, s8, v6;
	s8 =	sld [smem:$0x79E];
	v6 =	vmov s12  }
0x442: {  	v7 =	vmov s11;
	v6 =	vsel vm0, s6, v6;
	s7 =	sshrl.u32 s4, $0x1F  }
0x443: {  	v7 =	vnsel vm11, $0x0, v7;
	s30 =	sshrl.u32 s13, $0x1F;
	v6 =	vsel vm1, s7, v6;
	s13 =	sshrl.u32 s0, $0x1F  }
0x444: {  	v7 =	vsel vm0, s30, v7;
	s11 =	sshrl.u32 s8, $0x1F;
	v6 =	vsel vm2, s13, v6  }
0x445: {  	[tilespmem:$0x1FE40] =	vst v6;
	v6 =	vsel vm1, s11, v7;
	s11 =	sld [smem:$0x7A0]  }
0x446: {  	s30 =	sld [smem:$0x7A1]  }
0x447: {  	s10 =	sshra.s32 s8, $0x5  }
0x448: {  	s12 =	sshra.s32 s8, $0x1F;
	s7 =	sld [smem:$0x7A2];
	v5 =	vsel vm1, s10, v5;
	s19 =	sshrl.u32 s11, $0x1F  }
0x449: {  	v5 =	vsel vm15, s12, v5;
	s10 =	sshra.s32 s30, $0x5;
	v7 =	vmov s19;
	s19 =	sld [smem:$0x7A3]  }
0x44a: {  	s8 =	sshrl.u32 s30, $0x1F;
	v5 =	vsel vm2, s10, v5;
	s10 =	sld [smem:$0x7A6]  }
0x44b: {  	s12 =	sshra.s32 s30, $0x1F;
	s13 =	sshrl.u32 s7, $0x1F;
	v6 =	vsel vm2, s8, v6;
	s8 =	sld [smem:$0x7A4]  }
0x44c: {  	v5 =	vsel vm14, s12, v5;
	v7 =	vsel vm0, s13, v7;
	s13 =	sld [smem:$0x7A5];
	s12 =	sshra.s32 s19, $0x5  }
0x44d: {  	v5 =	vsel vm5, s12, v5;
	s12 =	sld [smem:$0x7A7]  }
0x44e: {  	s30 =	sshrl.u32 s19, $0x1F  }
0x44f: {  	s3 =	sshrl.u32 s8, $0x1F;
	v6 =	vsel vm5, s30, v6;
	s6 =	sshrl.u32 s13, $0x1F  }
0x450: {  	v7 =	vsel vm1, s3, v7;
	s1 =	sshra.s32 s19, $0x1F;
	s19 =	sshrl.u32 s10, $0x1F;
	v6 =	vsel vm6, s6, v6;
	s30 =	sshrl.u32 s12, $0x1F  }
0x451: {  	v61 =	vsel vm2, s19, v7;
	s19 =	sshrl.u32 s15, $0x1F;
	v6 =	vsel vm7, s30, v6  }
0x452: {  	s9 =	sshra.s32 s9, $0x5;
	v6 =	vsel vm8, s19, v6  }
0x453: {  	[tilespmem:$0x1FE50] =	vst v6;
	v6 =	vmov s9  }
0x454: {  	s4 =	sshra.s32 s4, $0x5;
	v6 =	vsel vm0, s2, v6  }
0x455: {  	v5 =	vsel vm10, s1, v5;
	s6 =	sshra.s32 s11, $0x5;
	s11 =	sshra.s32 s0, $0x5;
	s30 =	sshra.s32 s13, $0x5;
	v6 =	vsel vm1, s4, v6  }
0x456: {  	v5 =	vsel vm6, s30, v5;
	s30 =	sshra.s32 s8, $0x5;
	v62 =	vsel vm2, s11, v6;
	s11 =	sld [smem:$0x7AA]  }
0x457: {  	v7 =	vmov s6;
	s8 =	sld [smem:$0x7A8];
	s9 =	sshra.s32 s13, $0x1F;
	s13 =	sshra.s32 s7, $0x5  }
0x458: {  	s0 =	sshra.s32 s10, $0x5;
	s19 =	sshra.s32 s12, $0x5;
	v5 =	vsel vm9, s9, v5;
	v7 =	vsel vm0, s13, v7;
	s13 =	sld [smem:$0x7AB]  }
0x459: {  	vm9 =	vcmask $0x3734;
	v5 =	vsel vm7, s19, v5;
	s4 =	sshra.s32 s12, $0x1F;
	s19 =	sld [smem:$0x7A9];
	v6 =	vsel vm1, s30, v7;
	s12 =	sshrl.u32 s11, $0x1F  }
0x45a: {  	s9 =	sshrl.u32 s8, $0x1F;
	v5 =	vsel vm9, s4, v5;
	s4 =	sld [smem:$0x7AC];
	v40 =	vsel vm2, s0, v6;
	v6 =	vmov s12  }
0x45b: {  	s7 =	sshra.s32 s15, $0x5;
	v6 =	vsel vm0, s9, v6;
	s9 =	sld [smem:$0x7AD]  }
0x45c: {  	s1 =	sshra.s32 s8, $0x5;
	s15 =	sshrl.u32 s13, $0x1F;
	s0 =	sld [smem:$0x7AE]  }
0x45d: {  	s30 =	sshra.s32 s13, $0x5;
	s10 =	sshra.s32 s19, $0x1F;
	v7 =	vmov s15;
	s15 =	sld [smem:$0x7AF]  }
0x45e: {  	v46 =	vsel vm8, s7, v5;
	v5 =	vmov s10;
	s3 =	sshra.s32 s11, $0x5;
	s8 =	sshrl.u32 s4, $0x1F;
	s10 =	sshrl.u32 s9, $0x1F  }
0x45f: {  	s11 =	sshra.s32 s9, $0x5;
	s12 =	sshra.s32 s9, $0x1F;
	s9 =	sld [smem:$0x7B0]  }
0x460: {  	s7 =	sshra.s32 s13, $0x1F;
	v5 =	vsel vm11, s30, v5;
	v6 =	vsel vm1, s8, v6;
	s8 =	sld [smem:$0x7B2]  }
0x461: {  	vm9 =	vcmask $0xF0C;
	v7 =	vnsel vm11, $0x0, v7;
	s13 =	sshrl.u32 s0, $0x1F;
	v5 =	vsel vm13, s7, v5;
	s30 =	sshrl.u32 s15, $0x1F  }
0x462: {  	v6 =	vsel vm2, s13, v6;
	v7 =	vsel vm0, s10, v7;
	v5 =	vsel vm0, s11, v5;
	s10 =	sld [smem:$0x7B1];
	s11 =	sshra.s32 s15, $0x5;
	s6 =	sshrl.u32 s9, $0x1F  }
0x463: {  	[tilespmem:$0x1FE60] =	vst v6;
	s13 =	sshrl.u32 s8, $0x1F;
	v6 =	vsel vm1, s30, v7;
	v5 =	vsel vm9, s12, v5;
	s12 =	sshra.s32 s15, $0x1F;
	s15 =	sld [smem:$0x7B3];
	v7 =	vmov s6  }
0x464: {  	v7 =	vsel vm0, s13, v7;
	s13 =	sld [smem:$0x7B5]  }
0x465: {  	s7 =	sshrl.u32 s10, $0x1F  }
0x466: {  	v5 =	vsel vm1, s11, v5;
	v6 =	vsel vm2, s7, v6;
	s30 =	sshrl.u32 s15, $0x1F  }
0x467: {  	s11 =	sld [smem:$0x7B4];
	v5 =	vsel vm15, s12, v5;
	v6 =	vsel vm5, s30, v6;
	s12 =	sshrl.u32 s13, $0x1F  }
0x468: {  	v6 =	vsel vm6, s12, v6;
	s12 =	sld [smem:$0x7B7]  }
0x469: {  	s2 =	sshra.s32 s10, $0x1F;
	s30 =	sshra.s32 s10, $0x5;
	s10 =	sld [smem:$0x7B6]  }
0x46a: {  	v5 =	vsel vm2, s30, v5  }
0x46b: {  	s7 =	sshrl.u32 s11, $0x1F;
	v5 =	vsel vm14, s2, v5;
	s2 =	sshra.s32 s4, $0x5;
	s30 =	sshrl.u32 s12, $0x1F  }
0x46c: {  	v7 =	vsel vm1, s7, v7;
	s4 =	sshra.s32 s15, $0x5;
	s7 =	sshrl.u32 s10, $0x1F;
	v6 =	vsel vm7, s30, v6;
	s30 =	sshrl.u32 s19, $0x1F  }
0x46d: {  	s6 =	sshra.s32 s8, $0x5;
	s8 =	sshra.s32 s15, $0x1F;
	s15 =	sshra.s32 s9, $0x5;
	v5 =	vsel vm5, s4, v5;
	v53 =	vsel vm2, s7, v7;
	v6 =	vsel vm8, s30, v6  }
0x46e: {  	v5 =	vsel vm10, s8, v5;
	v7 =	vmov s15;
	s15 =	sld [smem:$0x7B8];
	[tilespmem:$0x1FE70] =	vst v6;
	v6 =	vmov s3;
	s3 =	sshra.s32 s0, $0x5;
	s0 =	sshra.s32 s13, $0x5  }
0x46f: {  	vm13 =	vcmask $0x2F2C;
	s4 =	sshra.s32 s10, $0x5;
	s8 =	sshra.s32 s13, $0x1F;
	s13 =	sld [smem:$0x7BA];
	v6 =	vsel vm0, s1, v6;
	v5 =	vsel vm6, s0, v5  }
0x470: {  	s9 =	sshra.s32 s12, $0x5;
	s10 =	sshra.s32 s12, $0x1F;
	s12 =	sld [smem:$0x7B9];
	v6 =	vsel vm1, s2, v6;
	v5 =	vsel vm13, s8, v5  }
0x471: {  	s30 =	sshra.s32 s11, $0x5;
	s11 =	sshra.s32 s15, $0x1F;
	v45 =	vsel vm2, s3, v6;
	v6 =	vsel vm0, s6, v7;
	v5 =	vsel vm7, s9, v5;
	s9 =	sld [smem:$0x7BB]  }
0x472: {  	s6 =	sshra.s32 s19, $0x5;
	v7 =	vmov s11;
	s19 =	sshra.s32 s13, $0x5;
	s11 =	sld [smem:$0x7BC];
	v6 =	vsel vm1, s30, v6  }
0x473: {  	vm12 =	vmmov vm14;
	vm14 =	vcmask $0x3734;
	s30 =	sshrl.u32 s13, $0x1F;
	v14 =	vsel vm2, s4, v6;
	s4 =	sshra.s32 s13, $0x1F;
	s13 =	sld [smem:$0x7BD]  }
0x474: {  	v5 =	vsel vm14, s10, v5;
	s10 =	sshrl.u32 s9, $0x1F;
	s3 =	sshra.s32 s9, $0x5;
	s9 =	sld [smem:$0x7BE]  }
0x475: {  	s7 =	sshrl.u32 s12, $0x1F;
	s2 =	sshra.s32 s12, $0x5;
	v50 =	vsel vm8, s6, v5;
	v5 =	vmov s10  }
0x476: {  	vm14 =	vcmask $0x704;
	v6 =	vsel vm11, s19, v7;
	s12 =	sshrl.u32 s11, $0x1F;
	s1 =	sshra.s32 s11, $0x5;
	s11 =	sld [smem:$0x7BF];
	v5 =	vsel vm0, s7, v5  }
0x477: {  	v6 =	vsel vm14, s4, v6;
	s19 =	sshra.s32 s13, $0x5;
	v5 =	vsel vm1, s12, v5;
	s10 =	sshrl.u32 s9, $0x1F  }
0x478: {  	s4 =	sshra.s32 s13, $0x1F;
	v6 =	vsel vm0, s19, v6;
	v5 =	vsel vm2, s10, v5;
	s10 =	sld [smem:$0x7C0]  }
0x479: {  	s12 =	sshra.s32 s11, $0x5;
	v6 =	vsel vm9, s4, v6;
	s4 =	sld [smem:$0x7C2]  }
0x47a: {  	v7 =	vmov s30;
	s30 =	sshrl.u32 s13, $0x1F;
	v6 =	vsel vm1, s12, v6;
	s12 =	sld [smem:$0x7C1]  }
0x47b: {  	(v2sf) =	vpush v28, $0x7;
	v7 =	vnsel vm11, $0x0, v7;
	s8 =	sshra.s32 s9, $0x5;
	s13 =	sshrl.u32 s11, $0x1F;
	s19 =	sshra.s32 s11, $0x1F  }
0x47c: {  	vm15 =	vcmask $0x1714;
	[tilespmem:$0x1FE80] =	vst v5;
	v5 =	vsel vm0, s30, v7;
	s30 =	sshrl.u32 s10, $0x1F;
	s9 =	sshrl.u32 s4, $0x1F;
	s11 =	sshra.s32 s4, $0x5  }
0x47d: {  	v5 =	vsel vm1, s13, v5;
	v6 =	vsel vm15, s19, v6;
	s13 =	sshra.s32 s4, $0x1F;
	s4 =	sld [smem:$0x7C4];
	v7 =	vmov s30;
	s0 =	sshrl.u32 s12, $0x1F  }
0x47e: {  	v6 =	vsel vm2, s11, v6;
	v7 =	vsel vm0, s0, v7;
	s0 =	sld [smem:$0x7C3]  }
0x47f: {  	v6 =	vsel vm12, s13, v6;
	s13 =	sld [smem:$0x7C6];
	_ =	sdelay $0x1  }
0x480: {  	v5 =	vsel vm2, s9, v5;
	s30 =	sshrl.u32 s4, $0x1F;
	s19 =	sshrl.u32 s0, $0x1F  }
0x481: {  	s11 =	sld [smem:$0x7C5];
	v5 =	vsel vm5, s30, v5;
	v7 =	vsel vm1, s19, v7;
	s19 =	sshrl.u32 s13, $0x1F  }
0x482: {  	s30 =	sshra.s32 s4, $0x5;
	v5 =	vsel vm6, s19, v5;
	s19 =	sshra.s32 s4, $0x1F;
	s4 =	sld [smem:$0x7C7]  }
0x483: {  	_ = 	snop  }
0x484: {  	s6 =	sshra.s32 s12, $0x5;
	v6 =	vsel vm5, s30, v6  }
0x485: {  	s9 =	sshrl.u32 s11, $0x1F;
	v6 =	vsel vm10, s19, v6;
	s19 =	sshra.s32 s13, $0x5;
	s30 =	sshrl.u32 s4, $0x1F  }
0x486: {  	s12 =	sshrl.u32 s15, $0x1F;
	v54 =	vsel vm2, s9, v7;
	v6 =	vsel vm6, s19, v6;
	v5 =	vsel vm7, s30, v5;
	s30 =	sshra.s32 s0, $0x5;
	s0 =	sshra.s32 s13, $0x1F  }
0x487: {  	s10 =	sshra.s32 s10, $0x5;
	v7 =	vmov s3;
	v5 =	vsel vm8, s12, v5;
	v6 =	vsel vm13, s0, v6;
	s0 =	sld [smem:$0x7CE]  }
0x488: {  	s9 =	sshra.s32 s4, $0x5;
	[tilespmem:$0x1FE90] =	vst v5;
	v5 =	vsel vm0, s2, v7;
	v7 =	vmov s10;
	s10 =	sshra.s32 s4, $0x1F;
	s4 =	sld [smem:$0x7C8]  }
0x489: {  	s7 =	sshra.s32 s11, $0x5;
	s11 =	spop (v2sf);
	s2 =	sld [smem:$0x7CB];
	v5 =	vsel vm1, s1, v5  }
0x48a: {  	vm9 =	vmmov vm13;
	s12 =	sshra.s32 s11, $0x1F;
	s1 =	smulhi.u32 $0x4EC4EC4F, s11;
	s11 =	sld [smem:$0x7CA];
	v51 =	vsel vm2, s8, v5;
	v5 =	vsel vm0, s6, v7  }
0x48b: {  	vm13 =	vcmask $0x3734;
	v6 =	vsel vm7, s9, v6;
	v5 =	vsel vm1, s30, v5;
	s30 =	sld [smem:$0x7C9]  }
0x48c: {  	s15 =	sshra.s32 s15, $0x5;
	s19 =	smul.u32 $0x4EC4EC4F, s12;
	v6 =	vsel vm13, s10, v6;
	v39 =	vsel vm2, s7, v5;
	s7 =	sld [smem:$0x7CD]  }
0x48d: {  	v47 =	vsel vm8, s15, v6;
	s15 =	sld [smem:$0x7CC];
	s13 =	sshra.s32 s4, $0x1F;
	s12 =	sshrl.u32 s11, $0x1F  }
0x48e: {  	v7 =	vmov s13;
	s13 =	sshrl.u32 s2, $0x1F;
	v6 =	vmov s12;
	s8 =	sshra.s32 s30, $0x5;
	s9 =	sshrl.u32 s30, $0x1F  }
0x48f: {  	s12 =	sld [smem:$0x7CF];
	v6 =	vsel vm0, s13, v6;
	v5 =	vsel vm11, s8, v7;
	v7 =	vmov s9;
	s9 =	sshrl.u32 s7, $0x1F  }
0x490: {  	s3 =	sshrl.u32 s15, $0x1F;
	s10 =	sshra.s32 s30, $0x1F;
	v6 =	vsel vm1, s9, v6;
	s9 =	sld [smem:$0x7D1]  }
0x491: {  	s30 =	sadd.s32 s19, s1;
	s19 =	sshra.s32 s15, $0x5;
	v5 =	vsel vm14, s10, v5;
	v7 =	vnsel vm11, $0x0, v7;
	vm14 =	vcmask $0xF0C;
	s10 =	sshrl.u32 s0, $0x1F  }
0x492: {  	s8 =	sshra.s32 s15, $0x1F;
	s13 =	sshrl.u32 s12, $0x1F;
	s15 =	sshra.s32 s12, $0x5;
	v5 =	vsel vm0, s19, v5;
	v7 =	vsel vm0, s3, v7;
	v6 =	vsel vm2, s10, v6  }
0x493: {  	s19 =	sshra.s32 s12, $0x1F;
	s12 =	sld [smem:$0x7D0];
	v5 =	vsel vm14, s8, v5;
	[tilespmem:$0x1FEE0] =	vst v6;
	v6 =	vsel vm1, s13, v7;
	s8 =	sshrl.u32 s9, $0x1F  }
0x494: {  	v5 =	vsel vm1, s15, v5;
	v6 =	vsel vm2, s8, v6;
	s8 =	sld [smem:$0x7D2]  }
0x495: {  	s15 =	sshra.s32 s9, $0x5;
	v5 =	vsel vm15, s19, v5;
	s19 =	sld [smem:$0x7D3]  }
0x496: {  	v5 =	vsel vm2, s15, v5;
	s15 =	sld [smem:$0x7D5]  }
0x497: {  	s6 =	sshrl.u32 s12, $0x1F  }
0x498: {  	v7 =	vmov s6;
	s10 =	sshrl.u32 s8, $0x1F;
	s13 =	sshrl.u32 s19, $0x1F  }
0x499: {  	v7 =	vsel vm0, s10, v7;
	v6 =	vsel vm5, s13, v6;
	s10 =	sld [smem:$0x7D4];
	s13 =	sshrl.u32 s15, $0x1F  }
0x49a: {  	v6 =	vsel vm6, s13, v6;
	s13 =	sld [smem:$0x7D7];
	_ =	sdelay $0x1  }
0x49b: {  	s1 =	sshra.s32 s9, $0x1F;
	s9 =	sshrl.u32 s10, $0x1F  }
0x49c: {  	v5 =	vsel vm12, s1, v5;
	s6 =	sshra.s32 s19, $0x5;
	v7 =	vsel vm1, s9, v7;
	s9 =	sld [smem:$0x7D6];
	s3 =	sshrl.u32 s13, $0x1F  }
0x49d: {  	v5 =	vsel vm5, s6, v5;
	v6 =	vsel vm7, s3, v6;
	s3 =	sshra.s32 s11, $0x5;
	s11 =	sshra.s32 s19, $0x1F;
	s19 =	sshrl.u32 s4, $0x1F  }
0x49e: {  	v44 =	vsel vm8, s19, v6;
	v6 =	vmov s3;
	v5 =	vsel vm10, s11, v5;
	s11 =	sshra.s32 s2, $0x5;
	s2 =	sshra.s32 s15, $0x5  }
0x49f: {  	s19 =	sshra.s32 s12, $0x5;
	s1 =	sshrl.u32 s9, $0x1F;
	v6 =	vsel vm0, s11, v6;
	v5 =	vsel vm6, s2, v5;
	s11 =	sshra.s32 s7, $0x5  }
0x4a0: {  	s15 =	sshra.s32 s15, $0x1F;
	v43 =	vsel vm2, s1, v7;
	v7 =	vmov s19;
	v6 =	vsel vm1, s11, v6;
	s19 =	sshra.s32 s0, $0x5;
	s11 =	sld [smem:$0x7D9]  }
0x4a1: {  	s12 =	sshra.s32 s8, $0x5;
	s2 =	sshra.s32 s13, $0x5;
	v5 =	vsel vm9, s15, v5;
	v42 =	vsel vm2, s19, v6;
	s19 =	sld [smem:$0x7D8]  }
0x4a2: {  	s6 =	sshra.s32 s9, $0x5;
	s7 =	sshra.s32 s13, $0x1F;
	v7 =	vsel vm0, s12, v7;
	v5 =	vsel vm7, s2, v5;
	s12 =	sld [smem:$0x7DA]  }
0x4a3: {  	s9 =	sshra.s32 s4, $0x5;
	s0 =	sshra.s32 s10, $0x5;
	s2 =	sld [smem:$0x7DB];
	v5 =	vsel vm13, s7, v5  }
0x4a4: {  	v6 =	vsel vm1, s0, v7;
	v48 =	vsel vm8, s9, v5;
	s9 =	sld [smem:$0x7DD];
	s8 =	sshra.s32 s19, $0x1F  }
0x4a5: {  	v37 =	vsel vm2, s6, v6;
	s10 =	sshrl.u32 s11, $0x1F;
	v6 =	vmov s8;
	s8 =	sld [smem:$0x7DC]  }
0x4a6: {  	s4 =	sshrl.u32 s2, $0x1F;
	s1 =	sshra.s32 s2, $0x5;
	s2 =	sld [smem:$0x7DE]  }
0x4a7: {  	v5 =	vmov s10;
	s15 =	sshrl.u32 s12, $0x1F  }
0x4a8: {  	s13 =	sshra.s32 s12, $0x5;
	v5 =	vsel vm0, s4, v5;
	v7 =	vmov s15;
	s7 =	sshrl.u32 s8, $0x1F  }
0x4a9: {  	s0 =	sshra.s32 s12, $0x1F;
	v7 =	vnsel vm11, $0x0, v7;
	s12 =	sshrl.u32 s9, $0x1F;
	s15 =	sshrl.u32 s2, $0x1F;
	v5 =	vsel vm1, s7, v5  }
0x4aa: {  	v55 =	vsel vm2, s15, v5;
	v5 =	vsel vm0, s12, v7;
	s12 =	sld [smem:$0x7DF]  }
0x4ab: {  	s4 =	sld [smem:$0x7E0]  }
0x4ac: {  	vm9 =	vcmask $0x704;
	v6 =	vsel vm11, s13, v6  }
0x4ad: {  	s10 =	sshra.s32 s9, $0x5;
	v6 =	vsel vm9, s0, v6;
	s0 =	sshrl.u32 s12, $0x1F  }
0x4ae: {  	s13 =	sshra.s32 s9, $0x1F;
	s9 =	sshrl.u32 s4, $0x1F;
	v7 =	vmov s0;
	s0 =	rddreg [dreg:$0x1b]  }
0x4af: {  	v5 =	vsel vm1, s9, v5;
	s9 =	sld [smem:$0x7E1];
	s15 =	sshrl.u32 s0, $0x1F  }
0x4b0: {  	v6 =	vsel vm0, s10, v6;
	v7 =	vsel vm0, s15, v7;
	s15 =	sld [smem:$0x7E2]  }
0x4b1: {  	s10 =	sshra.s32 s4, $0x5;
	v6 =	vsel vm14, s13, v6  }
0x4b2: {  	s13 =	sshra.s32 s4, $0x1F;
	v6 =	vsel vm1, s10, v6;
	s4 =	sshrl.u32 s9, $0x1F  }
0x4b3: {  	s10 =	rddreg [dreg:$0x1c];
	v6 =	vsel vm15, s13, v6;
	v5 =	vsel vm2, s4, v5;
	s13 =	sshrl.u32 s15, $0x1F  }
0x4b4: {  	s4 =	sshra.s32 s9, $0x5;
	v5 =	vsel vm5, s13, v5;
	s13 =	sld [smem:$0x7E3]  }
0x4b5: {  	s3 =	sshra.s32 s9, $0x1F;
	s9 =	rddreg [dreg:$0x1a];
	v6 =	vsel vm2, s4, v6  }
0x4b6: {  	s7 =	sshrl.u32 s10, $0x1F;
	v6 =	vsel vm12, s3, v6;
	s3 =	sshra.s32 s11, $0x5;
	s11 =	sld [smem:$0x7E4]  }
0x4b7: {  	v7 =	vsel vm1, s7, v7;
	s7 =	sshrl.u32 s9, $0x1F;
	s4 =	sshrl.u32 s13, $0x1F  }
0x4b8: {  	v41 =	vsel vm2, s7, v7;
	v7 =	vmov s3;
	s3 =	sshra.s32 s8, $0x5;
	s8 =	sshra.s32 s15, $0x1F;
	v5 =	vsel vm6, s4, v5;
	s4 =	sshra.s32 s15, $0x5  }
0x4b9: {  	s7 =	sshrl.u32 s11, $0x1F;
	s15 =	sshrl.u32 s19, $0x1F;
	v6 =	vsel vm5, s4, v6;
	s4 =	sshra.s32 s2, $0x5  }
0x4ba: {  	v5 =	vsel vm7, s7, v5;
	s2 =	sshra.s32 s13, $0x1F;
	s7 =	sshra.s32 s11, $0x5;
	v6 =	vsel vm10, s8, v6;
	s8 =	sshra.s32 s12, $0x5  }
0x4bb: {  	v49 =	vsel vm8, s15, v5;
	v5 =	vsel vm0, s1, v7;
	s12 =	sshra.s32 s13, $0x5;
	s15 =	sshra.s32 s0, $0x5;
	v7 =	vmov s8;
	s8 =	rddreg [dreg:$0x1e]  }
0x4bc: {  	s0 =	sshra.s32 s10, $0x5;
	s10 =	sshra.s32 s11, $0x1F;
	v6 =	vsel vm6, s12, v6;
	s12 =	rddreg [dreg:$0x16]  }
0x4bd: {  	vm15 =	vcmask $0x2F2C;
	v5 =	vsel vm1, s3, v5;
	s13 =	sshrl.u32 s12, $0x1F;
	s1 =	sshra.s32 s12, $0x5;
	s12 =	rddreg [dreg:$0x17]  }
0x4be: {  	v38 =	vsel vm2, s4, v5;
	v6 =	vsel vm15, s2, v6;
	s4 =	sshra.s32 s9, $0x5;
	s9 =	sshrl.u32 s8, $0x1F;
	s2 =	rddreg [dreg:$0x13]  }
0x4bf: {  	s11 =	sshra.s32 s19, $0x5;
	s19 =	smov.u32 s29;
	v5 =	vsel vm0, s15, v7;
	v7 =	vmov s9;
	s9 =	rddreg [dreg:$0x18]  }
0x4c0: {  	s3 =	sshra.s32 s8, $0x5;
	s8 =	sshra.s32 s14, $0x1F;
	v5 =	vsel vm1, s0, v5;
	v6 =	vsel vm7, s7, v6;
	s0 =	rddreg [dreg:$0x15]  }
0x4c1: {  	v17 =	vsel vm2, s4, v5;
	v5 =	vsel vm13, s10, v6;
	v6 =	vsel vm0, s13, v7;
	s15 =	sshrl.u32 s9, $0x1F;
	s4 =	sshrl.u32 s29, $0x1F;
	s29 =	sld [smem:$0x7E5]  }
0x4c2: {  	s7 =	sshrl.u32 s0, $0x1F;
	s10 =	sshrl.u32 s12, $0x1F;
	s13 =	sshra.s32 s19, $0x5;
	v36 =	vsel vm8, s11, v5;
	v5 =	vsel vm1, s15, v6;
	v6 =	vmov s4  }
0x4c3: {  	s6 =	sshra.s32 s9, $0x5;
	v7 =	vmov s10;
	s15 =	sshra.s32 s19, $0x1F;
	s10 =	rddreg [dreg:$0x1f];
	v52 =	vsel vm2, s7, v5;
	v5 =	vmov s8  }
0x4c4: {  	s19 =	sshrl.u32 s2, $0x1F;
	v6 =	vnsel vm11, $0x0, v6;
	s4 =	sshrl.u32 s10, $0x1F;
	s11 =	sshrl.u32 s29, $0x1F;
	v5 =	vsel vm11, s13, v5  }
0x4c5: {  	v7 =	vsel vm0, s19, v7;
	s13 =	sshra.s32 s29, $0x5;
	s19 =	sshra.s32 s29, $0x1F;
	v6 =	vsel vm0, s11, v6;
	v5 =	vsel vm9, s15, v5;
	s15 =	rddreg [dreg:$0x1d]  }
0x4c6: {  	s29 =	sshrl.u32 s23, $0x1F;
	s11 =	rddreg [dreg:$0x14];
	v6 =	vsel vm1, s4, v6;
	s8 =	sshrl.u32 s15, $0x1F  }
0x4c7: {  	vm9 =	vcmask $0x1714;
	s7 =	sshrl.u32 s11, $0x1F;
	v5 =	vsel vm0, s13, v5;
	s13 =	rddreg [dreg:$0x19];
	s4 =	sshra.s32 s10, $0x5;
	v6 =	vsel vm2, s8, v6  }
0x4c8: {  	v7 =	vsel vm1, s7, v7;
	v5 =	vsel vm14, s19, v5;
	s7 =	sshra.s32 s0, $0x5;
	s0 =	sshrl.u32 s13, $0x1F;
	v6 =	vsel vm5, s29, v6;
	s29 =	rddreg [dreg:$0xd]  }
0x4c9: {  	s9 =	sshra.s32 s12, $0x5;
	s8 =	sshra.s32 s10, $0x1F;
	v5 =	vsel vm1, s4, v5;
	v29 =	vadd.s32 s29, v0;
	v6 =	vsel vm6, s0, v6;
	s0 =	rddreg [dreg:$0x12]  }
0x4ca: {  	s12 =	sshra.s32 s23, $0x5;
	vm13 =	vcmask $0x3734;
	s4 =	sshrl.u32 s18, $0x1F;
	v5 =	vsel vm9, s8, v5;
	(v2sf) =	vpush v29, $0xD;
	s19 =	sshrl.u32 s0, $0x1F  }
0x4cb: {  	s8 =	sshra.s32 s2, $0x5;
	v6 =	vsel vm7, s4, v6;
	s4 =	sshrl.u32 s14, $0x1F;
	v16 =	vsel vm2, s19, v7;
	s19 =	sshra.s32 s15, $0x5;
	v7 =	vmov s3  }
0x4cc: {  	s2 =	sshra.s32 s15, $0x1F;
	s3 =	sshra.s32 s11, $0x5;
	(v2sf) =	vpush v29, $0xC;
	v15 =	vsel vm8, s4, v6;
	s15 =	sshra.s32 s23, $0x1F;
	v5 =	vsel vm2, s19, v5  }
0x4cd: {  	s23 =	sshra.s32 s13, $0x1F;
	s4 =	rddreg [dreg:$0xf];
	v6 =	vsel vm0, s1, v7;
	s1 =	sshra.s32 s0, $0x5;
	v7 =	vmov s9;
	v5 =	vsel vm12, s2, v5  }
0x4ce: {  	s19 =	sshra.s32 s13, $0x5;
	(v2sf) =	vpush v29, $0xE;
	s0 =	rddreg [dreg:$0xe];
	v6 =	vsel vm1, s6, v6;
	s6 =	sshra.s32 s18, $0x1F;
	v5 =	vsel vm5, s12, v5  }
0x4cf: {  	v7 =	vsel vm0, s8, v7;
	s8 =	sshra.s32 s14, $0x5;
	(v2sf) =	vpush v29, $0xF;
	s14 =	sld [smem:$0x7E6];
	s12 =	sshra.s32 s18, $0x5;
	v5 =	vsel vm10, s15, v5  }
0x4d0: {  	v7 =	vsel vm1, s3, v7;
	v13 =	vsel vm2, s7, v6;
	s18 =	smov.u32 s26;
	s15 =	sshrl.u32 s26, $0x1F;
	s26 =	sshrl.u32 s25, $0x1F;
	v5 =	vsel vm6, s19, v5  }
0x4d1: {  	s11 =	sshrl.u32 s4, $0x1F;
	s9 =	sshrl.u32 s0, $0x1F;
	v12 =	vsel vm2, s1, v7;
	s19 =	rddreg [dreg:$0x10];
	v6 =	vmov s26;
	v5 =	vsel vm15, s23, v5  }
0x4d2: {  	v7 =	vmov s9;
	s26 =	sshra.s32 s4, $0x5;
	s4 =	sshra.s32 s0, $0x5;
	s0 =	sshrl.u32 s21, $0x1F;
	v6 =	vnsel vm11, $0x0, v6;
	v5 =	vsel vm7, s12, v5  }
0x4d3: {  	s7 =	sshrl.u32 s22, $0x1F;
	v7 =	vsel vm0, s11, v7;
	s13 =	sshrl.u32 s19, $0x1F;
	v6 =	vsel vm0, s0, v6;
	v5 =	vsel vm13, s6, v5  }
0x4d4: {  	s9 =	sshrl.u32 s24, $0x1F;
	s2 =	sshrl.u32 s14, $0x1F;
	v6 =	vsel vm1, s7, v6;
	v11 =	vsel vm8, s8, v5;
	v5 =	vsel vm1, s13, v7  }
0x4d5: {  	s11 =	sshrl.u32 s20, $0x1F;
	v10 =	vsel vm2, s2, v5;
	v5 =	vsel vm2, s9, v6  }
0x4d6: {  	s10 =	sshrl.u32 s28, $0x1F;
	v6 =	vcombine.low v35, v8;
	v5 =	vsel vm5, s11, v5  }
0x4d7: {  	s13 =	sshra.s32 s19, $0x5;
	s19 =	sshrl.u32 s31, $0x1F;
	v7 =	vcombine.low v32, v60;
	v5 =	vsel vm6, s10, v5  }
0x4d8: {  	s0 =	smov.u32 s20;
	s20 =	sshrl.u32 s30, $0x1F;
	v60 =	vperm.xlane v9, v3;
	v6 =	vperm.xlane v6, v2;
	v5 =	vsel vm7, s19, v5  }
0x4d9: {  	s3 =	sshrl.u32 s16, $0x1F;
	s6 =	sshra.s32 s16, $0x5;
	s16 =	sshra.s32 s30, $0x1F;
	v7 =	vperm.xlane v7, v2;
	v9 =	vsel vm8, s20, v5;
	v5 =	vperm.xlane v56, v3  }
0x4da: {  	s2 =	sshra.s32 s14, $0x5;
	s14 =	sshra.s32 s25, $0x5;
	v6 =	vsel vm3, v60, v6;
	v60 =	vmov s16  }
0x4db: {  	s23 =	rddreg [dreg:$0x11];
	vm13 =	vcmask $0x704;
	s11 =	sshra.s32 s25, $0x1F;
	v5 =	vsel vm3, v5, v7;
	v7 =	vsel vm11, s14, v60  }
0x4dc: {  	s1 =	sshrl.u32 s23, $0x1F;
	s12 =	sshrl.u32 s17, $0x1F;
	v35 =	vmov s15;
	v32 =	vadd.s32 v6, v5;
	v5 =	vsel vm13, s11, v7;
	v7 =	vld [tilespmem:$0x1FD90]  }
0x4dd: {  	s7 =	sshra.s32 s23, $0x5;
	s8 =	sshra.s32 s17, $0x5;
	v8 =	vsel vm0, s1, v35;
	s25 =	spop (v2sf)  }
0x4de: {  	v0 =	vmov s4;
	s17 =	sshra.s32 s0, $0x5;
	v8 =	vsel vm1, s12, v8;
	s12 =	sshra.s32 s25, $0x1F;
	s10 =	spop (v2sf);
	v6 =	vcombine.low v63, v57;
	v63 =	vld [tilespmem:$0x1FDA0]  }
0x4df: {  	v0 =	vsel vm0, s26, v0;
	s9 =	sshra.s32 s18, $0x5;
	s23 =	smul.u32 $0x4EC4EC4F, s12;
	s12 =	sshra.s32 s10, $0x1F  }
0x4e0: {  	s15 =	sshra.s32 s21, $0x5;
	v0 =	vsel vm1, s13, v0;
	v8 =	vsel vm2, s3, v8;
	s3 =	smul.u32 $0x4EC4EC4F, s12;
	s12 =	spop (v2sf)  }
0x4e1: {  	s18 =	sshra.s32 s21, $0x1F;
	s16 =	sshra.s32 s0, $0x1F;
	v60 =	vimm.s32 $0x0;
	s0 =	spop (v2sf);
	v5 =	vsel vm0, s15, v5;
	v31 =	vcombine.low v31, v7  }
0x4e2: {  	s21 =	sshra.s32 s22, $0x5;
	s13 =	sshra.s32 s31, $0x5;
	s11 =	sshra.s32 s0, $0x1F;
	v7 =	vsel vm2, s2, v0;
	v0 =	vsel vm14, s18, v5;
	v5 =	vperm.xlane v6, v2  }
0x4e3: {  	v57 =	vmul.u32 $0xFFFFFF98, v32;
	s18 =	smul.u32 $0x4EC4EC4F, s11;
	s11 =	sshra.s32 s31, $0x1F;
	v6 =	vperm.xlane v59, v3;
	s31 =	rddreg [dreg:$0xc];
	v59 =	vperm.xlane v63, v3  }
0x4e4: {  	s19 =	sshra.s32 s22, $0x1F;
	v0 =	vsel vm1, s21, v0;
	v56 =	vperm.xlane v31, v2;
	v31 =	vmov s31  }
0x4e5: {  	vm13 =	vmmov vm9;
	v63 =	vld [tilespmem:$0x1FDB0];
	v0 =	vsel vm9, s19, v0;
	v35 =	vsub.s32 v4, v31  }
0x4e6: {  	v5 =	vsel vm3, v6, v5;
	vm9 =	vne.s32 v57, v35;
	v6 =	vsel vm3, v59, v56;
	v59 =	vld [tilespmem:$0x1FDD0]  }
0x4e7: {  	(v2sf) =	vpush v29, $0x9;
	v35 =	vsel vm9, $0xFFFFFFFF, v60;
	v60 =	vld [tilespmem:$0x1FDC0]  }
0x4e8: {  	(v2sf) =	vpush v29, $0x8;
	_ =	sdelay $0x3  }
0x4e9: {  	s20 =	sshra.s32 s24, $0x5;
	v56 =	vcombine.low v60, v63;
	v60 =	vcombine.low v33, v59;
	v33 =	vadd.s32 v5, v6;
	v5 =	vld [tilespmem:$0x1FDE0]  }
0x4ea: {  	(v2sf) =	vpush v29, $0xA;
	s24 =	sshra.s32 s24, $0x1F;
	v0 =	vsel vm2, s20, v0  }
0x4eb: {  	(v2sf) =	vpush v29, $0xB;
	v0 =	vsel vm12, s24, v0  }
0x4ec: {  	(v2sf) =	vpush v29, $0x0;
	v0 =	vsel vm5, s17, v0;
	v63 =	vmov s9  }
0x4ed: {  	v0 =	vsel vm10, s16, v0;
	v57 =	vsel vm0, s7, v63;
	v6 =	vperm.xlane v56, v2  }
0x4ee: {  	v59 =	vperm.xlane v60, v2;
	v60 =	vmul.u32 $0xFFFFFF98, v33;
	v56 =	vperm.xlane v5, v3  }
0x4ef: {  	s14 =	sshra.s32 s28, $0x5;
	v5 =	vsel vm1, s8, v57;
	v57 =	vperm.xlane v34, v3;
	v34 =	vmov s29  }
0x4f0: {  	(v2sf) =	vpush v29, $0x1;
	s26 =	smulhi.u32 $0x4EC4EC4F, s12;
	s1 =	sshra.s32 s12, $0x1F;
	s12 =	sshra.s32 s28, $0x1F;
	v0 =	vsel vm6, s14, v0;
	v63 =	vsub.s32 v4, v34  }
0x4f1: {  	v0 =	vsel vm15, s12, v0;
	vm15 =	vne.s32 v60, v63;
	v60 =	vimm.s32 $0x0  }
0x4f2: {  	(v2sf) =	vpush v29, $0x2;
	s22 =	smulhi.u32 $0x4EC4EC4F, s25;
	[tilespmem:$0x1FEA0] =	vst v35;
	v63 =	vld [tilespmem:$0x1FDF0];
	v35 =	vsel vm15, $0xFFFFFFFF, v60  }
0x4f3: {  	s25 =	smulhi.u32 $0x4EC4EC4F, s10;
	s2 =	spop (v2sf);
	v6 =	vsel vm3, v56, v6;
	v60 =	vld [tilespmem:$0x1FE00];
	[tilespmem:$0x1FEB0] =	vst v35;
	v35 =	vsel vm3, v57, v59  }
0x4f4: {  	v14 =	vcombine.low v14, v45;
	(v2sf) =	vpush v29, $0x3;
	s1 =	smul.u32 $0x4EC4EC4F, s1;
	s15 =	spop (v2sf);
	v35 =	vadd.s32 v6, v35;
	v6 =	vld [tilespmem:$0x1FE20]  }
0x4f5: {  	v46 =	vperm.xlane v46, v3;
	v39 =	vcombine.low v39, v51;
	s21 =	smulhi.u32 $0x4EC4EC4F, s2;
	s4 =	sshra.s32 s2, $0x1F;
	s2 =	sshra.s32 s15, $0x1F  }
0x4f6: {  	v50 =	vperm.xlane v50, v3;
	v14 =	vperm.xlane v14, v2;
	(v2sf) =	vpush v29, $0x4;
	s20 =	smul.u32 $0x4EC4EC4F, s2;
	s2 =	sadd.s32 s3, s25  }
0x4f7: {  	v47 =	vperm.xlane v47, v3;
	v39 =	vperm.xlane v39, v2;
	s28 =	smulhi.u32 $0x4EC4EC4F, s0;
	s0 =	sadd.s32 s23, s22;
	s17 =	sshrl.u32 s2, $0x1F  }
0x4f8: {  	(v2sf) =	vpush v29, $0x5;
	s22 =	smulhi.u32 $0x4EC4EC4F, s15;
	s15 =	sshrl.u32 s0, $0x1F;
	v56 =	vcombine.low v60, v63;
	v63 =	vld [tilespmem:$0x1FE10];
	v60 =	vmov s17  }
0x4f9: {  	v37 =	vcombine.low v37, v42;
	s10 =	sshra.s32 s30, $0x5;
	s19 =	smul.u32 $0x4EC4EC4F, s4;
	s30 =	spop (v2sf);
	v59 =	vsel vm0, s15, v60;
	v60 =	vperm.xlane v6, v3;
	v6 =	vld [tilespmem:$0x1FE30]  }
0x4fa: {  	v44 =	vperm.xlane v44, v3;
	v48 =	vperm.xlane v48, v3;
	(v2sf) =	vpush v29, $0x6;
	s23 =	sshra.s32 s30, $0x1F;
	s24 =	smulhi.u32 $0x4EC4EC4F, s30  }
0x4fb: {  	v37 =	vperm.xlane v37, v2;
	vm14 =	vcmask $0x3734;
	s3 =	sadd.s32 s1, s26;
	s4 =	spop (v2sf);
	s1 =	smul.u32 $0x4EC4EC4F, s23;
	v0 =	vsel vm7, s13, v0  }
0x4fc: {  	v17 =	vcombine.low v17, v38;
	(v2sf) =	vpush v29, $0x7;
	s25 =	smulhi.u32 $0x4EC4EC4F, s4;
	s26 =	sshra.s32 s4, $0x1F;
	v0 =	vsel vm14, s11, v0  }
0x4fd: {  	v55 =	vcombine.low v41, v55;
	s30 =	spop (v2sf);
	s23 =	smul.u32 $0x4EC4EC4F, s26;
	s16 =	sshrl.u32 s3, $0x1F;
	v0 =	vsel vm8, s10, v0;
	v57 =	vcombine.low v30, v63;
	v63 =	vld [tilespmem:$0x1FFD0]  }
0x4fe: {  	v17 =	vperm.xlane v17, v2;
	s9 =	sshra.s32 s30, $0x1F;
	s7 =	sadd.s32 s18, s28;
	s18 =	smulhi.u32 $0x4EC4EC4F, s30;
	[tilespmem:$0x1FF20] =	vst v0;
	v0 =	vsel vm1, s16, v59;
	v59 =	vperm.xlane v6, v3;
	v6 =	vld [tilespmem:$0x1FE40]  }
0x4ff: {  	v14 =	vsel vm3, v50, v14;
	v16 =	vcombine.low v16, v52;
	v12 =	vcombine.low v12, v13;
	s4 =	spop (v2sf);
	s28 =	smul.u32 $0x4EC4EC4F, s9  }
0x500: {  	v39 =	vsel vm3, v47, v39;
	v15 =	vperm.xlane v15, v3;
	s9 =	sshra.s32 s4, $0x1F;
	s8 =	sadd.s32 s19, s21;
	s19 =	smulhi.u32 $0x4EC4EC4F, s4;
	v56 =	vperm.xlane v56, v2  }
0x501: {  	v37 =	vsel vm3, v48, v37;
	v12 =	vperm.xlane v12, v2;
	v11 =	vperm.xlane v11, v3;
	s14 =	spop (v2sf);
	s4 =	smov.u32 s29;
	s21 =	smul.u32 $0x4EC4EC4F, s9  }
0x502: {  	v5 =	vsel vm2, s6, v5;
	s6 =	sadd.s32 s20, s22;
	s20 =	smulhi.u32 $0x4EC4EC4F, s14;
	s22 =	sshra.s32 s14, $0x1F;
	v56 =	vsel vm3, v60, v56;
	v30 =	vadd.s32 s31, v63  }
0x503: {  	s9 =	sadd.s32 s1, s24;
	s29 =	spop (v2sf);
	s1 =	smul.u32 $0x4EC4EC4F, s22;
	v57 =	vperm.xlane v57, v2;
	(v2sf) =	vpush v30, $0xD;
	v60 =	vcombine.low v61, v6;
	v61 =	vld [tilespmem:$0x1FE50]  }
0x504: {  	v11 =	vsel vm3, v11, v12;
	s26 =	sshrl.u32 s7, $0x1F;
	s14 =	sshra.s32 s29, $0x1F;
	s22 =	smulhi.u32 $0x4EC4EC4F, s29;
	v7 =	vcombine.low v5, v7;
	(v2sf) =	vpush v30, $0xC  }
0x505: {  	v8 =	vcombine.low v8, v10;
	s12 =	sshrl.u32 s8, $0x1F;
	s24 =	smul.u32 $0x4EC4EC4F, s14;
	s17 =	spop (v2sf);
	v57 =	vsel vm3, v59, v57;
	v59 =	vcombine.low v40, v62  }
0x506: {  	v9 =	vperm.xlane v9, v3;
	vm9 =	vmmov vm11;
	s14 =	sadd.s32 s23, s25;
	v7 =	vperm.xlane v7, v2;
	s25 =	smulhi.u32 $0x4EC4EC4F, s17;
	s15 =	sshra.s32 s17, $0x1F  }
0x507: {  	s11 =	sshrl.u32 s9, $0x1F;
	s23 =	spop (v2sf);
	s10 =	smul.u32 $0x4EC4EC4F, s15;
	v62 =	vmul.u32 $0xFFFFFF98, v35;
	v40 =	vadd.s32 v56, v57;
	v59 =	vperm.xlane v59, v2  }
0x508: {  	s30 =	sshrl.u32 s6, $0x1F;
	s15 =	sadd.s32 s28, s18;
	s18 =	smulhi.u32 $0x4EC4EC4F, s23;
	v6 =	vsel vm2, s26, v0;
	(v2sf) =	vpush v30, $0xE;
	v57 =	vperm.xlane v61, v3;
	v61 =	vld [tilespmem:$0x1FF40]  }
0x509: {  	s17 =	sshra.s32 s23, $0x1F;
	s28 =	spop (v2sf);
	s23 =	sadd.s32 s1, s20;
	v0 =	vmov s30;
	v46 =	vsel vm3, v46, v59;
	(v2sf) =	vpush v30, $0xF  }
0x50a: {  	s20 =	sadd.s32 s24, s22;
	s13 =	sshrl.u32 s15, $0x1F;
	s26 =	smul.u32 $0x4EC4EC4F, s17;
	v0 =	vsel vm0, s12, v0;
	v56 =	vperm.xlane v60, v2;
	(v2sf) =	vpush v30, $0x9  }
0x50b: {  	s17 =	sadd.s32 s21, s19;
	s19 =	smulhi.u32 $0x4EC4EC4F, s28;
	s30 =	spop (v2sf);
	v59 =	vmul.u32 $0xFFFFFF98, v40;
	v0 =	vsel vm1, s11, v0;
	(v2sf) =	vpush v30, $0x8  }
0x50c: {  	s29 =	sshra.s32 s28, $0x1F;
	s24 =	smulhi.u32 $0x4EC4EC4F, s30;
	s28 =	sshra.s32 s30, $0x1F;
	(v2sf) =	vpush v30, $0xA;
	v56 =	vsel vm3, v57, v56;
	v57 =	vmov s13  }
0x50d: {  	s30 =	smul.u32 $0x4EC4EC4F, s28;
	(v2sf) =	vpush v30, $0xB;
	v57 =	vnsel vm11, $0x0, v57;
	v60 =	vsub.s32 v61, v31  }
0x50e: {  	s1 =	smul.u32 $0x4EC4EC4F, s29;
	s29 =	sshrl.u32 s17, $0x1F;
	v46 =	vadd.s32 v56, v46;
	vm15 =	vne.s32 v62, v60;
	v60 =	vimm.s32 $0x0  }
0x50f: {  	s21 =	sadd.s32 s10, s25;
	s28 =	sshrl.u32 s23, $0x1F;
	s10 =	sadd.s32 s30, s24;
	v57 =	vsel vm0, s29, v57;
	v62 =	vsub.s32 v61, v34;
	v61 =	vld [tilespmem:$0x1FE60];
	v60 =	vsel vm15, $0xFFFFFFFF, v60  }
0x510: {  	s16 =	sshrl.u32 s14, $0x1F;
	s11 =	sshra.s32 s14, $0x5;
	s14 =	sshra.s32 s10, $0x1F;
	v57 =	vsel vm1, s28, v57;
	vm14 =	vne.s32 v59, v62;
	[tilespmem:$0x1FEC0] =	vst v60;
	v60 =	vimm.s32 $0x0  }
0x511: {  	s22 =	sadd.s32 s26, s18;
	s18 =	sshra.s32 s0, $0x5;
	s28 =	sshra.s32 s15, $0x5;
	v59 =	vmul.u32 $0xFFFFFF98, v46;
	v62 =	vmov s14;
	v56 =	vsel vm14, $0xFFFFFFFF, v60;
	v60 =	vld [tilespmem:$0x1FE70]  }
0x512: {  	s0 =	sshra.s32 s6, $0x5;
	s30 =	sshra.s32 s2, $0x5;
	vm15 =	vcmask $0x704;
	v45 =	vsel vm11, s28, v62;
	s6 =	spop (v2sf);
	(v2sf) =	vpush v30, $0x0  }
0x513: {  	s12 =	sshra.s32 s9, $0x5;
	s26 =	sshrl.u32 s20, $0x1F;
	v62 =	vmov s30;
	vm11 =	vlt.s32 v19, $0x1;
	s9 =	spop (v2sf);
	(v2sf) =	vpush v30, $0x1  }
0x514: {  	s19 =	sadd.s32 s1, s19;
	s1 =	sshrl.u32 s21, $0x1F;
	s15 =	sshra.s32 s15, $0x1F;
	[tilespmem:$0x1FED0] =	vst v56;
	v56 =	vcombine.low v53, v61;
	v53 =	vsel vm2, s16, v0;
	v0 =	vsel vm2, s26, v57  }
0x515: {  	s3 =	sshra.s32 s3, $0x5;
	s24 =	sshrl.u32 s22, $0x1F;
	v45 =	vsel vm15, s15, v45;
	vm14 =	vcmask $0xF0C;
	s16 =	sshra.s32 s17, $0x5;
	v0 =	vsel vm5, s1, v0  }
0x516: {  	s25 =	sshrl.u32 s19, $0x1F;
	s2 =	sshra.s32 s7, $0x5;
	s13 =	sshra.s32 s8, $0x5;
	v45 =	vsel vm0, s16, v45;
	v0 =	vsel vm6, s24, v0;
	v57 =	vperm.xlane v60, v3;
	v60 =	vld [tilespmem:$0x1FF60]  }
0x517: {  	s29 =	sshrl.u32 s10, $0x1F;
	s26 =	sshra.s32 s17, $0x1F;
	v56 =	vperm.xlane v56, v2;
	s24 =	spop (v2sf);
	(v2sf) =	vpush v30, $0x2;
	v0 =	vsel vm7, s25, v0  }
0x518: {  	s8 =	sshra.s32 s23, $0x5;
	vm15 =	vlt.s32 v18, $0x1;
	v50 =	vsel vm8, s29, v0;
	v0 =	vsel vm14, s26, v45;
	s26 =	smulhi.u32 $0x4EC4EC4F, s9;
	s9 =	sshra.s32 s9, $0x1F  }
0x519: {  	s23 =	sshra.s32 s23, $0x1F;
	v56 =	vsel vm3, v57, v56;
	v0 =	vsel vm1, s8, v0;
	s8 =	smul.u32 $0x4EC4EC4F, s9;
	s9 =	spop (v2sf);
	(v2sf) =	vpush v30, $0x3  }
0x51a: {  	s7 =	sshra.s32 s20, $0x5;
	s20 =	sshra.s32 s20, $0x1F;
	s28 =	sshra.s32 s6, $0x1F;
	v57 =	vmov s0;
	v45 =	vadd.s32 v56, v14;
	v0 =	vsel vm13, s23, v0  }
0x51b: {  	s29 =	sshra.s32 s24, $0x1F;
	s23 =	smulhi.u32 $0x4EC4EC4F, s24;
	s24 =	spop (v2sf);
	(v2sf) =	vpush v30, $0x4;
	v14 =	vsel vm0, s18, v62;
	v62 =	vld [tilespmem:$0x1FE80];
	v61 =	vsub.s32 v60, v31  }
0x51c: {  	s1 =	sshra.s32 s21, $0x1F;
	s25 =	sshra.s32 s21, $0x5;
	s21 =	smulhi.u32 $0x4EC4EC4F, s6;
	v56 =	vmul.u32 $0xFFFFFF98, v45;
	vm13 =	vne.s32 v59, v61;
	v61 =	vsub.s32 v60, v34;
	v60 =	vld [tilespmem:$0x1FE90]  }
0x51d: {  	s15 =	sshra.s32 s22, $0x1F;
	s6 =	sshra.s32 s22, $0x5;
	s22 =	smul.u32 $0x4EC4EC4F, s28;
	v0 =	vsel vm2, s7, v0;
	v59 =	vsel vm1, s3, v14;
	v14 =	vadd.s32 s4, v63;
	v63 =	vld [tilespmem:$0x1FEC0]  }
0x51e: {  	s16 =	sshra.s32 s10, $0x5;
	s28 =	spop (v2sf);
	(v2sf) =	vpush v30, $0x5;
	v0 =	vsel vm12, s20, v0;
	vm12 =	vne.s32 v56, v61;
	v61 =	vld [tilespmem:$0x1FEA0]  }
0x51f: {  	s10 =	smul.u32 $0x4EC4EC4F, s29;
	v50 =	vperm.xlane v50, v3;
	s7 =	sadd.s32 s22, s21;
	s30 =	spop (v2sf);
	(v2sf) =	vpush v30, $0x6;
	v0 =	vsel vm5, s25, v0  }
0x520: {  	s22 =	smulhi.u32 $0x4EC4EC4F, s24;
	s24 =	sshra.s32 s24, $0x1F;
	s21 =	spop (v2sf);
	(v2sf) =	vpush v30, $0x7;
	v0 =	vsel vm10, s1, v0;
	v56 =	vcombine.low v54, v62;
	v62 =	vld [tilespmem:$0x1FEB0]  }
0x521: {  	s8 =	sadd.s32 s8, s26;
	s3 =	smul.u32 $0x4EC4EC4F, s24;
	v54 =	vsel vm2, s2, v59;
	v0 =	vsel vm6, s6, v0;
	s24 =	spop (v2sf);
	(v2sf) =	vpush v14, $0xD  }
0x522: {  	s20 =	smulhi.u32 $0x4EC4EC4F, s9;
	s9 =	sshra.s32 s9, $0x1F;
	v56 =	vperm.xlane v56, v2;
	s26 =	spop (v2sf);
	(v2sf) =	vpush v14, $0xC;
	v51 =	vperm.xlane v60, v3  }
0x523: {  	s9 =	smul.u32 $0x4EC4EC4F, s9;
	vm10 =	vnez.u8 v63;
	v60 =	vimm.s32 $0x0;
	v63 =	vld [tilespmem:$0x1FEE0];
	vm14 =	vnez.u8 v61  }
0x524: {  	s0 =	smulhi.u32 $0x4EC4EC4F, s30;
	v59 =	vld [tilespmem:$0x1FED0];
	v61 =	vsel vm0, s13, v57;
	v51 =	vsel vm3, v51, v56;
	vm14 =	vmand vm15, vm14  }
0x525: {  	s1 =	smulhi.u32 $0x4EC4EC4F, s28;
	s28 =	sshra.s32 s28, $0x1F;
	vm15 =	vnez.u8 v62;
	v56 =	vimm.s32 $0x0;
	v62 =	vimm.s32 $0x0  }
0x526: {  	s30 =	sshra.s32 s30, $0x1F;
	s25 =	smul.u32 $0x4EC4EC4F, s28;
	s28 =	spop (v2sf);
	(v2sf) =	vpush v14, $0xE;
	vm11 =	vmand vm11, vm15;
	vm15 =	vlt.s32 v20, $0x1  }
0x527: {  	s14 =	sshra.s32 s19, $0x1F;
	s4 =	smul.u32 $0x4EC4EC4F, s30;
	s29 =	sshra.s32 s21, $0x1F;
	v39 =	vadd.s32 v51, v39;
	vm10 =	vmand vm15, vm10;
	vm15 =	vlt.s32 v21, $0x1  }
0x528: {  	s2 =	sadd.s32 s9, s20;
	s6 =	sadd.s32 s3, s22;
	s22 =	smulhi.u32 $0x4EC4EC4F, s21;
	v57 =	vmul.u32 $0xFFFFFF98, v39;
	v47 =	vsel vm10, $0xFFFFFFFF, v56;
	v43 =	vcombine.low v43, v63  }
0x529: {  	s30 =	smul.u32 $0x4EC4EC4F, s29;
	s3 =	sadd.s32 s4, s0;
	[tilespmem:$0x1FEF0] =	vst v47;
	v47 =	vsel vm14, $0xFFFFFFFF, v1;
	vm14 =	vnez.u8 v59;
	s29 =	spop (v2sf);
	(v2sf) =	vpush v14, $0xF  }
0x52a: {  	s4 =	smulhi.u32 $0x4EC4EC4F, s24;
	s24 =	sshra.s32 s24, $0x1F;
	vm10 =	vmand vm15, vm14;
	vm15 =	vcmask $0x2F2C;
	s20 =	spop (v2sf);
	(v2sf) =	vpush v14, $0x9  }
0x52b: {  	s17 =	sshra.s32 s19, $0x5;
	s9 =	sadd.s32 s25, s1;
	s24 =	smul.u32 $0x4EC4EC4F, s24;
	vm14 =	vcmask $0x3734;
	v32 =	vadd.s32 v47, v32;
	v51 =	vsel vm10, $0xFFFFFFFF, v60  }
0x52c: {  	s0 =	sadd.s32 s30, s22;
	s25 =	smulhi.u32 $0x4EC4EC4F, s26;
	s26 =	sshra.s32 s26, $0x1F;
	vm10 =	vlt.s32 v22, $0x1;
	v0 =	vsel vm15, s15, v0;
	v32 =	vmul.u32 $0x68, v32  }
0x52d: {  	s22 =	sshrl.u32 s9, $0x1F;
	s30 =	smul.u32 $0x4EC4EC4F, s26;
	s15 =	sadd.s32 s24, s4;
	[tilespmem:$0x1FF00] =	vst v51;
	vm10 =	vmand vm10, vm13;
	v51 =	vsel vm1, s12, v61;
	v0 =	vsel vm7, s17, v0  }
0x52e: {  	s4 =	sshra.s32 s28, $0x1F;
	s12 =	smulhi.u32 $0x4EC4EC4F, s28;
	s28 =	spop (v2sf);
	(v2sf) =	vpush v14, $0x8;
	vm13 =	vlt.s32 v23, $0x1;
	v56 =	vsel vm10, $0xFFFFFFFF, v62  }
0x52f: {  	s17 =	sadd.s32 s30, s25;
	s30 =	sshrl.u32 s15, $0x1F;
	s13 =	spop (v2sf);
	(v2sf) =	vpush v14, $0xA;
	v51 =	vsel vm2, s11, v51;
	v0 =	vsel vm14, s14, v0  }
0x530: {  	v63 =	vld [tilespmem:$0x1FF80];
	v60 =	vmov s30;
	v62 =	vmov s22;
	vm10 =	vmand vm13, vm12  }
0x531: {  	s19 =	sshrl.u32 s7, $0x1F;
	s18 =	sshrl.u32 s8, $0x1F;
	vm12 =	vlt.s32 v24, $0x1;
	v47 =	vsub.s32 v18, v32;
	v18 =	vand.u32 $0x7, v18  }
0x532: {  	s10 =	sadd.s32 s10, s23;
	s26 =	smul.u32 $0x4EC4EC4F, s4;
	[tilespmem:$0x1FF10] =	vst v56;
	v56 =	vperm.xlane v43, v2;
	s25 =	spop (v2sf);
	(v2sf) =	vpush v14, $0xB;
	v43 =	vsel vm8, s16, v0  }
0x533: {  	s23 =	sshrl.u32 s10, $0x1F;
	s21 =	sshrl.u32 s2, $0x1F;
	s4 =	sshrl.u32 s17, $0x1F;
	v0 =	vmov s18;
	v42 =	vnsel vm9, $0x0, v60;
	v60 =	vperm.xlane v55, v2  }
0x534: {  	s24 =	smulhi.u32 $0x4EC4EC4F, s29;
	s29 =	sshra.s32 s29, $0x1F;
	s18 =	sadd.s32 s26, s12;
	v0 =	vsel vm0, s19, v0;
	v61 =	vsel vm0, s4, v42;
	v43 =	vperm.xlane v43, v3  }
0x535: {  	s14 =	smul.u32 $0x4EC4EC4F, s29;
	s26 =	sshra.s32 s20, $0x1F;
	s29 =	sshrl.u32 s18, $0x1F;
	v44 =	vsel vm3, v44, v56;
	v0 =	vsel vm1, s23, v0;
	v56 =	vsub.s32 v63, v31  }
0x536: {  	v59 =	vld [tilespmem:$0x1FEF0];
	s11 =	smul.u32 $0x4EC4EC4F, s26;
	s4 =	sshrl.u32 s6, $0x1F;
	s26 =	spop (v2sf);
	(v2sf) =	vpush v14, $0x0;
	v42 =	vsel vm2, s21, v0;
	v0 =	vsel vm1, s29, v61  }
0x537: {  	s1 =	smulhi.u32 $0x4EC4EC4F, s20;
	s14 =	sadd.s32 s14, s24;
	v37 =	vadd.s32 v44, v37;
	vm13 =	vne.s32 v57, v56;
	v57 =	vsel vm0, s4, v62  }
0x538: {  	s22 =	sshrl.u32 s3, $0x1F;
	s12 =	smulhi.u32 $0x4EC4EC4F, s28;
	v55 =	vld [tilespmem:$0x1FFA0];
	s30 =	sshrl.u32 s14, $0x1F;
	v61 =	vperm.xlane v49, v3;
	v62 =	vsub.s32 v63, v34;
	v63 =	vperm.xlane v36, v3  }
0x539: {  	s28 =	sshra.s32 s28, $0x1F;
	s24 =	sadd.s32 s11, s1;
	v36 =	vsel vm11, $0xFFFFFFFF, v1;
	s20 =	spop (v2sf);
	(v2sf) =	vpush v14, $0x1;
	v0 =	vsel vm2, s30, v0  }
0x53a: {  	s16 =	smul.u32 $0x4EC4EC4F, s28;
	v56 =	vmul.u32 $0xFFFFFF98, v37;
	s29 =	sshrl.u32 s24, $0x1F;
	v41 =	vsel vm1, s22, v57;
	vm12 =	vmand vm12, vm13  }
0x53b: {  	s19 =	smulhi.u32 $0x4EC4EC4F, s13;
	s13 =	sshra.s32 s13, $0x1F;
	s30 =	sshrl.u32 s0, $0x1F;
	vm13 =	vnez.u8 v59;
	v33 =	vadd.s32 v36, v33;
	v0 =	vsel vm5, s29, v0  }
0x53c: {  	s28 =	smul.u32 $0x4EC4EC4F, s13;
	s13 =	sadd.s32 s16, s12;
	v44 =	vsel vm2, s30, v41;
	v38 =	vsel vm3, v61, v60;
	v17 =	vsel vm3, v63, v17  }
0x53d: {  	s1 =	smulhi.u32 $0x4EC4EC4F, s25;
	s25 =	sshra.s32 s25, $0x1F;
	s4 =	sshrl.u32 s13, $0x1F;
	v61 =	vperm.xlane v16, v2;
	v63 =	vsub.s32 v55, v31;
	v55 =	vsub.s32 v55, v34  }
0x53e: {  	s11 =	smul.u32 $0x4EC4EC4F, s25;
	s29 =	sshra.s32 s8, $0x5;
	v33 =	vmul.u32 $0x68, v33;
	v0 =	vsel vm6, s4, v0;
	vm11 =	vne.s32 v56, v62  }
0x53f: {  	s9 =	sshra.s32 s9, $0x5;
	s12 =	sadd.s32 s28, s19;
	v57 =	vmov s29;
	v17 =	vadd.s32 v38, v17;
	v38 =	vsel vm13, $0xFFFFFFFF, v1  }
0x540: {  	s19 =	sshrl.u32 s12, $0x1F;
	s11 =	sadd.s32 s11, s1;
	vm13 =	vcmask $0x1714;
	v62 =	vmov s9;
	v56 =	vperm.xlane v8, v2  }
0x541: {  	v42 =	vcombine.low v44, v42;
	s23 =	spop (v2sf);
	(v2sf) =	vpush v14, $0x2;
	v0 =	vsel vm7, s19, v0;
	s1 =	sshrl.u32 s11, $0x1F;
	s19 =	sshra.s32 s11, $0x1F  }
0x542: {  	s10 =	sshra.s32 s10, $0x5;
	s28 =	sshra.s32 s15, $0x5;
	s30 =	sshra.s32 s15, $0x1F;
	v60 =	vmul.u32 $0xFFFFFF98, v17;
	v41 =	vsel vm8, s1, v0;
	v0 =	vmov s19  }
0x543: {  	s8 =	sshra.s32 s26, $0x1F;
	s29 =	smulhi.u32 $0x4EC4EC4F, s20;
	(v2sf) =	vpush v14, $0x3;
	s1 =	sshra.s32 s7, $0x5;
	v0 =	vsel vm9, s28, v0;
	vm9 =	vcmask $0x704  }
0x544: {  	s4 =	sshra.s32 s17, $0x5;
	s17 =	sshra.s32 s17, $0x1F;
	v59 =	vsel vm3, v9, v56;
	s28 =	smulhi.u32 $0x4EC4EC4F, s26;
	v48 =	vsel vm0, s1, v57;
	v0 =	vsel vm9, s30, v0  }
0x545: {  	s26 =	smul.u32 $0x4EC4EC4F, s8;
	v57 =	vsel vm3, v15, v61;
	s22 =	spop (v2sf);
	vm9 =	vcmask $0xF0C;
	s30 =	sshra.s32 s20, $0x1F;
	v0 =	vsel vm0, s4, v0  }
0x546: {  	v61 =	vcombine.low v51, v54;
	v41 =	vperm.xlane v41, v3;
	s20 =	sshra.s32 s24, $0x5;
	s21 =	spop (v2sf);
	v0 =	vsel vm9, s17, v0;
	s17 =	sshra.s32 s18, $0x5  }
0x547: {  	v48 =	vsel vm1, s10, v48;
	v8 =	vadd.s32 v57, v11;
	s4 =	sshra.s32 s14, $0x5;
	s30 =	smul.u32 $0x4EC4EC4F, s30;
	s18 =	sshra.s32 s18, $0x1F;
	v0 =	vsel vm1, s17, v0  }
0x548: {  	vm9 =	vne.s32 v60, v63;
	v60 =	vcombine.low v53, v6;
	s25 =	spop (v2sf);
	s17 =	sshra.s32 s14, $0x1F;
	s14 =	smulhi.u32 $0x4EC4EC4F, s23;
	v0 =	vsel vm13, s18, v0  }
0x549: {  	(v2sf) =	vpush v14, $0x4;
	v6 =	vld [tilespmem:$0x1FF20];
	s18 =	sshra.s32 s23, $0x1F;
	vm13 =	vcmask $0x1F1C;
	s23 =	sshra.s32 s24, $0x1F;
	s24 =	sshra.s32 s22, $0x1F;
	v0 =	vsel vm2, s4, v0  }
0x54a: {  	v5 =	vld [tilespmem:$0x1FF00];
	v54 =	vmul.u32 $0xFFFFFF98, v8;
	v63 =	vperm.xlane v60, v2;
	s4 =	sshra.s32 s6, $0x5;
	s6 =	smul.u32 $0x4EC4EC4F, s24;
	s24 =	sshra.s32 s2, $0x5;
	v0 =	vsel vm13, s17, v0  }
0x54b: {  	s2 =	sadd.s32 s26, s28;
	s28 =	sshra.s32 s3, $0x5;
	s3 =	sadd.s32 s30, s29;
	vm13 =	vcmask $0x2724;
	v10 =	vsel vm0, s4, v62;
	v15 =	vsel vm2, s24, v48  }
0x54c: {  	s19 =	spop (v2sf);
	s30 =	sshrl.u32 s3, $0x1F;
	v53 =	vsel vm3, v50, v63;
	v0 =	vsel vm5, s20, v0;
	v16 =	vsel vm1, s28, v10  }
0x54d: {  	s16 =	spop (v2sf);
	s26 =	sshra.s32 s25, $0x1F;
	v62 =	vmov s30;
	v10 =	vsel vm12, $0xFFFFFFFF, v1;
	vm12 =	vlt.s32 v26, $0x1  }
0x54e: {  	v57 =	vld [tilespmem:$0x1FFC0];
	s1 =	smul.u32 $0x4EC4EC4F, s26;
	s26 =	sshrl.u32 s2, $0x1F;
	v6 =	vperm.xlane v6, v3;
	s15 =	spop (v2sf);
	(v2sf) =	vpush v14, $0x5;
	v0 =	vsel vm13, s23, v0  }
0x54f: {  	s18 =	smul.u32 $0x4EC4EC4F, s18;
	vm13 =	vnez.u8 v5;
	v49 =	vsel vm0, s26, v62;
	vm9 =	vmand vm12, vm9  }
0x550: {  	s29 =	sshra.s32 s12, $0x5;
	s17 =	smulhi.u32 $0x4EC4EC4F, s22;
	s22 =	sshra.s32 s13, $0x5;
	v10 =	vadd.s32 v10, v39;
	v39 =	vand.u32 $0x7, v22;
	(v2sf) =	vpush v14, $0x6  }
0x551: {  	s13 =	sshra.s32 s13, $0x1F;
	s4 =	smulhi.u32 $0x4EC4EC4F, s16;
	s16 =	sshra.s32 s16, $0x1F;
	v0 =	vsel vm6, s22, v0;
	v11 =	vsel vm13, $0xFFFFFFFF, v1;
	v6 =	vsel vm3, v6, v7  }
0x552: {  	s3 =	sshra.s32 s3, $0x5;
	s20 =	smulhi.u32 $0x4EC4EC4F, s21;
	s26 =	sshra.s32 s0, $0x5;
	v7 =	vperm.xlane v61, v2;
	v12 =	vsel vm9, $0xFFFFFFFF, v1;
	vm9 =	vne.s32 v54, v55  }
0x553: {  	v50 =	vld [tilespmem:$0x1FFE0];
	s16 =	smul.u32 $0x4EC4EC4F, s16;
	s23 =	sshra.s32 s21, $0x1F;
	s0 =	sadd.s32 s18, s14;
	v61 =	vsub.s32 v57, v34;
	v16 =	vsel vm2, s26, v16;
	v10 =	vmul.u32 $0x68, v10  }
0x554: {  	s21 =	smulhi.u32 $0x4EC4EC4F, s25;
	s6 =	sadd.s32 s6, s17;
	s17 =	sshrl.u32 s0, $0x1F;
	v0 =	vsel vm15, s13, v0;
	v6 =	vadd.s32 v59, v6;
	v59 =	vsub.s32 v57, v31  }
0x555: {  	s28 =	sshra.s32 s11, $0x5;
	s25 =	smulhi.u32 $0x4EC4EC4F, s19;
	s7 =	spop (v2sf);
	vm15 =	vlt.s32 v29, $0x1;
	v62 =	vsel vm1, s17, v49;
	v15 =	vcombine.low v16, v15  }
0x556: {  	v5 =	vld [tilespmem:$0x1FF10];
	s19 =	sshra.s32 s19, $0x1F;
	s22 =	smul.u32 $0x4EC4EC4F, s23;
	v11 =	vadd.s32 v11, v40;
	v12 =	vadd.s32 v12, v17;
	v0 =	vsel vm7, s29, v0;
	s8 =	spop (v2sf)  }
0x557: {  	s11 =	sadd.s32 s1, s21;
	s1 =	sshrl.u32 s6, $0x1F;
	v7 =	vsel vm3, v43, v7;
	v56 =	vmul.u32 $0xFFFFFF98, v6;
	s9 =	spop (v2sf);
	(v2sf) =	vpush v14, $0x7  }
0x558: {  	s19 =	smul.u32 $0x4EC4EC4F, s19;
	v43 =	vsel vm2, s1, v62;
	v62 =	vmov s3;
	v31 =	vsub.s32 v50, v31  }
0x559: {  	s12 =	sshra.s32 s12, $0x1F;
	s14 =	smulhi.u32 $0x4EC4EC4F, s7;
	s7 =	sshra.s32 s7, $0x1F;
	v34 =	vsub.s32 v50, v34;
	v11 =	vmul.u32 $0x68, v11;
	v12 =	vmul.u32 $0x68, v12  }
0x55a: {  	s18 =	smul.u32 $0x4EC4EC4F, s7;
	v0 =	vsel vm14, s12, v0;
	v7 =	vadd.s32 v53, v7;
	v15 =	vperm.xlane v15, v2  }
0x55b: {  	s23 =	smulhi.u32 $0x4EC4EC4F, s15;
	vm13 =	vnez.u8 v5;
	v5 =	vsel vm10, $0xFFFFFFFF, v1;
	v60 =	vmul.u32 $0xFFFFFF98, v7  }
0x55c: {  	s15 =	sshra.s32 s15, $0x1F;
	vm12 =	vne.s32 v56, v59;
	s14 =	sadd.s32 s18, s14;
	s18 =	sshrl.u32 s11, $0x1F;
	v0 =	vsel vm8, s28, v0;
	v56 =	vperm.xlane v42, v2  }
0x55d: {  	s15 =	smul.u32 $0x4EC4EC4F, s15;
	s7 =	sadd.s32 s22, s20;
	v9 =	vsel vm13, $0xFFFFFFFF, v1;
	vm13 =	vlt.s32 v25, $0x1;
	v63 =	vmov s18  }
0x55e: {  	s20 =	smulhi.u32 $0x4EC4EC4F, s8;
	s8 =	sshra.s32 s8, $0x1F;
	s18 =	sshrl.u32 s7, $0x1F;
	v0 =	vperm.xlane v0, v3;
	v5 =	vadd.s32 v5, v45;
	vm10 =	vmand vm13, vm11  }
0x55f: {  	s15 =	sadd.s32 s15, s23;
	s11 =	sshra.s32 s11, $0x5;
	s29 =	smul.u32 $0x4EC4EC4F, s8;
	vm13 =	vlt.s32 v28, $0x1;
	vm14 =	vne.s32 v60, v61;
	v48 =	vsel vm0, s18, v63  }
0x560: {  	s8 =	sadd.s32 s19, s25;
	s19 =	smulhi.u32 $0x4EC4EC4F, s9;
	s30 =	sshra.s32 s9, $0x1F;
	v16 =	vsel vm3, v41, v56;
	v63 =	vmov s11;
	v9 =	vadd.s32 v9, v46  }
0x561: {  	s9 =	sadd.s32 s16, s4;
	s16 =	smul.u32 $0x4EC4EC4F, s30;
	s30 =	sshrl.u32 s15, $0x1F;
	v5 =	vmul.u32 $0x68, v5;
	v46 =	vand.u32 $0x7, v24;
	v13 =	vsel vm10, $0xFFFFFFFF, v1  }
0x562: {  	vm10 =	vlt.s32 v27, $0x1;
	v52 =	vmov s30;
	v0 =	vsel vm3, v0, v15  }
0x563: {  	s10 =	spop (v2sf);
	v9 =	vmul.u32 $0x68, v9;
	vm11 =	vmand vm10, vm9;
	vm10 =	vmand vm13, vm12  }
0x564: {  	vm13 =	vcmask $0x704;
	vm9 =	vmand vm15, vm14;
	vm15 =	vcmask $0x1714;
	s13 =	spop (v2sf)  }
0x565: {  	vm14 =	vcmask $0xF0C;
	vm12 =	vcmask $0x300;
	v0 =	vadd.s32 v16, v0;
	s12 =	spop (v2sf)  }
0x566: {  	s23 =	sshrl.u32 s14, $0x1F;
	s25 =	smulhi.u32 $0x4EC4EC4F, s10;
	v16 =	vand.u32 $0xFFFFFFF8, v47;
	v13 =	vadd.s32 v13, v37;
	v40 =	vsub.s32 v23, v5;
	s4 =	spop (v2sf)  }
0x567: {  	s20 =	sadd.s32 s29, s20;
	s29 =	sshra.s32 s10, $0x1F;
	v47 =	vsub.s32 v26, v12;
	v49 =	vnsel vm12, $0x0, v52;
	v51 =	vsel vm11, $0xFFFFFFFF, v1;
	s24 =	smulhi.u32 $0x4EC4EC4F, s4  }
0x568: {  	v16 =	vadd.s32 v32, v16;
	v13 =	vmul.u32 $0x68, v13;
	v54 =	vsel vm0, s23, v49;
	s22 =	sshra.s32 s4, $0x1F;
	s4 =	smul.u32 $0x4EC4EC4F, s29  }
0x569: {  	s16 =	sadd.s32 s16, s19;
	s26 =	sshrl.u32 s20, $0x1F;
	v16 =	vor.u32 v18, v16;
	v8 =	vadd.s32 v51, v8;
	v51 =	vand.u32 $0x7, v26;
	s22 =	smul.u32 $0x4EC4EC4F, s22  }
0x56a: {  	s30 =	sshrl.u32 s16, $0x1F;
	v44 =	vsel vm1, s26, v54;
	v54 =	vadd.s32 v38, v35;
	v45 =	vsub.s32 v25, v13;
	s28 =	smulhi.u32 $0x4EC4EC4F, s13;
	s13 =	sshra.s32 s13, $0x1F  }
0x56b: {  	v38 =	vand.u32 $0x7, v21;
	v8 =	vmul.u32 $0x68, v8;
	v17 =	vand.u32 $0xFFFFFFF8, v45;
	s13 =	smul.u32 $0x4EC4EC4F, s13;
	s1 =	sadd.s32 s4, s25;
	s10 =	sadd.s32 s22, s24  }
0x56c: {  	v44 =	vsel vm2, s30, v44;
	v13 =	vadd.s32 v13, v17;
	v17 =	vand.u32 $0xFFFFFFF8, v47;
	s25 =	sshrl.u32 s8, $0x1F;
	s4 =	smulhi.u32 $0x4EC4EC4F, s12;
	s19 =	sshra.s32 s10, $0x1F  }
0x56d: {  	v50 =	vsub.s32 v27, v8;
	v12 =	vadd.s32 v12, v17;
	s12 =	sshra.s32 s12, $0x1F;
	s24 =	sshra.s32 s15, $0x5;
	s22 =	sshrl.u32 s1, $0x1F;
	v53 =	vmov s19  }
0x56e: {  	s13 =	sadd.s32 s13, s28;
	v48 =	vsel vm1, s25, v48;
	s12 =	smul.u32 $0x4EC4EC4F, s12;
	v60 =	vsel vm5, s22, v44;
	s19 =	sshrl.u32 s9, $0x1F;
	v55 =	vsel vm12, s24, v53  }
0x56f: {  	s15 =	sshra.s32 s15, $0x1F;
	s24 =	sshrl.u32 s13, $0x1F;
	v61 =	vsel vm2, s19, v48;
	vm12 =	vcmask $0x1F1C;
	v53 =	vsel vm10, $0xFFFFFFFF, v1  }
0x570: {  	s12 =	sadd.s32 s12, s4;
	v49 =	vsel vm13, s15, v55;
	v15 =	vsel vm6, s24, v60;
	v55 =	vsub.s32 v19, v33  }
0x571: {  	s29 =	sshra.s32 s14, $0x5;
	s26 =	sshrl.u32 s12, $0x1F;
	v19 =	vand.u32 $0x7, v19;
	v60 =	vsub.s32 v21, v11;
	vm13 =	vlt.s32 v30, $0x1  }
0x572: {  	v6 =	vadd.s32 v53, v6;
	v57 =	vsel vm0, s29, v49;
	v15 =	vsel vm7, s26, v15  }
0x573: {  	s14 =	sshra.s32 s14, $0x1F;
	s11 =	sshrl.u32 s10, $0x1F;
	s29 =	sshra.s32 s7, $0x5;
	v49 =	vmul.u32 $0xFFFFFF98, v0;
	v32 =	vand.u32 $0xFFFFFFF8, v55;
	v6 =	vmul.u32 $0x68, v6  }
0x574: {  	s18 =	sshra.s32 s20, $0x5;
	v42 =	vsel vm14, s14, v57;
	v44 =	vsel vm0, s29, v63;
	v15 =	vsel vm8, s11, v15  }
0x575: {  	s3 =	sshra.s32 s8, $0x5;
	v32 =	vadd.s32 v33, v32;
	v63 =	vsub.s32 v22, v9;
	v42 =	vsel vm1, s18, v42  }
0x576: {  	v44 =	vsel vm1, s3, v44;
	v15 =	vperm.xlane v15, v3;
	vm11 =	vne.s32 v49, v31  }
0x577: {  	s2 =	sshra.s32 s2, $0x5;
	s21 =	sshra.s32 s20, $0x1F;
	v31 =	vmul.u32 $0x68, v54;
	v57 =	vor.u32 v19, v32;
	v32 =	vimm.s32 $0x32000  }
0x578: {  	s23 =	sshra.s32 s16, $0x5;
	s8 =	sshra.s32 s9, $0x5;
	v59 =	vsel vm15, s21, v42;
	v42 =	vcombine.low v61, v43;
	v43 =	vsel vm0, s2, v62  }
0x579: {  	s0 =	sshra.s32 s0, $0x5;
	s25 =	sshra.s32 s16, $0x1F;
	v44 =	vsel vm2, s8, v44;
	v61 =	vand.u32 $0xFFFFFFF8, v60;
	v41 =	vsel vm2, s23, v59  }
0x57a: {  	s28 =	sshra.s32 s1, $0x5;
	v43 =	vsel vm1, s0, v43;
	v56 =	vsub.s32 v20, v31;
	v41 =	vsel vm12, s25, v41  }
0x57b: {  	s1 =	sshra.s32 s1, $0x1F;
	s7 =	sshra.s32 s6, $0x5;
	v20 =	vand.u32 $0x7, v20;
	v41 =	vsel vm5, s28, v41;
	vm5 =	vcmask $0x2724  }
0x57c: {  	s30 =	sshra.s32 s13, $0x5;
	v11 =	vadd.s32 v11, v61;
	v43 =	vsel vm2, s7, v43;
	v41 =	vsel vm5, s1, v41  }
0x57d: {  	s4 =	sshra.s32 s13, $0x1F;
	v59 =	vand.u32 $0xFFFFFFF8, v56;
	vm5 =	vcmask $0x2F2C;
	v41 =	vsel vm6, s30, v41  }
0x57e: {  	s9 =	sshra.s32 s12, $0x5;
	s14 =	simm.s32 $0x1900;
	v42 =	vperm.xlane v42, v2;
	v19 =	vadd.s32 v31, v59;
	v41 =	vsel vm5, s4, v41  }
0x57f: {  	s12 =	sshra.s32 s12, $0x1F;
	s15 =	simm.s32 $0x3298;
	[tilespmem:v16+s14+$0x0] =	vst.idx.msk $0xffff, v1;
	v19 =	vor.u32 v20, v19;
	vm5 =	vcmask $0x3734;
	v41 =	vsel vm7, s9, v41  }
0x580: {  	s16 =	simm.s32 $0x4C30;
	s13 =	sshra.s32 s10, $0x5;
	[tilespmem:v16+s15+$0x0] =	vst.idx.msk $0xffff, v32;
	v11 =	vor.u32 v38, v11;
	v43 =	vcombine.low v44, v43;
	v41 =	vsel vm5, s12, v41  }
0x581: {  	v44 =	vsub.s32 v24, v10;
	v20 =	vand.u32 $0xFFFFFFF8, v63;
	[tilespmem:v57+s16+$0x0] =	vst.idx.msk $0xffff, v1;
	v41 =	vsel vm8, s13, v41  }
0x582: {  	s17 =	simm.s32 $0x65C8;
	v43 =	vperm.xlane v43, v2;
	v9 =	vadd.s32 v9, v20;
	v41 =	vperm.xlane v41, v3  }
0x583: {  	v15 =	vsel vm3, v15, v42;
	v42 =	vand.u32 $0xFFFFFFF8, v40;
	[tilespmem:v57+s17+$0x0] =	vst.idx.msk $0xffff, v32;
	v9 =	vor.u32 v39, v9  }
0x584: {  	v5 =	vadd.s32 v5, v42;
	[tilespmem:v19+s14+$0x0] =	vst.idx.msk $0xffff, v1;
	v48 =	vsel vm3, v41, v43;
	v43 =	vand.u32 $0x7, v23  }
0x585: {  	v55 =	vand.u32 $0x7, v28;
	v18 =	vand.u32 $0xFFFFFFF8, v44;
	[tilespmem:v19+s15+$0x0] =	vst.idx.msk $0xffff, v32;
	v5 =	vor.u32 v43, v5  }
0x586: {  	v53 =	vsub.s32 v28, v6;
	v62 =	vsel vm9, $0xFFFFFFFF, v1;
	v10 =	vadd.s32 v10, v18;
	[tilespmem:v11+s16+$0x0] =	vst.idx.msk $0xffff, v1  }
0x587: {  	vm14 =	vmand vm13, vm11;
	vm15 =	vlt.s32 v14, $0x1;
	v10 =	vor.u32 v46, v10;
	[tilespmem:v11+s17+$0x0] =	vst.idx.msk $0xffff, v32  }
0x588: {  	v16 =	vand.u32 $0xFFFFFFF8, v50;
	v15 =	vadd.s32 v15, v48;
	v48 =	vand.u32 $0x7, v25;
	[tilespmem:v9+s14+$0x0] =	vst.idx.msk $0xffff, v1  }
0x589: {  	v54 =	vand.u32 $0xFFFFFFF8, v53;
	v49 =	vsel vm14, $0xFFFFFFFF, v1;
	v11 =	vor.u32 v48, v13;
	[tilespmem:v9+s15+$0x0] =	vst.idx.msk $0xffff, v32  }
0x58a: {  	s18 =	sadd.s32 $0x67, s31;
	v8 =	vadd.s32 v8, v16;
	v7 =	vadd.s32 v62, v7;
	v52 =	vmul.u32 $0xFFFFFF98, v15;
	[tilespmem:v5+s16+$0x0] =	vst.idx.msk $0xffff, v1  }
0x58b: {  	s19 =	smulhi.u32 $0x4EC4EC4F, s18;
	s20 =	sshra.s32 s18, $0x1F;
	s21 =	rddreg [dreg:$0xd];
	v6 =	vadd.s32 v6, v54;
	v7 =	vmul.u32 $0x68, v7;
	v9 =	vor.u32 v51, v12;
	[tilespmem:v5+s17+$0x0] =	vst.idx.msk $0xffff, v32  }
0x58c: {  	s2 =	smul.u32 $0x4EC4EC4F, s20;
	s22 =	sadd.s32 $0x67, s21;
	v0 =	vadd.s32 v49, v0;
	vm12 =	vne.s32 v52, v34;
	v5 =	vand.u32 $0x7, v27;
	[tilespmem:v10+s14+$0x0] =	vst.idx.msk $0xffff, v1  }
0x58d: {  	v6 =	vor.u32 v55, v6;
	s23 =	smulhi.u32 $0x4EC4EC4F, s22;
	s24 =	sshra.s32 s22, $0x1F;
	vm9 =	vmand vm15, vm12;
	v5 =	vor.u32 v5, v8;
	[tilespmem:v10+s15+$0x0] =	vst.idx.msk $0xffff, v32  }
0x58e: {  	v0 =	vmul.u32 $0x68, v0;
	s7 =	smul.u32 $0x4EC4EC4F, s24;
	v56 =	vsub.s32 v29, v7;
	s1 =	sadd.s32 s2, s19;
	v52 =	vsel vm9, $0xFFFFFFFF, v1;
	[tilespmem:v11+s16+$0x0] =	vst.idx.msk $0xffff, v1  }
0x58f: {  	v59 =	vand.u32 $0x7, v29;
	s2 =	sshrl.u32 s1, $0x1F;
	s1 =	sshra.s32 s1, $0x5;
	v57 =	vadd.s32 v52, v15;
	v8 =	vand.u32 $0xFFFFFFF8, v56;
	[tilespmem:v11+s17+$0x0] =	vst.idx.msk $0xffff, v32  }
0x590: {  	v60 =	vsub.s32 v30, v0;
	s6 =	sadd.s32 s7, s23;
	s1 =	sadd.s32 s2, s1;
	v7 =	vadd.s32 v7, v8;
	v10 =	vmul.u32 $0x68, v57;
	[tilespmem:v9+s14+$0x0] =	vst.idx.msk $0xffff, v1  }
0x591: {  	s25 =	sshrl.u32 s6, $0x1F;
	s6 =	sshra.s32 s6, $0x5;
	s26 =	smul.u32 $0xFFFFFF98, s1;
	v8 =	vand.u32 $0xFFFFFFF8, v60;
	v7 =	vor.u32 v59, v7;
	[tilespmem:v9+s15+$0x0] =	vst.idx.msk $0xffff, v32  }
0x592: {  	v61 =	vand.u32 $0x7, v30;
	s28 =	ssub.s32 $0xFFFFFF99, s31;
	s2 =	sadd.s32 s25, s6;
	v0 =	vadd.s32 v0, v8;
	v62 =	vsub.s32 v14, v10;
	[tilespmem:v5+s16+$0x0] =	vst.idx.msk $0xffff, v1  }
0x593: {  	p0 =	slt.s32 s18, $0x1;
	s29 =	smul.u32 $0xFFFFFF98, s2;
	p1 =	sne.s32 s26, s28;
	v0 =	vor.u32 v61, v0;
	[tilespmem:v5+s17+$0x0] =	vst.idx.msk $0xffff, v32;
	v5 =	vand.u32 $0xFFFFFFF8, v62  }
0x594: {  	s0 =	simm.s32 $0x1;
	v63 =	vand.u32 $0x7, v14;
	s30 =	ssub.s32 $0xFFFFFF99, s21;
	p0 =	por !p0, !p1;
	[tilespmem:v6+s14+$0x0] =	vst.idx.msk $0xffff, v1;
	v5 =	vadd.s32 v10, v5  }
0x595: {  	p6 =	slt.s32 s22, $0x1;
	p2 =	sne.s32 s29, s30;
	p0 =	por !p0, !p0;
	[tilespmem:v6+s15+$0x0] =	vst.idx.msk $0xffff, v32;
	v5 =	vor.u32 v63, v5  }
0x596: {  	p1 =	por !p6, !p2;
	s0 =	simm.s32 @!p0 $0x0;
	[tilespmem:v7+s16+$0x0] =	vst.idx.msk $0xffff, v1  }
0x597: {  	s3 =	simm.s32 $0x1;
	p0 =	por !p1, !p1;
	s0 =	ssub.s32 s1, s0;
	[tilespmem:v7+s17+$0x0] =	vst.idx.msk $0xffff, v32  }
0x598: {  	s3 =	simm.s32 @!p0 $0x0;
	p0 =	sgt.s32 s0, $0x0;
	[tilespmem:v0+s14+$0x0] =	vst.idx.msk $0xffff, v1  }
.Ltmp1:
0x599: {  	[tilespmem:v0+s15+$0x0] =	vst.idx.msk $0xffff, v32;
	(pc) =	sbr.rel @!p0 .LBB2_4-.Ltmp1, $4  }
0x59a: {  	[tilespmem:v5+s16+$0x0] =	vst.idx.msk $0xffff, v1  }
0x59b: {  	[tilespmem:v5+s17+$0x0] =	vst.idx.msk $0xffff, v32  }
0x59c: {  	s31 =	ssub.s32 s2, s3;
	[bflag:$0x0] =	sbarrier.arrive $0xFFFF  }
0x59d: {  	s4 =	simm.s32 $0x1900;
	s2 =	sadd.s32 s0, s31  }
0x59e: {  	p0 =	sne.s32 s0, $0x1;
	v0 =	vld [tilespmem:$0x1FFF0]  }
.Ltmp2:
0x59f: {  	_ = 	snop;
	(pc) =	sbr.rel @!p0 .LBB2_7-.Ltmp2, $4  }
0x5a0: {  	_ = 	snop  }
0x5a1: {  	s23 =	rddreg [dreg:$0x0];
	s1 =	simm.s32 $0x68;
	s3 =	simm.s32 $0x7F60;
	vm12 =	vcmask $0x1F1C;
	vm10 =	vcmask $0x2724  }
0x5a2: {  	vm11 =	vmmov vm4;
	vm5 =	vcmask $0x2320;
	vm6 =	vcmask $0x2B28;
	[tilespmem:s3], [sflag:$0x1] =	stream.indirect.gather [hbm4b:s23+s1], $0x40, s4, s1, $0xb8;
	[tilespmem:$0x11B60] =	vst v63  }
0x5a3: {  	s24 =	rddreg [dreg:$0x5];
	vm7 =	vcmask $0x3330;
	vm8 =	vcmask $0x3B38;
	s3 =	simm.s32 $0x68;
	vm3 =	vnez.u8 v0  }
0x5a4: {  	p0 =	slt.u32 s0, $0x3  }
.Ltmp3:
0x5a5: {  	_ = 	snop;
	(pc) =	sbr.rel @p0 .LBB2_9-.Ltmp3, $3  }
0x5a6: {  	_ =	sdelay $0x1  }
0x5a7: {  	s1 =	simm.s32 $0x1968;
	s4 =	simm.s32 $0x9960  }
0x5a8: {  	[tilespmem:s4], [sflag:$0x2] =	stream.indirect.gather [hbm4b:s23+s3], $0x40, s1, s3, $0xb8;
	[tilespmem:$0x11B60] =	vst v63  }
.Ltmp4:
0x5a9: {  	(pc) =	sbr.rel .LBB2_12-.Ltmp4, $3  }
0x5aa: {  	_ =	sdelay $0x1  }
0x5ab: {  	s1 =	simm.s32 $0x19D0;
	s4 =	simm.s32 $0xB360  }
0x5ac: {  	[tilespmem:s4], [sflag:$0x3] =	stream.indirect.gather [hbm4b:s23+s3], $0x40, s1, s3, $0xb8;
	[tilespmem:$0x11B60] =	vst v63  }
.LBB2_4:
0x5ad: {  	p0 =	slt.s32 s2, $0x1;
	v0 =	vld [tilespmem:$0x1FFF0]  }
.Ltmp5:
0x5ae: {  	_ = 	snop;
	(pc) =	sbr.rel @p0 .LBB2_12-.Ltmp5, $4  }
0x5af: {  	_ = 	snop  }
0x5b0: {  	vm12 =	vcmask $0x1F1C;
	vm10 =	vcmask $0x2724  }
0x5b1: {  	s23 =	rddreg [dreg:$0x0];
	vm11 =	vmmov vm4;
	vm5 =	vcmask $0x2320;
	vm6 =	vcmask $0x2B28  }
0x5b2: {  	s24 =	rddreg [dreg:$0x5];
	vm7 =	vcmask $0x3330;
	vm8 =	vcmask $0x3B38;
	s3 =	simm.s32 $0x68;
	vm3 =	vnez.u8 v0  }
0x5b3: {  	s1 =	smul.u32 $0xFFFFFE60, s0;
	_ =	sdelay $0x1  }
0x5b4: {  	s1 =	sshra.s32 s1, $0x2  }
0x5b5: {  	s4 =	simm.s32 $0x7F60;
	s1 =	sadd.s32 $0x4C30, s1  }
0x5b6: {  	[tilespmem:s4], [sflag:$0x1] =	stream.indirect.gather [hbm4b:s24+s3], $0x40, s1, s3, $0xb8;
	[tilespmem:$0x11B60] =	vst v63  }
.LBB2_7:
0x5b7: {  	p0 =	slt.s32 s2, $0x2  }
.Ltmp6:
0x5b8: {  	_ = 	snop;
	(pc) =	sbr.rel @p0 .LBB2_12-.Ltmp6, $1  }
0x5b9: {  	_ =	sdelay $0x3  }
0x5ba: {  	s1 =	ssub.s32 $0x1, s0  }
0x5bb: {  	s1 =	smul.u32 $0x1A0, s1;
	_ =	sdelay $0x1  }
0x5bc: {  	s1 =	sshra.s32 s1, $0x2  }
0x5bd: {  	s4 =	simm.s32 $0x9960;
	s1 =	sadd.s32 $0x4C30, s1  }
0x5be: {  	[tilespmem:s4], [sflag:$0x2] =	stream.indirect.gather [hbm4b:s24+s3], $0x40, s1, s3, $0xb8;
	[tilespmem:$0x11B60] =	vst v63  }
.LBB2_9:
0x5bf: {  	p0 =	slt.s32 s2, $0x3  }
0x5c0: {  	s1 =	ssub.s32 @!p0 $0x2, s0  }
0x5c1: {  	s1 =	smul.u32 @!p0 $0x1A0, s1;
	_ =	sdelay $0x1  }
0x5c2: {  	s1 =	sshra.s32 @!p0 s1, $0x2  }
0x5c3: {  	s3 =	simm.s32 @!p0 $0x68;
	s6 =	simm.s32 @!p0 $0xB360;
	s1 =	sadd.s32 @!p0 $0x4C30, s1  }
0x5c4: {  	[tilespmem:s6], [sflag:$0x3] =	stream.indirect.gather @!p0 [hbm4b:s24+s3], $0x40, s1, s3, $0xb8;
	[tilespmem:$0x11B60] =	vst v63  }
.LBB2_12:
0x5c5: {  	s1 =	sadd.s32 $0x3, s2  }
0x5c6: {  	s3 =	smul.u32 $0xFFFFFE60, s0;
	s25 =	sadd.s32 $0x2, s2;
	p0 =	sle.s32 s2, $0x0  }
0x5c7: {  	p2 =	por $0x1, $0x1;
	p1 =	sgt.s32 s0, $0x0;
	p3 =	sle.s32 s0, $0x0  }
0x5c8: {  	p6 =	sgt.s32 s2, $0x4;
	[dreg:$0x3] =	wrdreg s1;
	s4 =	simm.s32 @!p0 $0x0  }
0x5c9: {  	[dreg:$0x4] =	wrdreg s25;
	s7 =	simm.s32 @!p0 $0x1;
	p4 =	sle.s32 @!p1 s2, $0x0  }
0x5ca: {  	s8 =	simm.s32 @!p3 $0x7F60;
	s9 =	simm.s32 @!p3 $0x68;
	s4 =	simm.s32 @p0 $0x1  }
0x5cb: {  	s26 =	sshra.s32 s3, $0x2;
	p1 =	por p4, p1;
	[smem:$0x666] =	sst s4  }
0x5cc: {  	p4 =	sgt.s32 s0, $0x1;
	s4 =	sadd.s32 $0x65C8, s26;
	_ =	swait.ge @!p0 [sflag:s7], $0x1A00  }
0x5cd: {  	s3 =	sadd.s32 $0x4C30, s26;
	s1 =	rddreg [dreg:$0x3];
	[sflag:s7] =	ssyncset.done @!p0 $0x0  }
0x5ce: {  	[sflag:s7] =	ssyncadd.s32 @!p0 $0xFFFFE600;
	s7 =	simm.s32 @!p3 $0x3298;
	p5 =	sle.s32 @!p2 s1, $0x0  }
0x5cf: {  	s1 =	simm.s32 @!p1 $0x68;
	p0 =	sle.s32 s2, $0x1;
	p5 =	por p5, p2  }
0x5d0: {  	[hbm4b:s5+s9] =	stream.indirect.scatter @!p3 [tilespmem:s8], [sflag:$0x7], $0x40, s7, s9, $0xb8;
	[tilespmem:$0x11B60] =	vst v63  }
0x5d1: {  	s7 =	sadd.s32 @!p1 $0x0, s4;
	s8 =	simm.s32 @!p1 $0x7F60;
	p2 =	sle.s32 s0, $0x3  }
0x5d2: {  	[hbm4b:s5+s1] =	stream.indirect.scatter @!p1 [tilespmem:s8], [sflag:$0x7], $0x40, s7, s1, $0xb8;
	[tilespmem:$0x11B60] =	vst v63  }
0x5d3: {  	s9 =	simm.s32 @!p5 $0xA;
	s1 =	simm.s32 @!p0 $0x0;
	p1 =	sgt.s32 s2, $0x3  }
0x5d4: {  	s7 =	simm.s32 @!p2 $0xCD60;
	s1 =	simm.s32 @p0 $0x1;
	p3 =	por !p2, !p1  }
0x5d5: {  	[smem:$0x669] =	sst s1;
	s1 =	simm.s32 @!p2 $0x0;
	p1 =	por !p3, !p3  }
0x5d6: {  	_ =	swait.ge @!p5 [sflag:s9], $0x1A00;
	s1 =	simm.s32 @p2 $0x1;
	s8 =	sadd.s32 @p1 $0x0, s3  }
0x5d7: {  	s11 =	simm.s32 @p1 $0xCD60;
	[smem:$0x665] =	sst s1;
	[sflag:s9] =	ssyncset.done @!p5 $0x0  }
0x5d8: {  	s1 =	simm.s32 @!p2 $0x1A38;
	[sflag:s9] =	ssyncadd.s32 @!p5 $0xFFFFE600;
	s9 =	simm.s32 @!p2 $0x68  }
0x5d9: {  	[tilespmem:s7], [sflag:$0x4] =	stream.indirect.gather @!p2 [hbm4b:s23+s9], $0x40, s1, s9, $0xb8;
	[tilespmem:$0x11B60] =	vst v63  }
0x5da: {  	s12 =	simm.s32 @p1 $0x68;
	p5 =	sle.s32 @!p4 s2, $0x1;
	s1 =	sadd.s32 @p1 $0x138, s8  }
0x5db: {  	s8 =	simm.s32 @!p0 $0x2;
	p4 =	por p5, p4;
	p5 =	sle.s32 s0, $0x1  }
0x5dc: {  	[tilespmem:s11], [sflag:$0x4] =	stream.indirect.gather @p1 [hbm4b:s24+s12], $0x40, s1, s12, $0xb8;
	[tilespmem:$0x11B60] =	vst v63  }
0x5dd: {  	p2 =	por $0x1, $0x1;
	s13 =	simm.s32 @!p5 $0x3300;
	_ =	swait.ge @!p0 [sflag:s8], $0x1A00  }
0x5de: {  	s14 =	simm.s32 @!p5 $0x68;
	s1 =	simm.s32 @!p5 $0x9960;
	[sflag:s8] =	ssyncset.done @!p0 $0x0  }
0x5df: {  	s10 =	rddreg [dreg:$0x4];
	[sflag:s8] =	ssyncadd.s32 @!p0 $0xFFFFE600;
	p0 =	sle.s32 s2, $0x2  }
0x5e0: {  	[hbm4b:s5+s14] =	stream.indirect.scatter @!p5 [tilespmem:s1], [sflag:$0x8], $0x40, s13, s14, $0xb8;
	[tilespmem:$0x11B60] =	vst v63  }
0x5e1: {  	s1 =	sadd.s32 @!p4 $0x0, s4;
	p5 =	sle.s32 @!p2 s10, $0x0;
	s10 =	simm.s32 @!p4 $0x68  }
0x5e2: {  	s13 =	simm.s32 @!p4 $0x9960;
	s15 =	simm.s32 @!p0 $0x3;
	p5 =	por p5, p2  }
0x5e3: {  	s1 =	sadd.s32 @!p4 $0x68, s1;
	p2 =	sle.s32 s0, $0x4;
	s8 =	simm.s32 @!p5 $0xB  }
0x5e4: {  	[hbm4b:s5+s10] =	stream.indirect.scatter @!p4 [tilespmem:s13], [sflag:$0x8], $0x40, s1, s10, $0xb8;
	[tilespmem:$0x11B60] =	vst v63  }
0x5e5: {  	p3 =	por !p2, !p6;
	s13 =	simm.s32 @!p2 $0xE760;
	_ =	swait.ge @!p5 [sflag:s8], $0x1A00  }
0x5e6: {  	s1 =	simm.s32 @!p2 $0x1AA0;
	p3 =	por !p3, !p3;
	[sflag:s8] =	ssyncset.done @!p5 $0x0  }
0x5e7: {  	s14 =	sadd.s32 @p3 $0x0, s3;
	[sflag:s8] =	ssyncadd.s32 @!p5 $0xFFFFE600;
	s8 =	simm.s32 @!p2 $0x68  }
0x5e8: {  	[tilespmem:s13], [sflag:$0x5] =	stream.indirect.gather @!p2 [hbm4b:s23+s8], $0x40, s1, s8, $0xb8;
	[tilespmem:$0x11B60] =	vst v63  }
0x5e9: {  	s10 =	simm.s32 @p3 $0x68;
	s1 =	sadd.s32 @p3 $0x1A0, s14;
	s14 =	simm.s32 @p3 $0xE760  }
0x5ea: {  	[tilespmem:s14], [sflag:$0x5] =	stream.indirect.gather @p3 [hbm4b:s24+s10], $0x40, s1, s10, $0xb8;
	[tilespmem:$0x11B60] =	vst v63  }
0x5eb: {  	p6 =	sle.s32 s0, $0x2;
	_ =	swait.ge @!p0 [sflag:s15], $0x1A00  }
0x5ec: {  	s6 =	simm.s32 @!p0 $0x0;
	s16 =	simm.s32 @!p6 $0x3368;
	[sflag:s15] =	ssyncset.done @!p0 $0x0  }
0x5ed: {  	s17 =	simm.s32 @!p6 $0x68;
	s1 =	simm.s32 @!p6 $0xB360;
	[sflag:s15] =	ssyncadd.s32 @!p0 $0xFFFFE600  }
0x5ee: {  	[hbm4b:s5+s17] =	stream.indirect.scatter @!p6 [tilespmem:s1], [sflag:$0x9], $0x40, s16, s17, $0xb8;
	[tilespmem:$0x11B60] =	vst v63  }
0x5ef: {  	s6 =	simm.s32 @p0 $0x1;
	p6 =	sgt.s32 s0, $0x2  }
0x5f0: {  	p5 =	por p2, p2;
	p0 =	por $0x1, $0x1;
	p2 =	sle.s32 @!p6 s2, $0x2  }
0x5f1: {  	p2 =	por p2, p6;
	p6 =	slt.s32 @!p0 s2, $0x0  }
0x5f2: {  	p4 =	sgt.s32 s2, $0x5;
	p0 =	por p6, p0;
	s1 =	sadd.s32 @!p2 $0x0, s4  }
0x5f3: {  	s15 =	simm.s32 @!p2 $0xB360;
	s16 =	simm.s32 @!p2 $0x68;
	s1 =	sadd.s32 @!p2 $0xD0, s1  }
0x5f4: {  	[hbm4b:s5+s16] =	stream.indirect.scatter @!p2 [tilespmem:s15], [sflag:$0x9], $0x40, s1, s16, $0xb8;
	[tilespmem:$0x11B60] =	vst v63  }
0x5f5: {  	[smem:$0x664] =	sst s6;
	p6 =	sle.s32 s0, $0x5;
	s1 =	simm.s32 @!p0 $0xC  }
0x5f6: {  	p4 =	por !p6, !p4;
	_ =	swait.ge @!p0 [sflag:s1], $0x1A00  }
0x5f7: {  	s18 =	simm.s32 @!p6 $0x68;
	s16 =	simm.s32 @!p6 $0x10160;
	[sflag:s1] =	ssyncset.done @!p0 $0x0  }
0x5f8: {  	p2 =	por !p4, !p4;
	[sflag:s1] =	ssyncadd.s32 @!p0 $0xFFFFE600;
	s1 =	simm.s32 @!p6 $0x1B08  }
0x5f9: {  	[tilespmem:s16], [sflag:$0x6] =	stream.indirect.gather @!p6 [hbm4b:s23+s18], $0x40, s1, s18, $0xb8;
	[tilespmem:$0x11B60] =	vst v63  }
0x5fa: {  	s17 =	simm.s32 @p2 $0x10160;
	p0 =	sle.s32 s2, $0x3;
	s1 =	sadd.s32 @p2 $0x0, s3  }
0x5fb: {  	s19 =	simm.s32 @p2 $0x68;
	s15 =	simm.s32 @!p0 $0x4;
	s1 =	sadd.s32 @p2 $0x208, s1  }
0x5fc: {  	[tilespmem:s17], [sflag:$0x6] =	stream.indirect.gather @p2 [hbm4b:s24+s19], $0x40, s1, s19, $0xb8;
	[tilespmem:$0x11B60] =	vst v63  }
0x5fd: {  	_ =	swait.ge @!p0 [sflag:s15], $0x1A00  }
0x5fe: {  	s28 =	sld [smem:$0x665];
	_ =	sdelay $0x1  }
0x5ff: {  	[sflag:s15] =	ssyncset.done @!p0 $0x0  }
0x600: {  	[sflag:s15] =	ssyncadd.s32 @!p0 $0xFFFFE600;
	p0 =	seq.s32 s28, $0x1  }
0x601: {  	s30 =	sld [smem:$0x666];
	s1 =	simm.s32 @!p0 $0x33D0  }
0x602: {  	[hbm4b:s5+s9] =	stream.indirect.scatter @!p0 [tilespmem:s7], [sflag:$0xA], $0x40, s1, s9, $0xb8;
	[tilespmem:$0x11B60] =	vst v63  }
0x603: {  	s20 =	simm.s32 $0x0;
	s1 =	sadd.s32 @p1 $0x0, s4  }
0x604: {  	p4 =	seq.s32 s30, $0x1;
	p0 =	sgt.s32 s0, $0x6;
	s1 =	sadd.s32 @p1 $0x138, s1  }
0x605: {  	[hbm4b:s5+s12] =	stream.indirect.scatter @p1 [tilespmem:s11], [sflag:$0xA], $0x40, s1, s12, $0xb8;
	[tilespmem:$0x11B60] =	vst v63  }
0x606: {  	s22 =	simm.s32 @!p6 $0x34A0;
	s1 =	simm.s32 @!p4 $0x7;
	p1 =	sle.s32 @!p0 s2, $0x6  }
0x607: {  	_ =	swait.ge @!p4 [sflag:s1], $0x1A00;
	p0 =	por p1, p0;
	p1 =	sle.s32 s0, $0x6  }
0x608: {  	s12 =	simm.s32 $0x0;
	[sflag:s1] =	ssyncset.done @!p4 $0x0;
	s7 =	simm.s32 @!p1 $0x1B70  }
0x609: {  	s9 =	simm.s32 @!p1 $0x7F60;
	[sflag:s1] =	ssyncadd.s32 @!p4 $0xFFFFE600;
	s1 =	simm.s32 @!p1 $0x68  }
0x60a: {  	[tilespmem:s9], [sflag:$0x1] =	stream.indirect.gather @!p1 [hbm4b:s23+s1], $0x40, s7, s1, $0xb8;
	[tilespmem:$0x11B60] =	vst v63  }
0x60b: {  	s11 =	simm.s32 @!p5 $0x3438;
	[dreg:$0x6] =	wrdreg s3;
	s1 =	sadd.s32 @!p0 $0x0, s3  }
0x60c: {  	s7 =	simm.s32 @!p0 $0x68;
	s9 =	simm.s32 @!p0 $0x7F60;
	s3 =	simm.s32 @!p3 $0x0  }
0x60d: {  	p1 =	sle.s32 s0, $0x7;
	s1 =	sadd.s32 @!p0 $0x270, s1;
	s3 =	simm.s32 @p3 $0x1  }
0x60e: {  	[tilespmem:s9], [sflag:$0x1] =	stream.indirect.gather @!p0 [hbm4b:s24+s7], $0x40, s1, s7, $0xb8;
	[tilespmem:$0x11B60] =	vst v63  }
0x60f: {  	p0 =	sle.s32 s2, $0x4;
	s7 =	simm.s32 $0x9C0;
	s9 =	sadd.s32 @p3 $0x0, s4  }
0x610: {  	s1 =	simm.s32 @!p0 $0x5;
	s26 =	sadd.s32 @p3 $0x1A0, s9;
	s9 =	sadd.s32 @p2 $0x0, s4  }
0x611: {  	p3 =	sgt.s32 s0, $0x7;
	_ =	swait.ge @!p0 [sflag:s1], $0x1A00;
	[dreg:$0x7] =	wrdreg s4  }
0x612: {  	s29 =	sadd.s32 @p2 $0x208, s9;
	[smem:$0x667] =	sst s3;
	s3 =	simm.s32 @!p6 $0x0  }
0x613: {  	[sflag:s1] =	ssyncset.done @!p0 $0x0;
	s31 =	sld [smem:$0x669];
	s3 =	simm.s32 @p6 $0x1  }
0x614: {  	p4 =	sle.s32 @!p3 s2, $0x7;
	[sflag:s1] =	ssyncadd.s32 @!p0 $0xFFFFE600;
	[smem:$0x668] =	sst s3  }
0x615: {  	[hbm4b:s5+s8] =	stream.indirect.scatter @!p5 [tilespmem:s13], [sflag:$0xB], $0x40, s11, s8, $0xb8;
	[tilespmem:$0x11B60] =	vst v63  }
0x616: {  	s8 =	simm.s32 $0x6;
	s11 =	simm.s32 @!p1 $0x68;
	p0 =	seq.s32 s31, $0x1  }
0x617: {  	p6 =	por p0, p0;
	s9 =	simm.s32 @!p0 $0x8;
	p0 =	sle.s32 s2, $0x5  }
.LBB2_13:
0x618: {  	s3 =	sld [smem:$0x667];
	_ =	sdelay $0x2  }
0x619: {  	p3 =	por p4, p3;
	p4 =	seq.s32 s3, $0x1  }
0x61a: {  	[hbm4b:s5+s10] =	stream.indirect.scatter @p4 [tilespmem:s14], [sflag:$0xB], $0x40, s26, s10, $0xb8;
	[tilespmem:$0x11B60] =	vst v63  }
0x61b: {  	s1 =	sshra.s32 @!p1 s12, $0x2;
	_ =	swait.ge @!p6 [sflag:s9], $0x1A00  }
0x61c: {  	s15 =	smov.u32 s7;
	s7 =	sadd.s32 $0x9C0, s7;
	[sflag:s9] =	ssyncset.done @!p6 $0x0  }
0x61d: {  	s1 =	sadd.s32 @!p1 $0x1BD8, s1;
	s14 =	simm.s32 @!p1 $0x9960;
	[sflag:s9] =	ssyncadd.s32 @!p6 $0xFFFFE600  }
0x61e: {  	[tilespmem:s14], [sflag:$0x2] =	stream.indirect.gather @!p1 [hbm4b:s23+s11], $0x40, s1, s11, $0xb8;
	[tilespmem:$0x11B60] =	vst v63  }
0x61f: {  	s10 =	sshra.s32 @!p3 s12, $0x2;
	s6 =	rddreg [dreg:$0x6];
	p1 =	sne.s32 s7, $0x6B40  }
0x620: {  	s10 =	sadd.s32 @!p3 s10, s6;
	s1 =	simm.s32 @!p1 $0x0  }
0x621: {  	s13 =	simm.s32 @!p0 $0x6;
	s9 =	sadd.s32 @!p3 $0x2D8, s10;
	s1 =	simm.s32 @p1 $0x1  }
0x622: {  	s10 =	simm.s32 @!p3 $0x9960;
	[smem:$0x663] =	sst s1;
	s1 =	simm.s32 @!p3 $0x68  }
0x623: {  	[tilespmem:s10], [sflag:$0x2] =	stream.indirect.gather @!p3 [hbm4b:s24+s1], $0x40, s9, s1, $0xb8;
	[tilespmem:$0x11B60] =	vst v63  }
0x624: {  	_ =	swait.ge @!p0 [sflag:s13], $0x1A00  }
0x625: {  	s26 =	sld [smem:$0x668]  }
0x626: {  	p6 =	seq.s32 s15, $0x0;
	s9 =	sadd.s32 $0x4, s8;
	s28 =	sld [smem:$0x664]  }
0x627: {  	s1 =	sadd.s32 $0x8, s20;
	s10 =	sadd.s32 $0x1, s8;
	[sflag:s13] =	ssyncset.done @!p0 $0x0  }
0x628: {  	p1 =	sge.s32 s1, s0;
	p5 =	slt.s32 s10, s0;
	[sflag:s13] =	ssyncadd.s32 @!p0 $0xFFFFE600  }
0x629: {  	s13 =	simm.s32 @!p1 $0xB360;
	p0 =	seq.s32 s26, $0x1;
	p3 =	seq.s32 s28, $0x1  }
0x62a: {  	[hbm4b:s5+s18] =	stream.indirect.scatter @!p0 [tilespmem:s16], [sflag:$0xC], $0x40, s22, s18, $0xb8;
	[tilespmem:$0x11B60] =	vst v63  }
0x62b: {  	s11 =	simm.s32 @!p3 $0x9;
	p0 =	slt.s32 s1, s0;
	s16 =	sadd.s32 $0x3, s8  }
0x62c: {  	[hbm4b:s5+s19] =	stream.indirect.scatter @p2 [tilespmem:s17], [sflag:$0xC], $0x40, s29, s19, $0xb8;
	[tilespmem:$0x11B60] =	vst v63  }
0x62d: {  	p2 =	sge.s32 @!p0 s1, s2;
	s1 =	sshra.s32 @!p1 s12, $0x2;
	_ =	swait.ge @!p3 [sflag:s11], $0x1A00  }
0x62e: {  	p0 =	por p2, p0;
	p2 =	sge.s32 s9, s0;
	[sflag:s11] =	ssyncset.done @!p3 $0x0  }
0x62f: {  	s1 =	sadd.s32 @!p1 $0x1C40, s1;
	s28 =	simm.s32 @!p2 $0x68;
	[sflag:s11] =	ssyncadd.s32 @!p3 $0xFFFFE600  }
0x630: {  	s11 =	sshra.s32 @!p0 s12, $0x2;
	s12 =	simm.s32 @!p1 $0x68;
	p3 =	sge.s32 s8, s2  }
0x631: {  	[tilespmem:s13], [sflag:$0x3] =	stream.indirect.gather @!p1 [hbm4b:s23+s12], $0x40, s1, s12, $0xb8;
	[tilespmem:$0x11B60] =	vst v63  }
0x632: {  	s11 =	sadd.s32 @!p0 s11, s6;
	s12 =	simm.s32 @!p0 $0xB360;
	p1 =	slt.s32 s9, s2  }
0x633: {  	s1 =	sadd.s32 @!p0 $0x340, s11;
	s11 =	simm.s32 @!p0 $0x68;
	s3 =	simm.s32 @!p1 $0x0  }
0x634: {  	[tilespmem:s12], [sflag:$0x3] =	stream.indirect.gather @!p0 [hbm4b:s24+s11], $0x40, s1, s11, $0xb8;
	[tilespmem:$0x11B60] =	vst v63  }
0x635: {  	s13 =	simm.s32 @!p2 $0xE760;
	s1 =	simm.s32 @!p3 $0x0;
	s3 =	simm.s32 @p1 $0x1  }
0x636: {  	p0 =	sge.s32 s10, s2;
	s1 =	simm.s32 @p3 $0x1;
	[smem:$0x65E] =	sst s3  }
0x637: {  	p1 =	sge.s32 s8, s0;
	[smem:$0x661] =	sst s1;
	s1 =	simm.s32 @!p0 $0x0  }
0x638: {  	s3 =	simm.s32 @!p2 $0x0;
	s14 =	simm.s32 @!p1 $0x7F60;
	s1 =	simm.s32 @p0 $0x1  }
0x639: {  	p0 =	slt.s32 s8, s0;
	[smem:$0x669] =	sst s1;
	s1 =	simm.s32 @!p3 $0x1  }
0x63a: {  	s3 =	simm.s32 @p2 $0x1;
	p4 =	sge.s32 @!p0 s8, s2;
	_ =	swait.ge @!p3 [sflag:s1], $0x1A00  }
0x63b: {  	s17 =	simm.s32 @!p1 $0x68;
	p0 =	por p4, p0;
	[smem:$0x65F] =	sst s3  }
0x63c: {  	[sflag:s1] =	ssyncset.done @!p3 $0x0;
	s12 =	rddreg [dreg:$0x3];
	s3 =	simm.s32 @!p6 $0x0  }
0x63d: {  	s18 =	simm.s32 @!p0 $0x7F60;
	[sflag:s1] =	ssyncadd.s32 @!p3 $0xFFFFE600;
	s1 =	sshra.s32 @!p1 s15, $0x2  }
0x63e: {  	s3 =	simm.s32 @p6 $0x1;
	p2 =	sge.s32 @!p6 s8, s12;
	p3 =	sge.s32 s10, s0  }
0x63f: {  	s12 =	simm.s32 @!p0 $0x68;
	s1 =	sadd.s32 @!p1 $0x3298, s1;
	[smem:$0x660] =	sst s3  }
0x640: {  	p4 =	por p2, p6;
	p6 =	sge.s32 @!p5 s10, s2;
	s10 =	sshra.s32 @!p0 s15, $0x2  }
0x641: {  	s3 =	rddreg [dreg:$0x7];
	p2 =	slt.s32 s16, s2;
	s19 =	simm.s32 @!p3 $0x9960  }
0x642: {  	[hbm4b:s5+s17] =	stream.indirect.scatter @!p1 [tilespmem:s14], [sflag:$0x7], $0x40, s1, s17, $0xb8;
	[tilespmem:$0x11B60] =	vst v63  }
0x643: {  	p6 =	por p6, p5;
	s10 =	sadd.s32 @!p0 s10, s3;
	p1 =	sge.s32 s16, s0  }
0x644: {  	s1 =	simm.s32 @!p4 $0xA;
	s21 =	simm.s32 @!p1 $0xCD60;
	p5 =	por !p1, !p2  }
0x645: {  	[hbm4b:s5+s12] =	stream.indirect.scatter @!p0 [tilespmem:s18], [sflag:$0x7], $0x40, s10, s12, $0xb8;
	[tilespmem:$0x11B60] =	vst v63  }
0x646: {  	s14 =	sshra.s32 @!p6 s15, $0x2;
	s23 =	simm.s32 @!p1 $0x68;
	p2 =	por !p5, !p5  }
0x647: {  	s10 =	sshra.s32 @!p1 s15, $0x2;
	_ =	swait.ge @!p4 [sflag:s1], $0x1A00;
	s4 =	simm.s32 @!p2 $0x0  }
0x648: {  	s4 =	simm.s32 @p2 $0x1;
	[sflag:s1] =	ssyncset.done @!p4 $0x0;
	s30 =	sld [smem:$0x669]  }
0x649: {  	s12 =	sshra.s32 @p2 s15, $0x2;
	[smem:$0x662] =	sst s4;
	[sflag:s1] =	ssyncadd.s32 @!p4 $0xFFFFE600  }
0x64a: {  	s17 =	sadd.s32 @!p1 $0x1A38, s10;
	s24 =	simm.s32 @p2 $0xCD60;
	s4 =	rddreg [dreg:$0x0]  }
0x64b: {  	[tilespmem:s21], [sflag:$0x4] =	stream.indirect.gather @!p1 [hbm4b:s4+s23], $0x40, s17, s23, $0xb8;
	[tilespmem:$0x11B60] =	vst v63  }
0x64c: {  	s11 =	simm.s32 @p2 $0x68;
	s18 =	sadd.s32 @p2 s12, s6;
	p0 =	seq.s32 s30, $0x1  }
0x64d: {  	s18 =	sadd.s32 @p2 $0x138, s18;
	s4 =	rddreg [dreg:$0x5];
	s17 =	simm.s32 @!p0 $0x2  }
0x64e: {  	[tilespmem:s24], [sflag:$0x4] =	stream.indirect.gather @p2 [hbm4b:s4+s11], $0x40, s18, s11, $0xb8;
	[tilespmem:$0x11B60] =	vst v63  }
0x64f: {  	s14 =	sadd.s32 @!p6 s14, s3;
	s1 =	sshra.s32 @!p3 s15, $0x2;
	_ =	swait.ge @!p0 [sflag:s17], $0x1A00  }
0x650: {  	s12 =	sadd.s32 @p2 s12, s3;
	s1 =	sadd.s32 @!p3 $0x3300, s1;
	s18 =	rddreg [dreg:$0x4]  }
0x651: {  	s30 =	sadd.s32 @p2 $0x138, s12;
	[sflag:s17] =	ssyncset.done @!p0 $0x0;
	s31 =	sld [smem:$0x65F]  }
0x652: {  	s12 =	simm.s32 @!p3 $0x68;
	[sflag:s17] =	ssyncadd.s32 @!p0 $0xFFFFE600;
	s17 =	sld [smem:$0x65E]  }
0x653: {  	[hbm4b:s5+s12] =	stream.indirect.scatter @!p3 [tilespmem:s19], [sflag:$0x8], $0x40, s1, s12, $0xb8;
	[tilespmem:$0x11B60] =	vst v63  }
0x654: {  	s20 =	simm.s32 @!p6 $0x9960;
	s14 =	sadd.s32 @!p6 $0x68, s14;
	s19 =	sld [smem:$0x660]  }
0x655: {  	s12 =	sadd.s32 $0x2, s8;
	p0 =	seq.s32 s31, $0x1;
	p4 =	seq.s32 s17, $0x1  }
0x656: {  	s31 =	sadd.s32 @!p1 $0x33D0, s10;
	s1 =	sshra.s32 @!p0 s15, $0x2;
	p5 =	por !p0, !p4  }
0x657: {  	p3 =	seq.s32 s19, $0x1;
	s17 =	sadd.s32 @!p0 $0x1AA0, s1;
	s25 =	sadd.s32 @!p0 $0x3438, s1  }
0x658: {  	p4 =	slt.s32 s12, s0;
	s19 =	simm.s32 @!p6 $0x68;
	p2 =	sge.s32 @!p3 s8, s18  }
0x659: {  	[hbm4b:s5+s19] =	stream.indirect.scatter @!p6 [tilespmem:s20], [sflag:$0x8], $0x40, s14, s19, $0xb8;
	[tilespmem:$0x11B60] =	vst v63  }
0x65a: {  	p0 =	por !p5, !p5;
	p5 =	sge.s32 s12, s2;
	p2 =	por p2, p3  }
0x65b: {  	p6 =	sge.s32 @!p4 s12, s2;
	s10 =	sshra.s32 @p0 s15, $0x2;
	s1 =	simm.s32 @!p2 $0xB  }
0x65c: {  	s18 =	simm.s32 @!p5 $0x3;
	p3 =	sge.s32 s12, s0;
	_ =	swait.ge @!p2 [sflag:s1], $0x1A00  }
0x65d: {  	s22 =	sadd.s32 @p0 s10, s3;
	[sflag:s1] =	ssyncset.done @!p2 $0x0;
	s20 =	sld [smem:$0x65F]  }
0x65e: {  	s14 =	sadd.s32 @p0 s10, s6;
	[sflag:s1] =	ssyncadd.s32 @!p2 $0xFFFFE600;
	p2 =	por p6, p4  }
0x65f: {  	s10 =	simm.s32 @p0 $0x68;
	s19 =	sadd.s32 @p0 $0x1A0, s14;
	s12 =	sshra.s32 @!p2 s15, $0x2  }
0x660: {  	s1 =	rddreg [dreg:$0x0];
	p6 =	seq.s32 s20, $0x1;
	s20 =	sadd.s32 @!p2 s12, s3  }
0x661: {  	[tilespmem:s13], [sflag:$0x5] =	stream.indirect.gather @!p6 [hbm4b:s1+s28], $0x40, s17, s28, $0xb8;
	[tilespmem:$0x11B60] =	vst v63  }
0x662: {  	s12 =	smov.u32 s15;
	s1 =	sshra.s32 @!p3 s15, $0x2;
	s15 =	simm.s32 @!p0 $0x0  }
0x663: {  	s26 =	sadd.s32 @p0 $0x1A0, s22;
	s4 =	rddreg [dreg:$0x5];
	s15 =	simm.s32 @p0 $0x1  }
0x664: {  	s14 =	simm.s32 @p0 $0xE760;
	s29 =	simm.s32 @!p2 $0xB360;
	[smem:$0x667] =	sst s15  }
0x665: {  	[tilespmem:s14], [sflag:$0x5] =	stream.indirect.gather @p0 [hbm4b:s4+s10], $0x40, s19, s10, $0xb8;
	[tilespmem:$0x11B60] =	vst v63  }
0x666: {  	s17 =	simm.s32 @!p3 $0xB360;
	s1 =	sadd.s32 @!p3 $0x3368, s1;
	_ =	swait.ge @!p5 [sflag:s18], $0x1A00  }
0x667: {  	s4 =	simm.s32 @!p5 $0x0;
	[sflag:s18] =	ssyncset.done @!p5 $0x0;
	s22 =	sld [smem:$0x660]  }
0x668: {  	s15 =	simm.s32 @!p3 $0x68;
	s4 =	simm.s32 @p5 $0x1;
	[sflag:s18] =	ssyncadd.s32 @!p5 $0xFFFFE600  }
0x669: {  	[hbm4b:s5+s15] =	stream.indirect.scatter @!p3 [tilespmem:s17], [sflag:$0x9], $0x40, s1, s15, $0xb8;
	[tilespmem:$0x11B60] =	vst v63  }
0x66a: {  	s19 =	sadd.s32 @!p2 $0xD0, s20;
	[smem:$0x664] =	sst s4;
	p0 =	seq.s32 s22, $0x1  }
0x66b: {  	s18 =	simm.s32 @!p2 $0x68;
	s15 =	sadd.s32 $0x5, s8;
	p4 =	sgt.s32 @!p0 s8, s2  }
0x66c: {  	[hbm4b:s5+s18] =	stream.indirect.scatter @!p2 [tilespmem:s29], [sflag:$0x9], $0x40, s19, s18, $0xb8;
	[tilespmem:$0x11B60] =	vst v63  }
0x66d: {  	p3 =	sge.s32 s16, s2;
	p4 =	por p4, p0;
	p0 =	sge.s32 s15, s0  }
0x66e: {  	p5 =	slt.s32 s15, s2;
	s1 =	simm.s32 @!p4 $0xC;
	s16 =	sshra.s32 @!p0 s12, $0x2  }
0x66f: {  	p2 =	por !p0, !p5;
	s18 =	simm.s32 @!p0 $0x68;
	s29 =	simm.s32 @!p0 $0x0  }
0x670: {  	_ =	swait.ge @!p4 [sflag:s1], $0x1A00;
	s19 =	sadd.s32 @!p0 $0x1B08, s16;
	p2 =	por !p2, !p2  }
0x671: {  	s29 =	simm.s32 @p0 $0x1;
	s22 =	sld [smem:$0x669];
	[sflag:s1] =	ssyncset.done @!p4 $0x0  }
0x672: {  	[smem:$0x668] =	sst s29;
	[sflag:s1] =	ssyncadd.s32 @!p4 $0xFFFFE600;
	s1 =	sshra.s32 @p2 s12, $0x2  }
0x673: {  	s17 =	simm.s32 @p2 $0x10160;
	s4 =	rddreg [dreg:$0x0];
	s29 =	sadd.s32 @p2 s1, s6  }
0x674: {  	s1 =	sadd.s32 @p2 s1, s3;
	s3 =	smov.u32 s5;
	s5 =	rddreg [dreg:$0x5]  }
0x675: {  	p5 =	seq.s32 s22, $0x1;
	s22 =	sadd.s32 @!p0 $0x34A0, s16;
	s16 =	simm.s32 @!p0 $0x10160  }
0x676: {  	[tilespmem:s16], [sflag:$0x6] =	stream.indirect.gather @!p0 [hbm4b:s4+s18], $0x40, s19, s18, $0xb8;
	[tilespmem:$0x11B60] =	vst v63  }
0x677: {  	s29 =	sadd.s32 @p2 $0x208, s29;
	s19 =	simm.s32 @p2 $0x68;
	s4 =	simm.s32 @!p3 $0x4  }
0x678: {  	[tilespmem:s17], [sflag:$0x6] =	stream.indirect.gather @p2 [hbm4b:s5+s19], $0x40, s29, s19, $0xb8;
	[tilespmem:$0x11B60] =	vst v63  }
0x679: {  	_ =	swait.ge @!p3 [sflag:s4], $0x1A00  }
0x67a: {  	[sflag:s4] =	ssyncset.done @!p3 $0x0  }
0x67b: {  	[sflag:s4] =	ssyncadd.s32 @!p3 $0xFFFFE600;
	s4 =	sld [smem:$0x661]  }
0x67c: {  	[hbm4b:s3+s23] =	stream.indirect.scatter @!p1 [tilespmem:s21], [sflag:$0xA], $0x40, s31, s23, $0xb8;
	[tilespmem:$0x11B60] =	vst v63  }
0x67d: {  	s21 =	sld [smem:$0x662]  }
0x67e: {  	s20 =	smov.u32 s8;
	s8 =	sadd.s32 $0x6, s8;
	s29 =	sadd.s32 @p2 $0x208, s1  }
0x67f: {  	p3 =	sge.s32 s8, s0;
	s23 =	rddreg [dreg:$0x0];
	p1 =	slt.s32 s8, s0  }
0x680: {  	p4 =	seq.s32 s4, $0x1;
	s4 =	sshra.s32 @!p3 s12, $0x2;
	p0 =	seq.s32 s21, $0x1  }
0x681: {  	[hbm4b:s3+s11] =	stream.indirect.scatter @p0 [tilespmem:s24], [sflag:$0xA], $0x40, s30, s11, $0xb8;
	[tilespmem:$0x11B60] =	vst v63  }
0x682: {  	s1 =	simm.s32 @!p4 $0x7;
	s4 =	sadd.s32 @!p3 $0x1B70, s4;
	p0 =	sge.s32 @!p1 s8, s2  }
0x683: {  	s24 =	rddreg [dreg:$0x5];
	_ =	swait.ge @!p4 [sflag:s1], $0x1A00;
	p1 =	por p0, p1  }
0x684: {  	p0 =	sge.s32 s9, s2;
	s9 =	simm.s32 @!p3 $0x7F60;
	[sflag:s1] =	ssyncset.done @!p4 $0x0  }
0x685: {  	s21 =	sshra.s32 @!p1 s12, $0x2;
	[sflag:s1] =	ssyncadd.s32 @!p4 $0xFFFFE600;
	s1 =	simm.s32 @!p3 $0x68  }
0x686: {  	[tilespmem:s9], [sflag:$0x1] =	stream.indirect.gather @!p3 [hbm4b:s23+s1], $0x40, s4, s1, $0xb8;
	[tilespmem:$0x11B60] =	vst v63  }
0x687: {  	s1 =	sadd.s32 @!p1 s21, s6;
	s4 =	simm.s32 @!p1 $0x68  }
0x688: {  	s9 =	simm.s32 @!p1 $0x7F60;
	s21 =	simm.s32 @!p0 $0x5;
	s1 =	sadd.s32 @!p1 $0x270, s1  }
0x689: {  	[tilespmem:s9], [sflag:$0x1] =	stream.indirect.gather @!p1 [hbm4b:s24+s4], $0x40, s1, s4, $0xb8;
	[tilespmem:$0x11B60] =	vst v63  }
0x68a: {  	_ =	swait.ge @!p0 [sflag:s21], $0x1A00  }
0x68b: {  	[sflag:s21] =	ssyncset.done @!p0 $0x0;
	s31 =	sld [smem:$0x663]  }
0x68c: {  	[sflag:s21] =	ssyncadd.s32 @!p0 $0xFFFFE600  }
0x68d: {  	[hbm4b:s3+s28] =	stream.indirect.scatter @!p6 [tilespmem:s13], [sflag:$0xB], $0x40, s25, s28, $0xb8;
	[tilespmem:$0x11B60] =	vst v63  }
0x68e: {  	s9 =	simm.s32 @!p5 $0x8;
	p6 =	por p5, p5;
	p5 =	seq.s32 s31, $0x1  }
.Ltmp7:
0x68f: {  	_ = 	snop;
	(pc) =	sbr.rel @p5 .LBB2_13-.Ltmp7, $4  }
0x690: {  	_ = 	snop  }
0x691: {  	s1 =	sadd.s32 $0x7, s20  }
0x692: {  	s5 =	smov.u32 s3;
	p1 =	sge.s32 s1, s0;
	p3 =	slt.s32 s1, s0  }
0x693: {  	s11 =	simm.s32 @!p1 $0x68;
	p4 =	sge.s32 @!p3 s1, s2;
	p0 =	sge.s32 s15, s2  }
0x694: {  	s1 =	sld [smem:$0x667];
	_ =	sdelay $0x2  }
0x695: {  	p5 =	seq.s32 s1, $0x1  }
0x696: {  	[hbm4b:s5+s10] =	stream.indirect.scatter @p5 [tilespmem:s14], [sflag:$0xB], $0x40, s26, s10, $0xb8;
	[tilespmem:$0x11B60] =	vst v63  }
0x697: {  	_ =	swait.ge @!p6 [sflag:s9], $0x1A00  }
0x698: {  	p3 =	por p4, p3;
	s1 =	sshra.s32 @!p1 s12, $0x2;
	[sflag:s9] =	ssyncset.done @!p6 $0x0  }
0x699: {  	s4 =	simm.s32 @!p1 $0x9960;
	s1 =	sadd.s32 @!p1 $0x1BD8, s1;
	[sflag:s9] =	ssyncadd.s32 @!p6 $0xFFFFE600  }
0x69a: {  	[tilespmem:s4], [sflag:$0x2] =	stream.indirect.gather @!p1 [hbm4b:s23+s11], $0x40, s1, s11, $0xb8;
	[tilespmem:$0x11B60] =	vst v63  }
0x69b: {  	s3 =	rddreg [dreg:$0x6];
	s1 =	sshra.s32 @!p3 s12, $0x2  }
0x69c: {  	s1 =	sadd.s32 @!p3 s1, s3  }
0x69d: {  	s6 =	simm.s32 @!p3 $0x9960;
	s4 =	simm.s32 @!p3 $0x68;
	s1 =	sadd.s32 @!p3 $0x2D8, s1  }
0x69e: {  	[tilespmem:s6], [sflag:$0x2] =	stream.indirect.gather @!p3 [hbm4b:s24+s4], $0x40, s1, s4, $0xb8;
	[tilespmem:$0x11B60] =	vst v63  }
0x69f: {  	s1 =	simm.s32 @!p0 $0x6  }
0x6a0: {  	_ =	swait.ge @!p0 [sflag:s1], $0x1A00  }
0x6a1: {  	s26 =	sld [smem:$0x668]  }
0x6a2: {  	s28 =	sld [smem:$0x664]  }
0x6a3: {  	[sflag:s1] =	ssyncset.done @!p0 $0x0  }
0x6a4: {  	[sflag:s1] =	ssyncadd.s32 @!p0 $0xFFFFE600;
	s1 =	sadd.s32 $0x8, s20  }
0x6a5: {  	p1 =	sge.s32 s1, s0;
	p0 =	seq.s32 s26, $0x1;
	p3 =	seq.s32 s28, $0x1  }
0x6a6: {  	[hbm4b:s5+s18] =	stream.indirect.scatter @!p0 [tilespmem:s16], [sflag:$0xC], $0x40, s22, s18, $0xb8;
	[tilespmem:$0x11B60] =	vst v63  }
0x6a7: {  	s4 =	simm.s32 @!p3 $0x9;
	p0 =	slt.s32 s1, s0;
	s0 =	sshra.s32 @!p1 s12, $0x2  }
0x6a8: {  	[hbm4b:s5+s19] =	stream.indirect.scatter @p2 [tilespmem:s17], [sflag:$0xC], $0x40, s29, s19, $0xb8;
	[tilespmem:$0x11B60] =	vst v63  }
0x6a9: {  	s0 =	sadd.s32 @!p1 $0x1C40, s0;
	_ =	swait.ge @!p3 [sflag:s4], $0x1A00  }
0x6aa: {  	p2 =	sge.s32 @!p0 s1, s2;
	s1 =	simm.s32 @!p1 $0x68;
	[sflag:s4] =	ssyncset.done @!p3 $0x0  }
0x6ab: {  	s2 =	simm.s32 @!p1 $0xB360;
	p0 =	por p2, p0;
	[sflag:s4] =	ssyncadd.s32 @!p3 $0xFFFFE600  }
0x6ac: {  	[tilespmem:s2], [sflag:$0x3] =	stream.indirect.gather @!p1 [hbm4b:s23+s1], $0x40, s0, s1, $0xb8;
	[tilespmem:$0x11B60] =	vst v63  }
0x6ad: {  	s0 =	sshra.s32 @!p0 s12, $0x2  }
0x6ae: {  	s30 =	rddreg [dreg:$0xb];
	s0 =	sadd.s32 @!p0 s0, s3  }
0x6af: {  	s1 =	simm.s32 @!p0 $0x68;
	s2 =	simm.s32 @!p0 $0xB360;
	s0 =	sadd.s32 @!p0 $0x340, s0  }
0x6b0: {  	[tilespmem:s2], [sflag:$0x3] =	stream.indirect.gather @!p0 [hbm4b:s24+s1], $0x40, s0, s1, $0xb8;
	[tilespmem:$0x11B60] =	vst v63  }
0x6b1: {  	s31 =	rddreg [dreg:$0x9];
	s1 =	sadd.s32 $0x1, s30  }
0x6b2: {  	p0 =	sne.s32 s1, s31  }
.Ltmp8:
0x6b3: {  	_ = 	snop;
	(pc) =	sbr.rel @p0 .LBB2_1-.Ltmp8, $1  }
0x6b4: {  	_ =	sdelay $0x3  }
0x6b5: {  	_ =	sfence.sel $0x180000  }
0x6b6: {  	[bflag:$0x0] =	sbarrier.arrive $0xFFFF  }
0x6b7: {  	_ =	strace $0x90000047  }
0x6b8: {  	s0 =	stileid.u32;
	[bflag:$0x2] =	sbarrier.arrive $0xFFFF  }
0x6b9: {  	p0 =	sne.s32 s0, $0x0;
	s0 =	rddreg [dreg:$0x2]  }
0x6ba: {  	s0 =	sadd.s32 @!p0 $0x100000, s0  }
0x6bb: {  	[sflag:s0] =	ssyncadd.tile.s32 @!p0 $0x1;
	_ =	shalt  }
.Lfunc_end2:
_tile_overlayer_lowered:
.L_overlay_start_2:
0x6bc: {  	(tag) =	ssettag $0x2  }
0x6bd: {  	s0 =	rddreg [dreg:$0x0];
	s2 =	stileid.u32  }
0x6be: {  	s1 =	rddreg [dreg:$0x1];
	p0 =	sne.s32 s2, $0x0  }
0x6bf: {  	s3 =	rddreg [dreg:$0x2];
	[bflag:$0x3] =	sbarrier.arrive $0xFFFF;
	s2 =	simm.s32 @!p0 $0x1C0D  }
0x6c0: {  	[timem:s3], [sflag:s2] =	dma.local @!p0 [hbm:s0], s1  }
0x6c1: {  	s0 =	simm.s32 @!p0 $0xD  }
0x6c2: {  	_ =	swait.ge @!p0 [sflag:s0], s1  }
0x6c3: {  	s1 =	ssub.s32 @!p0 $0x0, s1;
	[sflag:s0] =	ssyncset.done @!p0 $0x0  }
0x6c4: {  	[sflag:s0] =	ssyncadd.s32 @!p0 s1  }
0x6c5: {  	[bflag:$0x3] =	sbarrier.arrive $0xFFFF  }
0x6c6: {  	_ =	shalt  }

// kernel: sparse-core-data-format-call.cloned.1.call-start
scs
called_computation_lowered:
.L_overlay_start_0:
0x0: {  	s2 =	sld [smem:$0x3FD9]  }
0x1: {  	s3 =	sld [smem:$0x3FFE];
	_ =	sdelay $0x1  }
0x2: {  	s1 =	srdreg.scid  }
0x3: {  	s0 =	sand.u32 $0x1, s1  }
0x4: {  	s18 =	sshll.u32 s0, $0xA;
	s2 =	sadd.s32 s3, s2  }
0x5: {  	s2 =	sadd.s32 s2, s18  }
0x6: {  	[smem:$0x3FC5] =	sst s2  }
0x7: {  	_ = 	snop  }
0x8: {  	s2 =	sld [smem:$0x3FD0];
	(tm) =	ssettm $0x1  }
0x9: {  	s19 =	sld [smem:$0x3FFB];
	_ =	sdelay $0x3  }
0xa: {  	_ =	strace s19  }
0xb: {  	s3 =	sld [smem:$0x3FFC];
	_ =	sdelay $0x3  }
0xc: {  	_ =	strace s3  }
0xd: {  	s3 =	sld [smem:$0x3FFD];
	_ =	sdelay $0x3  }
0xe: {  	_ =	strace s3  }
0xf: {  	_ =	strace $0x8FFFFFFF  }
0x10: {  	s20 =	sld [smem:$0x3FDB];
	_ =	sdelay $0x1  }
0x11: {  	s4 =	simm.s32 $_scs_section_size  }
0x12: {  	s5 =	simm.s32 $_size__tile_overlayer_lowered;
	s6 =	simm.s32 $_tile_overlayer_lowered  }
0x13: {  	s23 =	simm.s32 $0x1BFF;
	s22 =	sshll.u32 s6, $0x1;
	s3 =	sadd.s32 s4, s20  }
0x14: {  	s7 =	simm.s32 $0x0;
	s21 =	sshll.u32 s5, $0x1;
	s5 =	sadd.s32 s22, s3  }
0x15: {  	[timem:s7], [sflag:s23] =	dma.local [hbm:s5], s21  }
0x16: {  	_ =	swait.ge [sflag:s23], s21  }
0x17: {  	s4 =	ssub.s32 $0x0, s21;
	[sflag:s23] =	ssyncset.done $0x0  }
0x18: {  	[sflag:s23] =	ssyncadd.s32 s4;
	_ =	sdelay $0x1  }
0x19: {  	s24 =	simm.s32 $0x1B8B  }
0x1a: {  	_ =	swait.ge [sflag:s24], $0x1  }
0x1b: {  	[sflag:s24] =	ssyncset.done $0x0  }
0x1c: {  	s26 =	simm.s32 $0x1B8E;
	s25 =	sld [smem:$0x3FFE];
	[sflag:s24] =	ssyncadd.s32 $0xFFFFFFFF  }
0x1d: {  	s27 =	simm.s32 $execute0_lowered;
	[smem:$0x3FD2] =	sst s26  }
0x1e: {  	s5 =	sshll.u32 s27, $0x1;
	_ =	strace $0x80000049;
	[dreg:$0x1] =	wrdreg $0xFFFFFFFF  }
0x1f: {  	s28 =	simm.s32 $_size_execute0_lowered;
	s3 =	sadd.s32 s3, s5;
	[dreg:$0x0] =	wrdreg $0x0  }
0x20: {  	s5 =	sshll.u32 s28, $0x1;
	[dreg:$0x2] =	wrdreg s3  }
0x21: {  	[dreg:$0x3] =	wrdreg s5  }
0x22: {  	[dreg:$0x4] =	wrdreg $0xC0  }
0x23: {  	_ =	task [dreg:s7], $0x5FFFF  }
0x24: {  	[dreg:$0x1] =	wrdreg $0xFFFFFFFF  }
0x25: {  	[dreg:$0x0] =	wrdreg $0x60  }
0x26: {  	[dreg:$0x2] =	wrdreg s25  }
0x27: {  	[dreg:$0x3] =	wrdreg s2  }
0x28: {  	[dreg:$0x4] =	wrdreg $0x9  }
0x29: {  	_ =	task.clear_ibuf [dreg:s7], $0x5FFFF;
	_ =	strace $0x90000049  }
0x2a: {  	s29 =	simm.s32 $0x9;
	_ =	strace $0x8000004B  }
0x2b: {  	_ =	swait.ge [sflag:s29], $0x1  }
0x2c: {  	[sflag:s29] =	ssyncadd.s32 $0xFFFFFFFF  }
0x2d: {  	_ =	strace $0x9000004B  }
0x2e: {  	_ =	sfence  }
0x2f: {  	s30 =	sld [smem:$0x0];
	_ =	sdelay $0x2  }
0x30: {  	s31 =	sshll.u32 s1, $0xD;
	s1 =	sshrl.u32 s1, $0x2  }
0x31: {  	s3 =	sand.u32 $0x4000, s31;
	s1 =	sadd.s32 s1, s30  }
0x32: {  	s0 =	sor.u32 s3, s0;
	s1 =	sshll.u32 s1, $0x11  }
0x33: {  	s0 =	sor.u32 s1, s0  }
0x34: {  	s0 =	sadd.s32 $0x8F2B, s0  }
0x35: {  	[sflag:s0] =	ssyncadd.remote.s32 $0x1  }
0x36: {  	_ =	sfence.sel $0xFFFF  }
0x37: {  	[dreg:$0x0] =	wrdreg $0xFFFFFFFF;
	(pc) =	sbr.abs _section_cstart, $3  }
0x38: {  	[dreg:$0x1] =	wrdreg $0xFFFFFFFF  }
0x39: {  	_ =	task.clear_ibuf [dreg:s7], $0x2FFFF;
	_ =	strace $0x9FFFFFFF  }
0x3a: {  	(tm) =	ssettm $0x7FFFFFFF  }
0x3b: {  	_ =	shalt  }
tec
execute0_lowered:
.L_overlay_start_1:
0x0: {  	(tag) =	ssettag $0x1  }
0x1: {  	s0 =	srdreg.scid  }
0x2: {  	s1 =	sshll.u32 s0, $0x4  }
0x3: {  	s0 =	stileid.u32;
	s1 =	sand.u32 $0x10, s1  }
0x4: {  	s1 =	sor.u32 s0, s1  }
0x5: {  	s6 =	rddreg [dreg:$0x0];
	s4 =	simm.s32 $0x1;
	s2 =	sshll.u32 s1, $0x7  }
0x6: {  	s7 =	simm.s32 $0x2;
	s12 =	simm.s32 $0x0;
	s1 =	ssub.s32 $0x1000, s2  }
0x7: {  	s8 =	simm.s32 $0x8000;
	s13 =	simm.s32 $0x0;
	s3 =	sand.u32 $0xF80, s1  }
0x8: {  	s9 =	simm.s32 $0x0;
	s5 =	sshrl.u32 s1, $0xC;
	p0 =	sne.s32 s3, $0x0  }
.Ltmp0:
0x9: {  	s1 =	rddreg [dreg:$0x2];
	s4 =	simm.s32 @!p0 $0x0;
	(pc) =	sbr.rel .LBB1_1-.Ltmp0, $4  }
0xa: {  	s11 =	simm.s32 $0x0;
	s3 =	rddreg [dreg:$0x1];
	s5 =	sadd.s32 s4, s5  }
0xb: {  	_ =	strace $0x8000004A;
	s4 =	simm.s32 $0x1;
	s5 =	smul.u32 $0x32, s5  }
0xc: {  	s6 =	sadd.s32 $0x800, s6;
	s10 =	smov.u32 s2;
	[sflag:s4] =	ssyncpa.u1 $0x0  }
0xd: {  	p0 =	por $0x0, $0x0;
	[sflag:s7] =	ssyncpa.u1 $0x0;
	s7 =	sor.u32 $0x1, s5  }
.LBB1_4:
0xe: {  	s16 =	sshll.u32 s13, $0x3;
	s17 =	sand.u32 $0x78, s13  }
0xf: {  	s30 =	sand.u32 $0x7E00, s13;
	s12 =	sshll.u32 s12, $0xF;
	s16 =	sand.u32 $0xC00, s16  }
0x10: {  	[tilespmem:s15+$0x810 ss:$0x81] =	vst.msk $0xffff, v2;
	s31 =	sand.u32 $0x7, s13;
	s16 =	sor.u32 s17, s16;
	s17 =	sadd.s32 s3, s30  }
0x11: {  	[tilespmem:s15+$0x1020 ss:$0x81] =	vst.msk $0xffff, v0;
	s13 =	sshll.u32 s31, $0x12;
	s12 =	sadd.s32 s12, s17;
	s16 =	sshrl.u32 s16, $0x3  }
0x12: {  	[tilespmem:s15+$0x0 ss:$0x81] =	vst.msk $0xffff, v1;
	s13 =	sor.u32 $0x400, s13;
	s12 =	sadd.s32 s16, s12  }
0x13: {  	[hbm4b:s12+s13] =	stream.strided.scatter [tilespmem:s14], [sflag:$0x2], $0x2000, s8, s13, $0x20;
	[tilespmem:$0x8080] =	vst v63  }
.LBB1_5:
0x14: {  	s14 =	sadd.s32 $0x1, s9  }
0x15: {  	s12 =	sadd.s32 $0x1000, s10;
	s16 =	smov.u32 s10;
	p2 =	sgt.s32 s14, $0x31  }
0x16: {  	s16 =	smov.u32 @p2 s12  }
0x17: {  	s14 =	simm.s32 @p2 $0x0;
	p2 =	sgt.s32 s16, $0xFFF  }
0x18: {  	s16 =	smov.u32 @p2 s2;
	p2 =	sne.s32 s11, s7  }
.Ltmp1:
0x19: {  	p1 =	slt.u32 s11, $0x2;
	(pc) =	sbr.rel @!p2 .LBB1_6-.Ltmp1, $4  }
0x1a: {  	s15 =	simm.s32 @!p1 $0x2  }
0x1b: {  	s13 =	smov.u32 s10;
	p0 =	por !p0, !p0;
	_ =	swait.ge @!p1 [sflag:s15], $0x2000  }
0x1c: {  	s12 =	smov.u32 s9;
	[sflag:s15] =	ssyncset.done @!p1 $0x0;
	s9 =	smov.u32 s14  }
0x1d: {  	s11 =	sadd.s32 $0x1, s11;
	[sflag:s15] =	ssyncadd.s32 @!p1 $0xFFFFE000;
	s10 =	smov.u32 s16  }
.LBB1_1:
0x1e: {  	p1 =	sge.u32 s11, s5  }
0x1f: {  	s14 =	sand.u32 @!p1 $0x1FFFFFF, s9  }
0x20: {  	s15 =	smulhi.u32 @!p1 $0x4924925, s14;
	_ =	sdelay $0x1  }
0x21: {  	s15 =	smul.u32 @!p1 $0x38, s15  }
0x22: {  	s16 =	sxor.u32 @!p1 $0xFFFFFFFF, s11;
	s17 =	smul.u32 @!p1 $0x380, s10  }
0x23: {  	s31 =	sadd.s32 $0xFFFFFFFF, s11;
	s16 =	sshll.u32 @!p1 s16, $0xD;
	s14 =	ssub.s32 @!p1 s14, s15  }
0x24: {  	s15 =	sand.u32 @!p1 $0x2000, s16;
	s16 =	sadd.s32 @!p1 s6, s17;
	s14 =	sshll.u32 @!p1 s14, $0x4  }
0x25: {  	s17 =	simm.s32 @!p1 $0x1C00;
	s14 =	sadd.s32 @!p1 s14, s16;
	s16 =	simm.s32 @!p1 $0x40  }
0x26: {  	[tilespmem:s15], [sflag:$0x1] =	stream.strided.gather @!p1 [hbm4b:s14+s16], $0x2000, s17, s16, $0x38;
	[tilespmem:$0x8080] =	vst v63  }
0x27: {  	p1 =	sge.u32 s31, s5  }
.Ltmp2:
0x28: {  	_ = 	snop;
	(pc) =	sbr.rel @p1 .LBB1_5-.Ltmp2, $1  }
0x29: {  	_ =	sdelay $0x3  }
0x2a: {  	s14 =	simm.s32 $0x1  }
0x2b: {  	_ =	swait.ge [sflag:s4], $0x2000;
	s14 =	simm.s32 @!p0 $0x0  }
0x2c: {  	[sflag:s4] =	ssyncset.done $0x0;
	s15 =	sshll.u32 s14, $0xD  }
0x2d: {  	[sflag:s4] =	ssyncadd.s32 $0xFFFFE000;
	s18 =	sor.u32 $0x20, s15  }
0x2e: {  	s14 =	smul.u32 $0x8100, s14;
	v3 =	vld [tilespmem:s18+$0x10]  }
0x2f: {  	s30 =	sand.u32 $0x1, s11;
	v2 =	vld [tilespmem:s18+$0xFFFFFFF0]  }
0x30: {  	s15 =	smul.u32 $0x8100, s30;
	s14 =	sshrl.u32 s14, $0x2;
	v0 =	vld [tilespmem:s18+$0x0]  }
0x31: {  	v1 =	vld [tilespmem:s18+$0xFFFFFFE0];
	s16 =	sor.u32 $0x4000, s14  }
0x32: {  	s31 =	sshrl.u32 s15, $0x2;
	s15 =	sadd.s32 $0x0, s16  }
0x33: {  	s17 =	simm.s32 $0x4;
	s18 =	sadd.s32 $0x40, s18;
	s14 =	sor.u32 $0x4000, s31;
	[tilespmem:s15+$0x1830 ss:$0x81] =	vst.msk $0xffff, v3  }
.LBB1_3:
0x34: {  	v3 =	vld [tilespmem:s18+$0x10];
	p1 =	sne.s32 s17, $0x1FC;
	[tilespmem:s15+$0x810 ss:$0x81] =	vst.msk $0xffff, v2;
	s19 =	smov.u32 s17;
	s17 =	sadd.s32 $0x4, s17  }
.Ltmp3:
0x35: {  	v2 =	vld [tilespmem:s18+$0xFFFFFFF0];
	[tilespmem:s15+$0x1020 ss:$0x81] =	vst.msk $0xffff, v0;
	(pc) =	sbr.rel @p1 .LBB1_3-.Ltmp3, $4  }
0x36: {  	v0 =	vld [tilespmem:s18+$0x0];
	[tilespmem:s15+$0x0 ss:$0x81] =	vst.msk $0xffff, v1  }
0x37: {  	s15 =	sshra.s32 s19, $0x2;
	v1 =	vld [tilespmem:s18+$0xFFFFFFE0]  }
0x38: {  	s15 =	sadd.s32 s15, s16  }
0x39: {  	s18 =	sadd.s32 $0x40, s18;
	[tilespmem:s15+$0x1830 ss:$0x81] =	vst.msk $0xffff, v3  }
.Ltmp4:
0x3a: {  	_ = 	snop;
	(pc) =	sbr.rel .LBB1_4-.Ltmp4, $1  }
0x3b: {  	_ =	sdelay $0x3  }
.LBB1_6:
0x3c: {  	_ =	sfence.sel $0x180000  }
0x3d: {  	s2 =	simm.s32 $0x1;
	[bflag:$0x0] =	sbarrier.arrive $0xFFFF  }
0x3e: {  	s31 =	simm.s32 $0x2;
	[sflag:s2] =	ssyncpa.u1 $0x1  }
0x3f: {  	[sflag:s31] =	ssyncpa.u1 $0x1  }
0x40: {  	p0 =	sne.s32 s0, $0x0;
	_ =	strace $0x9000004A  }
0x41: {  	s0 =	sadd.s32 @!p0 $0x100000, s1;
	[bflag:$0x2] =	sbarrier.arrive $0xFFFF  }
0x42: {  	[sflag:s0] =	ssyncadd.tile.s32 @!p0 $0x1;
	_ =	shalt  }
.Lfunc_end1:
_tile_overlayer_lowered:
.L_overlay_start_2:
0x43: {  	(tag) =	ssettag $0x2  }
0x44: {  	s0 =	rddreg [dreg:$0x0];
	s2 =	stileid.u32  }
0x45: {  	s1 =	rddreg [dreg:$0x1];
	p0 =	sne.s32 s2, $0x0  }
0x46: {  	s3 =	rddreg [dreg:$0x2];
	[bflag:$0x3] =	sbarrier.arrive $0xFFFF;
	s2 =	simm.s32 @!p0 $0x1C01  }
0x47: {  	[timem:s3], [sflag:s2] =	dma.local @!p0 [hbm:s0], s1  }
0x48: {  	s0 =	simm.s32 @!p0 $0x1  }
0x49: {  	_ =	swait.ge @!p0 [sflag:s0], s1  }
0x4a: {  	s1 =	ssub.s32 @!p0 $0x0, s1;
	[sflag:s0] =	ssyncset.done @!p0 $0x0  }
0x4b: {  	[sflag:s0] =	ssyncadd.s32 @!p0 s1  }
0x4c: {  	[bflag:$0x3] =	sbarrier.arrive $0xFFFF  }
0x4d: {  	_ =	shalt  }

</sc_bundles>
